<compile_context>
chip_gen: v7x
topology: tpu7x:2x2x1
jax: 0.10.2.dev20260603
libtpu: 0.0.44.dev20260713+nightly
codegen_flags: <defaults>
</compile_context>

<pallas_src>
import functools

import jax
import jax.numpy as jnp
import numpy as np
from jax import lax
from jax.experimental import pallas as pl
from jax.experimental.pallas import tpu as pltpu
from jax.experimental.pallas import tpu_sc as plsc

N = 10000
E = 320000
IN_CH = 128
HID = 64
OUT_CH = 2

NC = 2
NS = 16
NW = NC * NS
EPT = E // NW
K = 80
NCH = EPT // K
RPT = 624
TAIL = N - NS * RPT
TAIL_OFF = NS * RPT

NV = N * HID // 128
DV = N * 8 // 128

_mesh = plsc.VectorSubcoreMesh(core_axis_name="c", subcore_axis_name="s")


def _striped(s, copy_fn):
    copy_fn(s * RPT, RPT)

    @pl.when(s == 0)
    def _():
        copy_fn(TAIL_OFF, TAIL)


KC = 128
CHT = 2500
CPT = 78
XTRA = CHT - NW * CPT


@functools.partial(
    pl.kernel,
    mesh=_mesh,
    out_type=[
        jax.ShapeDtypeStruct((N, 8), jnp.float32),
        jax.ShapeDtypeStruct((N, 8), jnp.float32),
    ],
    scratch_types=[
        pltpu.VMEM((2 * CPT, KC), jnp.int32),
        pltpu.VMEM((2, KC), jnp.int32),
        pltpu.VMEM((KC, 8), jnp.float32),
        [pltpu.SemaphoreType.DMA] * 6,
        pltpu.VMEM_SHARED((N, 8), jnp.float32),
    ],
    compiler_params=pltpu.CompilerParams(use_tc_tiling_on_sc=False),
)
def _deg_sc(eit_hbm, ones_hbm, zeros_hbm, out0_hbm, out1_hbm, idx_v, xidx_v,
            ones_v, sems, acc_sh):
    c = lax.axis_index("c")
    s = lax.axis_index("s")
    wid = s * NC + c
    pltpu.sync_copy(eit_hbm.at[pl.ds(wid * 2 * CPT, 2 * CPT)], idx_v)
    pltpu.sync_copy(ones_hbm, ones_v)
    _striped(s, lambda off, n: pltpu.sync_copy(
        zeros_hbm.at[pl.ds(off, n)], acc_sh.at[pl.ds(off, n)]))
    plsc.subcore_barrier()

    def _scat(i, b):
        pltpu.async_copy(ones_v, acc_sh.at[idx_v.at[2 * i + 1]], sems[b],
                         add=True)

    def _wait(i, b):
        pltpu.make_async_copy(ones_v, acc_sh.at[idx_v.at[2 * i + 1]],
                              sems[b]).wait()

    for b in range(6):
        _scat(b, b)

    def body(j, carry):
        i = 6 * j
        for b in range(6):
            _wait(i - 6 + b, b)
            _scat(i + b, b)
        return carry

    lax.fori_loop(1, CPT // 6, body, 0)
    for b in range(6):
        _wait(CPT - 6 + b, b)

    @pl.when(wid < XTRA)
    def _():
        pltpu.sync_copy(eit_hbm.at[pl.ds(2 * (NW * CPT + wid), 2)], xidx_v)
        pltpu.sync_copy(ones_v, acc_sh.at[xidx_v.at[1]], add=True)

    plsc.subcore_barrier()

    @pl.when(c == 0)
    def _():
        _striped(s, lambda off, n: pltpu.sync_copy(
            acc_sh.at[pl.ds(off, n)], out0_hbm.at[pl.ds(off, n)]))

    @pl.when(c == 1)
    def _():
        _striped(s, lambda off, n: pltpu.sync_copy(
            acc_sh.at[pl.ds(off, n)], out1_hbm.at[pl.ds(off, n)]))


@functools.partial(
    pl.kernel,
    mesh=_mesh,
    out_type=[
        jax.ShapeDtypeStruct((N, HID), jnp.float32),
        jax.ShapeDtypeStruct((N, HID), jnp.float32),
    ],
    scratch_types=[
        pltpu.VMEM((2 * CPT, KC), jnp.int32),
        pltpu.VMEM((2, KC), jnp.int32),
        [pltpu.VMEM((KC, HID), jnp.float32)] * 6,
        [pltpu.SemaphoreType.DMA] * 6,
        [pltpu.SemaphoreType.DMA] * 6,
        pltpu.VMEM_SHARED((N, HID), jnp.float32),
    ],
    compiler_params=pltpu.CompilerParams(use_tc_tiling_on_sc=False),
)
def _agg_sc(eit_hbm, y_hbm, zeros_hbm, out0_hbm, out1_hbm,
            idx_v, xidx_v, bufs, gsems, ssems, acc_sh):
    c = lax.axis_index("c")
    s = lax.axis_index("s")
    wid = s * NC + c
    pltpu.sync_copy(eit_hbm.at[pl.ds(wid * 2 * CPT, 2 * CPT)], idx_v)
    _striped(s, lambda off, n: pltpu.sync_copy(
        zeros_hbm.at[pl.ds(off, n)], acc_sh.at[pl.ds(off, n)]))
    plsc.subcore_barrier()

    RING = 6

    def _gather(i, b):
        pltpu.async_copy(y_hbm.at[idx_v.at[2 * i]], bufs[b], gsems[b])

    def _wait_gather(i, b):
        pltpu.make_async_copy(y_hbm.at[idx_v.at[2 * i]], bufs[b],
                              gsems[b]).wait()

    def _scatter(i, b):
        pltpu.async_copy(bufs[b], acc_sh.at[idx_v.at[2 * i + 1]], ssems[b],
                         add=True)

    def _wait_scatter(i, b):
        pltpu.make_async_copy(bufs[b], acc_sh.at[idx_v.at[2 * i + 1]],
                              ssems[b]).wait()

    def _step(i, b, guards):
        _wait_gather(i, b)
        _scatter(i, b)
        b3 = (b + 3) % RING
        if guards:
            def _pf():
                _wait_scatter(i - 3, b3)
                _gather(i + 3, b3)
            if guards == "tail":
                pl.when(i + 3 < CPT)(_pf)
            else:
                _pf()
        else:
            _gather(i + 3, b3)

    _gather(0, 0)
    _gather(1, 1)
    _gather(2, 2)
    _step(0, 0, None)
    _step(1, 1, None)
    _step(2, 2, None)
    _step(3, 3, "steady")
    _step(4, 4, "steady")
    _step(5, 5, "steady")

    def body(j, carry):
        i = RING * j
        _step(i, 0, "steady")
        _step(i + 1, 1, "steady")
        _step(i + 2, 2, "steady")
        _step(i + 3, 3, "tail")
        _step(i + 4, 4, "tail")
        _step(i + 5, 5, "tail")
        return carry

    lax.fori_loop(1, CPT // RING, body, 0)

    _wait_scatter(72, 0)
    _wait_scatter(73, 1)
    _wait_scatter(74, 2)
    _wait_scatter(75, 3)
    _wait_scatter(76, 4)
    _wait_scatter(77, 5)

    @pl.when(wid < XTRA)
    def _():
        pltpu.sync_copy(eit_hbm.at[pl.ds(2 * (NW * CPT + wid), 2)], xidx_v)
        pltpu.async_copy(y_hbm.at[xidx_v.at[0]], bufs[0],
                         gsems[0]).wait()
        pltpu.sync_copy(bufs[0], acc_sh.at[xidx_v.at[1]], add=True)

    plsc.subcore_barrier()

    @pl.when(c == 0)
    def _():
        _striped(s, lambda off, n: pltpu.sync_copy(
            acc_sh.at[pl.ds(off, n)], out0_hbm.at[pl.ds(off, n)]))

    @pl.when(c == 1)
    def _():
        _striped(s, lambda off, n: pltpu.sync_copy(
            acc_sh.at[pl.ds(off, n)], out1_hbm.at[pl.ds(off, n)]))


RV = 1000
GRID = NV // RV


def _tcA1_body(x_ref, w1_ref, xw_ref):
    xw_ref[...] = jnp.dot(x_ref[...], w1_ref[...],
                          preferred_element_type=jnp.float32)


def _tcA1(xv, W1v):
    return pl.pallas_call(
        _tcA1_body,
        grid=(GRID,),
        in_specs=[
            pl.BlockSpec((RV, 2 * IN_CH), lambda r: (r, 0)),
            pl.BlockSpec((2 * IN_CH, 128), lambda r: (0, 0)),
        ],
        out_specs=pl.BlockSpec((RV, 128), lambda r: (r, 0)),
        out_shape=jax.ShapeDtypeStruct((NV, 128), jnp.float32),
    )(xv, W1v)


def _mk_expand_sel():
    sel = np.zeros((128, 1024), np.float32)
    for j in range(8):
        for cc in range(128):
            sel[8 * (2 * j + cc // 64), j * 128 + cc] = 1.0
    return jnp.asarray(sel)


def _tcD_body(d0_ref, d1_ref, sel_ref, disx_ref):
    fd = lax.rsqrt(1.0 + d0_ref[...] + d1_ref[...])
    for j in range(8):
        disx_ref[:, j, :] = jnp.dot(fd, sel_ref[:, j * 128:(j + 1) * 128],
                                    preferred_element_type=jnp.float32,
                                    precision=lax.Precision.HIGHEST)


def _tcD(d0v, d1v, sel):
    return pl.pallas_call(
        _tcD_body,
        grid=(1,),
        in_specs=[
            pl.BlockSpec((DV, 128), lambda r: (0, 0)),
            pl.BlockSpec((DV, 128), lambda r: (0, 0)),
            pl.BlockSpec((128, 1024), lambda r: (0, 0)),
        ],
        out_specs=pl.BlockSpec((DV, 8, 128), lambda r: (0, 0, 0)),
        out_shape=jax.ShapeDtypeStruct((DV, 8, 128), jnp.float32),
    )(d0v, d1v, sel)


def _tcA2_body(xw_ref, disv_ref, y1_ref):
    y1_ref[...] = xw_ref[...] * disv_ref[...]


def _tcA2(xwv, disv):
    return pl.pallas_call(
        _tcA2_body,
        grid=(GRID,),
        in_specs=[
            pl.BlockSpec((RV, 128), lambda r: (r, 0)),
            pl.BlockSpec((RV, 128), lambda r: (r, 0)),
        ],
        out_specs=pl.BlockSpec((RV, 128), lambda r: (r, 0)),
        out_shape=jax.ShapeDtypeStruct((NV, 128), jnp.float32),
    )(xwv, disv)


def _tcB_body(y1_ref, a0_ref, a1_ref, disv_ref, w2v_ref, b1v_ref, y2_ref):
    disv = disv_ref[...]
    tv = (a0_ref[...] + a1_ref[...] + y1_ref[...]) * disv + b1v_ref[...]
    hv = jnp.maximum(tv, 0.0)
    y2 = jnp.dot(hv, w2v_ref[...], preferred_element_type=jnp.float32)
    y2_ref[...] = y2 * disv


def _tcB(y1v, a0v, a1v, disv, W2v, b1v):
    return pl.pallas_call(
        _tcB_body,
        grid=(GRID,),
        in_specs=[
            pl.BlockSpec((RV, 128), lambda r: (r, 0)),
            pl.BlockSpec((RV, 128), lambda r: (r, 0)),
            pl.BlockSpec((RV, 128), lambda r: (r, 0)),
            pl.BlockSpec((RV, 128), lambda r: (r, 0)),
            pl.BlockSpec((128, 128), lambda r: (0, 0)),
            pl.BlockSpec((1, 128), lambda r: (0, 0)),
        ],
        out_specs=pl.BlockSpec((RV, 128), lambda r: (r, 0)),
        out_shape=jax.ShapeDtypeStruct((NV, 128), jnp.float32),
    )(y1v, a0v, a1v, disv, W2v, b1v)


def _tcC_body(y2_ref, a0_ref, a1_ref, disv_ref, b2v_ref, wlv_ref, blv_ref,
              q_ref):
    tv = ((a0_ref[...] + a1_ref[...] + y2_ref[...]) * disv_ref[...]
          + b2v_ref[...])
    hv = jnp.maximum(tv, 0.0)
    q_ref[...] = jnp.dot(hv, wlv_ref[...],
                         preferred_element_type=jnp.float32) + blv_ref[...]


def _tcC(y2v, a0v, a1v, disv, b2v, Wlv, blv):
    return pl.pallas_call(
        _tcC_body,
        grid=(GRID,),
        in_specs=[
            pl.BlockSpec((RV, 128), lambda r: (r, 0)),
            pl.BlockSpec((RV, 128), lambda r: (r, 0)),
            pl.BlockSpec((RV, 128), lambda r: (r, 0)),
            pl.BlockSpec((RV, 128), lambda r: (r, 0)),
            pl.BlockSpec((1, 128), lambda r: (0, 0)),
            pl.BlockSpec((128, 2 * OUT_CH), lambda r: (0, 0)),
            pl.BlockSpec((1, 2 * OUT_CH), lambda r: (0, 0)),
        ],
        out_specs=pl.BlockSpec((RV, 2 * OUT_CH), lambda r: (r, 0)),
        out_shape=jax.ShapeDtypeStruct((NV, 2 * OUT_CH), jnp.float32),
    )(y2v, a0v, a1v, disv, b2v, Wlv, blv)


def _blockdiag2(W):
    i, o = W.shape
    z = jnp.zeros((i, o), W.dtype)
    return jnp.concatenate(
        [jnp.concatenate([W, z], axis=1), jnp.concatenate([z, W], axis=1)],
        axis=0)


def kernel(x, edge_index, W1, b1, W2, b2, Wl, bl):
    eit = jnp.transpose(edge_index.reshape(2, CHT, KC),
                        (1, 0, 2)).reshape(2 * CHT, KC)
    ones8 = jnp.ones((KC, 8), jnp.float32)
    z8 = jnp.zeros((N, 8), jnp.float32)
    z64 = jnp.zeros((N, HID), jnp.float32)
    sel = _mk_expand_sel()
    b1v = jnp.concatenate([b1, b1]).reshape(1, 128)
    b2v = jnp.concatenate([b2, b2]).reshape(1, 128)
    blv = jnp.concatenate([bl, bl]).reshape(1, 2 * OUT_CH)
    W1v = _blockdiag2(W1)
    W2v = _blockdiag2(W2)
    Wlv = _blockdiag2(Wl)

    degp0, degp1 = _deg_sc(eit, ones8, z8)
    xwv = _tcA1(x.reshape(NV, 2 * IN_CH), W1v)
    disx = _tcD(degp0.reshape(DV, 128), degp1.reshape(DV, 128), sel)
    disv = disx.reshape(NV, 128)
    y1v = _tcA2(xwv, disv)
    a10, a11 = _agg_sc(eit, y1v.reshape(N, HID), z64)
    y2v = _tcB(y1v, a10.reshape(NV, 128), a11.reshape(NV, 128), disv,
               W2v, b1v)
    a20, a21 = _agg_sc(eit, y2v.reshape(N, HID), z64)
    qv = _tcC(y2v, a20.reshape(NV, 128), a21.reshape(NV, 128), disv,
              b2v, Wlv, blv)
    return qv.reshape(N, OUT_CH)

# --- scband reference (transcript-rebuilt; emitter-appended) ---
"""Pipeline reference for scband-gnnqnetwork-16088947490816 (READ-ONLY COPY).

The authoritative reference and input builder live on the scoring server;
editing this copy changes nothing except your own understanding.
"""

import jax, jax.numpy as jnp
import numpy as np

N_NODES = 10000
N_EDGES = 320000
IN_CH = 128
HID_CH = 64
OUT_CH = 2


def _gcn_conv(x, edge_index, W, b, num_nodes):
    # PyG-style GCNConv: add self-loops, symmetric degree normalization,
    # gather -> scale -> scatter-add, then bias.
    src = edge_index[0]
    dst = edge_index[1]
    loop = jnp.arange(num_nodes, dtype=edge_index.dtype)
    src = jnp.concatenate([src, loop], axis=0)
    dst = jnp.concatenate([dst, loop], axis=0)
    deg = jnp.zeros((num_nodes,), dtype=x.dtype).at[dst].add(1.0)
    deg_inv_sqrt = jnp.where(deg > 0, jax.lax.rsqrt(deg), 0.0)
    norm = deg_inv_sqrt[src] * deg_inv_sqrt[dst]
    xw = x @ W
    msg = jnp.take(xw, src, axis=0) * norm[:, None]
    out = jnp.zeros((num_nodes, W.shape[1]), dtype=x.dtype).at[dst].add(msg)
    return out + b


def setup_inputs(seed: int = 0) -> dict:
    key = jax.random.key(seed)
    ks = jax.random.split(key, 8)
    x = jax.random.normal(ks[0], (N_NODES, IN_CH), dtype=jnp.float32)
    edge_index = jax.random.randint(ks[1], (2, N_EDGES), 0, N_NODES, dtype=jnp.int32)
    W1 = jax.random.normal(ks[2], (IN_CH, HID_CH), dtype=jnp.float32) / np.sqrt(IN_CH)
    b1 = jnp.zeros((HID_CH,), dtype=jnp.float32)
    W2 = jax.random.normal(ks[3], (HID_CH, HID_CH), dtype=jnp.float32) / np.sqrt(HID_CH)
    b2 = jnp.zeros((HID_CH,), dtype=jnp.float32)
    Wl = jax.random.normal(ks[4], (HID_CH, OUT_CH), dtype=jnp.float32) / np.sqrt(HID_CH)
    bl = jnp.zeros((OUT_CH,), dtype=jnp.float32)
    return {"x": x, "edge_index": edge_index, "W1": W1, "b1": b1,
            "W2": W2, "b2": b2, "Wl": Wl, "bl": bl}


def reference(x, edge_index, W1, b1, W2, b2, Wl, bl):
    num_nodes = x.shape[0]
    h = _gcn_conv(x, edge_index, W1, b1, num_nodes)
    h = jax.nn.relu(h)
    h = _gcn_conv(h, edge_index, W2, b2, num_nodes)
    h = jax.nn.relu(h)
    q_values = h @ Wl + bl
    return q_values

if __name__ == "__main__":
    import jax
    _d = setup_inputs()
    print(jax.jit(kernel)(*tuple(_d.values())))

</pallas_src>

<mosaic_0001>
#map = affine_map<(d0, d1) -> (0, 0)>
module attributes {stable_mosaic.version = 14 : i64} {
  func.func @_agg_sc(%arg0: i32, %arg1: i32, %arg2: memref<5000x128xi32, #tpu.memory_space<hbm>>, %arg3: memref<10000x64xf32, #tpu.memory_space<hbm>>, %arg4: memref<10000x64xf32, #tpu.memory_space<hbm>>, %arg5: memref<10000x64xf32, #tpu.memory_space<hbm>>, %arg6: memref<10000x64xf32, #tpu.memory_space<hbm>>, %arg7: memref<156x128xi32, #tpu.memory_space<vmem>>, %arg8: memref<2x128xi32, #tpu.memory_space<vmem>>, %arg9: memref<128x64xf32, #tpu.memory_space<vmem>>, %arg10: memref<128x64xf32, #tpu.memory_space<vmem>>, %arg11: memref<128x64xf32, #tpu.memory_space<vmem>>, %arg12: memref<128x64xf32, #tpu.memory_space<vmem>>, %arg13: memref<128x64xf32, #tpu.memory_space<vmem>>, %arg14: memref<128x64xf32, #tpu.memory_space<vmem>>, %arg15: memref<!tpu.dma_semaphore, #tpu.memory_space<semaphore_mem>>, %arg16: memref<!tpu.dma_semaphore, #tpu.memory_space<semaphore_mem>>, %arg17: memref<!tpu.dma_semaphore, #tpu.memory_space<semaphore_mem>>, %arg18: memref<!tpu.dma_semaphore, #tpu.memory_space<semaphore_mem>>, %arg19: memref<!tpu.dma_semaphore, #tpu.memory_space<semaphore_mem>>, %arg20: memref<!tpu.dma_semaphore, #tpu.memory_space<semaphore_mem>>, %arg21: memref<!tpu.dma_semaphore, #tpu.memory_space<semaphore_mem>>, %arg22: memref<!tpu.dma_semaphore, #tpu.memory_space<semaphore_mem>>, %arg23: memref<!tpu.dma_semaphore, #tpu.memory_space<semaphore_mem>>, %arg24: memref<!tpu.dma_semaphore, #tpu.memory_space<semaphore_mem>>, %arg25: memref<!tpu.dma_semaphore, #tpu.memory_space<semaphore_mem>>, %arg26: memref<!tpu.dma_semaphore, #tpu.memory_space<semaphore_mem>>, %arg27: memref<10000x64xf32, #tpu.memory_space<vmem_shared>>) attributes {dimension_semantics = [#tpu.dimension_semantics<core_parallel>, #tpu.dimension_semantics<subcore_parallel>], iteration_bounds = array<i64: 2, 16>, scalar_prefetch = 0 : i64, scratch_operands = 21 : i64, tpu.core_type = #tpu.core_type<sc_vector_subcore>, window_params = [{transform_indices = #map}, {transform_indices = #map}, {transform_indices = #map}, {transform_indices = #map}, {transform_indices = #map}]} {
    %mul3A = arith.constant 2 : i32
    %mul3A_0 = arith.muli %arg1, %mul3A : i32
    %add3A = arith.addi %mul3A_0, %arg0 : i32
    %mul3A_1 = arith.constant 2 : i32
    %mul3A_2 = arith.muli %add3A, %mul3A_1 : i32
    %mul3A_3 = arith.constant 78 : i32
    %mul3A_4 = arith.muli %mul3A_2, %mul3A_3 : i32
    "tpu.region"() ({
      %run_scoped3A = tpu.sem_alloc : memref<!tpu.dma_semaphore, #tpu.memory_space<semaphore_mem>>
      %dma_start3A_237 = arith.constant 0 : i32
      %dma_start3A_238 = tpu.memref_slice %arg2[%mul3A_4, %dma_start3A_237] : memref<5000x128xi32, #tpu.memory_space<hbm>> -> memref<156x128xi32, #tpu.memory_space<hbm>>
      %dma_start3A_239 = arith.constant 0 : i32
      %dma_start3A_240 = tpu.memref_slice %arg2[%mul3A_4, %dma_start3A_239] : memref<5000x128xi32, #tpu.memory_space<hbm>> -> memref<156x128xi32, #tpu.memory_space<hbm>>
      tpu.enqueue_dma source(%dma_start3A_240 : memref<156x128xi32, #tpu.memory_space<hbm>>) target(%arg7 : memref<156x128xi32, #tpu.memory_space<vmem>>) target_semaphore(%run_scoped3A : memref<!tpu.dma_semaphore, #tpu.memory_space<semaphore_mem>>)
      %dma_wait3A_241 = arith.constant 0 : i32
      %dma_wait3A_242 = tpu.memref_slice %arg2[%mul3A_4, %dma_wait3A_241] : memref<5000x128xi32, #tpu.memory_space<hbm>> -> memref<156x128xi32, #tpu.memory_space<hbm>>
      %dma_wait3A_243 = arith.constant 0 : i32
      %dma_wait3A_244 = tpu.memref_slice %arg2[%mul3A_4, %dma_wait3A_243] : memref<5000x128xi32, #tpu.memory_space<hbm>> -> memref<156x128xi32, #tpu.memory_space<hbm>>
      tpu.wait_dma2 semaphore(%run_scoped3A : memref<!tpu.dma_semaphore, #tpu.memory_space<semaphore_mem>>) src(%dma_wait3A_244 : memref<156x128xi32, #tpu.memory_space<hbm>>) dst(%arg7 : memref<156x128xi32, #tpu.memory_space<vmem>>)
      tpu.yield
    }) : () -> ()
    %mul3A_5 = arith.constant 624 : i32
    %mul3A_6 = arith.muli %arg1, %mul3A_5 : i32
    "tpu.region"() ({
      %run_scoped3A = tpu.sem_alloc : memref<!tpu.dma_semaphore, #tpu.memory_space<semaphore_mem>>
      %dma_start3A_237 = arith.constant 0 : i32
      %dma_start3A_238 = tpu.memref_slice %arg27[%mul3A_6, %dma_start3A_237] : memref<10000x64xf32, #tpu.memory_space<vmem_shared>> -> memref<624x64xf32, #tpu.memory_space<vmem_shared>>
      %dma_start3A_239 = arith.constant 0 : i32
      %dma_start3A_240 = tpu.memref_slice %arg4[%mul3A_6, %dma_start3A_239] : memref<10000x64xf32, #tpu.memory_space<hbm>> -> memref<624x64xf32, #tpu.memory_space<hbm>>
      tpu.enqueue_dma source(%dma_start3A_240 : memref<624x64xf32, #tpu.memory_space<hbm>>) target(%dma_start3A_238 : memref<624x64xf32, #tpu.memory_space<vmem_shared>>) target_semaphore(%run_scoped3A : memref<!tpu.dma_semaphore, #tpu.memory_space<semaphore_mem>>)
      %dma_wait3A_241 = arith.constant 0 : i32
      %dma_wait3A_242 = tpu.memref_slice %arg27[%mul3A_6, %dma_wait3A_241] : memref<10000x64xf32, #tpu.memory_space<vmem_shared>> -> memref<624x64xf32, #tpu.memory_space<vmem_shared>>
      %dma_wait3A_243 = arith.constant 0 : i32
      %dma_wait3A_244 = tpu.memref_slice %arg4[%mul3A_6, %dma_wait3A_243] : memref<10000x64xf32, #tpu.memory_space<hbm>> -> memref<624x64xf32, #tpu.memory_space<hbm>>
      tpu.wait_dma2 semaphore(%run_scoped3A : memref<!tpu.dma_semaphore, #tpu.memory_space<semaphore_mem>>) src(%dma_wait3A_244 : memref<624x64xf32, #tpu.memory_space<hbm>>) dst(%dma_wait3A_242 : memref<624x64xf32, #tpu.memory_space<vmem_shared>>)
      tpu.yield
    }) : () -> ()
    %eq3A = arith.constant 0 : i32
    %eq3A_7 = arith.cmpi eq, %arg1, %eq3A : i32
    %convert_element_type3A = arith.extui %eq3A_7 : i1 to i32
    %cond3A = arith.constant 0 : i32
    %cond3A_8 = arith.cmpi ne, %convert_element_type3A, %cond3A : i32
    scf.if %cond3A_8 {
      "tpu.region"() ({
        %run_scoped3A = tpu.sem_alloc : memref<!tpu.dma_semaphore, #tpu.memory_space<semaphore_mem>>
        %dma_start3A_237 = arith.constant 9984 : i32
        %dma_start3A_238 = arith.constant 0 : i32
        %dma_start3A_239 = tpu.memref_slice %arg27[%dma_start3A_237, %dma_start3A_238] : memref<10000x64xf32, #tpu.memory_space<vmem_shared>> -> memref<16x64xf32, #tpu.memory_space<vmem_shared>>
        %dma_start3A_240 = arith.constant 9984 : i32
        %dma_start3A_241 = arith.constant 0 : i32
        %dma_start3A_242 = tpu.memref_slice %arg4[%dma_start3A_240, %dma_start3A_241] : memref<10000x64xf32, #tpu.memory_space<hbm>> -> memref<16x64xf32, #tpu.memory_space<hbm>>
        tpu.enqueue_dma source(%dma_start3A_242 : memref<16x64xf32, #tpu.memory_space<hbm>>) target(%dma_start3A_239 : memref<16x64xf32, #tpu.memory_space<vmem_shared>>) target_semaphore(%run_scoped3A : memref<!tpu.dma_semaphore, #tpu.memory_space<semaphore_mem>>)
        %dma_wait3A_243 = arith.constant 9984 : i32
        %dma_wait3A_244 = arith.constant 0 : i32
        %dma_wait3A_245 = tpu.memref_slice %arg27[%dma_wait3A_243, %dma_wait3A_244] : memref<10000x64xf32, #tpu.memory_space<vmem_shared>> -> memref<16x64xf32, #tpu.memory_space<vmem_shared>>
        %dma_wait3A_246 = arith.constant 9984 : i32
        %dma_wait3A_247 = arith.constant 0 : i32
        %dma_wait3A_248 = tpu.memref_slice %arg4[%dma_wait3A_246, %dma_wait3A_247] : memref<10000x64xf32, #tpu.memory_space<hbm>> -> memref<16x64xf32, #tpu.memory_space<hbm>>
        tpu.wait_dma2 semaphore(%run_scoped3A : memref<!tpu.dma_semaphore, #tpu.memory_space<semaphore_mem>>) src(%dma_wait3A_248 : memref<16x64xf32, #tpu.memory_space<hbm>>) dst(%dma_wait3A_245 : memref<16x64xf32, #tpu.memory_space<vmem_shared>>)
        tpu.yield
      }) : () -> ()
    } else {
    }
    %barrier3A = arith.constant 0 : index
    tpu.barrier barrier_id(%barrier3A)
    %dma_start3A = arith.constant 0 : i32
    %dma_start3A_9 = arith.constant 0 : i32
    %dma_start3A_10 = tpu.memref_slice %arg7[%dma_start3A, %dma_start3A_9] : memref<156x128xi32, #tpu.memory_space<vmem>> -> memref<1x128xi32, #tpu.memory_space<vmem>>
    %dma_start3A_11 = tpu.memref_squeeze %dma_start3A_10 : memref<1x128xi32, #tpu.memory_space<vmem>> -> memref<128xi32, #tpu.memory_space<vmem>>
    %dma_start3A_12 = arith.constant 0 : i32
    %dma_start3A_13 = arith.constant 0 : i32
    %dma_start3A_14 = tpu.memref_slice %arg3[%dma_start3A_12, %dma_start3A_13] : memref<10000x64xf32, #tpu.memory_space<hbm>> -> memref<10000x64xf32, #tpu.memory_space<hbm>>
    tpu.enqueue_indirect_dma source(%dma_start3A_14 : memref<10000x64xf32, #tpu.memory_space<hbm>>) target(%arg9 : memref<128x64xf32, #tpu.memory_space<vmem>>) offsets(%dma_start3A_11 : memref<128xi32, #tpu.memory_space<vmem>>) semaphore(%arg15 : memref<!tpu.dma_semaphore, #tpu.memory_space<semaphore_mem>>)
    %dma_start3A_15 = arith.constant 2 : i32
    %dma_start3A_16 = arith.constant 0 : i32
    %dma_start3A_17 = tpu.memref_slice %arg7[%dma_start3A_15, %dma_start3A_16] : memref<156x128xi32, #tpu.memory_space<vmem>> -> memref<1x128xi32, #tpu.memory_space<vmem>>
    %dma_start3A_18 = tpu.memref_squeeze %dma_start3A_17 : memref<1x128xi32, #tpu.memory_space<vmem>> -> memref<128xi32, #tpu.memory_space<vmem>>
    %dma_start3A_19 = arith.constant 0 : i32
    %dma_start3A_20 = arith.constant 0 : i32
    %dma_start3A_21 = tpu.memref_slice %arg3[%dma_start3A_19, %dma_start3A_20] : memref<10000x64xf32, #tpu.memory_space<hbm>> -> memref<10000x64xf32, #tpu.memory_space<hbm>>
    tpu.enqueue_indirect_dma source(%dma_start3A_21 : memref<10000x64xf32, #tpu.memory_space<hbm>>) target(%arg10 : memref<128x64xf32, #tpu.memory_space<vmem>>) offsets(%dma_start3A_18 : memref<128xi32, #tpu.memory_space<vmem>>) semaphore(%arg16 : memref<!tpu.dma_semaphore, #tpu.memory_space<semaphore_mem>>)
    %dma_start3A_22 = arith.constant 4 : i32
    %dma_start3A_23 = arith.constant 0 : i32
    %dma_start3A_24 = tpu.memref_slice %arg7[%dma_start3A_22, %dma_start3A_23] : memref<156x128xi32, #tpu.memory_space<vmem>> -> memref<1x128xi32, #tpu.memory_space<vmem>>
    %dma_start3A_25 = tpu.memref_squeeze %dma_start3A_24 : memref<1x128xi32, #tpu.memory_space<vmem>> -> memref<128xi32, #tpu.memory_space<vmem>>
    %dma_start3A_26 = arith.constant 0 : i32
    %dma_start3A_27 = arith.constant 0 : i32
    %dma_start3A_28 = tpu.memref_slice %arg3[%dma_start3A_26, %dma_start3A_27] : memref<10000x64xf32, #tpu.memory_space<hbm>> -> memref<10000x64xf32, #tpu.memory_space<hbm>>
    tpu.enqueue_indirect_dma source(%dma_start3A_28 : memref<10000x64xf32, #tpu.memory_space<hbm>>) target(%arg11 : memref<128x64xf32, #tpu.memory_space<vmem>>) offsets(%dma_start3A_25 : memref<128xi32, #tpu.memory_space<vmem>>) semaphore(%arg17 : memref<!tpu.dma_semaphore, #tpu.memory_space<semaphore_mem>>)
    %dma_wait3A = arith.constant 0 : i32
    %dma_wait3A_29 = arith.constant 0 : i32
    %dma_wait3A_30 = tpu.memref_slice %arg7[%dma_wait3A, %dma_wait3A_29] : memref<156x128xi32, #tpu.memory_space<vmem>> -> memref<1x128xi32, #tpu.memory_space<vmem>>
    %dma_wait3A_31 = tpu.memref_squeeze %dma_wait3A_30 : memref<1x128xi32, #tpu.memory_space<vmem>> -> memref<128xi32, #tpu.memory_space<vmem>>
    %dma_wait3A_32 = arith.constant 0 : i32
    %dma_wait3A_33 = arith.constant 0 : i32
    %dma_wait3A_34 = tpu.memref_slice %arg3[%dma_wait3A_32, %dma_wait3A_33] : memref<10000x64xf32, #tpu.memory_space<hbm>> -> memref<10000x64xf32, #tpu.memory_space<hbm>>
    tpu.wait_indirect_dma semaphore(%arg15 : memref<!tpu.dma_semaphore, #tpu.memory_space<semaphore_mem>>) src(%dma_wait3A_34 : memref<10000x64xf32, #tpu.memory_space<hbm>>) dst(%arg9 : memref<128x64xf32, #tpu.memory_space<vmem>>)
    %dma_start3A_35 = arith.constant 1 : i32
    %dma_start3A_36 = arith.constant 0 : i32
    %dma_start3A_37 = tpu.memref_slice %arg7[%dma_start3A_35, %dma_start3A_36] : memref<156x128xi32, #tpu.memory_space<vmem>> -> memref<1x128xi32, #tpu.memory_space<vmem>>
    %dma_start3A_38 = tpu.memref_squeeze %dma_start3A_37 : memref<1x128xi32, #tpu.memory_space<vmem>> -> memref<128xi32, #tpu.memory_space<vmem>>
    %dma_start3A_39 = arith.constant 0 : i32
    %dma_start3A_40 = arith.constant 0 : i32
    %dma_start3A_41 = tpu.memref_slice %arg27[%dma_start3A_39, %dma_start3A_40] : memref<10000x64xf32, #tpu.memory_space<vmem_shared>> -> memref<10000x64xf32, #tpu.memory_space<vmem_shared>>
    tpu.enqueue_indirect_dma source(%arg9 : memref<128x64xf32, #tpu.memory_space<vmem>>) target(%dma_start3A_41 : memref<10000x64xf32, #tpu.memory_space<vmem_shared>>) offsets(%dma_start3A_38 : memref<128xi32, #tpu.memory_space<vmem>>) semaphore(%arg21 : memref<!tpu.dma_semaphore, #tpu.memory_space<semaphore_mem>>) {add = true}
    %dma_start3A_42 = arith.constant 6 : i32
    %dma_start3A_43 = arith.constant 0 : i32
    %dma_start3A_44 = tpu.memref_slice %arg7[%dma_start3A_42, %dma_start3A_43] : memref<156x128xi32, #tpu.memory_space<vmem>> -> memref<1x128xi32, #tpu.memory_space<vmem>>
    %dma_start3A_45 = tpu.memref_squeeze %dma_start3A_44 : memref<1x128xi32, #tpu.memory_space<vmem>> -> memref<128xi32, #tpu.memory_space<vmem>>
    %dma_start3A_46 = arith.constant 0 : i32
    %dma_start3A_47 = arith.constant 0 : i32
    %dma_start3A_48 = tpu.memref_slice %arg3[%dma_start3A_46, %dma_start3A_47] : memref<10000x64xf32, #tpu.memory_space<hbm>> -> memref<10000x64xf32, #tpu.memory_space<hbm>>
    tpu.enqueue_indirect_dma source(%dma_start3A_48 : memref<10000x64xf32, #tpu.memory_space<hbm>>) target(%arg12 : memref<128x64xf32, #tpu.memory_space<vmem>>) offsets(%dma_start3A_45 : memref<128xi32, #tpu.memory_space<vmem>>) semaphore(%arg18 : memref<!tpu.dma_semaphore, #tpu.memory_space<semaphore_mem>>)
    %dma_wait3A_49 = arith.constant 2 : i32
    %dma_wait3A_50 = arith.constant 0 : i32
    %dma_wait3A_51 = tpu.memref_slice %arg7[%dma_wait3A_49, %dma_wait3A_50] : memref<156x128xi32, #tpu.memory_space<vmem>> -> memref<1x128xi32, #tpu.memory_space<vmem>>
    %dma_wait3A_52 = tpu.memref_squeeze %dma_wait3A_51 : memref<1x128xi32, #tpu.memory_space<vmem>> -> memref<128xi32, #tpu.memory_space<vmem>>
    %dma_wait3A_53 = arith.constant 0 : i32
    %dma_wait3A_54 = arith.constant 0 : i32
    %dma_wait3A_55 = tpu.memref_slice %arg3[%dma_wait3A_53, %dma_wait3A_54] : memref<10000x64xf32, #tpu.memory_space<hbm>> -> memref<10000x64xf32, #tpu.memory_space<hbm>>
    tpu.wait_indirect_dma semaphore(%arg16 : memref<!tpu.dma_semaphore, #tpu.memory_space<semaphore_mem>>) src(%dma_wait3A_55 : memref<10000x64xf32, #tpu.memory_space<hbm>>) dst(%arg10 : memref<128x64xf32, #tpu.memory_space<vmem>>)
    %dma_start3A_56 = arith.constant 3 : i32
    %dma_start3A_57 = arith.constant 0 : i32
    %dma_start3A_58 = tpu.memref_slice %arg7[%dma_start3A_56, %dma_start3A_57] : memref<156x128xi32, #tpu.memory_space<vmem>> -> memref<1x128xi32, #tpu.memory_space<vmem>>
    %dma_start3A_59 = tpu.memref_squeeze %dma_start3A_58 : memref<1x128xi32, #tpu.memory_space<vmem>> -> memref<128xi32, #tpu.memory_space<vmem>>
    %dma_start3A_60 = arith.constant 0 : i32
    %dma_start3A_61 = arith.constant 0 : i32
    %dma_start3A_62 = tpu.memref_slice %arg27[%dma_start3A_60, %dma_start3A_61] : memref<10000x64xf32, #tpu.memory_space<vmem_shared>> -> memref<10000x64xf32, #tpu.memory_space<vmem_shared>>
    tpu.enqueue_indirect_dma source(%arg10 : memref<128x64xf32, #tpu.memory_space<vmem>>) target(%dma_start3A_62 : memref<10000x64xf32, #tpu.memory_space<vmem_shared>>) offsets(%dma_start3A_59 : memref<128xi32, #tpu.memory_space<vmem>>) semaphore(%arg22 : memref<!tpu.dma_semaphore, #tpu.memory_space<semaphore_mem>>) {add = true}
    %dma_start3A_63 = arith.constant 8 : i32
    %dma_start3A_64 = arith.constant 0 : i32
    %dma_start3A_65 = tpu.memref_slice %arg7[%dma_start3A_63, %dma_start3A_64] : memref<156x128xi32, #tpu.memory_space<vmem>> -> memref<1x128xi32, #tpu.memory_space<vmem>>
    %dma_start3A_66 = tpu.memref_squeeze %dma_start3A_65 : memref<1x128xi32, #tpu.memory_space<vmem>> -> memref<128xi32, #tpu.memory_space<vmem>>
    %dma_start3A_67 = arith.constant 0 : i32
    %dma_start3A_68 = arith.constant 0 : i32
    %dma_start3A_69 = tpu.memref_slice %arg3[%dma_start3A_67, %dma_start3A_68] : memref<10000x64xf32, #tpu.memory_space<hbm>> -> memref<10000x64xf32, #tpu.memory_space<hbm>>
    tpu.enqueue_indirect_dma source(%dma_start3A_69 : memref<10000x64xf32, #tpu.memory_space<hbm>>) target(%arg13 : memref<128x64xf32, #tpu.memory_space<vmem>>) offsets(%dma_start3A_66 : memref<128xi32, #tpu.memory_space<vmem>>) semaphore(%arg19 : memref<!tpu.dma_semaphore, #tpu.memory_space<semaphore_mem>>)
    %dma_wait3A_70 = arith.constant 4 : i32
    %dma_wait3A_71 = arith.constant 0 : i32
    %dma_wait3A_72 = tpu.memref_slice %arg7[%dma_wait3A_70, %dma_wait3A_71] : memref<156x128xi32, #tpu.memory_space<vmem>> -> memref<1x128xi32, #tpu.memory_space<vmem>>
    %dma_wait3A_73 = tpu.memref_squeeze %dma_wait3A_72 : memref<1x128xi32, #tpu.memory_space<vmem>> -> memref<128xi32, #tpu.memory_space<vmem>>
    %dma_wait3A_74 = arith.constant 0 : i32
    %dma_wait3A_75 = arith.constant 0 : i32
    %dma_wait3A_76 = tpu.memref_slice %arg3[%dma_wait3A_74, %dma_wait3A_75] : memref<10000x64xf32, #tpu.memory_space<hbm>> -> memref<10000x64xf32, #tpu.memory_space<hbm>>
    tpu.wait_indirect_dma semaphore(%arg17 : memref<!tpu.dma_semaphore, #tpu.memory_space<semaphore_mem>>) src(%dma_wait3A_76 : memref<10000x64xf32, #tpu.memory_space<hbm>>) dst(%arg11 : memref<128x64xf32, #tpu.memory_space<vmem>>)
    %dma_start3A_77 = arith.constant 5 : i32
    %dma_start3A_78 = arith.constant 0 : i32
    %dma_start3A_79 = tpu.memref_slice %arg7[%dma_start3A_77, %dma_start3A_78] : memref<156x128xi32, #tpu.memory_space<vmem>> -> memref<1x128xi32, #tpu.memory_space<vmem>>
    %dma_start3A_80 = tpu.memref_squeeze %dma_start3A_79 : memref<1x128xi32, #tpu.memory_space<vmem>> -> memref<128xi32, #tpu.memory_space<vmem>>
    %dma_start3A_81 = arith.constant 0 : i32
    %dma_start3A_82 = arith.constant 0 : i32
    %dma_start3A_83 = tpu.memref_slice %arg27[%dma_start3A_81, %dma_start3A_82] : memref<10000x64xf32, #tpu.memory_space<vmem_shared>> -> memref<10000x64xf32, #tpu.memory_space<vmem_shared>>
    tpu.enqueue_indirect_dma source(%arg11 : memref<128x64xf32, #tpu.memory_space<vmem>>) target(%dma_start3A_83 : memref<10000x64xf32, #tpu.memory_space<vmem_shared>>) offsets(%dma_start3A_80 : memref<128xi32, #tpu.memory_space<vmem>>) semaphore(%arg23 : memref<!tpu.dma_semaphore, #tpu.memory_space<semaphore_mem>>) {add = true}
    %dma_start3A_84 = arith.constant 10 : i32
    %dma_start3A_85 = arith.constant 0 : i32
    %dma_start3A_86 = tpu.memref_slice %arg7[%dma_start3A_84, %dma_start3A_85] : memref<156x128xi32, #tpu.memory_space<vmem>> -> memref<1x128xi32, #tpu.memory_space<vmem>>
    %dma_start3A_87 = tpu.memref_squeeze %dma_start3A_86 : memref<1x128xi32, #tpu.memory_space<vmem>> -> memref<128xi32, #tpu.memory_space<vmem>>
    %dma_start3A_88 = arith.constant 0 : i32
    %dma_start3A_89 = arith.constant 0 : i32
    %dma_start3A_90 = tpu.memref_slice %arg3[%dma_start3A_88, %dma_start3A_89] : memref<10000x64xf32, #tpu.memory_space<hbm>> -> memref<10000x64xf32, #tpu.memory_space<hbm>>
    tpu.enqueue_indirect_dma source(%dma_start3A_90 : memref<10000x64xf32, #tpu.memory_space<hbm>>) target(%arg14 : memref<128x64xf32, #tpu.memory_space<vmem>>) offsets(%dma_start3A_87 : memref<128xi32, #tpu.memory_space<vmem>>) semaphore(%arg20 : memref<!tpu.dma_semaphore, #tpu.memory_space<semaphore_mem>>)
    %dma_wait3A_91 = arith.constant 6 : i32
    %dma_wait3A_92 = arith.constant 0 : i32
    %dma_wait3A_93 = tpu.memref_slice %arg7[%dma_wait3A_91, %dma_wait3A_92] : memref<156x128xi32, #tpu.memory_space<vmem>> -> memref<1x128xi32, #tpu.memory_space<vmem>>
    %dma_wait3A_94 = tpu.memref_squeeze %dma_wait3A_93 : memref<1x128xi32, #tpu.memory_space<vmem>> -> memref<128xi32, #tpu.memory_space<vmem>>
    %dma_wait3A_95 = arith.constant 0 : i32
    %dma_wait3A_96 = arith.constant 0 : i32
    %dma_wait3A_97 = tpu.memref_slice %arg3[%dma_wait3A_95, %dma_wait3A_96] : memref<10000x64xf32, #tpu.memory_space<hbm>> -> memref<10000x64xf32, #tpu.memory_space<hbm>>
    tpu.wait_indirect_dma semaphore(%arg18 : memref<!tpu.dma_semaphore, #tpu.memory_space<semaphore_mem>>) src(%dma_wait3A_97 : memref<10000x64xf32, #tpu.memory_space<hbm>>) dst(%arg12 : memref<128x64xf32, #tpu.memory_space<vmem>>)
    %dma_start3A_98 = arith.constant 7 : i32
    %dma_start3A_99 = arith.constant 0 : i32
    %dma_start3A_100 = tpu.memref_slice %arg7[%dma_start3A_98, %dma_start3A_99] : memref<156x128xi32, #tpu.memory_space<vmem>> -> memref<1x128xi32, #tpu.memory_space<vmem>>
    %dma_start3A_101 = tpu.memref_squeeze %dma_start3A_100 : memref<1x128xi32, #tpu.memory_space<vmem>> -> memref<128xi32, #tpu.memory_space<vmem>>
    %dma_start3A_102 = arith.constant 0 : i32
    %dma_start3A_103 = arith.constant 0 : i32
    %dma_start3A_104 = tpu.memref_slice %arg27[%dma_start3A_102, %dma_start3A_103] : memref<10000x64xf32, #tpu.memory_space<vmem_shared>> -> memref<10000x64xf32, #tpu.memory_space<vmem_shared>>
    tpu.enqueue_indirect_dma source(%arg12 : memref<128x64xf32, #tpu.memory_space<vmem>>) target(%dma_start3A_104 : memref<10000x64xf32, #tpu.memory_space<vmem_shared>>) offsets(%dma_start3A_101 : memref<128xi32, #tpu.memory_space<vmem>>) semaphore(%arg24 : memref<!tpu.dma_semaphore, #tpu.memory_space<semaphore_mem>>) {add = true}
    %dma_wait3A_105 = arith.constant 1 : i32
    %dma_wait3A_106 = arith.constant 0 : i32
    %dma_wait3A_107 = tpu.memref_slice %arg7[%dma_wait3A_105, %dma_wait3A_106] : memref<156x128xi32, #tpu.memory_space<vmem>> -> memref<1x128xi32, #tpu.memory_space<vmem>>
    %dma_wait3A_108 = tpu.memref_squeeze %dma_wait3A_107 : memref<1x128xi32, #tpu.memory_space<vmem>> -> memref<128xi32, #tpu.memory_space<vmem>>
    %dma_wait3A_109 = arith.constant 0 : i32
    %dma_wait3A_110 = arith.constant 0 : i32
    %dma_wait3A_111 = tpu.memref_slice %arg27[%dma_wait3A_109, %dma_wait3A_110] : memref<10000x64xf32, #tpu.memory_space<vmem_shared>> -> memref<10000x64xf32, #tpu.memory_space<vmem_shared>>
    tpu.wait_indirect_dma semaphore(%arg21 : memref<!tpu.dma_semaphore, #tpu.memory_space<semaphore_mem>>) src(%arg9 : memref<128x64xf32, #tpu.memory_space<vmem>>) dst(%dma_wait3A_111 : memref<10000x64xf32, #tpu.memory_space<vmem_shared>>)
    %dma_start3A_112 = arith.constant 12 : i32
    %dma_start3A_113 = arith.constant 0 : i32
    %dma_start3A_114 = tpu.memref_slice %arg7[%dma_start3A_112, %dma_start3A_113] : memref<156x128xi32, #tpu.memory_space<vmem>> -> memref<1x128xi32, #tpu.memory_space<vmem>>
    %dma_start3A_115 = tpu.memref_squeeze %dma_start3A_114 : memref<1x128xi32, #tpu.memory_space<vmem>> -> memref<128xi32, #tpu.memory_space<vmem>>
    %dma_start3A_116 = arith.constant 0 : i32
    %dma_start3A_117 = arith.constant 0 : i32
    %dma_start3A_118 = tpu.memref_slice %arg3[%dma_start3A_116, %dma_start3A_117] : memref<10000x64xf32, #tpu.memory_space<hbm>> -> memref<10000x64xf32, #tpu.memory_space<hbm>>
    tpu.enqueue_indirect_dma source(%dma_start3A_118 : memref<10000x64xf32, #tpu.memory_space<hbm>>) target(%arg9 : memref<128x64xf32, #tpu.memory_space<vmem>>) offsets(%dma_start3A_115 : memref<128xi32, #tpu.memory_space<vmem>>) semaphore(%arg15 : memref<!tpu.dma_semaphore, #tpu.memory_space<semaphore_mem>>)
    %dma_wait3A_119 = arith.constant 8 : i32
    %dma_wait3A_120 = arith.constant 0 : i32
    %dma_wait3A_121 = tpu.memref_slice %arg7[%dma_wait3A_119, %dma_wait3A_120] : memref<156x128xi32, #tpu.memory_space<vmem>> -> memref<1x128xi32, #tpu.memory_space<vmem>>
    %dma_wait3A_122 = tpu.memref_squeeze %dma_wait3A_121 : memref<1x128xi32, #tpu.memory_space<vmem>> -> memref<128xi32, #tpu.memory_space<vmem>>
    %dma_wait3A_123 = arith.constant 0 : i32
    %dma_wait3A_124 = arith.constant 0 : i32
    %dma_wait3A_125 = tpu.memref_slice %arg3[%dma_wait3A_123, %dma_wait3A_124] : memref<10000x64xf32, #tpu.memory_space<hbm>> -> memref<10000x64xf32, #tpu.memory_space<hbm>>
    tpu.wait_indirect_dma semaphore(%arg19 : memref<!tpu.dma_semaphore, #tpu.memory_space<semaphore_mem>>) src(%dma_wait3A_125 : memref<10000x64xf32, #tpu.memory_space<hbm>>) dst(%arg13 : memref<128x64xf32, #tpu.memory_space<vmem>>)
    %dma_start3A_126 = arith.constant 9 : i32
    %dma_start3A_127 = arith.constant 0 : i32
    %dma_start3A_128 = tpu.memref_slice %arg7[%dma_start3A_126, %dma_start3A_127] : memref<156x128xi32, #tpu.memory_space<vmem>> -> memref<1x128xi32, #tpu.memory_space<vmem>>
    %dma_start3A_129 = tpu.memref_squeeze %dma_start3A_128 : memref<1x128xi32, #tpu.memory_space<vmem>> -> memref<128xi32, #tpu.memory_space<vmem>>
    %dma_start3A_130 = arith.constant 0 : i32
    %dma_start3A_131 = arith.constant 0 : i32
    %dma_start3A_132 = tpu.memref_slice %arg27[%dma_start3A_130, %dma_start3A_131] : memref<10000x64xf32, #tpu.memory_space<vmem_shared>> -> memref<10000x64xf32, #tpu.memory_space<vmem_shared>>
    tpu.enqueue_indirect_dma source(%arg13 : memref<128x64xf32, #tpu.memory_space<vmem>>) target(%dma_start3A_132 : memref<10000x64xf32, #tpu.memory_space<vmem_shared>>) offsets(%dma_start3A_129 : memref<128xi32, #tpu.memory_space<vmem>>) semaphore(%arg25 : memref<!tpu.dma_semaphore, #tpu.memory_space<semaphore_mem>>) {add = true}
    %dma_wait3A_133 = arith.constant 3 : i32
    %dma_wait3A_134 = arith.constant 0 : i32
    %dma_wait3A_135 = tpu.memref_slice %arg7[%dma_wait3A_133, %dma_wait3A_134] : memref<156x128xi32, #tpu.memory_space<vmem>> -> memref<1x128xi32, #tpu.memory_space<vmem>>
    %dma_wait3A_136 = tpu.memref_squeeze %dma_wait3A_135 : memref<1x128xi32, #tpu.memory_space<vmem>> -> memref<128xi32, #tpu.memory_space<vmem>>
    %dma_wait3A_137 = arith.constant 0 : i32
    %dma_wait3A_138 = arith.constant 0 : i32
    %dma_wait3A_139 = tpu.memref_slice %arg27[%dma_wait3A_137, %dma_wait3A_138] : memref<10000x64xf32, #tpu.memory_space<vmem_shared>> -> memref<10000x64xf32, #tpu.memory_space<vmem_shared>>
    tpu.wait_indirect_dma semaphore(%arg22 : memref<!tpu.dma_semaphore, #tpu.memory_space<semaphore_mem>>) src(%arg10 : memref<128x64xf32, #tpu.memory_space<vmem>>) dst(%dma_wait3A_139 : memref<10000x64xf32, #tpu.memory_space<vmem_shared>>)
    %dma_start3A_140 = arith.constant 14 : i32
    %dma_start3A_141 = arith.constant 0 : i32
    %dma_start3A_142 = tpu.memref_slice %arg7[%dma_start3A_140, %dma_start3A_141] : memref<156x128xi32, #tpu.memory_space<vmem>> -> memref<1x128xi32, #tpu.memory_space<vmem>>
    %dma_start3A_143 = tpu.memref_squeeze %dma_start3A_142 : memref<1x128xi32, #tpu.memory_space<vmem>> -> memref<128xi32, #tpu.memory_space<vmem>>
    %dma_start3A_144 = arith.constant 0 : i32
    %dma_start3A_145 = arith.constant 0 : i32
    %dma_start3A_146 = tpu.memref_slice %arg3[%dma_start3A_144, %dma_start3A_145] : memref<10000x64xf32, #tpu.memory_space<hbm>> -> memref<10000x64xf32, #tpu.memory_space<hbm>>
    tpu.enqueue_indirect_dma source(%dma_start3A_146 : memref<10000x64xf32, #tpu.memory_space<hbm>>) target(%arg10 : memref<128x64xf32, #tpu.memory_space<vmem>>) offsets(%dma_start3A_143 : memref<128xi32, #tpu.memory_space<vmem>>) semaphore(%arg16 : memref<!tpu.dma_semaphore, #tpu.memory_space<semaphore_mem>>)
    %dma_wait3A_147 = arith.constant 10 : i32
    %dma_wait3A_148 = arith.constant 0 : i32
    %dma_wait3A_149 = tpu.memref_slice %arg7[%dma_wait3A_147, %dma_wait3A_148] : memref<156x128xi32, #tpu.memory_space<vmem>> -> memref<1x128xi32, #tpu.memory_space<vmem>>
    %dma_wait3A_150 = tpu.memref_squeeze %dma_wait3A_149 : memref<1x128xi32, #tpu.memory_space<vmem>> -> memref<128xi32, #tpu.memory_space<vmem>>
    %dma_wait3A_151 = arith.constant 0 : i32
    %dma_wait3A_152 = arith.constant 0 : i32
    %dma_wait3A_153 = tpu.memref_slice %arg3[%dma_wait3A_151, %dma_wait3A_152] : memref<10000x64xf32, #tpu.memory_space<hbm>> -> memref<10000x64xf32, #tpu.memory_space<hbm>>
    tpu.wait_indirect_dma semaphore(%arg20 : memref<!tpu.dma_semaphore, #tpu.memory_space<semaphore_mem>>) src(%dma_wait3A_153 : memref<10000x64xf32, #tpu.memory_space<hbm>>) dst(%arg14 : memref<128x64xf32, #tpu.memory_space<vmem>>)
    %dma_start3A_154 = arith.constant 11 : i32
    %dma_start3A_155 = arith.constant 0 : i32
    %dma_start3A_156 = tpu.memref_slice %arg7[%dma_start3A_154, %dma_start3A_155] : memref<156x128xi32, #tpu.memory_space<vmem>> -> memref<1x128xi32, #tpu.memory_space<vmem>>
    %dma_start3A_157 = tpu.memref_squeeze %dma_start3A_156 : memref<1x128xi32, #tpu.memory_space<vmem>> -> memref<128xi32, #tpu.memory_space<vmem>>
    %dma_start3A_158 = arith.constant 0 : i32
    %dma_start3A_159 = arith.constant 0 : i32
    %dma_start3A_160 = tpu.memref_slice %arg27[%dma_start3A_158, %dma_start3A_159] : memref<10000x64xf32, #tpu.memory_space<vmem_shared>> -> memref<10000x64xf32, #tpu.memory_space<vmem_shared>>
    tpu.enqueue_indirect_dma source(%arg14 : memref<128x64xf32, #tpu.memory_space<vmem>>) target(%dma_start3A_160 : memref<10000x64xf32, #tpu.memory_space<vmem_shared>>) offsets(%dma_start3A_157 : memref<128xi32, #tpu.memory_space<vmem>>) semaphore(%arg26 : memref<!tpu.dma_semaphore, #tpu.memory_space<semaphore_mem>>) {add = true}
    %dma_wait3A_161 = arith.constant 5 : i32
    %dma_wait3A_162 = arith.constant 0 : i32
    %dma_wait3A_163 = tpu.memref_slice %arg7[%dma_wait3A_161, %dma_wait3A_162] : memref<156x128xi32, #tpu.memory_space<vmem>> -> memref<1x128xi32, #tpu.memory_space<vmem>>
    %dma_wait3A_164 = tpu.memref_squeeze %dma_wait3A_163 : memref<1x128xi32, #tpu.memory_space<vmem>> -> memref<128xi32, #tpu.memory_space<vmem>>
    %dma_wait3A_165 = arith.constant 0 : i32
    %dma_wait3A_166 = arith.constant 0 : i32
    %dma_wait3A_167 = tpu.memref_slice %arg27[%dma_wait3A_165, %dma_wait3A_166] : memref<10000x64xf32, #tpu.memory_space<vmem_shared>> -> memref<10000x64xf32, #tpu.memory_space<vmem_shared>>
    tpu.wait_indirect_dma semaphore(%arg23 : memref<!tpu.dma_semaphore, #tpu.memory_space<semaphore_mem>>) src(%arg11 : memref<128x64xf32, #tpu.memory_space<vmem>>) dst(%dma_wait3A_167 : memref<10000x64xf32, #tpu.memory_space<vmem_shared>>)
    %dma_start3A_168 = arith.constant 16 : i32
    %dma_start3A_169 = arith.constant 0 : i32
    %dma_start3A_170 = tpu.memref_slice %arg7[%dma_start3A_168, %dma_start3A_169] : memref<156x128xi32, #tpu.memory_space<vmem>> -> memref<1x128xi32, #tpu.memory_space<vmem>>
    %dma_start3A_171 = tpu.memref_squeeze %dma_start3A_170 : memref<1x128xi32, #tpu.memory_space<vmem>> -> memref<128xi32, #tpu.memory_space<vmem>>
    %dma_start3A_172 = arith.constant 0 : i32
    %dma_start3A_173 = arith.constant 0 : i32
    %dma_start3A_174 = tpu.memref_slice %arg3[%dma_start3A_172, %dma_start3A_173] : memref<10000x64xf32, #tpu.memory_space<hbm>> -> memref<10000x64xf32, #tpu.memory_space<hbm>>
    tpu.enqueue_indirect_dma source(%dma_start3A_174 : memref<10000x64xf32, #tpu.memory_space<hbm>>) target(%arg11 : memref<128x64xf32, #tpu.memory_space<vmem>>) offsets(%dma_start3A_171 : memref<128xi32, #tpu.memory_space<vmem>>) semaphore(%arg17 : memref<!tpu.dma_semaphore, #tpu.memory_space<semaphore_mem>>)
    %scan3A = arith.constant 0 : i32
    %scan3A_175 = arith.constant 1 : i32
    %scan3A_176 = arith.constant 12 : i32
    %scan3A_177 = arith.addi %scan3A_175, %scan3A_176 : i32
    %scan3A_178 = arith.constant 1 : i32
    scf.for %scan3A_237 = %scan3A_175 to %scan3A_177 step %scan3A_178  : i32 {
      %mul3A_238 = arith.constant 6 : i32
      %mul3A_239 = arith.muli %mul3A_238, %scan3A_237 : i32
      %mul3A_240 = arith.constant 2 : i32
      %mul3A_241 = arith.muli %mul3A_240, %mul3A_239 : i32
      %dma_wait3A_242 = arith.constant 0 : i32
      %dma_wait3A_243 = tpu.memref_slice %arg7[%mul3A_241, %dma_wait3A_242] : memref<156x128xi32, #tpu.memory_space<vmem>> -> memref<1x128xi32, #tpu.memory_space<vmem>>
      %dma_wait3A_244 = tpu.memref_squeeze %dma_wait3A_243 : memref<1x128xi32, #tpu.memory_space<vmem>> -> memref<128xi32, #tpu.memory_space<vmem>>
      %dma_wait3A_245 = arith.constant 0 : i32
      %dma_wait3A_246 = arith.constant 0 : i32
      %dma_wait3A_247 = tpu.memref_slice %arg3[%dma_wait3A_245, %dma_wait3A_246] : memref<10000x64xf32, #tpu.memory_space<hbm>> -> memref<10000x64xf32, #tpu.memory_space<hbm>>
      tpu.wait_indirect_dma semaphore(%arg15 : memref<!tpu.dma_semaphore, #tpu.memory_space<semaphore_mem>>) src(%dma_wait3A_247 : memref<10000x64xf32, #tpu.memory_space<hbm>>) dst(%arg9 : memref<128x64xf32, #tpu.memory_space<vmem>>)
      %mul3A_248 = arith.constant 2 : i32
      %mul3A_249 = arith.muli %mul3A_248, %mul3A_239 : i32
      %add3A_250 = arith.constant 1 : i32
      %add3A_251 = arith.addi %mul3A_249, %add3A_250 : i32
      %dma_start3A_252 = arith.constant 0 : i32
      %dma_start3A_253 = tpu.memref_slice %arg7[%add3A_251, %dma_start3A_252] : memref<156x128xi32, #tpu.memory_space<vmem>> -> memref<1x128xi32, #tpu.memory_space<vmem>>
      %dma_start3A_254 = tpu.memref_squeeze %dma_start3A_253 : memref<1x128xi32, #tpu.memory_space<vmem>> -> memref<128xi32, #tpu.memory_space<vmem>>
      %dma_start3A_255 = arith.constant 0 : i32
      %dma_start3A_256 = arith.constant 0 : i32
      %dma_start3A_257 = tpu.memref_slice %arg27[%dma_start3A_255, %dma_start3A_256] : memref<10000x64xf32, #tpu.memory_space<vmem_shared>> -> memref<10000x64xf32, #tpu.memory_space<vmem_shared>>
      tpu.enqueue_indirect_dma source(%arg9 : memref<128x64xf32, #tpu.memory_space<vmem>>) target(%dma_start3A_257 : memref<10000x64xf32, #tpu.memory_space<vmem_shared>>) offsets(%dma_start3A_254 : memref<128xi32, #tpu.memory_space<vmem>>) semaphore(%arg21 : memref<!tpu.dma_semaphore, #tpu.memory_space<semaphore_mem>>) {add = true}
      %sub3A = arith.constant 3 : i32
      %sub3A_258 = arith.subi %mul3A_239, %sub3A : i32
      %mul3A_259 = arith.constant 2 : i32
      %mul3A_260 = arith.muli %mul3A_259, %sub3A_258 : i32
      %add3A_261 = arith.constant 1 : i32
      %add3A_262 = arith.addi %mul3A_260, %add3A_261 : i32
      %dma_wait3A_263 = arith.constant 0 : i32
      %dma_wait3A_264 = tpu.memref_slice %arg7[%add3A_262, %dma_wait3A_263] : memref<156x128xi32, #tpu.memory_space<vmem>> -> memref<1x128xi32, #tpu.memory_space<vmem>>
      %dma_wait3A_265 = tpu.memref_squeeze %dma_wait3A_264 : memref<1x128xi32, #tpu.memory_space<vmem>> -> memref<128xi32, #tpu.memory_space<vmem>>
      %dma_wait3A_266 = arith.constant 0 : i32
      %dma_wait3A_267 = arith.constant 0 : i32
      %dma_wait3A_268 = tpu.memref_slice %arg27[%dma_wait3A_266, %dma_wait3A_267] : memref<10000x64xf32, #tpu.memory_space<vmem_shared>> -> memref<10000x64xf32, #tpu.memory_space<vmem_shared>>
      tpu.wait_indirect_dma semaphore(%arg24 : memref<!tpu.dma_semaphore, #tpu.memory_space<semaphore_mem>>) src(%arg12 : memref<128x64xf32, #tpu.memory_space<vmem>>) dst(%dma_wait3A_268 : memref<10000x64xf32, #tpu.memory_space<vmem_shared>>)
      %add3A_269 = arith.constant 3 : i32
      %add3A_270 = arith.addi %mul3A_239, %add3A_269 : i32
      %mul3A_271 = arith.constant 2 : i32
      %mul3A_272 = arith.muli %mul3A_271, %add3A_270 : i32
      %dma_start3A_273 = arith.constant 0 : i32
      %dma_start3A_274 = tpu.memref_slice %arg7[%mul3A_272, %dma_start3A_273] : memref<156x128xi32, #tpu.memory_space<vmem>> -> memref<1x128xi32, #tpu.memory_space<vmem>>
      %dma_start3A_275 = tpu.memref_squeeze %dma_start3A_274 : memref<1x128xi32, #tpu.memory_space<vmem>> -> memref<128xi32, #tpu.memory_space<vmem>>
      %dma_start3A_276 = arith.constant 0 : i32
      %dma_start3A_277 = arith.constant 0 : i32
      %dma_start3A_278 = tpu.memref_slice %arg3[%dma_start3A_276, %dma_start3A_277] : memref<10000x64xf32, #tpu.memory_space<hbm>> -> memref<10000x64xf32, #tpu.memory_space<hbm>>
      tpu.enqueue_indirect_dma source(%dma_start3A_278 : memref<10000x64xf32, #tpu.memory_space<hbm>>) target(%arg12 : memref<128x64xf32, #tpu.memory_space<vmem>>) offsets(%dma_start3A_275 : memref<128xi32, #tpu.memory_space<vmem>>) semaphore(%arg18 : memref<!tpu.dma_semaphore, #tpu.memory_space<semaphore_mem>>)
      %add3A_279 = arith.constant 1 : i32
      %add3A_280 = arith.addi %mul3A_239, %add3A_279 : i32
      %mul3A_281 = arith.constant 2 : i32
      %mul3A_282 = arith.muli %mul3A_281, %add3A_280 : i32
      %dma_wait3A_283 = arith.constant 0 : i32
      %dma_wait3A_284 = tpu.memref_slice %arg7[%mul3A_282, %dma_wait3A_283] : memref<156x128xi32, #tpu.memory_space<vmem>> -> memref<1x128xi32, #tpu.memory_space<vmem>>
      %dma_wait3A_285 = tpu.memref_squeeze %dma_wait3A_284 : memref<1x128xi32, #tpu.memory_space<vmem>> -> memref<128xi32, #tpu.memory_space<vmem>>
      %dma_wait3A_286 = arith.constant 0 : i32
      %dma_wait3A_287 = arith.constant 0 : i32
      %dma_wait3A_288 = tpu.memref_slice %arg3[%dma_wait3A_286, %dma_wait3A_287] : memref<10000x64xf32, #tpu.memory_space<hbm>> -> memref<10000x64xf32, #tpu.memory_space<hbm>>
      tpu.wait_indirect_dma semaphore(%arg16 : memref<!tpu.dma_semaphore, #tpu.memory_space<semaphore_mem>>) src(%dma_wait3A_288 : memref<10000x64xf32, #tpu.memory_space<hbm>>) dst(%arg10 : memref<128x64xf32, #tpu.memory_space<vmem>>)
      %mul3A_289 = arith.constant 2 : i32
      %mul3A_290 = arith.muli %mul3A_289, %add3A_280 : i32
      %add3A_291 = arith.constant 1 : i32
      %add3A_292 = arith.addi %mul3A_290, %add3A_291 : i32
      %dma_start3A_293 = arith.constant 0 : i32
      %dma_start3A_294 = tpu.memref_slice %arg7[%add3A_292, %dma_start3A_293] : memref<156x128xi32, #tpu.memory_space<vmem>> -> memref<1x128xi32, #tpu.memory_space<vmem>>
      %dma_start3A_295 = tpu.memref_squeeze %dma_start3A_294 : memref<1x128xi32, #tpu.memory_space<vmem>> -> memref<128xi32, #tpu.memory_space<vmem>>
      %dma_start3A_296 = arith.constant 0 : i32
      %dma_start3A_297 = arith.constant 0 : i32
      %dma_start3A_298 = tpu.memref_slice %arg27[%dma_start3A_296, %dma_start3A_297] : memref<10000x64xf32, #tpu.memory_space<vmem_shared>> -> memref<10000x64xf32, #tpu.memory_space<vmem_shared>>
      tpu.enqueue_indirect_dma source(%arg10 : memref<128x64xf32, #tpu.memory_space<vmem>>) target(%dma_start3A_298 : memref<10000x64xf32, #tpu.memory_space<vmem_shared>>) offsets(%dma_start3A_295 : memref<128xi32, #tpu.memory_space<vmem>>) semaphore(%arg22 : memref<!tpu.dma_semaphore, #tpu.memory_space<semaphore_mem>>) {add = true}
      %sub3A_299 = arith.constant 3 : i32
      %sub3A_300 = arith.subi %add3A_280, %sub3A_299 : i32
      %mul3A_301 = arith.constant 2 : i32
      %mul3A_302 = arith.muli %mul3A_301, %sub3A_300 : i32
      %add3A_303 = arith.constant 1 : i32
      %add3A_304 = arith.addi %mul3A_302, %add3A_303 : i32
      %dma_wait3A_305 = arith.constant 0 : i32
      %dma_wait3A_306 = tpu.memref_slice %arg7[%add3A_304, %dma_wait3A_305] : memref<156x128xi32, #tpu.memory_space<vmem>> -> memref<1x128xi32, #tpu.memory_space<vmem>>
      %dma_wait3A_307 = tpu.memref_squeeze %dma_wait3A_306 : memref<1x128xi32, #tpu.memory_space<vmem>> -> memref<128xi32, #tpu.memory_space<vmem>>
      %dma_wait3A_308 = arith.constant 0 : i32
      %dma_wait3A_309 = arith.constant 0 : i32
      %dma_wait3A_310 = tpu.memref_slice %arg27[%dma_wait3A_308, %dma_wait3A_309] : memref<10000x64xf32, #tpu.memory_space<vmem_shared>> -> memref<10000x64xf32, #tpu.memory_space<vmem_shared>>
      tpu.wait_indirect_dma semaphore(%arg25 : memref<!tpu.dma_semaphore, #tpu.memory_space<semaphore_mem>>) src(%arg13 : memref<128x64xf32, #tpu.memory_space<vmem>>) dst(%dma_wait3A_310 : memref<10000x64xf32, #tpu.memory_space<vmem_shared>>)
      %add3A_311 = arith.constant 3 : i32
      %add3A_312 = arith.addi %add3A_280, %add3A_311 : i32
      %mul3A_313 = arith.constant 2 : i32
      %mul3A_314 = arith.muli %mul3A_313, %add3A_312 : i32
      %dma_start3A_315 = arith.constant 0 : i32
      %dma_start3A_316 = tpu.memref_slice %arg7[%mul3A_314, %dma_start3A_315] : memref<156x128xi32, #tpu.memory_space<vmem>> -> memref<1x128xi32, #tpu.memory_space<vmem>>
      %dma_start3A_317 = tpu.memref_squeeze %dma_start3A_316 : memref<1x128xi32, #tpu.memory_space<vmem>> -> memref<128xi32, #tpu.memory_space<vmem>>
      %dma_start3A_318 = arith.constant 0 : i32
      %dma_start3A_319 = arith.constant 0 : i32
      %dma_start3A_320 = tpu.memref_slice %arg3[%dma_start3A_318, %dma_start3A_319] : memref<10000x64xf32, #tpu.memory_space<hbm>> -> memref<10000x64xf32, #tpu.memory_space<hbm>>
      tpu.enqueue_indirect_dma source(%dma_start3A_320 : memref<10000x64xf32, #tpu.memory_space<hbm>>) target(%arg13 : memref<128x64xf32, #tpu.memory_space<vmem>>) offsets(%dma_start3A_317 : memref<128xi32, #tpu.memory_space<vmem>>) semaphore(%arg19 : memref<!tpu.dma_semaphore, #tpu.memory_space<semaphore_mem>>)
      %add3A_321 = arith.constant 2 : i32
      %add3A_322 = arith.addi %mul3A_239, %add3A_321 : i32
      %mul3A_323 = arith.constant 2 : i32
      %mul3A_324 = arith.muli %mul3A_323, %add3A_322 : i32
      %dma_wait3A_325 = arith.constant 0 : i32
      %dma_wait3A_326 = tpu.memref_slice %arg7[%mul3A_324, %dma_wait3A_325] : memref<156x128xi32, #tpu.memory_space<vmem>> -> memref<1x128xi32, #tpu.memory_space<vmem>>
      %dma_wait3A_327 = tpu.memref_squeeze %dma_wait3A_326 : memref<1x128xi32, #tpu.memory_space<vmem>> -> memref<128xi32, #tpu.memory_space<vmem>>
      %dma_wait3A_328 = arith.constant 0 : i32
      %dma_wait3A_329 = arith.constant 0 : i32
      %dma_wait3A_330 = tpu.memref_slice %arg3[%dma_wait3A_328, %dma_wait3A_329] : memref<10000x64xf32, #tpu.memory_space<hbm>> -> memref<10000x64xf32, #tpu.memory_space<hbm>>
      tpu.wait_indirect_dma semaphore(%arg17 : memref<!tpu.dma_semaphore, #tpu.memory_space<semaphore_mem>>) src(%dma_wait3A_330 : memref<10000x64xf32, #tpu.memory_space<hbm>>) dst(%arg11 : memref<128x64xf32, #tpu.memory_space<vmem>>)
      %mul3A_331 = arith.constant 2 : i32
      %mul3A_332 = arith.muli %mul3A_331, %add3A_322 : i32
      %add3A_333 = arith.constant 1 : i32
      %add3A_334 = arith.addi %mul3A_332, %add3A_333 : i32
      %dma_start3A_335 = arith.constant 0 : i32
      %dma_start3A_336 = tpu.memref_slice %arg7[%add3A_334, %dma_start3A_335] : memref<156x128xi32, #tpu.memory_space<vmem>> -> memref<1x128xi32, #tpu.memory_space<vmem>>
      %dma_start3A_337 = tpu.memref_squeeze %dma_start3A_336 : memref<1x128xi32, #tpu.memory_space<vmem>> -> memref<128xi32, #tpu.memory_space<vmem>>
      %dma_start3A_338 = arith.constant 0 : i32
      %dma_start3A_339 = arith.constant 0 : i32
      %dma_start3A_340 = tpu.memref_slice %arg27[%dma_start3A_338, %dma_start3A_339] : memref<10000x64xf32, #tpu.memory_space<vmem_shared>> -> memref<10000x64xf32, #tpu.memory_space<vmem_shared>>
      tpu.enqueue_indirect_dma source(%arg11 : memref<128x64xf32, #tpu.memory_space<vmem>>) target(%dma_start3A_340 : memref<10000x64xf32, #tpu.memory_space<vmem_shared>>) offsets(%dma_start3A_337 : memref<128xi32, #tpu.memory_space<vmem>>) semaphore(%arg23 : memref<!tpu.dma_semaphore, #tpu.memory_space<semaphore_mem>>) {add = true}
      %sub3A_341 = arith.constant 3 : i32
      %sub3A_342 = arith.subi %add3A_322, %sub3A_341 : i32
      %mul3A_343 = arith.constant 2 : i32
      %mul3A_344 = arith.muli %mul3A_343, %sub3A_342 : i32
      %add3A_345 = arith.constant 1 : i32
      %add3A_346 = arith.addi %mul3A_344, %add3A_345 : i32
      %dma_wait3A_347 = arith.constant 0 : i32
      %dma_wait3A_348 = tpu.memref_slice %arg7[%add3A_346, %dma_wait3A_347] : memref<156x128xi32, #tpu.memory_space<vmem>> -> memref<1x128xi32, #tpu.memory_space<vmem>>
      %dma_wait3A_349 = tpu.memref_squeeze %dma_wait3A_348 : memref<1x128xi32, #tpu.memory_space<vmem>> -> memref<128xi32, #tpu.memory_space<vmem>>
      %dma_wait3A_350 = arith.constant 0 : i32
      %dma_wait3A_351 = arith.constant 0 : i32
      %dma_wait3A_352 = tpu.memref_slice %arg27[%dma_wait3A_350, %dma_wait3A_351] : memref<10000x64xf32, #tpu.memory_space<vmem_shared>> -> memref<10000x64xf32, #tpu.memory_space<vmem_shared>>
      tpu.wait_indirect_dma semaphore(%arg26 : memref<!tpu.dma_semaphore, #tpu.memory_space<semaphore_mem>>) src(%arg14 : memref<128x64xf32, #tpu.memory_space<vmem>>) dst(%dma_wait3A_352 : memref<10000x64xf32, #tpu.memory_space<vmem_shared>>)
      %add3A_353 = arith.constant 3 : i32
      %add3A_354 = arith.addi %add3A_322, %add3A_353 : i32
      %mul3A_355 = arith.constant 2 : i32
      %mul3A_356 = arith.muli %mul3A_355, %add3A_354 : i32
      %dma_start3A_357 = arith.constant 0 : i32
      %dma_start3A_358 = tpu.memref_slice %arg7[%mul3A_356, %dma_start3A_357] : memref<156x128xi32, #tpu.memory_space<vmem>> -> memref<1x128xi32, #tpu.memory_space<vmem>>
      %dma_start3A_359 = tpu.memref_squeeze %dma_start3A_358 : memref<1x128xi32, #tpu.memory_space<vmem>> -> memref<128xi32, #tpu.memory_space<vmem>>
      %dma_start3A_360 = arith.constant 0 : i32
      %dma_start3A_361 = arith.constant 0 : i32
      %dma_start3A_362 = tpu.memref_slice %arg3[%dma_start3A_360, %dma_start3A_361] : memref<10000x64xf32, #tpu.memory_space<hbm>> -> memref<10000x64xf32, #tpu.memory_space<hbm>>
      tpu.enqueue_indirect_dma source(%dma_start3A_362 : memref<10000x64xf32, #tpu.memory_space<hbm>>) target(%arg14 : memref<128x64xf32, #tpu.memory_space<vmem>>) offsets(%dma_start3A_359 : memref<128xi32, #tpu.memory_space<vmem>>) semaphore(%arg20 : memref<!tpu.dma_semaphore, #tpu.memory_space<semaphore_mem>>)
      %add3A_363 = arith.constant 3 : i32
      %add3A_364 = arith.addi %mul3A_239, %add3A_363 : i32
      %mul3A_365 = arith.constant 2 : i32
      %mul3A_366 = arith.muli %mul3A_365, %add3A_364 : i32
      %dma_wait3A_367 = arith.constant 0 : i32
      %dma_wait3A_368 = tpu.memref_slice %arg7[%mul3A_366, %dma_wait3A_367] : memref<156x128xi32, #tpu.memory_space<vmem>> -> memref<1x128xi32, #tpu.memory_space<vmem>>
      %dma_wait3A_369 = tpu.memref_squeeze %dma_wait3A_368 : memref<1x128xi32, #tpu.memory_space<vmem>> -> memref<128xi32, #tpu.memory_space<vmem>>
      %dma_wait3A_370 = arith.constant 0 : i32
      %dma_wait3A_371 = arith.constant 0 : i32
      %dma_wait3A_372 = tpu.memref_slice %arg3[%dma_wait3A_370, %dma_wait3A_371] : memref<10000x64xf32, #tpu.memory_space<hbm>> -> memref<10000x64xf32, #tpu.memory_space<hbm>>
      tpu.wait_indirect_dma semaphore(%arg18 : memref<!tpu.dma_semaphore, #tpu.memory_space<semaphore_mem>>) src(%dma_wait3A_372 : memref<10000x64xf32, #tpu.memory_space<hbm>>) dst(%arg12 : memref<128x64xf32, #tpu.memory_space<vmem>>)
      %mul3A_373 = arith.constant 2 : i32
      %mul3A_374 = arith.muli %mul3A_373, %add3A_364 : i32
      %add3A_375 = arith.constant 1 : i32
      %add3A_376 = arith.addi %mul3A_374, %add3A_375 : i32
      %dma_start3A_377 = arith.constant 0 : i32
      %dma_start3A_378 = tpu.memref_slice %arg7[%add3A_376, %dma_start3A_377] : memref<156x128xi32, #tpu.memory_space<vmem>> -> memref<1x128xi32, #tpu.memory_space<vmem>>
      %dma_start3A_379 = tpu.memref_squeeze %dma_start3A_378 : memref<1x128xi32, #tpu.memory_space<vmem>> -> memref<128xi32, #tpu.memory_space<vmem>>
      %dma_start3A_380 = arith.constant 0 : i32
      %dma_start3A_381 = arith.constant 0 : i32
      %dma_start3A_382 = tpu.memref_slice %arg27[%dma_start3A_380, %dma_start3A_381] : memref<10000x64xf32, #tpu.memory_space<vmem_shared>> -> memref<10000x64xf32, #tpu.memory_space<vmem_shared>>
      tpu.enqueue_indirect_dma source(%arg12 : memref<128x64xf32, #tpu.memory_space<vmem>>) target(%dma_start3A_382 : memref<10000x64xf32, #tpu.memory_space<vmem_shared>>) offsets(%dma_start3A_379 : memref<128xi32, #tpu.memory_space<vmem>>) semaphore(%arg24 : memref<!tpu.dma_semaphore, #tpu.memory_space<semaphore_mem>>) {add = true}
      %add3A_383 = arith.constant 3 : i32
      %add3A_384 = arith.addi %add3A_364, %add3A_383 : i32
      %lt3A_385 = arith.constant 78 : i32
      %lt3A_386 = arith.cmpi slt, %add3A_384, %lt3A_385 : i32
      %convert_element_type3A_387 = arith.extui %lt3A_386 : i1 to i32
      %cond3A_388 = arith.constant 0 : i32
      %cond3A_389 = arith.cmpi ne, %convert_element_type3A_387, %cond3A_388 : i32
      scf.if %cond3A_389 {
        %sub3A_444 = arith.constant 3 : i32
        %sub3A_445 = arith.subi %add3A_364, %sub3A_444 : i32
        %mul3A_446 = arith.constant 2 : i32
        %mul3A_447 = arith.muli %mul3A_446, %sub3A_445 : i32
        %add3A_448 = arith.constant 1 : i32
        %add3A_449 = arith.addi %mul3A_447, %add3A_448 : i32
        %dma_wait3A_450 = arith.constant 0 : i32
        %dma_wait3A_451 = tpu.memref_slice %arg7[%add3A_449, %dma_wait3A_450] : memref<156x128xi32, #tpu.memory_space<vmem>> -> memref<1x128xi32, #tpu.memory_space<vmem>>
        %dma_wait3A_452 = tpu.memref_squeeze %dma_wait3A_451 : memref<1x128xi32, #tpu.memory_space<vmem>> -> memref<128xi32, #tpu.memory_space<vmem>>
        %dma_wait3A_453 = arith.constant 0 : i32
        %dma_wait3A_454 = arith.constant 0 : i32
        %dma_wait3A_455 = tpu.memref_slice %arg27[%dma_wait3A_453, %dma_wait3A_454] : memref<10000x64xf32, #tpu.memory_space<vmem_shared>> -> memref<10000x64xf32, #tpu.memory_space<vmem_shared>>
        tpu.wait_indirect_dma semaphore(%arg21 : memref<!tpu.dma_semaphore, #tpu.memory_space<semaphore_mem>>) src(%arg9 : memref<128x64xf32, #tpu.memory_space<vmem>>) dst(%dma_wait3A_455 : memref<10000x64xf32, #tpu.memory_space<vmem_shared>>)
        %add3A_456 = arith.constant 3 : i32
        %add3A_457 = arith.addi %add3A_364, %add3A_456 : i32
        %mul3A_458 = arith.constant 2 : i32
        %mul3A_459 = arith.muli %mul3A_458, %add3A_457 : i32
        %dma_start3A_460 = arith.constant 0 : i32
        %dma_start3A_461 = tpu.memref_slice %arg7[%mul3A_459, %dma_start3A_460] : memref<156x128xi32, #tpu.memory_space<vmem>> -> memref<1x128xi32, #tpu.memory_space<vmem>>
        %dma_start3A_462 = tpu.memref_squeeze %dma_start3A_461 : memref<1x128xi32, #tpu.memory_space<vmem>> -> memref<128xi32, #tpu.memory_space<vmem>>
        %dma_start3A_463 = arith.constant 0 : i32
        %dma_start3A_464 = arith.constant 0 : i32
        %dma_start3A_465 = tpu.memref_slice %arg3[%dma_start3A_463, %dma_start3A_464] : memref<10000x64xf32, #tpu.memory_space<hbm>> -> memref<10000x64xf32, #tpu.memory_space<hbm>>
        tpu.enqueue_indirect_dma source(%dma_start3A_465 : memref<10000x64xf32, #tpu.memory_space<hbm>>) target(%arg9 : memref<128x64xf32, #tpu.memory_space<vmem>>) offsets(%dma_start3A_462 : memref<128xi32, #tpu.memory_space<vmem>>) semaphore(%arg15 : memref<!tpu.dma_semaphore, #tpu.memory_space<semaphore_mem>>)
      } else {
      }
      %add3A_390 = arith.constant 4 : i32
      %add3A_391 = arith.addi %mul3A_239, %add3A_390 : i32
      %mul3A_392 = arith.constant 2 : i32
      %mul3A_393 = arith.muli %mul3A_392, %add3A_391 : i32
      %dma_wait3A_394 = arith.constant 0 : i32
      %dma_wait3A_395 = tpu.memref_slice %arg7[%mul3A_393, %dma_wait3A_394] : memref<156x128xi32, #tpu.memory_space<vmem>> -> memref<1x128xi32, #tpu.memory_space<vmem>>
      %dma_wait3A_396 = tpu.memref_squeeze %dma_wait3A_395 : memref<1x128xi32, #tpu.memory_space<vmem>> -> memref<128xi32, #tpu.memory_space<vmem>>
      %dma_wait3A_397 = arith.constant 0 : i32
      %dma_wait3A_398 = arith.constant 0 : i32
      %dma_wait3A_399 = tpu.memref_slice %arg3[%dma_wait3A_397, %dma_wait3A_398] : memref<10000x64xf32, #tpu.memory_space<hbm>> -> memref<10000x64xf32, #tpu.memory_space<hbm>>
      tpu.wait_indirect_dma semaphore(%arg19 : memref<!tpu.dma_semaphore, #tpu.memory_space<semaphore_mem>>) src(%dma_wait3A_399 : memref<10000x64xf32, #tpu.memory_space<hbm>>) dst(%arg13 : memref<128x64xf32, #tpu.memory_space<vmem>>)
      %mul3A_400 = arith.constant 2 : i32
      %mul3A_401 = arith.muli %mul3A_400, %add3A_391 : i32
      %add3A_402 = arith.constant 1 : i32
      %add3A_403 = arith.addi %mul3A_401, %add3A_402 : i32
      %dma_start3A_404 = arith.constant 0 : i32
      %dma_start3A_405 = tpu.memref_slice %arg7[%add3A_403, %dma_start3A_404] : memref<156x128xi32, #tpu.memory_space<vmem>> -> memref<1x128xi32, #tpu.memory_space<vmem>>
      %dma_start3A_406 = tpu.memref_squeeze %dma_start3A_405 : memref<1x128xi32, #tpu.memory_space<vmem>> -> memref<128xi32, #tpu.memory_space<vmem>>
      %dma_start3A_407 = arith.constant 0 : i32
      %dma_start3A_408 = arith.constant 0 : i32
      %dma_start3A_409 = tpu.memref_slice %arg27[%dma_start3A_407, %dma_start3A_408] : memref<10000x64xf32, #tpu.memory_space<vmem_shared>> -> memref<10000x64xf32, #tpu.memory_space<vmem_shared>>
      tpu.enqueue_indirect_dma source(%arg13 : memref<128x64xf32, #tpu.memory_space<vmem>>) target(%dma_start3A_409 : memref<10000x64xf32, #tpu.memory_space<vmem_shared>>) offsets(%dma_start3A_406 : memref<128xi32, #tpu.memory_space<vmem>>) semaphore(%arg25 : memref<!tpu.dma_semaphore, #tpu.memory_space<semaphore_mem>>) {add = true}
      %add3A_410 = arith.constant 3 : i32
      %add3A_411 = arith.addi %add3A_391, %add3A_410 : i32
      %lt3A_412 = arith.constant 78 : i32
      %lt3A_413 = arith.cmpi slt, %add3A_411, %lt3A_412 : i32
      %convert_element_type3A_414 = arith.extui %lt3A_413 : i1 to i32
      %cond3A_415 = arith.constant 0 : i32
      %cond3A_416 = arith.cmpi ne, %convert_element_type3A_414, %cond3A_415 : i32
      scf.if %cond3A_416 {
        %sub3A_444 = arith.constant 3 : i32
        %sub3A_445 = arith.subi %add3A_391, %sub3A_444 : i32
        %mul3A_446 = arith.constant 2 : i32
        %mul3A_447 = arith.muli %mul3A_446, %sub3A_445 : i32
        %add3A_448 = arith.constant 1 : i32
        %add3A_449 = arith.addi %mul3A_447, %add3A_448 : i32
        %dma_wait3A_450 = arith.constant 0 : i32
        %dma_wait3A_451 = tpu.memref_slice %arg7[%add3A_449, %dma_wait3A_450] : memref<156x128xi32, #tpu.memory_space<vmem>> -> memref<1x128xi32, #tpu.memory_space<vmem>>
        %dma_wait3A_452 = tpu.memref_squeeze %dma_wait3A_451 : memref<1x128xi32, #tpu.memory_space<vmem>> -> memref<128xi32, #tpu.memory_space<vmem>>
        %dma_wait3A_453 = arith.constant 0 : i32
        %dma_wait3A_454 = arith.constant 0 : i32
        %dma_wait3A_455 = tpu.memref_slice %arg27[%dma_wait3A_453, %dma_wait3A_454] : memref<10000x64xf32, #tpu.memory_space<vmem_shared>> -> memref<10000x64xf32, #tpu.memory_space<vmem_shared>>
        tpu.wait_indirect_dma semaphore(%arg22 : memref<!tpu.dma_semaphore, #tpu.memory_space<semaphore_mem>>) src(%arg10 : memref<128x64xf32, #tpu.memory_space<vmem>>) dst(%dma_wait3A_455 : memref<10000x64xf32, #tpu.memory_space<vmem_shared>>)
        %add3A_456 = arith.constant 3 : i32
        %add3A_457 = arith.addi %add3A_391, %add3A_456 : i32
        %mul3A_458 = arith.constant 2 : i32
        %mul3A_459 = arith.muli %mul3A_458, %add3A_457 : i32
        %dma_start3A_460 = arith.constant 0 : i32
        %dma_start3A_461 = tpu.memref_slice %arg7[%mul3A_459, %dma_start3A_460] : memref<156x128xi32, #tpu.memory_space<vmem>> -> memref<1x128xi32, #tpu.memory_space<vmem>>
        %dma_start3A_462 = tpu.memref_squeeze %dma_start3A_461 : memref<1x128xi32, #tpu.memory_space<vmem>> -> memref<128xi32, #tpu.memory_space<vmem>>
        %dma_start3A_463 = arith.constant 0 : i32
        %dma_start3A_464 = arith.constant 0 : i32
        %dma_start3A_465 = tpu.memref_slice %arg3[%dma_start3A_463, %dma_start3A_464] : memref<10000x64xf32, #tpu.memory_space<hbm>> -> memref<10000x64xf32, #tpu.memory_space<hbm>>
        tpu.enqueue_indirect_dma source(%dma_start3A_465 : memref<10000x64xf32, #tpu.memory_space<hbm>>) target(%arg10 : memref<128x64xf32, #tpu.memory_space<vmem>>) offsets(%dma_start3A_462 : memref<128xi32, #tpu.memory_space<vmem>>) semaphore(%arg16 : memref<!tpu.dma_semaphore, #tpu.memory_space<semaphore_mem>>)
      } else {
      }
      %add3A_417 = arith.constant 5 : i32
      %add3A_418 = arith.addi %mul3A_239, %add3A_417 : i32
      %mul3A_419 = arith.constant 2 : i32
      %mul3A_420 = arith.muli %mul3A_419, %add3A_418 : i32
      %dma_wait3A_421 = arith.constant 0 : i32
      %dma_wait3A_422 = tpu.memref_slice %arg7[%mul3A_420, %dma_wait3A_421] : memref<156x128xi32, #tpu.memory_space<vmem>> -> memref<1x128xi32, #tpu.memory_space<vmem>>
      %dma_wait3A_423 = tpu.memref_squeeze %dma_wait3A_422 : memref<1x128xi32, #tpu.memory_space<vmem>> -> memref<128xi32, #tpu.memory_space<vmem>>
      %dma_wait3A_424 = arith.constant 0 : i32
      %dma_wait3A_425 = arith.constant 0 : i32
      %dma_wait3A_426 = tpu.memref_slice %arg3[%dma_wait3A_424, %dma_wait3A_425] : memref<10000x64xf32, #tpu.memory_space<hbm>> -> memref<10000x64xf32, #tpu.memory_space<hbm>>
      tpu.wait_indirect_dma semaphore(%arg20 : memref<!tpu.dma_semaphore, #tpu.memory_space<semaphore_mem>>) src(%dma_wait3A_426 : memref<10000x64xf32, #tpu.memory_space<hbm>>) dst(%arg14 : memref<128x64xf32, #tpu.memory_space<vmem>>)
      %mul3A_427 = arith.constant 2 : i32
      %mul3A_428 = arith.muli %mul3A_427, %add3A_418 : i32
      %add3A_429 = arith.constant 1 : i32
      %add3A_430 = arith.addi %mul3A_428, %add3A_429 : i32
      %dma_start3A_431 = arith.constant 0 : i32
      %dma_start3A_432 = tpu.memref_slice %arg7[%add3A_430, %dma_start3A_431] : memref<156x128xi32, #tpu.memory_space<vmem>> -> memref<1x128xi32, #tpu.memory_space<vmem>>
      %dma_start3A_433 = tpu.memref_squeeze %dma_start3A_432 : memref<1x128xi32, #tpu.memory_space<vmem>> -> memref<128xi32, #tpu.memory_space<vmem>>
      %dma_start3A_434 = arith.constant 0 : i32
      %dma_start3A_435 = arith.constant 0 : i32
      %dma_start3A_436 = tpu.memref_slice %arg27[%dma_start3A_434, %dma_start3A_435] : memref<10000x64xf32, #tpu.memory_space<vmem_shared>> -> memref<10000x64xf32, #tpu.memory_space<vmem_shared>>
      tpu.enqueue_indirect_dma source(%arg14 : memref<128x64xf32, #tpu.memory_space<vmem>>) target(%dma_start3A_436 : memref<10000x64xf32, #tpu.memory_space<vmem_shared>>) offsets(%dma_start3A_433 : memref<128xi32, #tpu.memory_space<vmem>>) semaphore(%arg26 : memref<!tpu.dma_semaphore, #tpu.memory_space<semaphore_mem>>) {add = true}
      %add3A_437 = arith.constant 3 : i32
      %add3A_438 = arith.addi %add3A_418, %add3A_437 : i32
      %lt3A_439 = arith.constant 78 : i32
      %lt3A_440 = arith.cmpi slt, %add3A_438, %lt3A_439 : i32
      %convert_element_type3A_441 = arith.extui %lt3A_440 : i1 to i32
      %cond3A_442 = arith.constant 0 : i32
      %cond3A_443 = arith.cmpi ne, %convert_element_type3A_441, %cond3A_442 : i32
      scf.if %cond3A_443 {
        %sub3A_444 = arith.constant 3 : i32
        %sub3A_445 = arith.subi %add3A_418, %sub3A_444 : i32
        %mul3A_446 = arith.constant 2 : i32
        %mul3A_447 = arith.muli %mul3A_446, %sub3A_445 : i32
        %add3A_448 = arith.constant 1 : i32
        %add3A_449 = arith.addi %mul3A_447, %add3A_448 : i32
        %dma_wait3A_450 = arith.constant 0 : i32
        %dma_wait3A_451 = tpu.memref_slice %arg7[%add3A_449, %dma_wait3A_450] : memref<156x128xi32, #tpu.memory_space<vmem>> -> memref<1x128xi32, #tpu.memory_space<vmem>>
        %dma_wait3A_452 = tpu.memref_squeeze %dma_wait3A_451 : memref<1x128xi32, #tpu.memory_space<vmem>> -> memref<128xi32, #tpu.memory_space<vmem>>
        %dma_wait3A_453 = arith.constant 0 : i32
        %dma_wait3A_454 = arith.constant 0 : i32
        %dma_wait3A_455 = tpu.memref_slice %arg27[%dma_wait3A_453, %dma_wait3A_454] : memref<10000x64xf32, #tpu.memory_space<vmem_shared>> -> memref<10000x64xf32, #tpu.memory_space<vmem_shared>>
        tpu.wait_indirect_dma semaphore(%arg23 : memref<!tpu.dma_semaphore, #tpu.memory_space<semaphore_mem>>) src(%arg11 : memref<128x64xf32, #tpu.memory_space<vmem>>) dst(%dma_wait3A_455 : memref<10000x64xf32, #tpu.memory_space<vmem_shared>>)
        %add3A_456 = arith.constant 3 : i32
        %add3A_457 = arith.addi %add3A_418, %add3A_456 : i32
        %mul3A_458 = arith.constant 2 : i32
        %mul3A_459 = arith.muli %mul3A_458, %add3A_457 : i32
        %dma_start3A_460 = arith.constant 0 : i32
        %dma_start3A_461 = tpu.memref_slice %arg7[%mul3A_459, %dma_start3A_460] : memref<156x128xi32, #tpu.memory_space<vmem>> -> memref<1x128xi32, #tpu.memory_space<vmem>>
        %dma_start3A_462 = tpu.memref_squeeze %dma_start3A_461 : memref<1x128xi32, #tpu.memory_space<vmem>> -> memref<128xi32, #tpu.memory_space<vmem>>
        %dma_start3A_463 = arith.constant 0 : i32
        %dma_start3A_464 = arith.constant 0 : i32
        %dma_start3A_465 = tpu.memref_slice %arg3[%dma_start3A_463, %dma_start3A_464] : memref<10000x64xf32, #tpu.memory_space<hbm>> -> memref<10000x64xf32, #tpu.memory_space<hbm>>
        tpu.enqueue_indirect_dma source(%dma_start3A_465 : memref<10000x64xf32, #tpu.memory_space<hbm>>) target(%arg11 : memref<128x64xf32, #tpu.memory_space<vmem>>) offsets(%dma_start3A_462 : memref<128xi32, #tpu.memory_space<vmem>>) semaphore(%arg17 : memref<!tpu.dma_semaphore, #tpu.memory_space<semaphore_mem>>)
      } else {
      }
    }
    %scan3A_179 = arith.constant 12 : i32
    %dma_wait3A_180 = arith.constant 145 : i32
    %dma_wait3A_181 = arith.constant 0 : i32
    %dma_wait3A_182 = tpu.memref_slice %arg7[%dma_wait3A_180, %dma_wait3A_181] : memref<156x128xi32, #tpu.memory_space<vmem>> -> memref<1x128xi32, #tpu.memory_space<vmem>>
    %dma_wait3A_183 = tpu.memref_squeeze %dma_wait3A_182 : memref<1x128xi32, #tpu.memory_space<vmem>> -> memref<128xi32, #tpu.memory_space<vmem>>
    %dma_wait3A_184 = arith.constant 0 : i32
    %dma_wait3A_185 = arith.constant 0 : i32
    %dma_wait3A_186 = tpu.memref_slice %arg27[%dma_wait3A_184, %dma_wait3A_185] : memref<10000x64xf32, #tpu.memory_space<vmem_shared>> -> memref<10000x64xf32, #tpu.memory_space<vmem_shared>>
    tpu.wait_indirect_dma semaphore(%arg21 : memref<!tpu.dma_semaphore, #tpu.memory_space<semaphore_mem>>) src(%arg9 : memref<128x64xf32, #tpu.memory_space<vmem>>) dst(%dma_wait3A_186 : memref<10000x64xf32, #tpu.memory_space<vmem_shared>>)
    %dma_wait3A_187 = arith.constant 147 : i32
    %dma_wait3A_188 = arith.constant 0 : i32
    %dma_wait3A_189 = tpu.memref_slice %arg7[%dma_wait3A_187, %dma_wait3A_188] : memref<156x128xi32, #tpu.memory_space<vmem>> -> memref<1x128xi32, #tpu.memory_space<vmem>>
    %dma_wait3A_190 = tpu.memref_squeeze %dma_wait3A_189 : memref<1x128xi32, #tpu.memory_space<vmem>> -> memref<128xi32, #tpu.memory_space<vmem>>
    %dma_wait3A_191 = arith.constant 0 : i32
    %dma_wait3A_192 = arith.constant 0 : i32
    %dma_wait3A_193 = tpu.memref_slice %arg27[%dma_wait3A_191, %dma_wait3A_192] : memref<10000x64xf32, #tpu.memory_space<vmem_shared>> -> memref<10000x64xf32, #tpu.memory_space<vmem_shared>>
    tpu.wait_indirect_dma semaphore(%arg22 : memref<!tpu.dma_semaphore, #tpu.memory_space<semaphore_mem>>) src(%arg10 : memref<128x64xf32, #tpu.memory_space<vmem>>) dst(%dma_wait3A_193 : memref<10000x64xf32, #tpu.memory_space<vmem_shared>>)
    %dma_wait3A_194 = arith.constant 149 : i32
    %dma_wait3A_195 = arith.constant 0 : i32
    %dma_wait3A_196 = tpu.memref_slice %arg7[%dma_wait3A_194, %dma_wait3A_195] : memref<156x128xi32, #tpu.memory_space<vmem>> -> memref<1x128xi32, #tpu.memory_space<vmem>>
    %dma_wait3A_197 = tpu.memref_squeeze %dma_wait3A_196 : memref<1x128xi32, #tpu.memory_space<vmem>> -> memref<128xi32, #tpu.memory_space<vmem>>
    %dma_wait3A_198 = arith.constant 0 : i32
    %dma_wait3A_199 = arith.constant 0 : i32
    %dma_wait3A_200 = tpu.memref_slice %arg27[%dma_wait3A_198, %dma_wait3A_199] : memref<10000x64xf32, #tpu.memory_space<vmem_shared>> -> memref<10000x64xf32, #tpu.memory_space<vmem_shared>>
    tpu.wait_indirect_dma semaphore(%arg23 : memref<!tpu.dma_semaphore, #tpu.memory_space<semaphore_mem>>) src(%arg11 : memref<128x64xf32, #tpu.memory_space<vmem>>) dst(%dma_wait3A_200 : memref<10000x64xf32, #tpu.memory_space<vmem_shared>>)
    %dma_wait3A_201 = arith.constant 151 : i32
    %dma_wait3A_202 = arith.constant 0 : i32
    %dma_wait3A_203 = tpu.memref_slice %arg7[%dma_wait3A_201, %dma_wait3A_202] : memref<156x128xi32, #tpu.memory_space<vmem>> -> memref<1x128xi32, #tpu.memory_space<vmem>>
    %dma_wait3A_204 = tpu.memref_squeeze %dma_wait3A_203 : memref<1x128xi32, #tpu.memory_space<vmem>> -> memref<128xi32, #tpu.memory_space<vmem>>
    %dma_wait3A_205 = arith.constant 0 : i32
    %dma_wait3A_206 = arith.constant 0 : i32
    %dma_wait3A_207 = tpu.memref_slice %arg27[%dma_wait3A_205, %dma_wait3A_206] : memref<10000x64xf32, #tpu.memory_space<vmem_shared>> -> memref<10000x64xf32, #tpu.memory_space<vmem_shared>>
    tpu.wait_indirect_dma semaphore(%arg24 : memref<!tpu.dma_semaphore, #tpu.memory_space<semaphore_mem>>) src(%arg12 : memref<128x64xf32, #tpu.memory_space<vmem>>) dst(%dma_wait3A_207 : memref<10000x64xf32, #tpu.memory_space<vmem_shared>>)
    %dma_wait3A_208 = arith.constant 153 : i32
    %dma_wait3A_209 = arith.constant 0 : i32
    %dma_wait3A_210 = tpu.memref_slice %arg7[%dma_wait3A_208, %dma_wait3A_209] : memref<156x128xi32, #tpu.memory_space<vmem>> -> memref<1x128xi32, #tpu.memory_space<vmem>>
    %dma_wait3A_211 = tpu.memref_squeeze %dma_wait3A_210 : memref<1x128xi32, #tpu.memory_space<vmem>> -> memref<128xi32, #tpu.memory_space<vmem>>
    %dma_wait3A_212 = arith.constant 0 : i32
    %dma_wait3A_213 = arith.constant 0 : i32
    %dma_wait3A_214 = tpu.memref_slice %arg27[%dma_wait3A_212, %dma_wait3A_213] : memref<10000x64xf32, #tpu.memory_space<vmem_shared>> -> memref<10000x64xf32, #tpu.memory_space<vmem_shared>>
    tpu.wait_indirect_dma semaphore(%arg25 : memref<!tpu.dma_semaphore, #tpu.memory_space<semaphore_mem>>) src(%arg13 : memref<128x64xf32, #tpu.memory_space<vmem>>) dst(%dma_wait3A_214 : memref<10000x64xf32, #tpu.memory_space<vmem_shared>>)
    %dma_wait3A_215 = arith.constant 155 : i32
    %dma_wait3A_216 = arith.constant 0 : i32
    %dma_wait3A_217 = tpu.memref_slice %arg7[%dma_wait3A_215, %dma_wait3A_216] : memref<156x128xi32, #tpu.memory_space<vmem>> -> memref<1x128xi32, #tpu.memory_space<vmem>>
    %dma_wait3A_218 = tpu.memref_squeeze %dma_wait3A_217 : memref<1x128xi32, #tpu.memory_space<vmem>> -> memref<128xi32, #tpu.memory_space<vmem>>
    %dma_wait3A_219 = arith.constant 0 : i32
    %dma_wait3A_220 = arith.constant 0 : i32
    %dma_wait3A_221 = tpu.memref_slice %arg27[%dma_wait3A_219, %dma_wait3A_220] : memref<10000x64xf32, #tpu.memory_space<vmem_shared>> -> memref<10000x64xf32, #tpu.memory_space<vmem_shared>>
    tpu.wait_indirect_dma semaphore(%arg26 : memref<!tpu.dma_semaphore, #tpu.memory_space<semaphore_mem>>) src(%arg14 : memref<128x64xf32, #tpu.memory_space<vmem>>) dst(%dma_wait3A_221 : memref<10000x64xf32, #tpu.memory_space<vmem_shared>>)
    %lt3A = arith.constant 4 : i32
    %lt3A_222 = arith.cmpi slt, %add3A, %lt3A : i32
    %convert_element_type3A_223 = arith.extui %lt3A_222 : i1 to i32
    %cond3A_224 = arith.constant 0 : i32
    %cond3A_225 = arith.cmpi ne, %convert_element_type3A_223, %cond3A_224 : i32
    scf.if %cond3A_225 {
      %add3A_237 = arith.constant 2496 : i32
      %add3A_238 = arith.addi %add3A_237, %add3A : i32
      %mul3A_239 = arith.constant 2 : i32
      %mul3A_240 = arith.muli %mul3A_239, %add3A_238 : i32
      "tpu.region"() ({
        %run_scoped3A_255 = tpu.sem_alloc : memref<!tpu.dma_semaphore, #tpu.memory_space<semaphore_mem>>
        %dma_start3A_256 = arith.constant 0 : i32
        %dma_start3A_257 = tpu.memref_slice %arg2[%mul3A_240, %dma_start3A_256] : memref<5000x128xi32, #tpu.memory_space<hbm>> -> memref<2x128xi32, #tpu.memory_space<hbm>>
        %dma_start3A_258 = arith.constant 0 : i32
        %dma_start3A_259 = tpu.memref_slice %arg2[%mul3A_240, %dma_start3A_258] : memref<5000x128xi32, #tpu.memory_space<hbm>> -> memref<2x128xi32, #tpu.memory_space<hbm>>
        tpu.enqueue_dma source(%dma_start3A_259 : memref<2x128xi32, #tpu.memory_space<hbm>>) target(%arg8 : memref<2x128xi32, #tpu.memory_space<vmem>>) target_semaphore(%run_scoped3A_255 : memref<!tpu.dma_semaphore, #tpu.memory_space<semaphore_mem>>)
        %dma_wait3A_260 = arith.constant 0 : i32
        %dma_wait3A_261 = tpu.memref_slice %arg2[%mul3A_240, %dma_wait3A_260] : memref<5000x128xi32, #tpu.memory_space<hbm>> -> memref<2x128xi32, #tpu.memory_space<hbm>>
        %dma_wait3A_262 = arith.constant 0 : i32
        %dma_wait3A_263 = tpu.memref_slice %arg2[%mul3A_240, %dma_wait3A_262] : memref<5000x128xi32, #tpu.memory_space<hbm>> -> memref<2x128xi32, #tpu.memory_space<hbm>>
        tpu.wait_dma2 semaphore(%run_scoped3A_255 : memref<!tpu.dma_semaphore, #tpu.memory_space<semaphore_mem>>) src(%dma_wait3A_263 : memref<2x128xi32, #tpu.memory_space<hbm>>) dst(%arg8 : memref<2x128xi32, #tpu.memory_space<vmem>>)
        tpu.yield
      }) : () -> ()
      %dma_start3A_241 = arith.constant 0 : i32
      %dma_start3A_242 = arith.constant 0 : i32
      %dma_start3A_243 = tpu.memref_slice %arg8[%dma_start3A_241, %dma_start3A_242] : memref<2x128xi32, #tpu.memory_space<vmem>> -> memref<1x128xi32, #tpu.memory_space<vmem>>
      %dma_start3A_244 = tpu.memref_squeeze %dma_start3A_243 : memref<1x128xi32, #tpu.memory_space<vmem>> -> memref<128xi32, #tpu.memory_space<vmem>>
      %dma_start3A_245 = arith.constant 0 : i32
      %dma_start3A_246 = arith.constant 0 : i32
      %dma_start3A_247 = tpu.memref_slice %arg3[%dma_start3A_245, %dma_start3A_246] : memref<10000x64xf32, #tpu.memory_space<hbm>> -> memref<10000x64xf32, #tpu.memory_space<hbm>>
      tpu.enqueue_indirect_dma source(%dma_start3A_247 : memref<10000x64xf32, #tpu.memory_space<hbm>>) target(%arg9 : memref<128x64xf32, #tpu.memory_space<vmem>>) offsets(%dma_start3A_244 : memref<128xi32, #tpu.memory_space<vmem>>) semaphore(%arg15 : memref<!tpu.dma_semaphore, #tpu.memory_space<semaphore_mem>>)
      %dma_wait3A_248 = arith.constant 0 : i32
      %dma_wait3A_249 = arith.constant 0 : i32
      %dma_wait3A_250 = tpu.memref_slice %arg8[%dma_wait3A_248, %dma_wait3A_249] : memref<2x128xi32, #tpu.memory_space<vmem>> -> memref<1x128xi32, #tpu.memory_space<vmem>>
      %dma_wait3A_251 = tpu.memref_squeeze %dma_wait3A_250 : memref<1x128xi32, #tpu.memory_space<vmem>> -> memref<128xi32, #tpu.memory_space<vmem>>
      %dma_wait3A_252 = arith.constant 0 : i32
      %dma_wait3A_253 = arith.constant 0 : i32
      %dma_wait3A_254 = tpu.memref_slice %arg3[%dma_wait3A_252, %dma_wait3A_253] : memref<10000x64xf32, #tpu.memory_space<hbm>> -> memref<10000x64xf32, #tpu.memory_space<hbm>>
      tpu.wait_indirect_dma semaphore(%arg15 : memref<!tpu.dma_semaphore, #tpu.memory_space<semaphore_mem>>) src(%dma_wait3A_254 : memref<10000x64xf32, #tpu.memory_space<hbm>>) dst(%arg9 : memref<128x64xf32, #tpu.memory_space<vmem>>)
      %run_scoped3A = arith.constant 1 : i32
      "tpu.region"() ({
        %run_scoped3A_255 = tpu.sem_alloc : memref<!tpu.dma_semaphore, #tpu.memory_space<semaphore_mem>>
        %dma_start3A_256 = arith.constant 0 : i32
        %dma_start3A_257 = tpu.memref_slice %arg8[%run_scoped3A, %dma_start3A_256] : memref<2x128xi32, #tpu.memory_space<vmem>> -> memref<1x128xi32, #tpu.memory_space<vmem>>
        %dma_start3A_258 = tpu.memref_squeeze %dma_start3A_257 : memref<1x128xi32, #tpu.memory_space<vmem>> -> memref<128xi32, #tpu.memory_space<vmem>>
        %dma_start3A_259 = arith.constant 0 : i32
        %dma_start3A_260 = arith.constant 0 : i32
        %dma_start3A_261 = tpu.memref_slice %arg27[%dma_start3A_259, %dma_start3A_260] : memref<10000x64xf32, #tpu.memory_space<vmem_shared>> -> memref<10000x64xf32, #tpu.memory_space<vmem_shared>>
        tpu.enqueue_indirect_dma source(%arg9 : memref<128x64xf32, #tpu.memory_space<vmem>>) target(%dma_start3A_261 : memref<10000x64xf32, #tpu.memory_space<vmem_shared>>) offsets(%dma_start3A_258 : memref<128xi32, #tpu.memory_space<vmem>>) semaphore(%run_scoped3A_255 : memref<!tpu.dma_semaphore, #tpu.memory_space<semaphore_mem>>) {add = true}
        %dma_wait3A_262 = arith.constant 0 : i32
        %dma_wait3A_263 = tpu.memref_slice %arg8[%run_scoped3A, %dma_wait3A_262] : memref<2x128xi32, #tpu.memory_space<vmem>> -> memref<1x128xi32, #tpu.memory_space<vmem>>
        %dma_wait3A_264 = tpu.memref_squeeze %dma_wait3A_263 : memref<1x128xi32, #tpu.memory_space<vmem>> -> memref<128xi32, #tpu.memory_space<vmem>>
        %dma_wait3A_265 = arith.constant 0 : i32
        %dma_wait3A_266 = arith.constant 0 : i32
        %dma_wait3A_267 = tpu.memref_slice %arg27[%dma_wait3A_265, %dma_wait3A_266] : memref<10000x64xf32, #tpu.memory_space<vmem_shared>> -> memref<10000x64xf32, #tpu.memory_space<vmem_shared>>
        tpu.wait_indirect_dma semaphore(%run_scoped3A_255 : memref<!tpu.dma_semaphore, #tpu.memory_space<semaphore_mem>>) src(%arg9 : memref<128x64xf32, #tpu.memory_space<vmem>>) dst(%dma_wait3A_267 : memref<10000x64xf32, #tpu.memory_space<vmem_shared>>)
        tpu.yield
      }) : () -> ()
    } else {
    }
    %barrier3A_226 = arith.constant 0 : index
    tpu.barrier barrier_id(%barrier3A_226)
    %eq3A_227 = arith.constant 0 : i32
    %eq3A_228 = arith.cmpi eq, %arg0, %eq3A_227 : i32
    %convert_element_type3A_229 = arith.extui %eq3A_228 : i1 to i32
    %cond3A_230 = arith.constant 0 : i32
    %cond3A_231 = arith.cmpi ne, %convert_element_type3A_229, %cond3A_230 : i32
    scf.if %cond3A_231 {
      %mul3A_237 = arith.constant 624 : i32
      %mul3A_238 = arith.muli %arg1, %mul3A_237 : i32
      "tpu.region"() ({
        %run_scoped3A = tpu.sem_alloc : memref<!tpu.dma_semaphore, #tpu.memory_space<semaphore_mem>>
        %dma_start3A_244 = arith.constant 0 : i32
        %dma_start3A_245 = tpu.memref_slice %arg5[%mul3A_238, %dma_start3A_244] : memref<10000x64xf32, #tpu.memory_space<hbm>> -> memref<624x64xf32, #tpu.memory_space<hbm>>
        %dma_start3A_246 = arith.constant 0 : i32
        %dma_start3A_247 = tpu.memref_slice %arg27[%mul3A_238, %dma_start3A_246] : memref<10000x64xf32, #tpu.memory_space<vmem_shared>> -> memref<624x64xf32, #tpu.memory_space<vmem_shared>>
        tpu.enqueue_dma source(%dma_start3A_247 : memref<624x64xf32, #tpu.memory_space<vmem_shared>>) target(%dma_start3A_245 : memref<624x64xf32, #tpu.memory_space<hbm>>) target_semaphore(%run_scoped3A : memref<!tpu.dma_semaphore, #tpu.memory_space<semaphore_mem>>)
        %dma_wait3A_248 = arith.constant 0 : i32
        %dma_wait3A_249 = tpu.memref_slice %arg5[%mul3A_238, %dma_wait3A_248] : memref<10000x64xf32, #tpu.memory_space<hbm>> -> memref<624x64xf32, #tpu.memory_space<hbm>>
        %dma_wait3A_250 = arith.constant 0 : i32
        %dma_wait3A_251 = tpu.memref_slice %arg27[%mul3A_238, %dma_wait3A_250] : memref<10000x64xf32, #tpu.memory_space<vmem_shared>> -> memref<624x64xf32, #tpu.memory_space<vmem_shared>>
        tpu.wait_dma2 semaphore(%run_scoped3A : memref<!tpu.dma_semaphore, #tpu.memory_space<semaphore_mem>>) src(%dma_wait3A_251 : memref<624x64xf32, #tpu.memory_space<vmem_shared>>) dst(%dma_wait3A_249 : memref<624x64xf32, #tpu.memory_space<hbm>>)
        tpu.yield
      }) : () -> ()
      %eq3A_239 = arith.constant 0 : i32
      %eq3A_240 = arith.cmpi eq, %arg1, %eq3A_239 : i32
      %convert_element_type3A_241 = arith.extui %eq3A_240 : i1 to i32
      %cond3A_242 = arith.constant 0 : i32
      %cond3A_243 = arith.cmpi ne, %convert_element_type3A_241, %cond3A_242 : i32
      scf.if %cond3A_243 {
        "tpu.region"() ({
          %run_scoped3A = tpu.sem_alloc : memref<!tpu.dma_semaphore, #tpu.memory_space<semaphore_mem>>
          %dma_start3A_244 = arith.constant 9984 : i32
          %dma_start3A_245 = arith.constant 0 : i32
          %dma_start3A_246 = tpu.memref_slice %arg5[%dma_start3A_244, %dma_start3A_245] : memref<10000x64xf32, #tpu.memory_space<hbm>> -> memref<16x64xf32, #tpu.memory_space<hbm>>
          %dma_start3A_247 = arith.constant 9984 : i32
          %dma_start3A_248 = arith.constant 0 : i32
          %dma_start3A_249 = tpu.memref_slice %arg27[%dma_start3A_247, %dma_start3A_248] : memref<10000x64xf32, #tpu.memory_space<vmem_shared>> -> memref<16x64xf32, #tpu.memory_space<vmem_shared>>
          tpu.enqueue_dma source(%dma_start3A_249 : memref<16x64xf32, #tpu.memory_space<vmem_shared>>) target(%dma_start3A_246 : memref<16x64xf32, #tpu.memory_space<hbm>>) target_semaphore(%run_scoped3A : memref<!tpu.dma_semaphore, #tpu.memory_space<semaphore_mem>>)
          %dma_wait3A_250 = arith.constant 9984 : i32
          %dma_wait3A_251 = arith.constant 0 : i32
          %dma_wait3A_252 = tpu.memref_slice %arg5[%dma_wait3A_250, %dma_wait3A_251] : memref<10000x64xf32, #tpu.memory_space<hbm>> -> memref<16x64xf32, #tpu.memory_space<hbm>>
          %dma_wait3A_253 = arith.constant 9984 : i32
          %dma_wait3A_254 = arith.constant 0 : i32
          %dma_wait3A_255 = tpu.memref_slice %arg27[%dma_wait3A_253, %dma_wait3A_254] : memref<10000x64xf32, #tpu.memory_space<vmem_shared>> -> memref<16x64xf32, #tpu.memory_space<vmem_shared>>
          tpu.wait_dma2 semaphore(%run_scoped3A : memref<!tpu.dma_semaphore, #tpu.memory_space<semaphore_mem>>) src(%dma_wait3A_255 : memref<16x64xf32, #tpu.memory_space<vmem_shared>>) dst(%dma_wait3A_252 : memref<16x64xf32, #tpu.memory_space<hbm>>)
          tpu.yield
        }) : () -> ()
      } else {
      }
    } else {
    }
    %eq3A_232 = arith.constant 1 : i32
    %eq3A_233 = arith.cmpi eq, %arg0, %eq3A_232 : i32
    %convert_element_type3A_234 = arith.extui %eq3A_233 : i1 to i32
    %cond3A_235 = arith.constant 0 : i32
    %cond3A_236 = arith.cmpi ne, %convert_element_type3A_234, %cond3A_235 : i32
    scf.if %cond3A_236 {
      %mul3A_237 = arith.constant 624 : i32
      %mul3A_238 = arith.muli %arg1, %mul3A_237 : i32
      "tpu.region"() ({
        %run_scoped3A = tpu.sem_alloc : memref<!tpu.dma_semaphore, #tpu.memory_space<semaphore_mem>>
        %dma_start3A_244 = arith.constant 0 : i32
        %dma_start3A_245 = tpu.memref_slice %arg6[%mul3A_238, %dma_start3A_244] : memref<10000x64xf32, #tpu.memory_space<hbm>> -> memref<624x64xf32, #tpu.memory_space<hbm>>
        %dma_start3A_246 = arith.constant 0 : i32
        %dma_start3A_247 = tpu.memref_slice %arg27[%mul3A_238, %dma_start3A_246] : memref<10000x64xf32, #tpu.memory_space<vmem_shared>> -> memref<624x64xf32, #tpu.memory_space<vmem_shared>>
        tpu.enqueue_dma source(%dma_start3A_247 : memref<624x64xf32, #tpu.memory_space<vmem_shared>>) target(%dma_start3A_245 : memref<624x64xf32, #tpu.memory_space<hbm>>) target_semaphore(%run_scoped3A : memref<!tpu.dma_semaphore, #tpu.memory_space<semaphore_mem>>)
        %dma_wait3A_248 = arith.constant 0 : i32
        %dma_wait3A_249 = tpu.memref_slice %arg6[%mul3A_238, %dma_wait3A_248] : memref<10000x64xf32, #tpu.memory_space<hbm>> -> memref<624x64xf32, #tpu.memory_space<hbm>>
        %dma_wait3A_250 = arith.constant 0 : i32
        %dma_wait3A_251 = tpu.memref_slice %arg27[%mul3A_238, %dma_wait3A_250] : memref<10000x64xf32, #tpu.memory_space<vmem_shared>> -> memref<624x64xf32, #tpu.memory_space<vmem_shared>>
        tpu.wait_dma2 semaphore(%run_scoped3A : memref<!tpu.dma_semaphore, #tpu.memory_space<semaphore_mem>>) src(%dma_wait3A_251 : memref<624x64xf32, #tpu.memory_space<vmem_shared>>) dst(%dma_wait3A_249 : memref<624x64xf32, #tpu.memory_space<hbm>>)
        tpu.yield
      }) : () -> ()
      %eq3A_239 = arith.constant 0 : i32
      %eq3A_240 = arith.cmpi eq, %arg1, %eq3A_239 : i32
      %convert_element_type3A_241 = arith.extui %eq3A_240 : i1 to i32
      %cond3A_242 = arith.constant 0 : i32
      %cond3A_243 = arith.cmpi ne, %convert_element_type3A_241, %cond3A_242 : i32
      scf.if %cond3A_243 {
        "tpu.region"() ({
          %run_scoped3A = tpu.sem_alloc : memref<!tpu.dma_semaphore, #tpu.memory_space<semaphore_mem>>
          %dma_start3A_244 = arith.constant 9984 : i32
          %dma_start3A_245 = arith.constant 0 : i32
          %dma_start3A_246 = tpu.memref_slice %arg6[%dma_start3A_244, %dma_start3A_245] : memref<10000x64xf32, #tpu.memory_space<hbm>> -> memref<16x64xf32, #tpu.memory_space<hbm>>
          %dma_start3A_247 = arith.constant 9984 : i32
          %dma_start3A_248 = arith.constant 0 : i32
          %dma_start3A_249 = tpu.memref_slice %arg27[%dma_start3A_247, %dma_start3A_248] : memref<10000x64xf32, #tpu.memory_space<vmem_shared>> -> memref<16x64xf32, #tpu.memory_space<vmem_shared>>
          tpu.enqueue_dma source(%dma_start3A_249 : memref<16x64xf32, #tpu.memory_space<vmem_shared>>) target(%dma_start3A_246 : memref<16x64xf32, #tpu.memory_space<hbm>>) target_semaphore(%run_scoped3A : memref<!tpu.dma_semaphore, #tpu.memory_space<semaphore_mem>>)
          %dma_wait3A_250 = arith.constant 9984 : i32
          %dma_wait3A_251 = arith.constant 0 : i32
          %dma_wait3A_252 = tpu.memref_slice %arg6[%dma_wait3A_250, %dma_wait3A_251] : memref<10000x64xf32, #tpu.memory_space<hbm>> -> memref<16x64xf32, #tpu.memory_space<hbm>>
          %dma_wait3A_253 = arith.constant 9984 : i32
          %dma_wait3A_254 = arith.constant 0 : i32
          %dma_wait3A_255 = tpu.memref_slice %arg27[%dma_wait3A_253, %dma_wait3A_254] : memref<10000x64xf32, #tpu.memory_space<vmem_shared>> -> memref<16x64xf32, #tpu.memory_space<vmem_shared>>
          tpu.wait_dma2 semaphore(%run_scoped3A : memref<!tpu.dma_semaphore, #tpu.memory_space<semaphore_mem>>) src(%dma_wait3A_255 : memref<16x64xf32, #tpu.memory_space<vmem_shared>>) dst(%dma_wait3A_252 : memref<16x64xf32, #tpu.memory_space<hbm>>)
          tpu.yield
        }) : () -> ()
      } else {
      }
    } else {
    }
    return
  }
}

#map = affine_map<(d0, d1) -> (0, 0)>
module attributes {stable_mosaic.version = 14 : i64} {
  func.func @_deg_sc(%arg0: i32, %arg1: i32, %arg2: memref<5000x128xi32, #tpu.memory_space<hbm>>, %arg3: memref<128x8xf32, #tpu.memory_space<hbm>>, %arg4: memref<10000x8xf32, #tpu.memory_space<hbm>>, %arg5: memref<10000x8xf32, #tpu.memory_space<hbm>>, %arg6: memref<10000x8xf32, #tpu.memory_space<hbm>>, %arg7: memref<156x128xi32, #tpu.memory_space<vmem>>, %arg8: memref<2x128xi32, #tpu.memory_space<vmem>>, %arg9: memref<128x8xf32, #tpu.memory_space<vmem>>, %arg10: memref<!tpu.dma_semaphore, #tpu.memory_space<semaphore_mem>>, %arg11: memref<!tpu.dma_semaphore, #tpu.memory_space<semaphore_mem>>, %arg12: memref<!tpu.dma_semaphore, #tpu.memory_space<semaphore_mem>>, %arg13: memref<!tpu.dma_semaphore, #tpu.memory_space<semaphore_mem>>, %arg14: memref<!tpu.dma_semaphore, #tpu.memory_space<semaphore_mem>>, %arg15: memref<!tpu.dma_semaphore, #tpu.memory_space<semaphore_mem>>, %arg16: memref<10000x8xf32, #tpu.memory_space<vmem_shared>>) attributes {dimension_semantics = [#tpu.dimension_semantics<core_parallel>, #tpu.dimension_semantics<subcore_parallel>], iteration_bounds = array<i64: 2, 16>, scalar_prefetch = 0 : i64, scratch_operands = 10 : i64, tpu.core_type = #tpu.core_type<sc_vector_subcore>, window_params = [{transform_indices = #map}, {transform_indices = #map}, {transform_indices = #map}, {transform_indices = #map}, {transform_indices = #map}]} {
    %mul3A = arith.constant 2 : i32
    %mul3A_0 = arith.muli %arg1, %mul3A : i32
    %add3A = arith.addi %mul3A_0, %arg0 : i32
    %mul3A_1 = arith.constant 2 : i32
    %mul3A_2 = arith.muli %add3A, %mul3A_1 : i32
    %mul3A_3 = arith.constant 78 : i32
    %mul3A_4 = arith.muli %mul3A_2, %mul3A_3 : i32
    "tpu.region"() ({
      %run_scoped3A = tpu.sem_alloc : memref<!tpu.dma_semaphore, #tpu.memory_space<semaphore_mem>>
      %dma_start3A_111 = arith.constant 0 : i32
      %dma_start3A_112 = tpu.memref_slice %arg2[%mul3A_4, %dma_start3A_111] : memref<5000x128xi32, #tpu.memory_space<hbm>> -> memref<156x128xi32, #tpu.memory_space<hbm>>
      %dma_start3A_113 = arith.constant 0 : i32
      %dma_start3A_114 = tpu.memref_slice %arg2[%mul3A_4, %dma_start3A_113] : memref<5000x128xi32, #tpu.memory_space<hbm>> -> memref<156x128xi32, #tpu.memory_space<hbm>>
      tpu.enqueue_dma source(%dma_start3A_114 : memref<156x128xi32, #tpu.memory_space<hbm>>) target(%arg7 : memref<156x128xi32, #tpu.memory_space<vmem>>) target_semaphore(%run_scoped3A : memref<!tpu.dma_semaphore, #tpu.memory_space<semaphore_mem>>)
      %dma_wait3A_115 = arith.constant 0 : i32
      %dma_wait3A_116 = tpu.memref_slice %arg2[%mul3A_4, %dma_wait3A_115] : memref<5000x128xi32, #tpu.memory_space<hbm>> -> memref<156x128xi32, #tpu.memory_space<hbm>>
      %dma_wait3A_117 = arith.constant 0 : i32
      %dma_wait3A_118 = tpu.memref_slice %arg2[%mul3A_4, %dma_wait3A_117] : memref<5000x128xi32, #tpu.memory_space<hbm>> -> memref<156x128xi32, #tpu.memory_space<hbm>>
      tpu.wait_dma2 semaphore(%run_scoped3A : memref<!tpu.dma_semaphore, #tpu.memory_space<semaphore_mem>>) src(%dma_wait3A_118 : memref<156x128xi32, #tpu.memory_space<hbm>>) dst(%arg7 : memref<156x128xi32, #tpu.memory_space<vmem>>)
      tpu.yield
    }) : () -> ()
    "tpu.region"() ({
      %run_scoped3A = tpu.sem_alloc : memref<!tpu.dma_semaphore, #tpu.memory_space<semaphore_mem>>
      tpu.enqueue_dma source(%arg3 : memref<128x8xf32, #tpu.memory_space<hbm>>) target(%arg9 : memref<128x8xf32, #tpu.memory_space<vmem>>) target_semaphore(%run_scoped3A : memref<!tpu.dma_semaphore, #tpu.memory_space<semaphore_mem>>)
      tpu.wait_dma2 semaphore(%run_scoped3A : memref<!tpu.dma_semaphore, #tpu.memory_space<semaphore_mem>>) src(%arg3 : memref<128x8xf32, #tpu.memory_space<hbm>>) dst(%arg9 : memref<128x8xf32, #tpu.memory_space<vmem>>)
      tpu.yield
    }) : () -> ()
    %mul3A_5 = arith.constant 624 : i32
    %mul3A_6 = arith.muli %arg1, %mul3A_5 : i32
    "tpu.region"() ({
      %run_scoped3A = tpu.sem_alloc : memref<!tpu.dma_semaphore, #tpu.memory_space<semaphore_mem>>
      %dma_start3A_111 = arith.constant 0 : i32
      %dma_start3A_112 = tpu.memref_slice %arg16[%mul3A_6, %dma_start3A_111] : memref<10000x8xf32, #tpu.memory_space<vmem_shared>> -> memref<624x8xf32, #tpu.memory_space<vmem_shared>>
      %dma_start3A_113 = arith.constant 0 : i32
      %dma_start3A_114 = tpu.memref_slice %arg4[%mul3A_6, %dma_start3A_113] : memref<10000x8xf32, #tpu.memory_space<hbm>> -> memref<624x8xf32, #tpu.memory_space<hbm>>
      tpu.enqueue_dma source(%dma_start3A_114 : memref<624x8xf32, #tpu.memory_space<hbm>>) target(%dma_start3A_112 : memref<624x8xf32, #tpu.memory_space<vmem_shared>>) target_semaphore(%run_scoped3A : memref<!tpu.dma_semaphore, #tpu.memory_space<semaphore_mem>>)
      %dma_wait3A_115 = arith.constant 0 : i32
      %dma_wait3A_116 = tpu.memref_slice %arg16[%mul3A_6, %dma_wait3A_115] : memref<10000x8xf32, #tpu.memory_space<vmem_shared>> -> memref<624x8xf32, #tpu.memory_space<vmem_shared>>
      %dma_wait3A_117 = arith.constant 0 : i32
      %dma_wait3A_118 = tpu.memref_slice %arg4[%mul3A_6, %dma_wait3A_117] : memref<10000x8xf32, #tpu.memory_space<hbm>> -> memref<624x8xf32, #tpu.memory_space<hbm>>
      tpu.wait_dma2 semaphore(%run_scoped3A : memref<!tpu.dma_semaphore, #tpu.memory_space<semaphore_mem>>) src(%dma_wait3A_118 : memref<624x8xf32, #tpu.memory_space<hbm>>) dst(%dma_wait3A_116 : memref<624x8xf32, #tpu.memory_space<vmem_shared>>)
      tpu.yield
    }) : () -> ()
    %eq3A = arith.constant 0 : i32
    %eq3A_7 = arith.cmpi eq, %arg1, %eq3A : i32
    %convert_element_type3A = arith.extui %eq3A_7 : i1 to i32
    %cond3A = arith.constant 0 : i32
    %cond3A_8 = arith.cmpi ne, %convert_element_type3A, %cond3A : i32
    scf.if %cond3A_8 {
      "tpu.region"() ({
        %run_scoped3A = tpu.sem_alloc : memref<!tpu.dma_semaphore, #tpu.memory_space<semaphore_mem>>
        %dma_start3A_111 = arith.constant 9984 : i32
        %dma_start3A_112 = arith.constant 0 : i32
        %dma_start3A_113 = tpu.memref_slice %arg16[%dma_start3A_111, %dma_start3A_112] : memref<10000x8xf32, #tpu.memory_space<vmem_shared>> -> memref<16x8xf32, #tpu.memory_space<vmem_shared>>
        %dma_start3A_114 = arith.constant 9984 : i32
        %dma_start3A_115 = arith.constant 0 : i32
        %dma_start3A_116 = tpu.memref_slice %arg4[%dma_start3A_114, %dma_start3A_115] : memref<10000x8xf32, #tpu.memory_space<hbm>> -> memref<16x8xf32, #tpu.memory_space<hbm>>
        tpu.enqueue_dma source(%dma_start3A_116 : memref<16x8xf32, #tpu.memory_space<hbm>>) target(%dma_start3A_113 : memref<16x8xf32, #tpu.memory_space<vmem_shared>>) target_semaphore(%run_scoped3A : memref<!tpu.dma_semaphore, #tpu.memory_space<semaphore_mem>>)
        %dma_wait3A_117 = arith.constant 9984 : i32
        %dma_wait3A_118 = arith.constant 0 : i32
        %dma_wait3A_119 = tpu.memref_slice %arg16[%dma_wait3A_117, %dma_wait3A_118] : memref<10000x8xf32, #tpu.memory_space<vmem_shared>> -> memref<16x8xf32, #tpu.memory_space<vmem_shared>>
        %dma_wait3A_120 = arith.constant 9984 : i32
        %dma_wait3A_121 = arith.constant 0 : i32
        %dma_wait3A_122 = tpu.memref_slice %arg4[%dma_wait3A_120, %dma_wait3A_121] : memref<10000x8xf32, #tpu.memory_space<hbm>> -> memref<16x8xf32, #tpu.memory_space<hbm>>
        tpu.wait_dma2 semaphore(%run_scoped3A : memref<!tpu.dma_semaphore, #tpu.memory_space<semaphore_mem>>) src(%dma_wait3A_122 : memref<16x8xf32, #tpu.memory_space<hbm>>) dst(%dma_wait3A_119 : memref<16x8xf32, #tpu.memory_space<vmem_shared>>)
        tpu.yield
      }) : () -> ()
    } else {
    }
    %barrier3A = arith.constant 0 : index
    tpu.barrier barrier_id(%barrier3A)
    %dma_start3A = arith.constant 1 : i32
    %dma_start3A_9 = arith.constant 0 : i32
    %dma_start3A_10 = tpu.memref_slice %arg7[%dma_start3A, %dma_start3A_9] : memref<156x128xi32, #tpu.memory_space<vmem>> -> memref<1x128xi32, #tpu.memory_space<vmem>>
    %dma_start3A_11 = tpu.memref_squeeze %dma_start3A_10 : memref<1x128xi32, #tpu.memory_space<vmem>> -> memref<128xi32, #tpu.memory_space<vmem>>
    %dma_start3A_12 = arith.constant 0 : i32
    %dma_start3A_13 = arith.constant 0 : i32
    %dma_start3A_14 = tpu.memref_slice %arg16[%dma_start3A_12, %dma_start3A_13] : memref<10000x8xf32, #tpu.memory_space<vmem_shared>> -> memref<10000x8xf32, #tpu.memory_space<vmem_shared>>
    tpu.enqueue_indirect_dma source(%arg9 : memref<128x8xf32, #tpu.memory_space<vmem>>) target(%dma_start3A_14 : memref<10000x8xf32, #tpu.memory_space<vmem_shared>>) offsets(%dma_start3A_11 : memref<128xi32, #tpu.memory_space<vmem>>) semaphore(%arg10 : memref<!tpu.dma_semaphore, #tpu.memory_space<semaphore_mem>>) {add = true}
    %dma_start3A_15 = arith.constant 3 : i32
    %dma_start3A_16 = arith.constant 0 : i32
    %dma_start3A_17 = tpu.memref_slice %arg7[%dma_start3A_15, %dma_start3A_16] : memref<156x128xi32, #tpu.memory_space<vmem>> -> memref<1x128xi32, #tpu.memory_space<vmem>>
    %dma_start3A_18 = tpu.memref_squeeze %dma_start3A_17 : memref<1x128xi32, #tpu.memory_space<vmem>> -> memref<128xi32, #tpu.memory_space<vmem>>
    %dma_start3A_19 = arith.constant 0 : i32
    %dma_start3A_20 = arith.constant 0 : i32
    %dma_start3A_21 = tpu.memref_slice %arg16[%dma_start3A_19, %dma_start3A_20] : memref<10000x8xf32, #tpu.memory_space<vmem_shared>> -> memref<10000x8xf32, #tpu.memory_space<vmem_shared>>
    tpu.enqueue_indirect_dma source(%arg9 : memref<128x8xf32, #tpu.memory_space<vmem>>) target(%dma_start3A_21 : memref<10000x8xf32, #tpu.memory_space<vmem_shared>>) offsets(%dma_start3A_18 : memref<128xi32, #tpu.memory_space<vmem>>) semaphore(%arg11 : memref<!tpu.dma_semaphore, #tpu.memory_space<semaphore_mem>>) {add = true}
    %dma_start3A_22 = arith.constant 5 : i32
    %dma_start3A_23 = arith.constant 0 : i32
    %dma_start3A_24 = tpu.memref_slice %arg7[%dma_start3A_22, %dma_start3A_23] : memref<156x128xi32, #tpu.memory_space<vmem>> -> memref<1x128xi32, #tpu.memory_space<vmem>>
    %dma_start3A_25 = tpu.memref_squeeze %dma_start3A_24 : memref<1x128xi32, #tpu.memory_space<vmem>> -> memref<128xi32, #tpu.memory_space<vmem>>
    %dma_start3A_26 = arith.constant 0 : i32
    %dma_start3A_27 = arith.constant 0 : i32
    %dma_start3A_28 = tpu.memref_slice %arg16[%dma_start3A_26, %dma_start3A_27] : memref<10000x8xf32, #tpu.memory_space<vmem_shared>> -> memref<10000x8xf32, #tpu.memory_space<vmem_shared>>
    tpu.enqueue_indirect_dma source(%arg9 : memref<128x8xf32, #tpu.memory_space<vmem>>) target(%dma_start3A_28 : memref<10000x8xf32, #tpu.memory_space<vmem_shared>>) offsets(%dma_start3A_25 : memref<128xi32, #tpu.memory_space<vmem>>) semaphore(%arg12 : memref<!tpu.dma_semaphore, #tpu.memory_space<semaphore_mem>>) {add = true}
    %dma_start3A_29 = arith.constant 7 : i32
    %dma_start3A_30 = arith.constant 0 : i32
    %dma_start3A_31 = tpu.memref_slice %arg7[%dma_start3A_29, %dma_start3A_30] : memref<156x128xi32, #tpu.memory_space<vmem>> -> memref<1x128xi32, #tpu.memory_space<vmem>>
    %dma_start3A_32 = tpu.memref_squeeze %dma_start3A_31 : memref<1x128xi32, #tpu.memory_space<vmem>> -> memref<128xi32, #tpu.memory_space<vmem>>
    %dma_start3A_33 = arith.constant 0 : i32
    %dma_start3A_34 = arith.constant 0 : i32
    %dma_start3A_35 = tpu.memref_slice %arg16[%dma_start3A_33, %dma_start3A_34] : memref<10000x8xf32, #tpu.memory_space<vmem_shared>> -> memref<10000x8xf32, #tpu.memory_space<vmem_shared>>
    tpu.enqueue_indirect_dma source(%arg9 : memref<128x8xf32, #tpu.memory_space<vmem>>) target(%dma_start3A_35 : memref<10000x8xf32, #tpu.memory_space<vmem_shared>>) offsets(%dma_start3A_32 : memref<128xi32, #tpu.memory_space<vmem>>) semaphore(%arg13 : memref<!tpu.dma_semaphore, #tpu.memory_space<semaphore_mem>>) {add = true}
    %dma_start3A_36 = arith.constant 9 : i32
    %dma_start3A_37 = arith.constant 0 : i32
    %dma_start3A_38 = tpu.memref_slice %arg7[%dma_start3A_36, %dma_start3A_37] : memref<156x128xi32, #tpu.memory_space<vmem>> -> memref<1x128xi32, #tpu.memory_space<vmem>>
    %dma_start3A_39 = tpu.memref_squeeze %dma_start3A_38 : memref<1x128xi32, #tpu.memory_space<vmem>> -> memref<128xi32, #tpu.memory_space<vmem>>
    %dma_start3A_40 = arith.constant 0 : i32
    %dma_start3A_41 = arith.constant 0 : i32
    %dma_start3A_42 = tpu.memref_slice %arg16[%dma_start3A_40, %dma_start3A_41] : memref<10000x8xf32, #tpu.memory_space<vmem_shared>> -> memref<10000x8xf32, #tpu.memory_space<vmem_shared>>
    tpu.enqueue_indirect_dma source(%arg9 : memref<128x8xf32, #tpu.memory_space<vmem>>) target(%dma_start3A_42 : memref<10000x8xf32, #tpu.memory_space<vmem_shared>>) offsets(%dma_start3A_39 : memref<128xi32, #tpu.memory_space<vmem>>) semaphore(%arg14 : memref<!tpu.dma_semaphore, #tpu.memory_space<semaphore_mem>>) {add = true}
    %dma_start3A_43 = arith.constant 11 : i32
    %dma_start3A_44 = arith.constant 0 : i32
    %dma_start3A_45 = tpu.memref_slice %arg7[%dma_start3A_43, %dma_start3A_44] : memref<156x128xi32, #tpu.memory_space<vmem>> -> memref<1x128xi32, #tpu.memory_space<vmem>>
    %dma_start3A_46 = tpu.memref_squeeze %dma_start3A_45 : memref<1x128xi32, #tpu.memory_space<vmem>> -> memref<128xi32, #tpu.memory_space<vmem>>
    %dma_start3A_47 = arith.constant 0 : i32
    %dma_start3A_48 = arith.constant 0 : i32
    %dma_start3A_49 = tpu.memref_slice %arg16[%dma_start3A_47, %dma_start3A_48] : memref<10000x8xf32, #tpu.memory_space<vmem_shared>> -> memref<10000x8xf32, #tpu.memory_space<vmem_shared>>
    tpu.enqueue_indirect_dma source(%arg9 : memref<128x8xf32, #tpu.memory_space<vmem>>) target(%dma_start3A_49 : memref<10000x8xf32, #tpu.memory_space<vmem_shared>>) offsets(%dma_start3A_46 : memref<128xi32, #tpu.memory_space<vmem>>) semaphore(%arg15 : memref<!tpu.dma_semaphore, #tpu.memory_space<semaphore_mem>>) {add = true}
    %scan3A = arith.constant 0 : i32
    %scan3A_50 = arith.constant 1 : i32
    %scan3A_51 = arith.constant 12 : i32
    %scan3A_52 = arith.addi %scan3A_50, %scan3A_51 : i32
    %scan3A_53 = arith.constant 1 : i32
    scf.for %scan3A_111 = %scan3A_50 to %scan3A_52 step %scan3A_53  : i32 {
      %mul3A_112 = arith.constant 6 : i32
      %mul3A_113 = arith.muli %mul3A_112, %scan3A_111 : i32
      %sub3A = arith.constant 6 : i32
      %sub3A_114 = arith.subi %mul3A_113, %sub3A : i32
      %add3A_115 = arith.constant 0 : i32
      %add3A_116 = arith.addi %sub3A_114, %add3A_115 : i32
      %mul3A_117 = arith.constant 2 : i32
      %mul3A_118 = arith.muli %mul3A_117, %add3A_116 : i32
      %add3A_119 = arith.constant 1 : i32
      %add3A_120 = arith.addi %mul3A_118, %add3A_119 : i32
      %dma_wait3A_121 = arith.constant 0 : i32
      %dma_wait3A_122 = tpu.memref_slice %arg7[%add3A_120, %dma_wait3A_121] : memref<156x128xi32, #tpu.memory_space<vmem>> -> memref<1x128xi32, #tpu.memory_space<vmem>>
      %dma_wait3A_123 = tpu.memref_squeeze %dma_wait3A_122 : memref<1x128xi32, #tpu.memory_space<vmem>> -> memref<128xi32, #tpu.memory_space<vmem>>
      %dma_wait3A_124 = arith.constant 0 : i32
      %dma_wait3A_125 = arith.constant 0 : i32
      %dma_wait3A_126 = tpu.memref_slice %arg16[%dma_wait3A_124, %dma_wait3A_125] : memref<10000x8xf32, #tpu.memory_space<vmem_shared>> -> memref<10000x8xf32, #tpu.memory_space<vmem_shared>>
      tpu.wait_indirect_dma semaphore(%arg10 : memref<!tpu.dma_semaphore, #tpu.memory_space<semaphore_mem>>) src(%arg9 : memref<128x8xf32, #tpu.memory_space<vmem>>) dst(%dma_wait3A_126 : memref<10000x8xf32, #tpu.memory_space<vmem_shared>>)
      %add3A_127 = arith.constant 0 : i32
      %add3A_128 = arith.addi %mul3A_113, %add3A_127 : i32
      %mul3A_129 = arith.constant 2 : i32
      %mul3A_130 = arith.muli %mul3A_129, %add3A_128 : i32
      %add3A_131 = arith.constant 1 : i32
      %add3A_132 = arith.addi %mul3A_130, %add3A_131 : i32
      %dma_start3A_133 = arith.constant 0 : i32
      %dma_start3A_134 = tpu.memref_slice %arg7[%add3A_132, %dma_start3A_133] : memref<156x128xi32, #tpu.memory_space<vmem>> -> memref<1x128xi32, #tpu.memory_space<vmem>>
      %dma_start3A_135 = tpu.memref_squeeze %dma_start3A_134 : memref<1x128xi32, #tpu.memory_space<vmem>> -> memref<128xi32, #tpu.memory_space<vmem>>
      %dma_start3A_136 = arith.constant 0 : i32
      %dma_start3A_137 = arith.constant 0 : i32
      %dma_start3A_138 = tpu.memref_slice %arg16[%dma_start3A_136, %dma_start3A_137] : memref<10000x8xf32, #tpu.memory_space<vmem_shared>> -> memref<10000x8xf32, #tpu.memory_space<vmem_shared>>
      tpu.enqueue_indirect_dma source(%arg9 : memref<128x8xf32, #tpu.memory_space<vmem>>) target(%dma_start3A_138 : memref<10000x8xf32, #tpu.memory_space<vmem_shared>>) offsets(%dma_start3A_135 : memref<128xi32, #tpu.memory_space<vmem>>) semaphore(%arg10 : memref<!tpu.dma_semaphore, #tpu.memory_space<semaphore_mem>>) {add = true}
      %sub3A_139 = arith.constant 6 : i32
      %sub3A_140 = arith.subi %mul3A_113, %sub3A_139 : i32
      %add3A_141 = arith.constant 1 : i32
      %add3A_142 = arith.addi %sub3A_140, %add3A_141 : i32
      %mul3A_143 = arith.constant 2 : i32
      %mul3A_144 = arith.muli %mul3A_143, %add3A_142 : i32
      %add3A_145 = arith.constant 1 : i32
      %add3A_146 = arith.addi %mul3A_144, %add3A_145 : i32
      %dma_wait3A_147 = arith.constant 0 : i32
      %dma_wait3A_148 = tpu.memref_slice %arg7[%add3A_146, %dma_wait3A_147] : memref<156x128xi32, #tpu.memory_space<vmem>> -> memref<1x128xi32, #tpu.memory_space<vmem>>
      %dma_wait3A_149 = tpu.memref_squeeze %dma_wait3A_148 : memref<1x128xi32, #tpu.memory_space<vmem>> -> memref<128xi32, #tpu.memory_space<vmem>>
      %dma_wait3A_150 = arith.constant 0 : i32
      %dma_wait3A_151 = arith.constant 0 : i32
      %dma_wait3A_152 = tpu.memref_slice %arg16[%dma_wait3A_150, %dma_wait3A_151] : memref<10000x8xf32, #tpu.memory_space<vmem_shared>> -> memref<10000x8xf32, #tpu.memory_space<vmem_shared>>
      tpu.wait_indirect_dma semaphore(%arg11 : memref<!tpu.dma_semaphore, #tpu.memory_space<semaphore_mem>>) src(%arg9 : memref<128x8xf32, #tpu.memory_space<vmem>>) dst(%dma_wait3A_152 : memref<10000x8xf32, #tpu.memory_space<vmem_shared>>)
      %add3A_153 = arith.constant 1 : i32
      %add3A_154 = arith.addi %mul3A_113, %add3A_153 : i32
      %mul3A_155 = arith.constant 2 : i32
      %mul3A_156 = arith.muli %mul3A_155, %add3A_154 : i32
      %add3A_157 = arith.constant 1 : i32
      %add3A_158 = arith.addi %mul3A_156, %add3A_157 : i32
      %dma_start3A_159 = arith.constant 0 : i32
      %dma_start3A_160 = tpu.memref_slice %arg7[%add3A_158, %dma_start3A_159] : memref<156x128xi32, #tpu.memory_space<vmem>> -> memref<1x128xi32, #tpu.memory_space<vmem>>
      %dma_start3A_161 = tpu.memref_squeeze %dma_start3A_160 : memref<1x128xi32, #tpu.memory_space<vmem>> -> memref<128xi32, #tpu.memory_space<vmem>>
      %dma_start3A_162 = arith.constant 0 : i32
      %dma_start3A_163 = arith.constant 0 : i32
      %dma_start3A_164 = tpu.memref_slice %arg16[%dma_start3A_162, %dma_start3A_163] : memref<10000x8xf32, #tpu.memory_space<vmem_shared>> -> memref<10000x8xf32, #tpu.memory_space<vmem_shared>>
      tpu.enqueue_indirect_dma source(%arg9 : memref<128x8xf32, #tpu.memory_space<vmem>>) target(%dma_start3A_164 : memref<10000x8xf32, #tpu.memory_space<vmem_shared>>) offsets(%dma_start3A_161 : memref<128xi32, #tpu.memory_space<vmem>>) semaphore(%arg11 : memref<!tpu.dma_semaphore, #tpu.memory_space<semaphore_mem>>) {add = true}
      %sub3A_165 = arith.constant 6 : i32
      %sub3A_166 = arith.subi %mul3A_113, %sub3A_165 : i32
      %add3A_167 = arith.constant 2 : i32
      %add3A_168 = arith.addi %sub3A_166, %add3A_167 : i32
      %mul3A_169 = arith.constant 2 : i32
      %mul3A_170 = arith.muli %mul3A_169, %add3A_168 : i32
      %add3A_171 = arith.constant 1 : i32
      %add3A_172 = arith.addi %mul3A_170, %add3A_171 : i32
      %dma_wait3A_173 = arith.constant 0 : i32
      %dma_wait3A_174 = tpu.memref_slice %arg7[%add3A_172, %dma_wait3A_173] : memref<156x128xi32, #tpu.memory_space<vmem>> -> memref<1x128xi32, #tpu.memory_space<vmem>>
      %dma_wait3A_175 = tpu.memref_squeeze %dma_wait3A_174 : memref<1x128xi32, #tpu.memory_space<vmem>> -> memref<128xi32, #tpu.memory_space<vmem>>
      %dma_wait3A_176 = arith.constant 0 : i32
      %dma_wait3A_177 = arith.constant 0 : i32
      %dma_wait3A_178 = tpu.memref_slice %arg16[%dma_wait3A_176, %dma_wait3A_177] : memref<10000x8xf32, #tpu.memory_space<vmem_shared>> -> memref<10000x8xf32, #tpu.memory_space<vmem_shared>>
      tpu.wait_indirect_dma semaphore(%arg12 : memref<!tpu.dma_semaphore, #tpu.memory_space<semaphore_mem>>) src(%arg9 : memref<128x8xf32, #tpu.memory_space<vmem>>) dst(%dma_wait3A_178 : memref<10000x8xf32, #tpu.memory_space<vmem_shared>>)
      %add3A_179 = arith.constant 2 : i32
      %add3A_180 = arith.addi %mul3A_113, %add3A_179 : i32
      %mul3A_181 = arith.constant 2 : i32
      %mul3A_182 = arith.muli %mul3A_181, %add3A_180 : i32
      %add3A_183 = arith.constant 1 : i32
      %add3A_184 = arith.addi %mul3A_182, %add3A_183 : i32
      %dma_start3A_185 = arith.constant 0 : i32
      %dma_start3A_186 = tpu.memref_slice %arg7[%add3A_184, %dma_start3A_185] : memref<156x128xi32, #tpu.memory_space<vmem>> -> memref<1x128xi32, #tpu.memory_space<vmem>>
      %dma_start3A_187 = tpu.memref_squeeze %dma_start3A_186 : memref<1x128xi32, #tpu.memory_space<vmem>> -> memref<128xi32, #tpu.memory_space<vmem>>
      %dma_start3A_188 = arith.constant 0 : i32
      %dma_start3A_189 = arith.constant 0 : i32
      %dma_start3A_190 = tpu.memref_slice %arg16[%dma_start3A_188, %dma_start3A_189] : memref<10000x8xf32, #tpu.memory_space<vmem_shared>> -> memref<10000x8xf32, #tpu.memory_space<vmem_shared>>
      tpu.enqueue_indirect_dma source(%arg9 : memref<128x8xf32, #tpu.memory_space<vmem>>) target(%dma_start3A_190 : memref<10000x8xf32, #tpu.memory_space<vmem_shared>>) offsets(%dma_start3A_187 : memref<128xi32, #tpu.memory_space<vmem>>) semaphore(%arg12 : memref<!tpu.dma_semaphore, #tpu.memory_space<semaphore_mem>>) {add = true}
      %sub3A_191 = arith.constant 6 : i32
      %sub3A_192 = arith.subi %mul3A_113, %sub3A_191 : i32
      %add3A_193 = arith.constant 3 : i32
      %add3A_194 = arith.addi %sub3A_192, %add3A_193 : i32
      %mul3A_195 = arith.constant 2 : i32
      %mul3A_196 = arith.muli %mul3A_195, %add3A_194 : i32
      %add3A_197 = arith.constant 1 : i32
      %add3A_198 = arith.addi %mul3A_196, %add3A_197 : i32
      %dma_wait3A_199 = arith.constant 0 : i32
      %dma_wait3A_200 = tpu.memref_slice %arg7[%add3A_198, %dma_wait3A_199] : memref<156x128xi32, #tpu.memory_space<vmem>> -> memref<1x128xi32, #tpu.memory_space<vmem>>
      %dma_wait3A_201 = tpu.memref_squeeze %dma_wait3A_200 : memref<1x128xi32, #tpu.memory_space<vmem>> -> memref<128xi32, #tpu.memory_space<vmem>>
      %dma_wait3A_202 = arith.constant 0 : i32
      %dma_wait3A_203 = arith.constant 0 : i32
      %dma_wait3A_204 = tpu.memref_slice %arg16[%dma_wait3A_202, %dma_wait3A_203] : memref<10000x8xf32, #tpu.memory_space<vmem_shared>> -> memref<10000x8xf32, #tpu.memory_space<vmem_shared>>
      tpu.wait_indirect_dma semaphore(%arg13 : memref<!tpu.dma_semaphore, #tpu.memory_space<semaphore_mem>>) src(%arg9 : memref<128x8xf32, #tpu.memory_space<vmem>>) dst(%dma_wait3A_204 : memref<10000x8xf32, #tpu.memory_space<vmem_shared>>)
      %add3A_205 = arith.constant 3 : i32
      %add3A_206 = arith.addi %mul3A_113, %add3A_205 : i32
      %mul3A_207 = arith.constant 2 : i32
      %mul3A_208 = arith.muli %mul3A_207, %add3A_206 : i32
      %add3A_209 = arith.constant 1 : i32
      %add3A_210 = arith.addi %mul3A_208, %add3A_209 : i32
      %dma_start3A_211 = arith.constant 0 : i32
      %dma_start3A_212 = tpu.memref_slice %arg7[%add3A_210, %dma_start3A_211] : memref<156x128xi32, #tpu.memory_space<vmem>> -> memref<1x128xi32, #tpu.memory_space<vmem>>
      %dma_start3A_213 = tpu.memref_squeeze %dma_start3A_212 : memref<1x128xi32, #tpu.memory_space<vmem>> -> memref<128xi32, #tpu.memory_space<vmem>>
      %dma_start3A_214 = arith.constant 0 : i32
      %dma_start3A_215 = arith.constant 0 : i32
      %dma_start3A_216 = tpu.memref_slice %arg16[%dma_start3A_214, %dma_start3A_215] : memref<10000x8xf32, #tpu.memory_space<vmem_shared>> -> memref<10000x8xf32, #tpu.memory_space<vmem_shared>>
      tpu.enqueue_indirect_dma source(%arg9 : memref<128x8xf32, #tpu.memory_space<vmem>>) target(%dma_start3A_216 : memref<10000x8xf32, #tpu.memory_space<vmem_shared>>) offsets(%dma_start3A_213 : memref<128xi32, #tpu.memory_space<vmem>>) semaphore(%arg13 : memref<!tpu.dma_semaphore, #tpu.memory_space<semaphore_mem>>) {add = true}
      %sub3A_217 = arith.constant 6 : i32
      %sub3A_218 = arith.subi %mul3A_113, %sub3A_217 : i32
      %add3A_219 = arith.constant 4 : i32
      %add3A_220 = arith.addi %sub3A_218, %add3A_219 : i32
      %mul3A_221 = arith.constant 2 : i32
      %mul3A_222 = arith.muli %mul3A_221, %add3A_220 : i32
      %add3A_223 = arith.constant 1 : i32
      %add3A_224 = arith.addi %mul3A_222, %add3A_223 : i32
      %dma_wait3A_225 = arith.constant 0 : i32
      %dma_wait3A_226 = tpu.memref_slice %arg7[%add3A_224, %dma_wait3A_225] : memref<156x128xi32, #tpu.memory_space<vmem>> -> memref<1x128xi32, #tpu.memory_space<vmem>>
      %dma_wait3A_227 = tpu.memref_squeeze %dma_wait3A_226 : memref<1x128xi32, #tpu.memory_space<vmem>> -> memref<128xi32, #tpu.memory_space<vmem>>
      %dma_wait3A_228 = arith.constant 0 : i32
      %dma_wait3A_229 = arith.constant 0 : i32
      %dma_wait3A_230 = tpu.memref_slice %arg16[%dma_wait3A_228, %dma_wait3A_229] : memref<10000x8xf32, #tpu.memory_space<vmem_shared>> -> memref<10000x8xf32, #tpu.memory_space<vmem_shared>>
      tpu.wait_indirect_dma semaphore(%arg14 : memref<!tpu.dma_semaphore, #tpu.memory_space<semaphore_mem>>) src(%arg9 : memref<128x8xf32, #tpu.memory_space<vmem>>) dst(%dma_wait3A_230 : memref<10000x8xf32, #tpu.memory_space<vmem_shared>>)
      %add3A_231 = arith.constant 4 : i32
      %add3A_232 = arith.addi %mul3A_113, %add3A_231 : i32
      %mul3A_233 = arith.constant 2 : i32
      %mul3A_234 = arith.muli %mul3A_233, %add3A_232 : i32
      %add3A_235 = arith.constant 1 : i32
      %add3A_236 = arith.addi %mul3A_234, %add3A_235 : i32
      %dma_start3A_237 = arith.constant 0 : i32
      %dma_start3A_238 = tpu.memref_slice %arg7[%add3A_236, %dma_start3A_237] : memref<156x128xi32, #tpu.memory_space<vmem>> -> memref<1x128xi32, #tpu.memory_space<vmem>>
      %dma_start3A_239 = tpu.memref_squeeze %dma_start3A_238 : memref<1x128xi32, #tpu.memory_space<vmem>> -> memref<128xi32, #tpu.memory_space<vmem>>
      %dma_start3A_240 = arith.constant 0 : i32
      %dma_start3A_241 = arith.constant 0 : i32
      %dma_start3A_242 = tpu.memref_slice %arg16[%dma_start3A_240, %dma_start3A_241] : memref<10000x8xf32, #tpu.memory_space<vmem_shared>> -> memref<10000x8xf32, #tpu.memory_space<vmem_shared>>
      tpu.enqueue_indirect_dma source(%arg9 : memref<128x8xf32, #tpu.memory_space<vmem>>) target(%dma_start3A_242 : memref<10000x8xf32, #tpu.memory_space<vmem_shared>>) offsets(%dma_start3A_239 : memref<128xi32, #tpu.memory_space<vmem>>) semaphore(%arg14 : memref<!tpu.dma_semaphore, #tpu.memory_space<semaphore_mem>>) {add = true}
      %sub3A_243 = arith.constant 6 : i32
      %sub3A_244 = arith.subi %mul3A_113, %sub3A_243 : i32
      %add3A_245 = arith.constant 5 : i32
      %add3A_246 = arith.addi %sub3A_244, %add3A_245 : i32
      %mul3A_247 = arith.constant 2 : i32
      %mul3A_248 = arith.muli %mul3A_247, %add3A_246 : i32
      %add3A_249 = arith.constant 1 : i32
      %add3A_250 = arith.addi %mul3A_248, %add3A_249 : i32
      %dma_wait3A_251 = arith.constant 0 : i32
      %dma_wait3A_252 = tpu.memref_slice %arg7[%add3A_250, %dma_wait3A_251] : memref<156x128xi32, #tpu.memory_space<vmem>> -> memref<1x128xi32, #tpu.memory_space<vmem>>
      %dma_wait3A_253 = tpu.memref_squeeze %dma_wait3A_252 : memref<1x128xi32, #tpu.memory_space<vmem>> -> memref<128xi32, #tpu.memory_space<vmem>>
      %dma_wait3A_254 = arith.constant 0 : i32
      %dma_wait3A_255 = arith.constant 0 : i32
      %dma_wait3A_256 = tpu.memref_slice %arg16[%dma_wait3A_254, %dma_wait3A_255] : memref<10000x8xf32, #tpu.memory_space<vmem_shared>> -> memref<10000x8xf32, #tpu.memory_space<vmem_shared>>
      tpu.wait_indirect_dma semaphore(%arg15 : memref<!tpu.dma_semaphore, #tpu.memory_space<semaphore_mem>>) src(%arg9 : memref<128x8xf32, #tpu.memory_space<vmem>>) dst(%dma_wait3A_256 : memref<10000x8xf32, #tpu.memory_space<vmem_shared>>)
      %add3A_257 = arith.constant 5 : i32
      %add3A_258 = arith.addi %mul3A_113, %add3A_257 : i32
      %mul3A_259 = arith.constant 2 : i32
      %mul3A_260 = arith.muli %mul3A_259, %add3A_258 : i32
      %add3A_261 = arith.constant 1 : i32
      %add3A_262 = arith.addi %mul3A_260, %add3A_261 : i32
      %dma_start3A_263 = arith.constant 0 : i32
      %dma_start3A_264 = tpu.memref_slice %arg7[%add3A_262, %dma_start3A_263] : memref<156x128xi32, #tpu.memory_space<vmem>> -> memref<1x128xi32, #tpu.memory_space<vmem>>
      %dma_start3A_265 = tpu.memref_squeeze %dma_start3A_264 : memref<1x128xi32, #tpu.memory_space<vmem>> -> memref<128xi32, #tpu.memory_space<vmem>>
      %dma_start3A_266 = arith.constant 0 : i32
      %dma_start3A_267 = arith.constant 0 : i32
      %dma_start3A_268 = tpu.memref_slice %arg16[%dma_start3A_266, %dma_start3A_267] : memref<10000x8xf32, #tpu.memory_space<vmem_shared>> -> memref<10000x8xf32, #tpu.memory_space<vmem_shared>>
      tpu.enqueue_indirect_dma source(%arg9 : memref<128x8xf32, #tpu.memory_space<vmem>>) target(%dma_start3A_268 : memref<10000x8xf32, #tpu.memory_space<vmem_shared>>) offsets(%dma_start3A_265 : memref<128xi32, #tpu.memory_space<vmem>>) semaphore(%arg15 : memref<!tpu.dma_semaphore, #tpu.memory_space<semaphore_mem>>) {add = true}
    }
    %scan3A_54 = arith.constant 12 : i32
    %dma_wait3A = arith.constant 145 : i32
    %dma_wait3A_55 = arith.constant 0 : i32
    %dma_wait3A_56 = tpu.memref_slice %arg7[%dma_wait3A, %dma_wait3A_55] : memref<156x128xi32, #tpu.memory_space<vmem>> -> memref<1x128xi32, #tpu.memory_space<vmem>>
    %dma_wait3A_57 = tpu.memref_squeeze %dma_wait3A_56 : memref<1x128xi32, #tpu.memory_space<vmem>> -> memref<128xi32, #tpu.memory_space<vmem>>
    %dma_wait3A_58 = arith.constant 0 : i32
    %dma_wait3A_59 = arith.constant 0 : i32
    %dma_wait3A_60 = tpu.memref_slice %arg16[%dma_wait3A_58, %dma_wait3A_59] : memref<10000x8xf32, #tpu.memory_space<vmem_shared>> -> memref<10000x8xf32, #tpu.memory_space<vmem_shared>>
    tpu.wait_indirect_dma semaphore(%arg10 : memref<!tpu.dma_semaphore, #tpu.memory_space<semaphore_mem>>) src(%arg9 : memref<128x8xf32, #tpu.memory_space<vmem>>) dst(%dma_wait3A_60 : memref<10000x8xf32, #tpu.memory_space<vmem_shared>>)
    %dma_wait3A_61 = arith.constant 147 : i32
    %dma_wait3A_62 = arith.constant 0 : i32
    %dma_wait3A_63 = tpu.memref_slice %arg7[%dma_wait3A_61, %dma_wait3A_62] : memref<156x128xi32, #tpu.memory_space<vmem>> -> memref<1x128xi32, #tpu.memory_space<vmem>>
    %dma_wait3A_64 = tpu.memref_squeeze %dma_wait3A_63 : memref<1x128xi32, #tpu.memory_space<vmem>> -> memref<128xi32, #tpu.memory_space<vmem>>
    %dma_wait3A_65 = arith.constant 0 : i32
    %dma_wait3A_66 = arith.constant 0 : i32
    %dma_wait3A_67 = tpu.memref_slice %arg16[%dma_wait3A_65, %dma_wait3A_66] : memref<10000x8xf32, #tpu.memory_space<vmem_shared>> -> memref<10000x8xf32, #tpu.memory_space<vmem_shared>>
    tpu.wait_indirect_dma semaphore(%arg11 : memref<!tpu.dma_semaphore, #tpu.memory_space<semaphore_mem>>) src(%arg9 : memref<128x8xf32, #tpu.memory_space<vmem>>) dst(%dma_wait3A_67 : memref<10000x8xf32, #tpu.memory_space<vmem_shared>>)
    %dma_wait3A_68 = arith.constant 149 : i32
    %dma_wait3A_69 = arith.constant 0 : i32
    %dma_wait3A_70 = tpu.memref_slice %arg7[%dma_wait3A_68, %dma_wait3A_69] : memref<156x128xi32, #tpu.memory_space<vmem>> -> memref<1x128xi32, #tpu.memory_space<vmem>>
    %dma_wait3A_71 = tpu.memref_squeeze %dma_wait3A_70 : memref<1x128xi32, #tpu.memory_space<vmem>> -> memref<128xi32, #tpu.memory_space<vmem>>
    %dma_wait3A_72 = arith.constant 0 : i32
    %dma_wait3A_73 = arith.constant 0 : i32
    %dma_wait3A_74 = tpu.memref_slice %arg16[%dma_wait3A_72, %dma_wait3A_73] : memref<10000x8xf32, #tpu.memory_space<vmem_shared>> -> memref<10000x8xf32, #tpu.memory_space<vmem_shared>>
    tpu.wait_indirect_dma semaphore(%arg12 : memref<!tpu.dma_semaphore, #tpu.memory_space<semaphore_mem>>) src(%arg9 : memref<128x8xf32, #tpu.memory_space<vmem>>) dst(%dma_wait3A_74 : memref<10000x8xf32, #tpu.memory_space<vmem_shared>>)
    %dma_wait3A_75 = arith.constant 151 : i32
    %dma_wait3A_76 = arith.constant 0 : i32
    %dma_wait3A_77 = tpu.memref_slice %arg7[%dma_wait3A_75, %dma_wait3A_76] : memref<156x128xi32, #tpu.memory_space<vmem>> -> memref<1x128xi32, #tpu.memory_space<vmem>>
    %dma_wait3A_78 = tpu.memref_squeeze %dma_wait3A_77 : memref<1x128xi32, #tpu.memory_space<vmem>> -> memref<128xi32, #tpu.memory_space<vmem>>
    %dma_wait3A_79 = arith.constant 0 : i32
    %dma_wait3A_80 = arith.constant 0 : i32
    %dma_wait3A_81 = tpu.memref_slice %arg16[%dma_wait3A_79, %dma_wait3A_80] : memref<10000x8xf32, #tpu.memory_space<vmem_shared>> -> memref<10000x8xf32, #tpu.memory_space<vmem_shared>>
    tpu.wait_indirect_dma semaphore(%arg13 : memref<!tpu.dma_semaphore, #tpu.memory_space<semaphore_mem>>) src(%arg9 : memref<128x8xf32, #tpu.memory_space<vmem>>) dst(%dma_wait3A_81 : memref<10000x8xf32, #tpu.memory_space<vmem_shared>>)
    %dma_wait3A_82 = arith.constant 153 : i32
    %dma_wait3A_83 = arith.constant 0 : i32
    %dma_wait3A_84 = tpu.memref_slice %arg7[%dma_wait3A_82, %dma_wait3A_83] : memref<156x128xi32, #tpu.memory_space<vmem>> -> memref<1x128xi32, #tpu.memory_space<vmem>>
    %dma_wait3A_85 = tpu.memref_squeeze %dma_wait3A_84 : memref<1x128xi32, #tpu.memory_space<vmem>> -> memref<128xi32, #tpu.memory_space<vmem>>
    %dma_wait3A_86 = arith.constant 0 : i32
    %dma_wait3A_87 = arith.constant 0 : i32
    %dma_wait3A_88 = tpu.memref_slice %arg16[%dma_wait3A_86, %dma_wait3A_87] : memref<10000x8xf32, #tpu.memory_space<vmem_shared>> -> memref<10000x8xf32, #tpu.memory_space<vmem_shared>>
    tpu.wait_indirect_dma semaphore(%arg14 : memref<!tpu.dma_semaphore, #tpu.memory_space<semaphore_mem>>) src(%arg9 : memref<128x8xf32, #tpu.memory_space<vmem>>) dst(%dma_wait3A_88 : memref<10000x8xf32, #tpu.memory_space<vmem_shared>>)
    %dma_wait3A_89 = arith.constant 155 : i32
    %dma_wait3A_90 = arith.constant 0 : i32
    %dma_wait3A_91 = tpu.memref_slice %arg7[%dma_wait3A_89, %dma_wait3A_90] : memref<156x128xi32, #tpu.memory_space<vmem>> -> memref<1x128xi32, #tpu.memory_space<vmem>>
    %dma_wait3A_92 = tpu.memref_squeeze %dma_wait3A_91 : memref<1x128xi32, #tpu.memory_space<vmem>> -> memref<128xi32, #tpu.memory_space<vmem>>
    %dma_wait3A_93 = arith.constant 0 : i32
    %dma_wait3A_94 = arith.constant 0 : i32
    %dma_wait3A_95 = tpu.memref_slice %arg16[%dma_wait3A_93, %dma_wait3A_94] : memref<10000x8xf32, #tpu.memory_space<vmem_shared>> -> memref<10000x8xf32, #tpu.memory_space<vmem_shared>>
    tpu.wait_indirect_dma semaphore(%arg15 : memref<!tpu.dma_semaphore, #tpu.memory_space<semaphore_mem>>) src(%arg9 : memref<128x8xf32, #tpu.memory_space<vmem>>) dst(%dma_wait3A_95 : memref<10000x8xf32, #tpu.memory_space<vmem_shared>>)
    %lt3A = arith.constant 4 : i32
    %lt3A_96 = arith.cmpi slt, %add3A, %lt3A : i32
    %convert_element_type3A_97 = arith.extui %lt3A_96 : i1 to i32
    %cond3A_98 = arith.constant 0 : i32
    %cond3A_99 = arith.cmpi ne, %convert_element_type3A_97, %cond3A_98 : i32
    scf.if %cond3A_99 {
      %add3A_111 = arith.constant 2496 : i32
      %add3A_112 = arith.addi %add3A_111, %add3A : i32
      %mul3A_113 = arith.constant 2 : i32
      %mul3A_114 = arith.muli %mul3A_113, %add3A_112 : i32
      "tpu.region"() ({
        %run_scoped3A_115 = tpu.sem_alloc : memref<!tpu.dma_semaphore, #tpu.memory_space<semaphore_mem>>
        %dma_start3A_116 = arith.constant 0 : i32
        %dma_start3A_117 = tpu.memref_slice %arg2[%mul3A_114, %dma_start3A_116] : memref<5000x128xi32, #tpu.memory_space<hbm>> -> memref<2x128xi32, #tpu.memory_space<hbm>>
        %dma_start3A_118 = arith.constant 0 : i32
        %dma_start3A_119 = tpu.memref_slice %arg2[%mul3A_114, %dma_start3A_118] : memref<5000x128xi32, #tpu.memory_space<hbm>> -> memref<2x128xi32, #tpu.memory_space<hbm>>
        tpu.enqueue_dma source(%dma_start3A_119 : memref<2x128xi32, #tpu.memory_space<hbm>>) target(%arg8 : memref<2x128xi32, #tpu.memory_space<vmem>>) target_semaphore(%run_scoped3A_115 : memref<!tpu.dma_semaphore, #tpu.memory_space<semaphore_mem>>)
        %dma_wait3A_120 = arith.constant 0 : i32
        %dma_wait3A_121 = tpu.memref_slice %arg2[%mul3A_114, %dma_wait3A_120] : memref<5000x128xi32, #tpu.memory_space<hbm>> -> memref<2x128xi32, #tpu.memory_space<hbm>>
        %dma_wait3A_122 = arith.constant 0 : i32
        %dma_wait3A_123 = tpu.memref_slice %arg2[%mul3A_114, %dma_wait3A_122] : memref<5000x128xi32, #tpu.memory_space<hbm>> -> memref<2x128xi32, #tpu.memory_space<hbm>>
        tpu.wait_dma2 semaphore(%run_scoped3A_115 : memref<!tpu.dma_semaphore, #tpu.memory_space<semaphore_mem>>) src(%dma_wait3A_123 : memref<2x128xi32, #tpu.memory_space<hbm>>) dst(%arg8 : memref<2x128xi32, #tpu.memory_space<vmem>>)
        tpu.yield
      }) : () -> ()
      %run_scoped3A = arith.constant 1 : i32
      "tpu.region"() ({
        %run_scoped3A_115 = tpu.sem_alloc : memref<!tpu.dma_semaphore, #tpu.memory_space<semaphore_mem>>
        %dma_start3A_116 = arith.constant 0 : i32
        %dma_start3A_117 = tpu.memref_slice %arg8[%run_scoped3A, %dma_start3A_116] : memref<2x128xi32, #tpu.memory_space<vmem>> -> memref<1x128xi32, #tpu.memory_space<vmem>>
        %dma_start3A_118 = tpu.memref_squeeze %dma_start3A_117 : memref<1x128xi32, #tpu.memory_space<vmem>> -> memref<128xi32, #tpu.memory_space<vmem>>
        %dma_start3A_119 = arith.constant 0 : i32
        %dma_start3A_120 = arith.constant 0 : i32
        %dma_start3A_121 = tpu.memref_slice %arg16[%dma_start3A_119, %dma_start3A_120] : memref<10000x8xf32, #tpu.memory_space<vmem_shared>> -> memref<10000x8xf32, #tpu.memory_space<vmem_shared>>
        tpu.enqueue_indirect_dma source(%arg9 : memref<128x8xf32, #tpu.memory_space<vmem>>) target(%dma_start3A_121 : memref<10000x8xf32, #tpu.memory_space<vmem_shared>>) offsets(%dma_start3A_118 : memref<128xi32, #tpu.memory_space<vmem>>) semaphore(%run_scoped3A_115 : memref<!tpu.dma_semaphore, #tpu.memory_space<semaphore_mem>>) {add = true}
        %dma_wait3A_122 = arith.constant 0 : i32
        %dma_wait3A_123 = tpu.memref_slice %arg8[%run_scoped3A, %dma_wait3A_122] : memref<2x128xi32, #tpu.memory_space<vmem>> -> memref<1x128xi32, #tpu.memory_space<vmem>>
        %dma_wait3A_124 = tpu.memref_squeeze %dma_wait3A_123 : memref<1x128xi32, #tpu.memory_space<vmem>> -> memref<128xi32, #tpu.memory_space<vmem>>
        %dma_wait3A_125 = arith.constant 0 : i32
        %dma_wait3A_126 = arith.constant 0 : i32
        %dma_wait3A_127 = tpu.memref_slice %arg16[%dma_wait3A_125, %dma_wait3A_126] : memref<10000x8xf32, #tpu.memory_space<vmem_shared>> -> memref<10000x8xf32, #tpu.memory_space<vmem_shared>>
        tpu.wait_indirect_dma semaphore(%run_scoped3A_115 : memref<!tpu.dma_semaphore, #tpu.memory_space<semaphore_mem>>) src(%arg9 : memref<128x8xf32, #tpu.memory_space<vmem>>) dst(%dma_wait3A_127 : memref<10000x8xf32, #tpu.memory_space<vmem_shared>>)
        tpu.yield
      }) : () -> ()
    } else {
    }
    %barrier3A_100 = arith.constant 0 : index
    tpu.barrier barrier_id(%barrier3A_100)
    %eq3A_101 = arith.constant 0 : i32
    %eq3A_102 = arith.cmpi eq, %arg0, %eq3A_101 : i32
    %convert_element_type3A_103 = arith.extui %eq3A_102 : i1 to i32
    %cond3A_104 = arith.constant 0 : i32
    %cond3A_105 = arith.cmpi ne, %convert_element_type3A_103, %cond3A_104 : i32
    scf.if %cond3A_105 {
      %mul3A_111 = arith.constant 624 : i32
      %mul3A_112 = arith.muli %arg1, %mul3A_111 : i32
      "tpu.region"() ({
        %run_scoped3A = tpu.sem_alloc : memref<!tpu.dma_semaphore, #tpu.memory_space<semaphore_mem>>
        %dma_start3A_118 = arith.constant 0 : i32
        %dma_start3A_119 = tpu.memref_slice %arg5[%mul3A_112, %dma_start3A_118] : memref<10000x8xf32, #tpu.memory_space<hbm>> -> memref<624x8xf32, #tpu.memory_space<hbm>>
        %dma_start3A_120 = arith.constant 0 : i32
        %dma_start3A_121 = tpu.memref_slice %arg16[%mul3A_112, %dma_start3A_120] : memref<10000x8xf32, #tpu.memory_space<vmem_shared>> -> memref<624x8xf32, #tpu.memory_space<vmem_shared>>
        tpu.enqueue_dma source(%dma_start3A_121 : memref<624x8xf32, #tpu.memory_space<vmem_shared>>) target(%dma_start3A_119 : memref<624x8xf32, #tpu.memory_space<hbm>>) target_semaphore(%run_scoped3A : memref<!tpu.dma_semaphore, #tpu.memory_space<semaphore_mem>>)
        %dma_wait3A_122 = arith.constant 0 : i32
        %dma_wait3A_123 = tpu.memref_slice %arg5[%mul3A_112, %dma_wait3A_122] : memref<10000x8xf32, #tpu.memory_space<hbm>> -> memref<624x8xf32, #tpu.memory_space<hbm>>
        %dma_wait3A_124 = arith.constant 0 : i32
        %dma_wait3A_125 = tpu.memref_slice %arg16[%mul3A_112, %dma_wait3A_124] : memref<10000x8xf32, #tpu.memory_space<vmem_shared>> -> memref<624x8xf32, #tpu.memory_space<vmem_shared>>
        tpu.wait_dma2 semaphore(%run_scoped3A : memref<!tpu.dma_semaphore, #tpu.memory_space<semaphore_mem>>) src(%dma_wait3A_125 : memref<624x8xf32, #tpu.memory_space<vmem_shared>>) dst(%dma_wait3A_123 : memref<624x8xf32, #tpu.memory_space<hbm>>)
        tpu.yield
      }) : () -> ()
      %eq3A_113 = arith.constant 0 : i32
      %eq3A_114 = arith.cmpi eq, %arg1, %eq3A_113 : i32
      %convert_element_type3A_115 = arith.extui %eq3A_114 : i1 to i32
      %cond3A_116 = arith.constant 0 : i32
      %cond3A_117 = arith.cmpi ne, %convert_element_type3A_115, %cond3A_116 : i32
      scf.if %cond3A_117 {
        "tpu.region"() ({
          %run_scoped3A = tpu.sem_alloc : memref<!tpu.dma_semaphore, #tpu.memory_space<semaphore_mem>>
          %dma_start3A_118 = arith.constant 9984 : i32
          %dma_start3A_119 = arith.constant 0 : i32
          %dma_start3A_120 = tpu.memref_slice %arg5[%dma_start3A_118, %dma_start3A_119] : memref<10000x8xf32, #tpu.memory_space<hbm>> -> memref<16x8xf32, #tpu.memory_space<hbm>>
          %dma_start3A_121 = arith.constant 9984 : i32
          %dma_start3A_122 = arith.constant 0 : i32
          %dma_start3A_123 = tpu.memref_slice %arg16[%dma_start3A_121, %dma_start3A_122] : memref<10000x8xf32, #tpu.memory_space<vmem_shared>> -> memref<16x8xf32, #tpu.memory_space<vmem_shared>>
          tpu.enqueue_dma source(%dma_start3A_123 : memref<16x8xf32, #tpu.memory_space<vmem_shared>>) target(%dma_start3A_120 : memref<16x8xf32, #tpu.memory_space<hbm>>) target_semaphore(%run_scoped3A : memref<!tpu.dma_semaphore, #tpu.memory_space<semaphore_mem>>)
          %dma_wait3A_124 = arith.constant 9984 : i32
          %dma_wait3A_125 = arith.constant 0 : i32
          %dma_wait3A_126 = tpu.memref_slice %arg5[%dma_wait3A_124, %dma_wait3A_125] : memref<10000x8xf32, #tpu.memory_space<hbm>> -> memref<16x8xf32, #tpu.memory_space<hbm>>
          %dma_wait3A_127 = arith.constant 9984 : i32
          %dma_wait3A_128 = arith.constant 0 : i32
          %dma_wait3A_129 = tpu.memref_slice %arg16[%dma_wait3A_127, %dma_wait3A_128] : memref<10000x8xf32, #tpu.memory_space<vmem_shared>> -> memref<16x8xf32, #tpu.memory_space<vmem_shared>>
          tpu.wait_dma2 semaphore(%run_scoped3A : memref<!tpu.dma_semaphore, #tpu.memory_space<semaphore_mem>>) src(%dma_wait3A_129 : memref<16x8xf32, #tpu.memory_space<vmem_shared>>) dst(%dma_wait3A_126 : memref<16x8xf32, #tpu.memory_space<hbm>>)
          tpu.yield
        }) : () -> ()
      } else {
      }
    } else {
    }
    %eq3A_106 = arith.constant 1 : i32
    %eq3A_107 = arith.cmpi eq, %arg0, %eq3A_106 : i32
    %convert_element_type3A_108 = arith.extui %eq3A_107 : i1 to i32
    %cond3A_109 = arith.constant 0 : i32
    %cond3A_110 = arith.cmpi ne, %convert_element_type3A_108, %cond3A_109 : i32
    scf.if %cond3A_110 {
      %mul3A_111 = arith.constant 624 : i32
      %mul3A_112 = arith.muli %arg1, %mul3A_111 : i32
      "tpu.region"() ({
        %run_scoped3A = tpu.sem_alloc : memref<!tpu.dma_semaphore, #tpu.memory_space<semaphore_mem>>
        %dma_start3A_118 = arith.constant 0 : i32
        %dma_start3A_119 = tpu.memref_slice %arg6[%mul3A_112, %dma_start3A_118] : memref<10000x8xf32, #tpu.memory_space<hbm>> -> memref<624x8xf32, #tpu.memory_space<hbm>>
        %dma_start3A_120 = arith.constant 0 : i32
        %dma_start3A_121 = tpu.memref_slice %arg16[%mul3A_112, %dma_start3A_120] : memref<10000x8xf32, #tpu.memory_space<vmem_shared>> -> memref<624x8xf32, #tpu.memory_space<vmem_shared>>
        tpu.enqueue_dma source(%dma_start3A_121 : memref<624x8xf32, #tpu.memory_space<vmem_shared>>) target(%dma_start3A_119 : memref<624x8xf32, #tpu.memory_space<hbm>>) target_semaphore(%run_scoped3A : memref<!tpu.dma_semaphore, #tpu.memory_space<semaphore_mem>>)
        %dma_wait3A_122 = arith.constant 0 : i32
        %dma_wait3A_123 = tpu.memref_slice %arg6[%mul3A_112, %dma_wait3A_122] : memref<10000x8xf32, #tpu.memory_space<hbm>> -> memref<624x8xf32, #tpu.memory_space<hbm>>
        %dma_wait3A_124 = arith.constant 0 : i32
        %dma_wait3A_125 = tpu.memref_slice %arg16[%mul3A_112, %dma_wait3A_124] : memref<10000x8xf32, #tpu.memory_space<vmem_shared>> -> memref<624x8xf32, #tpu.memory_space<vmem_shared>>
        tpu.wait_dma2 semaphore(%run_scoped3A : memref<!tpu.dma_semaphore, #tpu.memory_space<semaphore_mem>>) src(%dma_wait3A_125 : memref<624x8xf32, #tpu.memory_space<vmem_shared>>) dst(%dma_wait3A_123 : memref<624x8xf32, #tpu.memory_space<hbm>>)
        tpu.yield
      }) : () -> ()
      %eq3A_113 = arith.constant 0 : i32
      %eq3A_114 = arith.cmpi eq, %arg1, %eq3A_113 : i32
      %convert_element_type3A_115 = arith.extui %eq3A_114 : i1 to i32
      %cond3A_116 = arith.constant 0 : i32
      %cond3A_117 = arith.cmpi ne, %convert_element_type3A_115, %cond3A_116 : i32
      scf.if %cond3A_117 {
        "tpu.region"() ({
          %run_scoped3A = tpu.sem_alloc : memref<!tpu.dma_semaphore, #tpu.memory_space<semaphore_mem>>
          %dma_start3A_118 = arith.constant 9984 : i32
          %dma_start3A_119 = arith.constant 0 : i32
          %dma_start3A_120 = tpu.memref_slice %arg6[%dma_start3A_118, %dma_start3A_119] : memref<10000x8xf32, #tpu.memory_space<hbm>> -> memref<16x8xf32, #tpu.memory_space<hbm>>
          %dma_start3A_121 = arith.constant 9984 : i32
          %dma_start3A_122 = arith.constant 0 : i32
          %dma_start3A_123 = tpu.memref_slice %arg16[%dma_start3A_121, %dma_start3A_122] : memref<10000x8xf32, #tpu.memory_space<vmem_shared>> -> memref<16x8xf32, #tpu.memory_space<vmem_shared>>
          tpu.enqueue_dma source(%dma_start3A_123 : memref<16x8xf32, #tpu.memory_space<vmem_shared>>) target(%dma_start3A_120 : memref<16x8xf32, #tpu.memory_space<hbm>>) target_semaphore(%run_scoped3A : memref<!tpu.dma_semaphore, #tpu.memory_space<semaphore_mem>>)
          %dma_wait3A_124 = arith.constant 9984 : i32
          %dma_wait3A_125 = arith.constant 0 : i32
          %dma_wait3A_126 = tpu.memref_slice %arg6[%dma_wait3A_124, %dma_wait3A_125] : memref<10000x8xf32, #tpu.memory_space<hbm>> -> memref<16x8xf32, #tpu.memory_space<hbm>>
          %dma_wait3A_127 = arith.constant 9984 : i32
          %dma_wait3A_128 = arith.constant 0 : i32
          %dma_wait3A_129 = tpu.memref_slice %arg16[%dma_wait3A_127, %dma_wait3A_128] : memref<10000x8xf32, #tpu.memory_space<vmem_shared>> -> memref<16x8xf32, #tpu.memory_space<vmem_shared>>
          tpu.wait_dma2 semaphore(%run_scoped3A : memref<!tpu.dma_semaphore, #tpu.memory_space<semaphore_mem>>) src(%dma_wait3A_129 : memref<16x8xf32, #tpu.memory_space<vmem_shared>>) dst(%dma_wait3A_126 : memref<16x8xf32, #tpu.memory_space<hbm>>)
          tpu.yield
        }) : () -> ()
      } else {
      }
    } else {
    }
    return
  }
}

#map = affine_map<(d0, d1) -> (0, 0)>
module attributes {stable_mosaic.version = 14 : i64} {
  func.func @_agg_sc(%arg0: i32, %arg1: i32, %arg2: memref<5000x128xi32, #tpu.memory_space<hbm>>, %arg3: memref<10000x64xf32, #tpu.memory_space<hbm>>, %arg4: memref<10000x64xf32, #tpu.memory_space<hbm>>, %arg5: memref<10000x64xf32, #tpu.memory_space<hbm>>, %arg6: memref<10000x64xf32, #tpu.memory_space<hbm>>, %arg7: memref<156x128xi32, #tpu.memory_space<vmem>>, %arg8: memref<2x128xi32, #tpu.memory_space<vmem>>, %arg9: memref<128x64xf32, #tpu.memory_space<vmem>>, %arg10: memref<128x64xf32, #tpu.memory_space<vmem>>, %arg11: memref<128x64xf32, #tpu.memory_space<vmem>>, %arg12: memref<128x64xf32, #tpu.memory_space<vmem>>, %arg13: memref<128x64xf32, #tpu.memory_space<vmem>>, %arg14: memref<128x64xf32, #tpu.memory_space<vmem>>, %arg15: memref<!tpu.dma_semaphore, #tpu.memory_space<semaphore_mem>>, %arg16: memref<!tpu.dma_semaphore, #tpu.memory_space<semaphore_mem>>, %arg17: memref<!tpu.dma_semaphore, #tpu.memory_space<semaphore_mem>>, %arg18: memref<!tpu.dma_semaphore, #tpu.memory_space<semaphore_mem>>, %arg19: memref<!tpu.dma_semaphore, #tpu.memory_space<semaphore_mem>>, %arg20: memref<!tpu.dma_semaphore, #tpu.memory_space<semaphore_mem>>, %arg21: memref<!tpu.dma_semaphore, #tpu.memory_space<semaphore_mem>>, %arg22: memref<!tpu.dma_semaphore, #tpu.memory_space<semaphore_mem>>, %arg23: memref<!tpu.dma_semaphore, #tpu.memory_space<semaphore_mem>>, %arg24: memref<!tpu.dma_semaphore, #tpu.memory_space<semaphore_mem>>, %arg25: memref<!tpu.dma_semaphore, #tpu.memory_space<semaphore_mem>>, %arg26: memref<!tpu.dma_semaphore, #tpu.memory_space<semaphore_mem>>, %arg27: memref<10000x64xf32, #tpu.memory_space<vmem_shared>>) attributes {dimension_semantics = [#tpu.dimension_semantics<core_parallel>, #tpu.dimension_semantics<subcore_parallel>], iteration_bounds = array<i64: 2, 16>, scalar_prefetch = 0 : i64, scratch_operands = 21 : i64, tpu.core_type = #tpu.core_type<sc_vector_subcore>, window_params = [{transform_indices = #map}, {transform_indices = #map}, {transform_indices = #map}, {transform_indices = #map}, {transform_indices = #map}]} {
    %mul3A = arith.constant 2 : i32
    %mul3A_0 = arith.muli %arg1, %mul3A : i32
    %add3A = arith.addi %mul3A_0, %arg0 : i32
    %mul3A_1 = arith.constant 2 : i32
    %mul3A_2 = arith.muli %add3A, %mul3A_1 : i32
    %mul3A_3 = arith.constant 78 : i32
    %mul3A_4 = arith.muli %mul3A_2, %mul3A_3 : i32
    "tpu.region"() ({
      %run_scoped3A = tpu.sem_alloc : memref<!tpu.dma_semaphore, #tpu.memory_space<semaphore_mem>>
      %dma_start3A_237 = arith.constant 0 : i32
      %dma_start3A_238 = tpu.memref_slice %arg2[%mul3A_4, %dma_start3A_237] : memref<5000x128xi32, #tpu.memory_space<hbm>> -> memref<156x128xi32, #tpu.memory_space<hbm>>
      %dma_start3A_239 = arith.constant 0 : i32
      %dma_start3A_240 = tpu.memref_slice %arg2[%mul3A_4, %dma_start3A_239] : memref<5000x128xi32, #tpu.memory_space<hbm>> -> memref<156x128xi32, #tpu.memory_space<hbm>>
      tpu.enqueue_dma source(%dma_start3A_240 : memref<156x128xi32, #tpu.memory_space<hbm>>) target(%arg7 : memref<156x128xi32, #tpu.memory_space<vmem>>) target_semaphore(%run_scoped3A : memref<!tpu.dma_semaphore, #tpu.memory_space<semaphore_mem>>)
      %dma_wait3A_241 = arith.constant 0 : i32
      %dma_wait3A_242 = tpu.memref_slice %arg2[%mul3A_4, %dma_wait3A_241] : memref<5000x128xi32, #tpu.memory_space<hbm>> -> memref<156x128xi32, #tpu.memory_space<hbm>>
      %dma_wait3A_243 = arith.constant 0 : i32
      %dma_wait3A_244 = tpu.memref_slice %arg2[%mul3A_4, %dma_wait3A_243] : memref<5000x128xi32, #tpu.memory_space<hbm>> -> memref<156x128xi32, #tpu.memory_space<hbm>>
      tpu.wait_dma2 semaphore(%run_scoped3A : memref<!tpu.dma_semaphore, #tpu.memory_space<semaphore_mem>>) src(%dma_wait3A_244 : memref<156x128xi32, #tpu.memory_space<hbm>>) dst(%arg7 : memref<156x128xi32, #tpu.memory_space<vmem>>)
      tpu.yield
    }) : () -> ()
    %mul3A_5 = arith.constant 624 : i32
    %mul3A_6 = arith.muli %arg1, %mul3A_5 : i32
    "tpu.region"() ({
      %run_scoped3A = tpu.sem_alloc : memref<!tpu.dma_semaphore, #tpu.memory_space<semaphore_mem>>
      %dma_start3A_237 = arith.constant 0 : i32
      %dma_start3A_238 = tpu.memref_slice %arg27[%mul3A_6, %dma_start3A_237] : memref<10000x64xf32, #tpu.memory_space<vmem_shared>> -> memref<624x64xf32, #tpu.memory_space<vmem_shared>>
      %dma_start3A_239 = arith.constant 0 : i32
      %dma_start3A_240 = tpu.memref_slice %arg4[%mul3A_6, %dma_start3A_239] : memref<10000x64xf32, #tpu.memory_space<hbm>> -> memref<624x64xf32, #tpu.memory_space<hbm>>
      tpu.enqueue_dma source(%dma_start3A_240 : memref<624x64xf32, #tpu.memory_space<hbm>>) target(%dma_start3A_238 : memref<624x64xf32, #tpu.memory_space<vmem_shared>>) target_semaphore(%run_scoped3A : memref<!tpu.dma_semaphore, #tpu.memory_space<semaphore_mem>>)
      %dma_wait3A_241 = arith.constant 0 : i32
      %dma_wait3A_242 = tpu.memref_slice %arg27[%mul3A_6, %dma_wait3A_241] : memref<10000x64xf32, #tpu.memory_space<vmem_shared>> -> memref<624x64xf32, #tpu.memory_space<vmem_shared>>
      %dma_wait3A_243 = arith.constant 0 : i32
      %dma_wait3A_244 = tpu.memref_slice %arg4[%mul3A_6, %dma_wait3A_243] : memref<10000x64xf32, #tpu.memory_space<hbm>> -> memref<624x64xf32, #tpu.memory_space<hbm>>
      tpu.wait_dma2 semaphore(%run_scoped3A : memref<!tpu.dma_semaphore, #tpu.memory_space<semaphore_mem>>) src(%dma_wait3A_244 : memref<624x64xf32, #tpu.memory_space<hbm>>) dst(%dma_wait3A_242 : memref<624x64xf32, #tpu.memory_space<vmem_shared>>)
      tpu.yield
    }) : () -> ()
    %eq3A = arith.constant 0 : i32
    %eq3A_7 = arith.cmpi eq, %arg1, %eq3A : i32
    %convert_element_type3A = arith.extui %eq3A_7 : i1 to i32
    %cond3A = arith.constant 0 : i32
    %cond3A_8 = arith.cmpi ne, %convert_element_type3A, %cond3A : i32
    scf.if %cond3A_8 {
      "tpu.region"() ({
        %run_scoped3A = tpu.sem_alloc : memref<!tpu.dma_semaphore, #tpu.memory_space<semaphore_mem>>
        %dma_start3A_237 = arith.constant 9984 : i32
        %dma_start3A_238 = arith.constant 0 : i32
        %dma_start3A_239 = tpu.memref_slice %arg27[%dma_start3A_237, %dma_start3A_238] : memref<10000x64xf32, #tpu.memory_space<vmem_shared>> -> memref<16x64xf32, #tpu.memory_space<vmem_shared>>
        %dma_start3A_240 = arith.constant 9984 : i32
        %dma_start3A_241 = arith.constant 0 : i32
        %dma_start3A_242 = tpu.memref_slice %arg4[%dma_start3A_240, %dma_start3A_241] : memref<10000x64xf32, #tpu.memory_space<hbm>> -> memref<16x64xf32, #tpu.memory_space<hbm>>
        tpu.enqueue_dma source(%dma_start3A_242 : memref<16x64xf32, #tpu.memory_space<hbm>>) target(%dma_start3A_239 : memref<16x64xf32, #tpu.memory_space<vmem_shared>>) target_semaphore(%run_scoped3A : memref<!tpu.dma_semaphore, #tpu.memory_space<semaphore_mem>>)
        %dma_wait3A_243 = arith.constant 9984 : i32
        %dma_wait3A_244 = arith.constant 0 : i32
        %dma_wait3A_245 = tpu.memref_slice %arg27[%dma_wait3A_243, %dma_wait3A_244] : memref<10000x64xf32, #tpu.memory_space<vmem_shared>> -> memref<16x64xf32, #tpu.memory_space<vmem_shared>>
        %dma_wait3A_246 = arith.constant 9984 : i32
        %dma_wait3A_247 = arith.constant 0 : i32
        %dma_wait3A_248 = tpu.memref_slice %arg4[%dma_wait3A_246, %dma_wait3A_247] : memref<10000x64xf32, #tpu.memory_space<hbm>> -> memref<16x64xf32, #tpu.memory_space<hbm>>
        tpu.wait_dma2 semaphore(%run_scoped3A : memref<!tpu.dma_semaphore, #tpu.memory_space<semaphore_mem>>) src(%dma_wait3A_248 : memref<16x64xf32, #tpu.memory_space<hbm>>) dst(%dma_wait3A_245 : memref<16x64xf32, #tpu.memory_space<vmem_shared>>)
        tpu.yield
      }) : () -> ()
    } else {
    }
    %barrier3A = arith.constant 0 : index
    tpu.barrier barrier_id(%barrier3A)
    %dma_start3A = arith.constant 0 : i32
    %dma_start3A_9 = arith.constant 0 : i32
    %dma_start3A_10 = tpu.memref_slice %arg7[%dma_start3A, %dma_start3A_9] : memref<156x128xi32, #tpu.memory_space<vmem>> -> memref<1x128xi32, #tpu.memory_space<vmem>>
    %dma_start3A_11 = tpu.memref_squeeze %dma_start3A_10 : memref<1x128xi32, #tpu.memory_space<vmem>> -> memref<128xi32, #tpu.memory_space<vmem>>
    %dma_start3A_12 = arith.constant 0 : i32
    %dma_start3A_13 = arith.constant 0 : i32
    %dma_start3A_14 = tpu.memref_slice %arg3[%dma_start3A_12, %dma_start3A_13] : memref<10000x64xf32, #tpu.memory_space<hbm>> -> memref<10000x64xf32, #tpu.memory_space<hbm>>
    tpu.enqueue_indirect_dma source(%dma_start3A_14 : memref<10000x64xf32, #tpu.memory_space<hbm>>) target(%arg9 : memref<128x64xf32, #tpu.memory_space<vmem>>) offsets(%dma_start3A_11 : memref<128xi32, #tpu.memory_space<vmem>>) semaphore(%arg15 : memref<!tpu.dma_semaphore, #tpu.memory_space<semaphore_mem>>)
    %dma_start3A_15 = arith.constant 2 : i32
    %dma_start3A_16 = arith.constant 0 : i32
    %dma_start3A_17 = tpu.memref_slice %arg7[%dma_start3A_15, %dma_start3A_16] : memref<156x128xi32, #tpu.memory_space<vmem>> -> memref<1x128xi32, #tpu.memory_space<vmem>>
    %dma_start3A_18 = tpu.memref_squeeze %dma_start3A_17 : memref<1x128xi32, #tpu.memory_space<vmem>> -> memref<128xi32, #tpu.memory_space<vmem>>
    %dma_start3A_19 = arith.constant 0 : i32
    %dma_start3A_20 = arith.constant 0 : i32
    %dma_start3A_21 = tpu.memref_slice %arg3[%dma_start3A_19, %dma_start3A_20] : memref<10000x64xf32, #tpu.memory_space<hbm>> -> memref<10000x64xf32, #tpu.memory_space<hbm>>
    tpu.enqueue_indirect_dma source(%dma_start3A_21 : memref<10000x64xf32, #tpu.memory_space<hbm>>) target(%arg10 : memref<128x64xf32, #tpu.memory_space<vmem>>) offsets(%dma_start3A_18 : memref<128xi32, #tpu.memory_space<vmem>>) semaphore(%arg16 : memref<!tpu.dma_semaphore, #tpu.memory_space<semaphore_mem>>)
    %dma_start3A_22 = arith.constant 4 : i32
    %dma_start3A_23 = arith.constant 0 : i32
    %dma_start3A_24 = tpu.memref_slice %arg7[%dma_start3A_22, %dma_start3A_23] : memref<156x128xi32, #tpu.memory_space<vmem>> -> memref<1x128xi32, #tpu.memory_space<vmem>>
    %dma_start3A_25 = tpu.memref_squeeze %dma_start3A_24 : memref<1x128xi32, #tpu.memory_space<vmem>> -> memref<128xi32, #tpu.memory_space<vmem>>
    %dma_start3A_26 = arith.constant 0 : i32
    %dma_start3A_27 = arith.constant 0 : i32
    %dma_start3A_28 = tpu.memref_slice %arg3[%dma_start3A_26, %dma_start3A_27] : memref<10000x64xf32, #tpu.memory_space<hbm>> -> memref<10000x64xf32, #tpu.memory_space<hbm>>
    tpu.enqueue_indirect_dma source(%dma_start3A_28 : memref<10000x64xf32, #tpu.memory_space<hbm>>) target(%arg11 : memref<128x64xf32, #tpu.memory_space<vmem>>) offsets(%dma_start3A_25 : memref<128xi32, #tpu.memory_space<vmem>>) semaphore(%arg17 : memref<!tpu.dma_semaphore, #tpu.memory_space<semaphore_mem>>)
    %dma_wait3A = arith.constant 0 : i32
    %dma_wait3A_29 = arith.constant 0 : i32
    %dma_wait3A_30 = tpu.memref_slice %arg7[%dma_wait3A, %dma_wait3A_29] : memref<156x128xi32, #tpu.memory_space<vmem>> -> memref<1x128xi32, #tpu.memory_space<vmem>>
    %dma_wait3A_31 = tpu.memref_squeeze %dma_wait3A_30 : memref<1x128xi32, #tpu.memory_space<vmem>> -> memref<128xi32, #tpu.memory_space<vmem>>
    %dma_wait3A_32 = arith.constant 0 : i32
    %dma_wait3A_33 = arith.constant 0 : i32
    %dma_wait3A_34 = tpu.memref_slice %arg3[%dma_wait3A_32, %dma_wait3A_33] : memref<10000x64xf32, #tpu.memory_space<hbm>> -> memref<10000x64xf32, #tpu.memory_space<hbm>>
    tpu.wait_indirect_dma semaphore(%arg15 : memref<!tpu.dma_semaphore, #tpu.memory_space<semaphore_mem>>) src(%dma_wait3A_34 : memref<10000x64xf32, #tpu.memory_space<hbm>>) dst(%arg9 : memref<128x64xf32, #tpu.memory_space<vmem>>)
    %dma_start3A_35 = arith.constant 1 : i32
    %dma_start3A_36 = arith.constant 0 : i32
    %dma_start3A_37 = tpu.memref_slice %arg7[%dma_start3A_35, %dma_start3A_36] : memref<156x128xi32, #tpu.memory_space<vmem>> -> memref<1x128xi32, #tpu.memory_space<vmem>>
    %dma_start3A_38 = tpu.memref_squeeze %dma_start3A_37 : memref<1x128xi32, #tpu.memory_space<vmem>> -> memref<128xi32, #tpu.memory_space<vmem>>
    %dma_start3A_39 = arith.constant 0 : i32
    %dma_start3A_40 = arith.constant 0 : i32
    %dma_start3A_41 = tpu.memref_slice %arg27[%dma_start3A_39, %dma_start3A_40] : memref<10000x64xf32, #tpu.memory_space<vmem_shared>> -> memref<10000x64xf32, #tpu.memory_space<vmem_shared>>
    tpu.enqueue_indirect_dma source(%arg9 : memref<128x64xf32, #tpu.memory_space<vmem>>) target(%dma_start3A_41 : memref<10000x64xf32, #tpu.memory_space<vmem_shared>>) offsets(%dma_start3A_38 : memref<128xi32, #tpu.memory_space<vmem>>) semaphore(%arg21 : memref<!tpu.dma_semaphore, #tpu.memory_space<semaphore_mem>>) {add = true}
    %dma_start3A_42 = arith.constant 6 : i32
    %dma_start3A_43 = arith.constant 0 : i32
    %dma_start3A_44 = tpu.memref_slice %arg7[%dma_start3A_42, %dma_start3A_43] : memref<156x128xi32, #tpu.memory_space<vmem>> -> memref<1x128xi32, #tpu.memory_space<vmem>>
    %dma_start3A_45 = tpu.memref_squeeze %dma_start3A_44 : memref<1x128xi32, #tpu.memory_space<vmem>> -> memref<128xi32, #tpu.memory_space<vmem>>
    %dma_start3A_46 = arith.constant 0 : i32
    %dma_start3A_47 = arith.constant 0 : i32
    %dma_start3A_48 = tpu.memref_slice %arg3[%dma_start3A_46, %dma_start3A_47] : memref<10000x64xf32, #tpu.memory_space<hbm>> -> memref<10000x64xf32, #tpu.memory_space<hbm>>
    tpu.enqueue_indirect_dma source(%dma_start3A_48 : memref<10000x64xf32, #tpu.memory_space<hbm>>) target(%arg12 : memref<128x64xf32, #tpu.memory_space<vmem>>) offsets(%dma_start3A_45 : memref<128xi32, #tpu.memory_space<vmem>>) semaphore(%arg18 : memref<!tpu.dma_semaphore, #tpu.memory_space<semaphore_mem>>)
    %dma_wait3A_49 = arith.constant 2 : i32
    %dma_wait3A_50 = arith.constant 0 : i32
    %dma_wait3A_51 = tpu.memref_slice %arg7[%dma_wait3A_49, %dma_wait3A_50] : memref<156x128xi32, #tpu.memory_space<vmem>> -> memref<1x128xi32, #tpu.memory_space<vmem>>
    %dma_wait3A_52 = tpu.memref_squeeze %dma_wait3A_51 : memref<1x128xi32, #tpu.memory_space<vmem>> -> memref<128xi32, #tpu.memory_space<vmem>>
    %dma_wait3A_53 = arith.constant 0 : i32
    %dma_wait3A_54 = arith.constant 0 : i32
    %dma_wait3A_55 = tpu.memref_slice %arg3[%dma_wait3A_53, %dma_wait3A_54] : memref<10000x64xf32, #tpu.memory_space<hbm>> -> memref<10000x64xf32, #tpu.memory_space<hbm>>
    tpu.wait_indirect_dma semaphore(%arg16 : memref<!tpu.dma_semaphore, #tpu.memory_space<semaphore_mem>>) src(%dma_wait3A_55 : memref<10000x64xf32, #tpu.memory_space<hbm>>) dst(%arg10 : memref<128x64xf32, #tpu.memory_space<vmem>>)
    %dma_start3A_56 = arith.constant 3 : i32
    %dma_start3A_57 = arith.constant 0 : i32
    %dma_start3A_58 = tpu.memref_slice %arg7[%dma_start3A_56, %dma_start3A_57] : memref<156x128xi32, #tpu.memory_space<vmem>> -> memref<1x128xi32, #tpu.memory_space<vmem>>
    %dma_start3A_59 = tpu.memref_squeeze %dma_start3A_58 : memref<1x128xi32, #tpu.memory_space<vmem>> -> memref<128xi32, #tpu.memory_space<vmem>>
    %dma_start3A_60 = arith.constant 0 : i32
    %dma_start3A_61 = arith.constant 0 : i32
    %dma_start3A_62 = tpu.memref_slice %arg27[%dma_start3A_60, %dma_start3A_61] : memref<10000x64xf32, #tpu.memory_space<vmem_shared>> -> memref<10000x64xf32, #tpu.memory_space<vmem_shared>>
    tpu.enqueue_indirect_dma source(%arg10 : memref<128x64xf32, #tpu.memory_space<vmem>>) target(%dma_start3A_62 : memref<10000x64xf32, #tpu.memory_space<vmem_shared>>) offsets(%dma_start3A_59 : memref<128xi32, #tpu.memory_space<vmem>>) semaphore(%arg22 : memref<!tpu.dma_semaphore, #tpu.memory_space<semaphore_mem>>) {add = true}
    %dma_start3A_63 = arith.constant 8 : i32
    %dma_start3A_64 = arith.constant 0 : i32
    %dma_start3A_65 = tpu.memref_slice %arg7[%dma_start3A_63, %dma_start3A_64] : memref<156x128xi32, #tpu.memory_space<vmem>> -> memref<1x128xi32, #tpu.memory_space<vmem>>
    %dma_start3A_66 = tpu.memref_squeeze %dma_start3A_65 : memref<1x128xi32, #tpu.memory_space<vmem>> -> memref<128xi32, #tpu.memory_space<vmem>>
    %dma_start3A_67 = arith.constant 0 : i32
    %dma_start3A_68 = arith.constant 0 : i32
    %dma_start3A_69 = tpu.memref_slice %arg3[%dma_start3A_67, %dma_start3A_68] : memref<10000x64xf32, #tpu.memory_space<hbm>> -> memref<10000x64xf32, #tpu.memory_space<hbm>>
    tpu.enqueue_indirect_dma source(%dma_start3A_69 : memref<10000x64xf32, #tpu.memory_space<hbm>>) target(%arg13 : memref<128x64xf32, #tpu.memory_space<vmem>>) offsets(%dma_start3A_66 : memref<128xi32, #tpu.memory_space<vmem>>) semaphore(%arg19 : memref<!tpu.dma_semaphore, #tpu.memory_space<semaphore_mem>>)
    %dma_wait3A_70 = arith.constant 4 : i32
    %dma_wait3A_71 = arith.constant 0 : i32
    %dma_wait3A_72 = tpu.memref_slice %arg7[%dma_wait3A_70, %dma_wait3A_71] : memref<156x128xi32, #tpu.memory_space<vmem>> -> memref<1x128xi32, #tpu.memory_space<vmem>>
    %dma_wait3A_73 = tpu.memref_squeeze %dma_wait3A_72 : memref<1x128xi32, #tpu.memory_space<vmem>> -> memref<128xi32, #tpu.memory_space<vmem>>
    %dma_wait3A_74 = arith.constant 0 : i32
    %dma_wait3A_75 = arith.constant 0 : i32
    %dma_wait3A_76 = tpu.memref_slice %arg3[%dma_wait3A_74, %dma_wait3A_75] : memref<10000x64xf32, #tpu.memory_space<hbm>> -> memref<10000x64xf32, #tpu.memory_space<hbm>>
    tpu.wait_indirect_dma semaphore(%arg17 : memref<!tpu.dma_semaphore, #tpu.memory_space<semaphore_mem>>) src(%dma_wait3A_76 : memref<10000x64xf32, #tpu.memory_space<hbm>>) dst(%arg11 : memref<128x64xf32, #tpu.memory_space<vmem>>)
    %dma_start3A_77 = arith.constant 5 : i32
    %dma_start3A_78 = arith.constant 0 : i32
    %dma_start3A_79 = tpu.memref_slice %arg7[%dma_start3A_77, %dma_start3A_78] : memref<156x128xi32, #tpu.memory_space<vmem>> -> memref<1x128xi32, #tpu.memory_space<vmem>>
    %dma_start3A_80 = tpu.memref_squeeze %dma_start3A_79 : memref<1x128xi32, #tpu.memory_space<vmem>> -> memref<128xi32, #tpu.memory_space<vmem>>
    %dma_start3A_81 = arith.constant 0 : i32
    %dma_start3A_82 = arith.constant 0 : i32
    %dma_start3A_83 = tpu.memref_slice %arg27[%dma_start3A_81, %dma_start3A_82] : memref<10000x64xf32, #tpu.memory_space<vmem_shared>> -> memref<10000x64xf32, #tpu.memory_space<vmem_shared>>
    tpu.enqueue_indirect_dma source(%arg11 : memref<128x64xf32, #tpu.memory_space<vmem>>) target(%dma_start3A_83 : memref<10000x64xf32, #tpu.memory_space<vmem_shared>>) offsets(%dma_start3A_80 : memref<128xi32, #tpu.memory_space<vmem>>) semaphore(%arg23 : memref<!tpu.dma_semaphore, #tpu.memory_space<semaphore_mem>>) {add = true}
    %dma_start3A_84 = arith.constant 10 : i32
    %dma_start3A_85 = arith.constant 0 : i32
    %dma_start3A_86 = tpu.memref_slice %arg7[%dma_start3A_84, %dma_start3A_85] : memref<156x128xi32, #tpu.memory_space<vmem>> -> memref<1x128xi32, #tpu.memory_space<vmem>>
    %dma_start3A_87 = tpu.memref_squeeze %dma_start3A_86 : memref<1x128xi32, #tpu.memory_space<vmem>> -> memref<128xi32, #tpu.memory_space<vmem>>
    %dma_start3A_88 = arith.constant 0 : i32
    %dma_start3A_89 = arith.constant 0 : i32
    %dma_start3A_90 = tpu.memref_slice %arg3[%dma_start3A_88, %dma_start3A_89] : memref<10000x64xf32, #tpu.memory_space<hbm>> -> memref<10000x64xf32, #tpu.memory_space<hbm>>
    tpu.enqueue_indirect_dma source(%dma_start3A_90 : memref<10000x64xf32, #tpu.memory_space<hbm>>) target(%arg14 : memref<128x64xf32, #tpu.memory_space<vmem>>) offsets(%dma_start3A_87 : memref<128xi32, #tpu.memory_space<vmem>>) semaphore(%arg20 : memref<!tpu.dma_semaphore, #tpu.memory_space<semaphore_mem>>)
    %dma_wait3A_91 = arith.constant 6 : i32
    %dma_wait3A_92 = arith.constant 0 : i32
    %dma_wait3A_93 = tpu.memref_slice %arg7[%dma_wait3A_91, %dma_wait3A_92] : memref<156x128xi32, #tpu.memory_space<vmem>> -> memref<1x128xi32, #tpu.memory_space<vmem>>
    %dma_wait3A_94 = tpu.memref_squeeze %dma_wait3A_93 : memref<1x128xi32, #tpu.memory_space<vmem>> -> memref<128xi32, #tpu.memory_space<vmem>>
    %dma_wait3A_95 = arith.constant 0 : i32
    %dma_wait3A_96 = arith.constant 0 : i32
    %dma_wait3A_97 = tpu.memref_slice %arg3[%dma_wait3A_95, %dma_wait3A_96] : memref<10000x64xf32, #tpu.memory_space<hbm>> -> memref<10000x64xf32, #tpu.memory_space<hbm>>
    tpu.wait_indirect_dma semaphore(%arg18 : memref<!tpu.dma_semaphore, #tpu.memory_space<semaphore_mem>>) src(%dma_wait3A_97 : memref<10000x64xf32, #tpu.memory_space<hbm>>) dst(%arg12 : memref<128x64xf32, #tpu.memory_space<vmem>>)
    %dma_start3A_98 = arith.constant 7 : i32
    %dma_start3A_99 = arith.constant 0 : i32
    %dma_start3A_100 = tpu.memref_slice %arg7[%dma_start3A_98, %dma_start3A_99] : memref<156x128xi32, #tpu.memory_space<vmem>> -> memref<1x128xi32, #tpu.memory_space<vmem>>
    %dma_start3A_101 = tpu.memref_squeeze %dma_start3A_100 : memref<1x128xi32, #tpu.memory_space<vmem>> -> memref<128xi32, #tpu.memory_space<vmem>>
    %dma_start3A_102 = arith.constant 0 : i32
    %dma_start3A_103 = arith.constant 0 : i32
    %dma_start3A_104 = tpu.memref_slice %arg27[%dma_start3A_102, %dma_start3A_103] : memref<10000x64xf32, #tpu.memory_space<vmem_shared>> -> memref<10000x64xf32, #tpu.memory_space<vmem_shared>>
    tpu.enqueue_indirect_dma source(%arg12 : memref<128x64xf32, #tpu.memory_space<vmem>>) target(%dma_start3A_104 : memref<10000x64xf32, #tpu.memory_space<vmem_shared>>) offsets(%dma_start3A_101 : memref<128xi32, #tpu.memory_space<vmem>>) semaphore(%arg24 : memref<!tpu.dma_semaphore, #tpu.memory_space<semaphore_mem>>) {add = true}
    %dma_wait3A_105 = arith.constant 1 : i32
    %dma_wait3A_106 = arith.constant 0 : i32
    %dma_wait3A_107 = tpu.memref_slice %arg7[%dma_wait3A_105, %dma_wait3A_106] : memref<156x128xi32, #tpu.memory_space<vmem>> -> memref<1x128xi32, #tpu.memory_space<vmem>>
    %dma_wait3A_108 = tpu.memref_squeeze %dma_wait3A_107 : memref<1x128xi32, #tpu.memory_space<vmem>> -> memref<128xi32, #tpu.memory_space<vmem>>
    %dma_wait3A_109 = arith.constant 0 : i32
    %dma_wait3A_110 = arith.constant 0 : i32
    %dma_wait3A_111 = tpu.memref_slice %arg27[%dma_wait3A_109, %dma_wait3A_110] : memref<10000x64xf32, #tpu.memory_space<vmem_shared>> -> memref<10000x64xf32, #tpu.memory_space<vmem_shared>>
    tpu.wait_indirect_dma semaphore(%arg21 : memref<!tpu.dma_semaphore, #tpu.memory_space<semaphore_mem>>) src(%arg9 : memref<128x64xf32, #tpu.memory_space<vmem>>) dst(%dma_wait3A_111 : memref<10000x64xf32, #tpu.memory_space<vmem_shared>>)
    %dma_start3A_112 = arith.constant 12 : i32
    %dma_start3A_113 = arith.constant 0 : i32
    %dma_start3A_114 = tpu.memref_slice %arg7[%dma_start3A_112, %dma_start3A_113] : memref<156x128xi32, #tpu.memory_space<vmem>> -> memref<1x128xi32, #tpu.memory_space<vmem>>
    %dma_start3A_115 = tpu.memref_squeeze %dma_start3A_114 : memref<1x128xi32, #tpu.memory_space<vmem>> -> memref<128xi32, #tpu.memory_space<vmem>>
    %dma_start3A_116 = arith.constant 0 : i32
    %dma_start3A_117 = arith.constant 0 : i32
    %dma_start3A_118 = tpu.memref_slice %arg3[%dma_start3A_116, %dma_start3A_117] : memref<10000x64xf32, #tpu.memory_space<hbm>> -> memref<10000x64xf32, #tpu.memory_space<hbm>>
    tpu.enqueue_indirect_dma source(%dma_start3A_118 : memref<10000x64xf32, #tpu.memory_space<hbm>>) target(%arg9 : memref<128x64xf32, #tpu.memory_space<vmem>>) offsets(%dma_start3A_115 : memref<128xi32, #tpu.memory_space<vmem>>) semaphore(%arg15 : memref<!tpu.dma_semaphore, #tpu.memory_space<semaphore_mem>>)
    %dma_wait3A_119 = arith.constant 8 : i32
    %dma_wait3A_120 = arith.constant 0 : i32
    %dma_wait3A_121 = tpu.memref_slice %arg7[%dma_wait3A_119, %dma_wait3A_120] : memref<156x128xi32, #tpu.memory_space<vmem>> -> memref<1x128xi32, #tpu.memory_space<vmem>>
    %dma_wait3A_122 = tpu.memref_squeeze %dma_wait3A_121 : memref<1x128xi32, #tpu.memory_space<vmem>> -> memref<128xi32, #tpu.memory_space<vmem>>
    %dma_wait3A_123 = arith.constant 0 : i32
    %dma_wait3A_124 = arith.constant 0 : i32
    %dma_wait3A_125 = tpu.memref_slice %arg3[%dma_wait3A_123, %dma_wait3A_124] : memref<10000x64xf32, #tpu.memory_space<hbm>> -> memref<10000x64xf32, #tpu.memory_space<hbm>>
    tpu.wait_indirect_dma semaphore(%arg19 : memref<!tpu.dma_semaphore, #tpu.memory_space<semaphore_mem>>) src(%dma_wait3A_125 : memref<10000x64xf32, #tpu.memory_space<hbm>>) dst(%arg13 : memref<128x64xf32, #tpu.memory_space<vmem>>)
    %dma_start3A_126 = arith.constant 9 : i32
    %dma_start3A_127 = arith.constant 0 : i32
    %dma_start3A_128 = tpu.memref_slice %arg7[%dma_start3A_126, %dma_start3A_127] : memref<156x128xi32, #tpu.memory_space<vmem>> -> memref<1x128xi32, #tpu.memory_space<vmem>>
    %dma_start3A_129 = tpu.memref_squeeze %dma_start3A_128 : memref<1x128xi32, #tpu.memory_space<vmem>> -> memref<128xi32, #tpu.memory_space<vmem>>
    %dma_start3A_130 = arith.constant 0 : i32
    %dma_start3A_131 = arith.constant 0 : i32
    %dma_start3A_132 = tpu.memref_slice %arg27[%dma_start3A_130, %dma_start3A_131] : memref<10000x64xf32, #tpu.memory_space<vmem_shared>> -> memref<10000x64xf32, #tpu.memory_space<vmem_shared>>
    tpu.enqueue_indirect_dma source(%arg13 : memref<128x64xf32, #tpu.memory_space<vmem>>) target(%dma_start3A_132 : memref<10000x64xf32, #tpu.memory_space<vmem_shared>>) offsets(%dma_start3A_129 : memref<128xi32, #tpu.memory_space<vmem>>) semaphore(%arg25 : memref<!tpu.dma_semaphore, #tpu.memory_space<semaphore_mem>>) {add = true}
    %dma_wait3A_133 = arith.constant 3 : i32
    %dma_wait3A_134 = arith.constant 0 : i32
    %dma_wait3A_135 = tpu.memref_slice %arg7[%dma_wait3A_133, %dma_wait3A_134] : memref<156x128xi32, #tpu.memory_space<vmem>> -> memref<1x128xi32, #tpu.memory_space<vmem>>
    %dma_wait3A_136 = tpu.memref_squeeze %dma_wait3A_135 : memref<1x128xi32, #tpu.memory_space<vmem>> -> memref<128xi32, #tpu.memory_space<vmem>>
    %dma_wait3A_137 = arith.constant 0 : i32
    %dma_wait3A_138 = arith.constant 0 : i32
    %dma_wait3A_139 = tpu.memref_slice %arg27[%dma_wait3A_137, %dma_wait3A_138] : memref<10000x64xf32, #tpu.memory_space<vmem_shared>> -> memref<10000x64xf32, #tpu.memory_space<vmem_shared>>
    tpu.wait_indirect_dma semaphore(%arg22 : memref<!tpu.dma_semaphore, #tpu.memory_space<semaphore_mem>>) src(%arg10 : memref<128x64xf32, #tpu.memory_space<vmem>>) dst(%dma_wait3A_139 : memref<10000x64xf32, #tpu.memory_space<vmem_shared>>)
    %dma_start3A_140 = arith.constant 14 : i32
    %dma_start3A_141 = arith.constant 0 : i32
    %dma_start3A_142 = tpu.memref_slice %arg7[%dma_start3A_140, %dma_start3A_141] : memref<156x128xi32, #tpu.memory_space<vmem>> -> memref<1x128xi32, #tpu.memory_space<vmem>>
    %dma_start3A_143 = tpu.memref_squeeze %dma_start3A_142 : memref<1x128xi32, #tpu.memory_space<vmem>> -> memref<128xi32, #tpu.memory_space<vmem>>
    %dma_start3A_144 = arith.constant 0 : i32
    %dma_start3A_145 = arith.constant 0 : i32
    %dma_start3A_146 = tpu.memref_slice %arg3[%dma_start3A_144, %dma_start3A_145] : memref<10000x64xf32, #tpu.memory_space<hbm>> -> memref<10000x64xf32, #tpu.memory_space<hbm>>
    tpu.enqueue_indirect_dma source(%dma_start3A_146 : memref<10000x64xf32, #tpu.memory_space<hbm>>) target(%arg10 : memref<128x64xf32, #tpu.memory_space<vmem>>) offsets(%dma_start3A_143 : memref<128xi32, #tpu.memory_space<vmem>>) semaphore(%arg16 : memref<!tpu.dma_semaphore, #tpu.memory_space<semaphore_mem>>)
    %dma_wait3A_147 = arith.constant 10 : i32
    %dma_wait3A_148 = arith.constant 0 : i32
    %dma_wait3A_149 = tpu.memref_slice %arg7[%dma_wait3A_147, %dma_wait3A_148] : memref<156x128xi32, #tpu.memory_space<vmem>> -> memref<1x128xi32, #tpu.memory_space<vmem>>
    %dma_wait3A_150 = tpu.memref_squeeze %dma_wait3A_149 : memref<1x128xi32, #tpu.memory_space<vmem>> -> memref<128xi32, #tpu.memory_space<vmem>>
    %dma_wait3A_151 = arith.constant 0 : i32
    %dma_wait3A_152 = arith.constant 0 : i32
    %dma_wait3A_153 = tpu.memref_slice %arg3[%dma_wait3A_151, %dma_wait3A_152] : memref<10000x64xf32, #tpu.memory_space<hbm>> -> memref<10000x64xf32, #tpu.memory_space<hbm>>
    tpu.wait_indirect_dma semaphore(%arg20 : memref<!tpu.dma_semaphore, #tpu.memory_space<semaphore_mem>>) src(%dma_wait3A_153 : memref<10000x64xf32, #tpu.memory_space<hbm>>) dst(%arg14 : memref<128x64xf32, #tpu.memory_space<vmem>>)
    %dma_start3A_154 = arith.constant 11 : i32
    %dma_start3A_155 = arith.constant 0 : i32
    %dma_start3A_156 = tpu.memref_slice %arg7[%dma_start3A_154, %dma_start3A_155] : memref<156x128xi32, #tpu.memory_space<vmem>> -> memref<1x128xi32, #tpu.memory_space<vmem>>
    %dma_start3A_157 = tpu.memref_squeeze %dma_start3A_156 : memref<1x128xi32, #tpu.memory_space<vmem>> -> memref<128xi32, #tpu.memory_space<vmem>>
    %dma_start3A_158 = arith.constant 0 : i32
    %dma_start3A_159 = arith.constant 0 : i32
    %dma_start3A_160 = tpu.memref_slice %arg27[%dma_start3A_158, %dma_start3A_159] : memref<10000x64xf32, #tpu.memory_space<vmem_shared>> -> memref<10000x64xf32, #tpu.memory_space<vmem_shared>>
    tpu.enqueue_indirect_dma source(%arg14 : memref<128x64xf32, #tpu.memory_space<vmem>>) target(%dma_start3A_160 : memref<10000x64xf32, #tpu.memory_space<vmem_shared>>) offsets(%dma_start3A_157 : memref<128xi32, #tpu.memory_space<vmem>>) semaphore(%arg26 : memref<!tpu.dma_semaphore, #tpu.memory_space<semaphore_mem>>) {add = true}
    %dma_wait3A_161 = arith.constant 5 : i32
    %dma_wait3A_162 = arith.constant 0 : i32
    %dma_wait3A_163 = tpu.memref_slice %arg7[%dma_wait3A_161, %dma_wait3A_162] : memref<156x128xi32, #tpu.memory_space<vmem>> -> memref<1x128xi32, #tpu.memory_space<vmem>>
    %dma_wait3A_164 = tpu.memref_squeeze %dma_wait3A_163 : memref<1x128xi32, #tpu.memory_space<vmem>> -> memref<128xi32, #tpu.memory_space<vmem>>
    %dma_wait3A_165 = arith.constant 0 : i32
    %dma_wait3A_166 = arith.constant 0 : i32
    %dma_wait3A_167 = tpu.memref_slice %arg27[%dma_wait3A_165, %dma_wait3A_166] : memref<10000x64xf32, #tpu.memory_space<vmem_shared>> -> memref<10000x64xf32, #tpu.memory_space<vmem_shared>>
    tpu.wait_indirect_dma semaphore(%arg23 : memref<!tpu.dma_semaphore, #tpu.memory_space<semaphore_mem>>) src(%arg11 : memref<128x64xf32, #tpu.memory_space<vmem>>) dst(%dma_wait3A_167 : memref<10000x64xf32, #tpu.memory_space<vmem_shared>>)
    %dma_start3A_168 = arith.constant 16 : i32
    %dma_start3A_169 = arith.constant 0 : i32
    %dma_start3A_170 = tpu.memref_slice %arg7[%dma_start3A_168, %dma_start3A_169] : memref<156x128xi32, #tpu.memory_space<vmem>> -> memref<1x128xi32, #tpu.memory_space<vmem>>
    %dma_start3A_171 = tpu.memref_squeeze %dma_start3A_170 : memref<1x128xi32, #tpu.memory_space<vmem>> -> memref<128xi32, #tpu.memory_space<vmem>>
    %dma_start3A_172 = arith.constant 0 : i32
    %dma_start3A_173 = arith.constant 0 : i32
    %dma_start3A_174 = tpu.memref_slice %arg3[%dma_start3A_172, %dma_start3A_173] : memref<10000x64xf32, #tpu.memory_space<hbm>> -> memref<10000x64xf32, #tpu.memory_space<hbm>>
    tpu.enqueue_indirect_dma source(%dma_start3A_174 : memref<10000x64xf32, #tpu.memory_space<hbm>>) target(%arg11 : memref<128x64xf32, #tpu.memory_space<vmem>>) offsets(%dma_start3A_171 : memref<128xi32, #tpu.memory_space<vmem>>) semaphore(%arg17 : memref<!tpu.dma_semaphore, #tpu.memory_space<semaphore_mem>>)
    %scan3A = arith.constant 0 : i32
    %scan3A_175 = arith.constant 1 : i32
    %scan3A_176 = arith.constant 12 : i32
    %scan3A_177 = arith.addi %scan3A_175, %scan3A_176 : i32
    %scan3A_178 = arith.constant 1 : i32
    scf.for %scan3A_237 = %scan3A_175 to %scan3A_177 step %scan3A_178  : i32 {
      %mul3A_238 = arith.constant 6 : i32
      %mul3A_239 = arith.muli %mul3A_238, %scan3A_237 : i32
      %mul3A_240 = arith.constant 2 : i32
      %mul3A_241 = arith.muli %mul3A_240, %mul3A_239 : i32
      %dma_wait3A_242 = arith.constant 0 : i32
      %dma_wait3A_243 = tpu.memref_slice %arg7[%mul3A_241, %dma_wait3A_242] : memref<156x128xi32, #tpu.memory_space<vmem>> -> memref<1x128xi32, #tpu.memory_space<vmem>>
      %dma_wait3A_244 = tpu.memref_squeeze %dma_wait3A_243 : memref<1x128xi32, #tpu.memory_space<vmem>> -> memref<128xi32, #tpu.memory_space<vmem>>
      %dma_wait3A_245 = arith.constant 0 : i32
      %dma_wait3A_246 = arith.constant 0 : i32
      %dma_wait3A_247 = tpu.memref_slice %arg3[%dma_wait3A_245, %dma_wait3A_246] : memref<10000x64xf32, #tpu.memory_space<hbm>> -> memref<10000x64xf32, #tpu.memory_space<hbm>>
      tpu.wait_indirect_dma semaphore(%arg15 : memref<!tpu.dma_semaphore, #tpu.memory_space<semaphore_mem>>) src(%dma_wait3A_247 : memref<10000x64xf32, #tpu.memory_space<hbm>>) dst(%arg9 : memref<128x64xf32, #tpu.memory_space<vmem>>)
      %mul3A_248 = arith.constant 2 : i32
      %mul3A_249 = arith.muli %mul3A_248, %mul3A_239 : i32
      %add3A_250 = arith.constant 1 : i32
      %add3A_251 = arith.addi %mul3A_249, %add3A_250 : i32
      %dma_start3A_252 = arith.constant 0 : i32
      %dma_start3A_253 = tpu.memref_slice %arg7[%add3A_251, %dma_start3A_252] : memref<156x128xi32, #tpu.memory_space<vmem>> -> memref<1x128xi32, #tpu.memory_space<vmem>>
      %dma_start3A_254 = tpu.memref_squeeze %dma_start3A_253 : memref<1x128xi32, #tpu.memory_space<vmem>> -> memref<128xi32, #tpu.memory_space<vmem>>
      %dma_start3A_255 = arith.constant 0 : i32
      %dma_start3A_256 = arith.constant 0 : i32
      %dma_start3A_257 = tpu.memref_slice %arg27[%dma_start3A_255, %dma_start3A_256] : memref<10000x64xf32, #tpu.memory_space<vmem_shared>> -> memref<10000x64xf32, #tpu.memory_space<vmem_shared>>
      tpu.enqueue_indirect_dma source(%arg9 : memref<128x64xf32, #tpu.memory_space<vmem>>) target(%dma_start3A_257 : memref<10000x64xf32, #tpu.memory_space<vmem_shared>>) offsets(%dma_start3A_254 : memref<128xi32, #tpu.memory_space<vmem>>) semaphore(%arg21 : memref<!tpu.dma_semaphore, #tpu.memory_space<semaphore_mem>>) {add = true}
      %sub3A = arith.constant 3 : i32
      %sub3A_258 = arith.subi %mul3A_239, %sub3A : i32
      %mul3A_259 = arith.constant 2 : i32
      %mul3A_260 = arith.muli %mul3A_259, %sub3A_258 : i32
      %add3A_261 = arith.constant 1 : i32
      %add3A_262 = arith.addi %mul3A_260, %add3A_261 : i32
      %dma_wait3A_263 = arith.constant 0 : i32
      %dma_wait3A_264 = tpu.memref_slice %arg7[%add3A_262, %dma_wait3A_263] : memref<156x128xi32, #tpu.memory_space<vmem>> -> memref<1x128xi32, #tpu.memory_space<vmem>>
      %dma_wait3A_265 = tpu.memref_squeeze %dma_wait3A_264 : memref<1x128xi32, #tpu.memory_space<vmem>> -> memref<128xi32, #tpu.memory_space<vmem>>
      %dma_wait3A_266 = arith.constant 0 : i32
      %dma_wait3A_267 = arith.constant 0 : i32
      %dma_wait3A_268 = tpu.memref_slice %arg27[%dma_wait3A_266, %dma_wait3A_267] : memref<10000x64xf32, #tpu.memory_space<vmem_shared>> -> memref<10000x64xf32, #tpu.memory_space<vmem_shared>>
      tpu.wait_indirect_dma semaphore(%arg24 : memref<!tpu.dma_semaphore, #tpu.memory_space<semaphore_mem>>) src(%arg12 : memref<128x64xf32, #tpu.memory_space<vmem>>) dst(%dma_wait3A_268 : memref<10000x64xf32, #tpu.memory_space<vmem_shared>>)
      %add3A_269 = arith.constant 3 : i32
      %add3A_270 = arith.addi %mul3A_239, %add3A_269 : i32
      %mul3A_271 = arith.constant 2 : i32
      %mul3A_272 = arith.muli %mul3A_271, %add3A_270 : i32
      %dma_start3A_273 = arith.constant 0 : i32
      %dma_start3A_274 = tpu.memref_slice %arg7[%mul3A_272, %dma_start3A_273] : memref<156x128xi32, #tpu.memory_space<vmem>> -> memref<1x128xi32, #tpu.memory_space<vmem>>
      %dma_start3A_275 = tpu.memref_squeeze %dma_start3A_274 : memref<1x128xi32, #tpu.memory_space<vmem>> -> memref<128xi32, #tpu.memory_space<vmem>>
      %dma_start3A_276 = arith.constant 0 : i32
      %dma_start3A_277 = arith.constant 0 : i32
      %dma_start3A_278 = tpu.memref_slice %arg3[%dma_start3A_276, %dma_start3A_277] : memref<10000x64xf32, #tpu.memory_space<hbm>> -> memref<10000x64xf32, #tpu.memory_space<hbm>>
      tpu.enqueue_indirect_dma source(%dma_start3A_278 : memref<10000x64xf32, #tpu.memory_space<hbm>>) target(%arg12 : memref<128x64xf32, #tpu.memory_space<vmem>>) offsets(%dma_start3A_275 : memref<128xi32, #tpu.memory_space<vmem>>) semaphore(%arg18 : memref<!tpu.dma_semaphore, #tpu.memory_space<semaphore_mem>>)
      %add3A_279 = arith.constant 1 : i32
      %add3A_280 = arith.addi %mul3A_239, %add3A_279 : i32
      %mul3A_281 = arith.constant 2 : i32
      %mul3A_282 = arith.muli %mul3A_281, %add3A_280 : i32
      %dma_wait3A_283 = arith.constant 0 : i32
      %dma_wait3A_284 = tpu.memref_slice %arg7[%mul3A_282, %dma_wait3A_283] : memref<156x128xi32, #tpu.memory_space<vmem>> -> memref<1x128xi32, #tpu.memory_space<vmem>>
      %dma_wait3A_285 = tpu.memref_squeeze %dma_wait3A_284 : memref<1x128xi32, #tpu.memory_space<vmem>> -> memref<128xi32, #tpu.memory_space<vmem>>
      %dma_wait3A_286 = arith.constant 0 : i32
      %dma_wait3A_287 = arith.constant 0 : i32
      %dma_wait3A_288 = tpu.memref_slice %arg3[%dma_wait3A_286, %dma_wait3A_287] : memref<10000x64xf32, #tpu.memory_space<hbm>> -> memref<10000x64xf32, #tpu.memory_space<hbm>>
      tpu.wait_indirect_dma semaphore(%arg16 : memref<!tpu.dma_semaphore, #tpu.memory_space<semaphore_mem>>) src(%dma_wait3A_288 : memref<10000x64xf32, #tpu.memory_space<hbm>>) dst(%arg10 : memref<128x64xf32, #tpu.memory_space<vmem>>)
      %mul3A_289 = arith.constant 2 : i32
      %mul3A_290 = arith.muli %mul3A_289, %add3A_280 : i32
      %add3A_291 = arith.constant 1 : i32
      %add3A_292 = arith.addi %mul3A_290, %add3A_291 : i32
      %dma_start3A_293 = arith.constant 0 : i32
      %dma_start3A_294 = tpu.memref_slice %arg7[%add3A_292, %dma_start3A_293] : memref<156x128xi32, #tpu.memory_space<vmem>> -> memref<1x128xi32, #tpu.memory_space<vmem>>
      %dma_start3A_295 = tpu.memref_squeeze %dma_start3A_294 : memref<1x128xi32, #tpu.memory_space<vmem>> -> memref<128xi32, #tpu.memory_space<vmem>>
      %dma_start3A_296 = arith.constant 0 : i32
      %dma_start3A_297 = arith.constant 0 : i32
      %dma_start3A_298 = tpu.memref_slice %arg27[%dma_start3A_296, %dma_start3A_297] : memref<10000x64xf32, #tpu.memory_space<vmem_shared>> -> memref<10000x64xf32, #tpu.memory_space<vmem_shared>>
      tpu.enqueue_indirect_dma source(%arg10 : memref<128x64xf32, #tpu.memory_space<vmem>>) target(%dma_start3A_298 : memref<10000x64xf32, #tpu.memory_space<vmem_shared>>) offsets(%dma_start3A_295 : memref<128xi32, #tpu.memory_space<vmem>>) semaphore(%arg22 : memref<!tpu.dma_semaphore, #tpu.memory_space<semaphore_mem>>) {add = true}
      %sub3A_299 = arith.constant 3 : i32
      %sub3A_300 = arith.subi %add3A_280, %sub3A_299 : i32
      %mul3A_301 = arith.constant 2 : i32
      %mul3A_302 = arith.muli %mul3A_301, %sub3A_300 : i32
      %add3A_303 = arith.constant 1 : i32
      %add3A_304 = arith.addi %mul3A_302, %add3A_303 : i32
      %dma_wait3A_305 = arith.constant 0 : i32
      %dma_wait3A_306 = tpu.memref_slice %arg7[%add3A_304, %dma_wait3A_305] : memref<156x128xi32, #tpu.memory_space<vmem>> -> memref<1x128xi32, #tpu.memory_space<vmem>>
      %dma_wait3A_307 = tpu.memref_squeeze %dma_wait3A_306 : memref<1x128xi32, #tpu.memory_space<vmem>> -> memref<128xi32, #tpu.memory_space<vmem>>
      %dma_wait3A_308 = arith.constant 0 : i32
      %dma_wait3A_309 = arith.constant 0 : i32
      %dma_wait3A_310 = tpu.memref_slice %arg27[%dma_wait3A_308, %dma_wait3A_309] : memref<10000x64xf32, #tpu.memory_space<vmem_shared>> -> memref<10000x64xf32, #tpu.memory_space<vmem_shared>>
      tpu.wait_indirect_dma semaphore(%arg25 : memref<!tpu.dma_semaphore, #tpu.memory_space<semaphore_mem>>) src(%arg13 : memref<128x64xf32, #tpu.memory_space<vmem>>) dst(%dma_wait3A_310 : memref<10000x64xf32, #tpu.memory_space<vmem_shared>>)
      %add3A_311 = arith.constant 3 : i32
      %add3A_312 = arith.addi %add3A_280, %add3A_311 : i32
      %mul3A_313 = arith.constant 2 : i32
      %mul3A_314 = arith.muli %mul3A_313, %add3A_312 : i32
      %dma_start3A_315 = arith.constant 0 : i32
      %dma_start3A_316 = tpu.memref_slice %arg7[%mul3A_314, %dma_start3A_315] : memref<156x128xi32, #tpu.memory_space<vmem>> -> memref<1x128xi32, #tpu.memory_space<vmem>>
      %dma_start3A_317 = tpu.memref_squeeze %dma_start3A_316 : memref<1x128xi32, #tpu.memory_space<vmem>> -> memref<128xi32, #tpu.memory_space<vmem>>
      %dma_start3A_318 = arith.constant 0 : i32
      %dma_start3A_319 = arith.constant 0 : i32
      %dma_start3A_320 = tpu.memref_slice %arg3[%dma_start3A_318, %dma_start3A_319] : memref<10000x64xf32, #tpu.memory_space<hbm>> -> memref<10000x64xf32, #tpu.memory_space<hbm>>
      tpu.enqueue_indirect_dma source(%dma_start3A_320 : memref<10000x64xf32, #tpu.memory_space<hbm>>) target(%arg13 : memref<128x64xf32, #tpu.memory_space<vmem>>) offsets(%dma_start3A_317 : memref<128xi32, #tpu.memory_space<vmem>>) semaphore(%arg19 : memref<!tpu.dma_semaphore, #tpu.memory_space<semaphore_mem>>)
      %add3A_321 = arith.constant 2 : i32
      %add3A_322 = arith.addi %mul3A_239, %add3A_321 : i32
      %mul3A_323 = arith.constant 2 : i32
      %mul3A_324 = arith.muli %mul3A_323, %add3A_322 : i32
      %dma_wait3A_325 = arith.constant 0 : i32
      %dma_wait3A_326 = tpu.memref_slice %arg7[%mul3A_324, %dma_wait3A_325] : memref<156x128xi32, #tpu.memory_space<vmem>> -> memref<1x128xi32, #tpu.memory_space<vmem>>
      %dma_wait3A_327 = tpu.memref_squeeze %dma_wait3A_326 : memref<1x128xi32, #tpu.memory_space<vmem>> -> memref<128xi32, #tpu.memory_space<vmem>>
      %dma_wait3A_328 = arith.constant 0 : i32
      %dma_wait3A_329 = arith.constant 0 : i32
      %dma_wait3A_330 = tpu.memref_slice %arg3[%dma_wait3A_328, %dma_wait3A_329] : memref<10000x64xf32, #tpu.memory_space<hbm>> -> memref<10000x64xf32, #tpu.memory_space<hbm>>
      tpu.wait_indirect_dma semaphore(%arg17 : memref<!tpu.dma_semaphore, #tpu.memory_space<semaphore_mem>>) src(%dma_wait3A_330 : memref<10000x64xf32, #tpu.memory_space<hbm>>) dst(%arg11 : memref<128x64xf32, #tpu.memory_space<vmem>>)
      %mul3A_331 = arith.constant 2 : i32
      %mul3A_332 = arith.muli %mul3A_331, %add3A_322 : i32
      %add3A_333 = arith.constant 1 : i32
      %add3A_334 = arith.addi %mul3A_332, %add3A_333 : i32
      %dma_start3A_335 = arith.constant 0 : i32
      %dma_start3A_336 = tpu.memref_slice %arg7[%add3A_334, %dma_start3A_335] : memref<156x128xi32, #tpu.memory_space<vmem>> -> memref<1x128xi32, #tpu.memory_space<vmem>>
      %dma_start3A_337 = tpu.memref_squeeze %dma_start3A_336 : memref<1x128xi32, #tpu.memory_space<vmem>> -> memref<128xi32, #tpu.memory_space<vmem>>
      %dma_start3A_338 = arith.constant 0 : i32
      %dma_start3A_339 = arith.constant 0 : i32
      %dma_start3A_340 = tpu.memref_slice %arg27[%dma_start3A_338, %dma_start3A_339] : memref<10000x64xf32, #tpu.memory_space<vmem_shared>> -> memref<10000x64xf32, #tpu.memory_space<vmem_shared>>
      tpu.enqueue_indirect_dma source(%arg11 : memref<128x64xf32, #tpu.memory_space<vmem>>) target(%dma_start3A_340 : memref<10000x64xf32, #tpu.memory_space<vmem_shared>>) offsets(%dma_start3A_337 : memref<128xi32, #tpu.memory_space<vmem>>) semaphore(%arg23 : memref<!tpu.dma_semaphore, #tpu.memory_space<semaphore_mem>>) {add = true}
      %sub3A_341 = arith.constant 3 : i32
      %sub3A_342 = arith.subi %add3A_322, %sub3A_341 : i32
      %mul3A_343 = arith.constant 2 : i32
      %mul3A_344 = arith.muli %mul3A_343, %sub3A_342 : i32
      %add3A_345 = arith.constant 1 : i32
      %add3A_346 = arith.addi %mul3A_344, %add3A_345 : i32
      %dma_wait3A_347 = arith.constant 0 : i32
      %dma_wait3A_348 = tpu.memref_slice %arg7[%add3A_346, %dma_wait3A_347] : memref<156x128xi32, #tpu.memory_space<vmem>> -> memref<1x128xi32, #tpu.memory_space<vmem>>
      %dma_wait3A_349 = tpu.memref_squeeze %dma_wait3A_348 : memref<1x128xi32, #tpu.memory_space<vmem>> -> memref<128xi32, #tpu.memory_space<vmem>>
      %dma_wait3A_350 = arith.constant 0 : i32
      %dma_wait3A_351 = arith.constant 0 : i32
      %dma_wait3A_352 = tpu.memref_slice %arg27[%dma_wait3A_350, %dma_wait3A_351] : memref<10000x64xf32, #tpu.memory_space<vmem_shared>> -> memref<10000x64xf32, #tpu.memory_space<vmem_shared>>
      tpu.wait_indirect_dma semaphore(%arg26 : memref<!tpu.dma_semaphore, #tpu.memory_space<semaphore_mem>>) src(%arg14 : memref<128x64xf32, #tpu.memory_space<vmem>>) dst(%dma_wait3A_352 : memref<10000x64xf32, #tpu.memory_space<vmem_shared>>)
      %add3A_353 = arith.constant 3 : i32
      %add3A_354 = arith.addi %add3A_322, %add3A_353 : i32
      %mul3A_355 = arith.constant 2 : i32
      %mul3A_356 = arith.muli %mul3A_355, %add3A_354 : i32
      %dma_start3A_357 = arith.constant 0 : i32
      %dma_start3A_358 = tpu.memref_slice %arg7[%mul3A_356, %dma_start3A_357] : memref<156x128xi32, #tpu.memory_space<vmem>> -> memref<1x128xi32, #tpu.memory_space<vmem>>
      %dma_start3A_359 = tpu.memref_squeeze %dma_start3A_358 : memref<1x128xi32, #tpu.memory_space<vmem>> -> memref<128xi32, #tpu.memory_space<vmem>>
      %dma_start3A_360 = arith.constant 0 : i32
      %dma_start3A_361 = arith.constant 0 : i32
      %dma_start3A_362 = tpu.memref_slice %arg3[%dma_start3A_360, %dma_start3A_361] : memref<10000x64xf32, #tpu.memory_space<hbm>> -> memref<10000x64xf32, #tpu.memory_space<hbm>>
      tpu.enqueue_indirect_dma source(%dma_start3A_362 : memref<10000x64xf32, #tpu.memory_space<hbm>>) target(%arg14 : memref<128x64xf32, #tpu.memory_space<vmem>>) offsets(%dma_start3A_359 : memref<128xi32, #tpu.memory_space<vmem>>) semaphore(%arg20 : memref<!tpu.dma_semaphore, #tpu.memory_space<semaphore_mem>>)
      %add3A_363 = arith.constant 3 : i32
      %add3A_364 = arith.addi %mul3A_239, %add3A_363 : i32
      %mul3A_365 = arith.constant 2 : i32
      %mul3A_366 = arith.muli %mul3A_365, %add3A_364 : i32
      %dma_wait3A_367 = arith.constant 0 : i32
      %dma_wait3A_368 = tpu.memref_slice %arg7[%mul3A_366, %dma_wait3A_367] : memref<156x128xi32, #tpu.memory_space<vmem>> -> memref<1x128xi32, #tpu.memory_space<vmem>>
      %dma_wait3A_369 = tpu.memref_squeeze %dma_wait3A_368 : memref<1x128xi32, #tpu.memory_space<vmem>> -> memref<128xi32, #tpu.memory_space<vmem>>
      %dma_wait3A_370 = arith.constant 0 : i32
      %dma_wait3A_371 = arith.constant 0 : i32
      %dma_wait3A_372 = tpu.memref_slice %arg3[%dma_wait3A_370, %dma_wait3A_371] : memref<10000x64xf32, #tpu.memory_space<hbm>> -> memref<10000x64xf32, #tpu.memory_space<hbm>>
      tpu.wait_indirect_dma semaphore(%arg18 : memref<!tpu.dma_semaphore, #tpu.memory_space<semaphore_mem>>) src(%dma_wait3A_372 : memref<10000x64xf32, #tpu.memory_space<hbm>>) dst(%arg12 : memref<128x64xf32, #tpu.memory_space<vmem>>)
      %mul3A_373 = arith.constant 2 : i32
      %mul3A_374 = arith.muli %mul3A_373, %add3A_364 : i32
      %add3A_375 = arith.constant 1 : i32
      %add3A_376 = arith.addi %mul3A_374, %add3A_375 : i32
      %dma_start3A_377 = arith.constant 0 : i32
      %dma_start3A_378 = tpu.memref_slice %arg7[%add3A_376, %dma_start3A_377] : memref<156x128xi32, #tpu.memory_space<vmem>> -> memref<1x128xi32, #tpu.memory_space<vmem>>
      %dma_start3A_379 = tpu.memref_squeeze %dma_start3A_378 : memref<1x128xi32, #tpu.memory_space<vmem>> -> memref<128xi32, #tpu.memory_space<vmem>>
      %dma_start3A_380 = arith.constant 0 : i32
      %dma_start3A_381 = arith.constant 0 : i32
      %dma_start3A_382 = tpu.memref_slice %arg27[%dma_start3A_380, %dma_start3A_381] : memref<10000x64xf32, #tpu.memory_space<vmem_shared>> -> memref<10000x64xf32, #tpu.memory_space<vmem_shared>>
      tpu.enqueue_indirect_dma source(%arg12 : memref<128x64xf32, #tpu.memory_space<vmem>>) target(%dma_start3A_382 : memref<10000x64xf32, #tpu.memory_space<vmem_shared>>) offsets(%dma_start3A_379 : memref<128xi32, #tpu.memory_space<vmem>>) semaphore(%arg24 : memref<!tpu.dma_semaphore, #tpu.memory_space<semaphore_mem>>) {add = true}
      %add3A_383 = arith.constant 3 : i32
      %add3A_384 = arith.addi %add3A_364, %add3A_383 : i32
      %lt3A_385 = arith.constant 78 : i32
      %lt3A_386 = arith.cmpi slt, %add3A_384, %lt3A_385 : i32
      %convert_element_type3A_387 = arith.extui %lt3A_386 : i1 to i32
      %cond3A_388 = arith.constant 0 : i32
      %cond3A_389 = arith.cmpi ne, %convert_element_type3A_387, %cond3A_388 : i32
      scf.if %cond3A_389 {
        %sub3A_444 = arith.constant 3 : i32
        %sub3A_445 = arith.subi %add3A_364, %sub3A_444 : i32
        %mul3A_446 = arith.constant 2 : i32
        %mul3A_447 = arith.muli %mul3A_446, %sub3A_445 : i32
        %add3A_448 = arith.constant 1 : i32
        %add3A_449 = arith.addi %mul3A_447, %add3A_448 : i32
        %dma_wait3A_450 = arith.constant 0 : i32
        %dma_wait3A_451 = tpu.memref_slice %arg7[%add3A_449, %dma_wait3A_450] : memref<156x128xi32, #tpu.memory_space<vmem>> -> memref<1x128xi32, #tpu.memory_space<vmem>>
        %dma_wait3A_452 = tpu.memref_squeeze %dma_wait3A_451 : memref<1x128xi32, #tpu.memory_space<vmem>> -> memref<128xi32, #tpu.memory_space<vmem>>
        %dma_wait3A_453 = arith.constant 0 : i32
        %dma_wait3A_454 = arith.constant 0 : i32
        %dma_wait3A_455 = tpu.memref_slice %arg27[%dma_wait3A_453, %dma_wait3A_454] : memref<10000x64xf32, #tpu.memory_space<vmem_shared>> -> memref<10000x64xf32, #tpu.memory_space<vmem_shared>>
        tpu.wait_indirect_dma semaphore(%arg21 : memref<!tpu.dma_semaphore, #tpu.memory_space<semaphore_mem>>) src(%arg9 : memref<128x64xf32, #tpu.memory_space<vmem>>) dst(%dma_wait3A_455 : memref<10000x64xf32, #tpu.memory_space<vmem_shared>>)
        %add3A_456 = arith.constant 3 : i32
        %add3A_457 = arith.addi %add3A_364, %add3A_456 : i32
        %mul3A_458 = arith.constant 2 : i32
        %mul3A_459 = arith.muli %mul3A_458, %add3A_457 : i32
        %dma_start3A_460 = arith.constant 0 : i32
        %dma_start3A_461 = tpu.memref_slice %arg7[%mul3A_459, %dma_start3A_460] : memref<156x128xi32, #tpu.memory_space<vmem>> -> memref<1x128xi32, #tpu.memory_space<vmem>>
        %dma_start3A_462 = tpu.memref_squeeze %dma_start3A_461 : memref<1x128xi32, #tpu.memory_space<vmem>> -> memref<128xi32, #tpu.memory_space<vmem>>
        %dma_start3A_463 = arith.constant 0 : i32
        %dma_start3A_464 = arith.constant 0 : i32
        %dma_start3A_465 = tpu.memref_slice %arg3[%dma_start3A_463, %dma_start3A_464] : memref<10000x64xf32, #tpu.memory_space<hbm>> -> memref<10000x64xf32, #tpu.memory_space<hbm>>
        tpu.enqueue_indirect_dma source(%dma_start3A_465 : memref<10000x64xf32, #tpu.memory_space<hbm>>) target(%arg9 : memref<128x64xf32, #tpu.memory_space<vmem>>) offsets(%dma_start3A_462 : memref<128xi32, #tpu.memory_space<vmem>>) semaphore(%arg15 : memref<!tpu.dma_semaphore, #tpu.memory_space<semaphore_mem>>)
      } else {
      }
      %add3A_390 = arith.constant 4 : i32
      %add3A_391 = arith.addi %mul3A_239, %add3A_390 : i32
      %mul3A_392 = arith.constant 2 : i32
      %mul3A_393 = arith.muli %mul3A_392, %add3A_391 : i32
      %dma_wait3A_394 = arith.constant 0 : i32
      %dma_wait3A_395 = tpu.memref_slice %arg7[%mul3A_393, %dma_wait3A_394] : memref<156x128xi32, #tpu.memory_space<vmem>> -> memref<1x128xi32, #tpu.memory_space<vmem>>
      %dma_wait3A_396 = tpu.memref_squeeze %dma_wait3A_395 : memref<1x128xi32, #tpu.memory_space<vmem>> -> memref<128xi32, #tpu.memory_space<vmem>>
      %dma_wait3A_397 = arith.constant 0 : i32
      %dma_wait3A_398 = arith.constant 0 : i32
      %dma_wait3A_399 = tpu.memref_slice %arg3[%dma_wait3A_397, %dma_wait3A_398] : memref<10000x64xf32, #tpu.memory_space<hbm>> -> memref<10000x64xf32, #tpu.memory_space<hbm>>
      tpu.wait_indirect_dma semaphore(%arg19 : memref<!tpu.dma_semaphore, #tpu.memory_space<semaphore_mem>>) src(%dma_wait3A_399 : memref<10000x64xf32, #tpu.memory_space<hbm>>) dst(%arg13 : memref<128x64xf32, #tpu.memory_space<vmem>>)
      %mul3A_400 = arith.constant 2 : i32
      %mul3A_401 = arith.muli %mul3A_400, %add3A_391 : i32
      %add3A_402 = arith.constant 1 : i32
      %add3A_403 = arith.addi %mul3A_401, %add3A_402 : i32
      %dma_start3A_404 = arith.constant 0 : i32
      %dma_start3A_405 = tpu.memref_slice %arg7[%add3A_403, %dma_start3A_404] : memref<156x128xi32, #tpu.memory_space<vmem>> -> memref<1x128xi32, #tpu.memory_space<vmem>>
      %dma_start3A_406 = tpu.memref_squeeze %dma_start3A_405 : memref<1x128xi32, #tpu.memory_space<vmem>> -> memref<128xi32, #tpu.memory_space<vmem>>
      %dma_start3A_407 = arith.constant 0 : i32
      %dma_start3A_408 = arith.constant 0 : i32
      %dma_start3A_409 = tpu.memref_slice %arg27[%dma_start3A_407, %dma_start3A_408] : memref<10000x64xf32, #tpu.memory_space<vmem_shared>> -> memref<10000x64xf32, #tpu.memory_space<vmem_shared>>
      tpu.enqueue_indirect_dma source(%arg13 : memref<128x64xf32, #tpu.memory_space<vmem>>) target(%dma_start3A_409 : memref<10000x64xf32, #tpu.memory_space<vmem_shared>>) offsets(%dma_start3A_406 : memref<128xi32, #tpu.memory_space<vmem>>) semaphore(%arg25 : memref<!tpu.dma_semaphore, #tpu.memory_space<semaphore_mem>>) {add = true}
      %add3A_410 = arith.constant 3 : i32
      %add3A_411 = arith.addi %add3A_391, %add3A_410 : i32
      %lt3A_412 = arith.constant 78 : i32
      %lt3A_413 = arith.cmpi slt, %add3A_411, %lt3A_412 : i32
      %convert_element_type3A_414 = arith.extui %lt3A_413 : i1 to i32
      %cond3A_415 = arith.constant 0 : i32
      %cond3A_416 = arith.cmpi ne, %convert_element_type3A_414, %cond3A_415 : i32
      scf.if %cond3A_416 {
        %sub3A_444 = arith.constant 3 : i32
        %sub3A_445 = arith.subi %add3A_391, %sub3A_444 : i32
        %mul3A_446 = arith.constant 2 : i32
        %mul3A_447 = arith.muli %mul3A_446, %sub3A_445 : i32
        %add3A_448 = arith.constant 1 : i32
        %add3A_449 = arith.addi %mul3A_447, %add3A_448 : i32
        %dma_wait3A_450 = arith.constant 0 : i32
        %dma_wait3A_451 = tpu.memref_slice %arg7[%add3A_449, %dma_wait3A_450] : memref<156x128xi32, #tpu.memory_space<vmem>> -> memref<1x128xi32, #tpu.memory_space<vmem>>
        %dma_wait3A_452 = tpu.memref_squeeze %dma_wait3A_451 : memref<1x128xi32, #tpu.memory_space<vmem>> -> memref<128xi32, #tpu.memory_space<vmem>>
        %dma_wait3A_453 = arith.constant 0 : i32
        %dma_wait3A_454 = arith.constant 0 : i32
        %dma_wait3A_455 = tpu.memref_slice %arg27[%dma_wait3A_453, %dma_wait3A_454] : memref<10000x64xf32, #tpu.memory_space<vmem_shared>> -> memref<10000x64xf32, #tpu.memory_space<vmem_shared>>
        tpu.wait_indirect_dma semaphore(%arg22 : memref<!tpu.dma_semaphore, #tpu.memory_space<semaphore_mem>>) src(%arg10 : memref<128x64xf32, #tpu.memory_space<vmem>>) dst(%dma_wait3A_455 : memref<10000x64xf32, #tpu.memory_space<vmem_shared>>)
        %add3A_456 = arith.constant 3 : i32
        %add3A_457 = arith.addi %add3A_391, %add3A_456 : i32
        %mul3A_458 = arith.constant 2 : i32
        %mul3A_459 = arith.muli %mul3A_458, %add3A_457 : i32
        %dma_start3A_460 = arith.constant 0 : i32
        %dma_start3A_461 = tpu.memref_slice %arg7[%mul3A_459, %dma_start3A_460] : memref<156x128xi32, #tpu.memory_space<vmem>> -> memref<1x128xi32, #tpu.memory_space<vmem>>
        %dma_start3A_462 = tpu.memref_squeeze %dma_start3A_461 : memref<1x128xi32, #tpu.memory_space<vmem>> -> memref<128xi32, #tpu.memory_space<vmem>>
        %dma_start3A_463 = arith.constant 0 : i32
        %dma_start3A_464 = arith.constant 0 : i32
        %dma_start3A_465 = tpu.memref_slice %arg3[%dma_start3A_463, %dma_start3A_464] : memref<10000x64xf32, #tpu.memory_space<hbm>> -> memref<10000x64xf32, #tpu.memory_space<hbm>>
        tpu.enqueue_indirect_dma source(%dma_start3A_465 : memref<10000x64xf32, #tpu.memory_space<hbm>>) target(%arg10 : memref<128x64xf32, #tpu.memory_space<vmem>>) offsets(%dma_start3A_462 : memref<128xi32, #tpu.memory_space<vmem>>) semaphore(%arg16 : memref<!tpu.dma_semaphore, #tpu.memory_space<semaphore_mem>>)
      } else {
      }
      %add3A_417 = arith.constant 5 : i32
      %add3A_418 = arith.addi %mul3A_239, %add3A_417 : i32
      %mul3A_419 = arith.constant 2 : i32
      %mul3A_420 = arith.muli %mul3A_419, %add3A_418 : i32
      %dma_wait3A_421 = arith.constant 0 : i32
      %dma_wait3A_422 = tpu.memref_slice %arg7[%mul3A_420, %dma_wait3A_421] : memref<156x128xi32, #tpu.memory_space<vmem>> -> memref<1x128xi32, #tpu.memory_space<vmem>>
      %dma_wait3A_423 = tpu.memref_squeeze %dma_wait3A_422 : memref<1x128xi32, #tpu.memory_space<vmem>> -> memref<128xi32, #tpu.memory_space<vmem>>
      %dma_wait3A_424 = arith.constant 0 : i32
      %dma_wait3A_425 = arith.constant 0 : i32
      %dma_wait3A_426 = tpu.memref_slice %arg3[%dma_wait3A_424, %dma_wait3A_425] : memref<10000x64xf32, #tpu.memory_space<hbm>> -> memref<10000x64xf32, #tpu.memory_space<hbm>>
      tpu.wait_indirect_dma semaphore(%arg20 : memref<!tpu.dma_semaphore, #tpu.memory_space<semaphore_mem>>) src(%dma_wait3A_426 : memref<10000x64xf32, #tpu.memory_space<hbm>>) dst(%arg14 : memref<128x64xf32, #tpu.memory_space<vmem>>)
      %mul3A_427 = arith.constant 2 : i32
      %mul3A_428 = arith.muli %mul3A_427, %add3A_418 : i32
      %add3A_429 = arith.constant 1 : i32
      %add3A_430 = arith.addi %mul3A_428, %add3A_429 : i32
      %dma_start3A_431 = arith.constant 0 : i32
      %dma_start3A_432 = tpu.memref_slice %arg7[%add3A_430, %dma_start3A_431] : memref<156x128xi32, #tpu.memory_space<vmem>> -> memref<1x128xi32, #tpu.memory_space<vmem>>
      %dma_start3A_433 = tpu.memref_squeeze %dma_start3A_432 : memref<1x128xi32, #tpu.memory_space<vmem>> -> memref<128xi32, #tpu.memory_space<vmem>>
      %dma_start3A_434 = arith.constant 0 : i32
      %dma_start3A_435 = arith.constant 0 : i32
      %dma_start3A_436 = tpu.memref_slice %arg27[%dma_start3A_434, %dma_start3A_435] : memref<10000x64xf32, #tpu.memory_space<vmem_shared>> -> memref<10000x64xf32, #tpu.memory_space<vmem_shared>>
      tpu.enqueue_indirect_dma source(%arg14 : memref<128x64xf32, #tpu.memory_space<vmem>>) target(%dma_start3A_436 : memref<10000x64xf32, #tpu.memory_space<vmem_shared>>) offsets(%dma_start3A_433 : memref<128xi32, #tpu.memory_space<vmem>>) semaphore(%arg26 : memref<!tpu.dma_semaphore, #tpu.memory_space<semaphore_mem>>) {add = true}
      %add3A_437 = arith.constant 3 : i32
      %add3A_438 = arith.addi %add3A_418, %add3A_437 : i32
      %lt3A_439 = arith.constant 78 : i32
      %lt3A_440 = arith.cmpi slt, %add3A_438, %lt3A_439 : i32
      %convert_element_type3A_441 = arith.extui %lt3A_440 : i1 to i32
      %cond3A_442 = arith.constant 0 : i32
      %cond3A_443 = arith.cmpi ne, %convert_element_type3A_441, %cond3A_442 : i32
      scf.if %cond3A_443 {
        %sub3A_444 = arith.constant 3 : i32
        %sub3A_445 = arith.subi %add3A_418, %sub3A_444 : i32
        %mul3A_446 = arith.constant 2 : i32
        %mul3A_447 = arith.muli %mul3A_446, %sub3A_445 : i32
        %add3A_448 = arith.constant 1 : i32
        %add3A_449 = arith.addi %mul3A_447, %add3A_448 : i32
        %dma_wait3A_450 = arith.constant 0 : i32
        %dma_wait3A_451 = tpu.memref_slice %arg7[%add3A_449, %dma_wait3A_450] : memref<156x128xi32, #tpu.memory_space<vmem>> -> memref<1x128xi32, #tpu.memory_space<vmem>>
        %dma_wait3A_452 = tpu.memref_squeeze %dma_wait3A_451 : memref<1x128xi32, #tpu.memory_space<vmem>> -> memref<128xi32, #tpu.memory_space<vmem>>
        %dma_wait3A_453 = arith.constant 0 : i32
        %dma_wait3A_454 = arith.constant 0 : i32
        %dma_wait3A_455 = tpu.memref_slice %arg27[%dma_wait3A_453, %dma_wait3A_454] : memref<10000x64xf32, #tpu.memory_space<vmem_shared>> -> memref<10000x64xf32, #tpu.memory_space<vmem_shared>>
        tpu.wait_indirect_dma semaphore(%arg23 : memref<!tpu.dma_semaphore, #tpu.memory_space<semaphore_mem>>) src(%arg11 : memref<128x64xf32, #tpu.memory_space<vmem>>) dst(%dma_wait3A_455 : memref<10000x64xf32, #tpu.memory_space<vmem_shared>>)
        %add3A_456 = arith.constant 3 : i32
        %add3A_457 = arith.addi %add3A_418, %add3A_456 : i32
        %mul3A_458 = arith.constant 2 : i32
        %mul3A_459 = arith.muli %mul3A_458, %add3A_457 : i32
        %dma_start3A_460 = arith.constant 0 : i32
        %dma_start3A_461 = tpu.memref_slice %arg7[%mul3A_459, %dma_start3A_460] : memref<156x128xi32, #tpu.memory_space<vmem>> -> memref<1x128xi32, #tpu.memory_space<vmem>>
        %dma_start3A_462 = tpu.memref_squeeze %dma_start3A_461 : memref<1x128xi32, #tpu.memory_space<vmem>> -> memref<128xi32, #tpu.memory_space<vmem>>
        %dma_start3A_463 = arith.constant 0 : i32
        %dma_start3A_464 = arith.constant 0 : i32
        %dma_start3A_465 = tpu.memref_slice %arg3[%dma_start3A_463, %dma_start3A_464] : memref<10000x64xf32, #tpu.memory_space<hbm>> -> memref<10000x64xf32, #tpu.memory_space<hbm>>
        tpu.enqueue_indirect_dma source(%dma_start3A_465 : memref<10000x64xf32, #tpu.memory_space<hbm>>) target(%arg11 : memref<128x64xf32, #tpu.memory_space<vmem>>) offsets(%dma_start3A_462 : memref<128xi32, #tpu.memory_space<vmem>>) semaphore(%arg17 : memref<!tpu.dma_semaphore, #tpu.memory_space<semaphore_mem>>)
      } else {
      }
    }
    %scan3A_179 = arith.constant 12 : i32
    %dma_wait3A_180 = arith.constant 145 : i32
    %dma_wait3A_181 = arith.constant 0 : i32
    %dma_wait3A_182 = tpu.memref_slice %arg7[%dma_wait3A_180, %dma_wait3A_181] : memref<156x128xi32, #tpu.memory_space<vmem>> -> memref<1x128xi32, #tpu.memory_space<vmem>>
    %dma_wait3A_183 = tpu.memref_squeeze %dma_wait3A_182 : memref<1x128xi32, #tpu.memory_space<vmem>> -> memref<128xi32, #tpu.memory_space<vmem>>
    %dma_wait3A_184 = arith.constant 0 : i32
    %dma_wait3A_185 = arith.constant 0 : i32
    %dma_wait3A_186 = tpu.memref_slice %arg27[%dma_wait3A_184, %dma_wait3A_185] : memref<10000x64xf32, #tpu.memory_space<vmem_shared>> -> memref<10000x64xf32, #tpu.memory_space<vmem_shared>>
    tpu.wait_indirect_dma semaphore(%arg21 : memref<!tpu.dma_semaphore, #tpu.memory_space<semaphore_mem>>) src(%arg9 : memref<128x64xf32, #tpu.memory_space<vmem>>) dst(%dma_wait3A_186 : memref<10000x64xf32, #tpu.memory_space<vmem_shared>>)
    %dma_wait3A_187 = arith.constant 147 : i32
    %dma_wait3A_188 = arith.constant 0 : i32
    %dma_wait3A_189 = tpu.memref_slice %arg7[%dma_wait3A_187, %dma_wait3A_188] : memref<156x128xi32, #tpu.memory_space<vmem>> -> memref<1x128xi32, #tpu.memory_space<vmem>>
    %dma_wait3A_190 = tpu.memref_squeeze %dma_wait3A_189 : memref<1x128xi32, #tpu.memory_space<vmem>> -> memref<128xi32, #tpu.memory_space<vmem>>
    %dma_wait3A_191 = arith.constant 0 : i32
    %dma_wait3A_192 = arith.constant 0 : i32
    %dma_wait3A_193 = tpu.memref_slice %arg27[%dma_wait3A_191, %dma_wait3A_192] : memref<10000x64xf32, #tpu.memory_space<vmem_shared>> -> memref<10000x64xf32, #tpu.memory_space<vmem_shared>>
    tpu.wait_indirect_dma semaphore(%arg22 : memref<!tpu.dma_semaphore, #tpu.memory_space<semaphore_mem>>) src(%arg10 : memref<128x64xf32, #tpu.memory_space<vmem>>) dst(%dma_wait3A_193 : memref<10000x64xf32, #tpu.memory_space<vmem_shared>>)
    %dma_wait3A_194 = arith.constant 149 : i32
    %dma_wait3A_195 = arith.constant 0 : i32
    %dma_wait3A_196 = tpu.memref_slice %arg7[%dma_wait3A_194, %dma_wait3A_195] : memref<156x128xi32, #tpu.memory_space<vmem>> -> memref<1x128xi32, #tpu.memory_space<vmem>>
    %dma_wait3A_197 = tpu.memref_squeeze %dma_wait3A_196 : memref<1x128xi32, #tpu.memory_space<vmem>> -> memref<128xi32, #tpu.memory_space<vmem>>
    %dma_wait3A_198 = arith.constant 0 : i32
    %dma_wait3A_199 = arith.constant 0 : i32
    %dma_wait3A_200 = tpu.memref_slice %arg27[%dma_wait3A_198, %dma_wait3A_199] : memref<10000x64xf32, #tpu.memory_space<vmem_shared>> -> memref<10000x64xf32, #tpu.memory_space<vmem_shared>>
    tpu.wait_indirect_dma semaphore(%arg23 : memref<!tpu.dma_semaphore, #tpu.memory_space<semaphore_mem>>) src(%arg11 : memref<128x64xf32, #tpu.memory_space<vmem>>) dst(%dma_wait3A_200 : memref<10000x64xf32, #tpu.memory_space<vmem_shared>>)
    %dma_wait3A_201 = arith.constant 151 : i32
    %dma_wait3A_202 = arith.constant 0 : i32
    %dma_wait3A_203 = tpu.memref_slice %arg7[%dma_wait3A_201, %dma_wait3A_202] : memref<156x128xi32, #tpu.memory_space<vmem>> -> memref<1x128xi32, #tpu.memory_space<vmem>>
    %dma_wait3A_204 = tpu.memref_squeeze %dma_wait3A_203 : memref<1x128xi32, #tpu.memory_space<vmem>> -> memref<128xi32, #tpu.memory_space<vmem>>
    %dma_wait3A_205 = arith.constant 0 : i32
    %dma_wait3A_206 = arith.constant 0 : i32
    %dma_wait3A_207 = tpu.memref_slice %arg27[%dma_wait3A_205, %dma_wait3A_206] : memref<10000x64xf32, #tpu.memory_space<vmem_shared>> -> memref<10000x64xf32, #tpu.memory_space<vmem_shared>>
    tpu.wait_indirect_dma semaphore(%arg24 : memref<!tpu.dma_semaphore, #tpu.memory_space<semaphore_mem>>) src(%arg12 : memref<128x64xf32, #tpu.memory_space<vmem>>) dst(%dma_wait3A_207 : memref<10000x64xf32, #tpu.memory_space<vmem_shared>>)
    %dma_wait3A_208 = arith.constant 153 : i32
    %dma_wait3A_209 = arith.constant 0 : i32
    %dma_wait3A_210 = tpu.memref_slice %arg7[%dma_wait3A_208, %dma_wait3A_209] : memref<156x128xi32, #tpu.memory_space<vmem>> -> memref<1x128xi32, #tpu.memory_space<vmem>>
    %dma_wait3A_211 = tpu.memref_squeeze %dma_wait3A_210 : memref<1x128xi32, #tpu.memory_space<vmem>> -> memref<128xi32, #tpu.memory_space<vmem>>
    %dma_wait3A_212 = arith.constant 0 : i32
    %dma_wait3A_213 = arith.constant 0 : i32
    %dma_wait3A_214 = tpu.memref_slice %arg27[%dma_wait3A_212, %dma_wait3A_213] : memref<10000x64xf32, #tpu.memory_space<vmem_shared>> -> memref<10000x64xf32, #tpu.memory_space<vmem_shared>>
    tpu.wait_indirect_dma semaphore(%arg25 : memref<!tpu.dma_semaphore, #tpu.memory_space<semaphore_mem>>) src(%arg13 : memref<128x64xf32, #tpu.memory_space<vmem>>) dst(%dma_wait3A_214 : memref<10000x64xf32, #tpu.memory_space<vmem_shared>>)
    %dma_wait3A_215 = arith.constant 155 : i32
    %dma_wait3A_216 = arith.constant 0 : i32
    %dma_wait3A_217 = tpu.memref_slice %arg7[%dma_wait3A_215, %dma_wait3A_216] : memref<156x128xi32, #tpu.memory_space<vmem>> -> memref<1x128xi32, #tpu.memory_space<vmem>>
    %dma_wait3A_218 = tpu.memref_squeeze %dma_wait3A_217 : memref<1x128xi32, #tpu.memory_space<vmem>> -> memref<128xi32, #tpu.memory_space<vmem>>
    %dma_wait3A_219 = arith.constant 0 : i32
    %dma_wait3A_220 = arith.constant 0 : i32
    %dma_wait3A_221 = tpu.memref_slice %arg27[%dma_wait3A_219, %dma_wait3A_220] : memref<10000x64xf32, #tpu.memory_space<vmem_shared>> -> memref<10000x64xf32, #tpu.memory_space<vmem_shared>>
    tpu.wait_indirect_dma semaphore(%arg26 : memref<!tpu.dma_semaphore, #tpu.memory_space<semaphore_mem>>) src(%arg14 : memref<128x64xf32, #tpu.memory_space<vmem>>) dst(%dma_wait3A_221 : memref<10000x64xf32, #tpu.memory_space<vmem_shared>>)
    %lt3A = arith.constant 4 : i32
    %lt3A_222 = arith.cmpi slt, %add3A, %lt3A : i32
    %convert_element_type3A_223 = arith.extui %lt3A_222 : i1 to i32
    %cond3A_224 = arith.constant 0 : i32
    %cond3A_225 = arith.cmpi ne, %convert_element_type3A_223, %cond3A_224 : i32
    scf.if %cond3A_225 {
      %add3A_237 = arith.constant 2496 : i32
      %add3A_238 = arith.addi %add3A_237, %add3A : i32
      %mul3A_239 = arith.constant 2 : i32
      %mul3A_240 = arith.muli %mul3A_239, %add3A_238 : i32
      "tpu.region"() ({
        %run_scoped3A_255 = tpu.sem_alloc : memref<!tpu.dma_semaphore, #tpu.memory_space<semaphore_mem>>
        %dma_start3A_256 = arith.constant 0 : i32
        %dma_start3A_257 = tpu.memref_slice %arg2[%mul3A_240, %dma_start3A_256] : memref<5000x128xi32, #tpu.memory_space<hbm>> -> memref<2x128xi32, #tpu.memory_space<hbm>>
        %dma_start3A_258 = arith.constant 0 : i32
        %dma_start3A_259 = tpu.memref_slice %arg2[%mul3A_240, %dma_start3A_258] : memref<5000x128xi32, #tpu.memory_space<hbm>> -> memref<2x128xi32, #tpu.memory_space<hbm>>
        tpu.enqueue_dma source(%dma_start3A_259 : memref<2x128xi32, #tpu.memory_space<hbm>>) target(%arg8 : memref<2x128xi32, #tpu.memory_space<vmem>>) target_semaphore(%run_scoped3A_255 : memref<!tpu.dma_semaphore, #tpu.memory_space<semaphore_mem>>)
        %dma_wait3A_260 = arith.constant 0 : i32
        %dma_wait3A_261 = tpu.memref_slice %arg2[%mul3A_240, %dma_wait3A_260] : memref<5000x128xi32, #tpu.memory_space<hbm>> -> memref<2x128xi32, #tpu.memory_space<hbm>>
        %dma_wait3A_262 = arith.constant 0 : i32
        %dma_wait3A_263 = tpu.memref_slice %arg2[%mul3A_240, %dma_wait3A_262] : memref<5000x128xi32, #tpu.memory_space<hbm>> -> memref<2x128xi32, #tpu.memory_space<hbm>>
        tpu.wait_dma2 semaphore(%run_scoped3A_255 : memref<!tpu.dma_semaphore, #tpu.memory_space<semaphore_mem>>) src(%dma_wait3A_263 : memref<2x128xi32, #tpu.memory_space<hbm>>) dst(%arg8 : memref<2x128xi32, #tpu.memory_space<vmem>>)
        tpu.yield
      }) : () -> ()
      %dma_start3A_241 = arith.constant 0 : i32
      %dma_start3A_242 = arith.constant 0 : i32
      %dma_start3A_243 = tpu.memref_slice %arg8[%dma_start3A_241, %dma_start3A_242] : memref<2x128xi32, #tpu.memory_space<vmem>> -> memref<1x128xi32, #tpu.memory_space<vmem>>
      %dma_start3A_244 = tpu.memref_squeeze %dma_start3A_243 : memref<1x128xi32, #tpu.memory_space<vmem>> -> memref<128xi32, #tpu.memory_space<vmem>>
      %dma_start3A_245 = arith.constant 0 : i32
      %dma_start3A_246 = arith.constant 0 : i32
      %dma_start3A_247 = tpu.memref_slice %arg3[%dma_start3A_245, %dma_start3A_246] : memref<10000x64xf32, #tpu.memory_space<hbm>> -> memref<10000x64xf32, #tpu.memory_space<hbm>>
      tpu.enqueue_indirect_dma source(%dma_start3A_247 : memref<10000x64xf32, #tpu.memory_space<hbm>>) target(%arg9 : memref<128x64xf32, #tpu.memory_space<vmem>>) offsets(%dma_start3A_244 : memref<128xi32, #tpu.memory_space<vmem>>) semaphore(%arg15 : memref<!tpu.dma_semaphore, #tpu.memory_space<semaphore_mem>>)
      %dma_wait3A_248 = arith.constant 0 : i32
      %dma_wait3A_249 = arith.constant 0 : i32
      %dma_wait3A_250 = tpu.memref_slice %arg8[%dma_wait3A_248, %dma_wait3A_249] : memref<2x128xi32, #tpu.memory_space<vmem>> -> memref<1x128xi32, #tpu.memory_space<vmem>>
      %dma_wait3A_251 = tpu.memref_squeeze %dma_wait3A_250 : memref<1x128xi32, #tpu.memory_space<vmem>> -> memref<128xi32, #tpu.memory_space<vmem>>
      %dma_wait3A_252 = arith.constant 0 : i32
      %dma_wait3A_253 = arith.constant 0 : i32
      %dma_wait3A_254 = tpu.memref_slice %arg3[%dma_wait3A_252, %dma_wait3A_253] : memref<10000x64xf32, #tpu.memory_space<hbm>> -> memref<10000x64xf32, #tpu.memory_space<hbm>>
      tpu.wait_indirect_dma semaphore(%arg15 : memref<!tpu.dma_semaphore, #tpu.memory_space<semaphore_mem>>) src(%dma_wait3A_254 : memref<10000x64xf32, #tpu.memory_space<hbm>>) dst(%arg9 : memref<128x64xf32, #tpu.memory_space<vmem>>)
      %run_scoped3A = arith.constant 1 : i32
      "tpu.region"() ({
        %run_scoped3A_255 = tpu.sem_alloc : memref<!tpu.dma_semaphore, #tpu.memory_space<semaphore_mem>>
        %dma_start3A_256 = arith.constant 0 : i32
        %dma_start3A_257 = tpu.memref_slice %arg8[%run_scoped3A, %dma_start3A_256] : memref<2x128xi32, #tpu.memory_space<vmem>> -> memref<1x128xi32, #tpu.memory_space<vmem>>
        %dma_start3A_258 = tpu.memref_squeeze %dma_start3A_257 : memref<1x128xi32, #tpu.memory_space<vmem>> -> memref<128xi32, #tpu.memory_space<vmem>>
        %dma_start3A_259 = arith.constant 0 : i32
        %dma_start3A_260 = arith.constant 0 : i32
        %dma_start3A_261 = tpu.memref_slice %arg27[%dma_start3A_259, %dma_start3A_260] : memref<10000x64xf32, #tpu.memory_space<vmem_shared>> -> memref<10000x64xf32, #tpu.memory_space<vmem_shared>>
        tpu.enqueue_indirect_dma source(%arg9 : memref<128x64xf32, #tpu.memory_space<vmem>>) target(%dma_start3A_261 : memref<10000x64xf32, #tpu.memory_space<vmem_shared>>) offsets(%dma_start3A_258 : memref<128xi32, #tpu.memory_space<vmem>>) semaphore(%run_scoped3A_255 : memref<!tpu.dma_semaphore, #tpu.memory_space<semaphore_mem>>) {add = true}
        %dma_wait3A_262 = arith.constant 0 : i32
        %dma_wait3A_263 = tpu.memref_slice %arg8[%run_scoped3A, %dma_wait3A_262] : memref<2x128xi32, #tpu.memory_space<vmem>> -> memref<1x128xi32, #tpu.memory_space<vmem>>
        %dma_wait3A_264 = tpu.memref_squeeze %dma_wait3A_263 : memref<1x128xi32, #tpu.memory_space<vmem>> -> memref<128xi32, #tpu.memory_space<vmem>>
        %dma_wait3A_265 = arith.constant 0 : i32
        %dma_wait3A_266 = arith.constant 0 : i32
        %dma_wait3A_267 = tpu.memref_slice %arg27[%dma_wait3A_265, %dma_wait3A_266] : memref<10000x64xf32, #tpu.memory_space<vmem_shared>> -> memref<10000x64xf32, #tpu.memory_space<vmem_shared>>
        tpu.wait_indirect_dma semaphore(%run_scoped3A_255 : memref<!tpu.dma_semaphore, #tpu.memory_space<semaphore_mem>>) src(%arg9 : memref<128x64xf32, #tpu.memory_space<vmem>>) dst(%dma_wait3A_267 : memref<10000x64xf32, #tpu.memory_space<vmem_shared>>)
        tpu.yield
      }) : () -> ()
    } else {
    }
    %barrier3A_226 = arith.constant 0 : index
    tpu.barrier barrier_id(%barrier3A_226)
    %eq3A_227 = arith.constant 0 : i32
    %eq3A_228 = arith.cmpi eq, %arg0, %eq3A_227 : i32
    %convert_element_type3A_229 = arith.extui %eq3A_228 : i1 to i32
    %cond3A_230 = arith.constant 0 : i32
    %cond3A_231 = arith.cmpi ne, %convert_element_type3A_229, %cond3A_230 : i32
    scf.if %cond3A_231 {
      %mul3A_237 = arith.constant 624 : i32
      %mul3A_238 = arith.muli %arg1, %mul3A_237 : i32
      "tpu.region"() ({
        %run_scoped3A = tpu.sem_alloc : memref<!tpu.dma_semaphore, #tpu.memory_space<semaphore_mem>>
        %dma_start3A_244 = arith.constant 0 : i32
        %dma_start3A_245 = tpu.memref_slice %arg5[%mul3A_238, %dma_start3A_244] : memref<10000x64xf32, #tpu.memory_space<hbm>> -> memref<624x64xf32, #tpu.memory_space<hbm>>
        %dma_start3A_246 = arith.constant 0 : i32
        %dma_start3A_247 = tpu.memref_slice %arg27[%mul3A_238, %dma_start3A_246] : memref<10000x64xf32, #tpu.memory_space<vmem_shared>> -> memref<624x64xf32, #tpu.memory_space<vmem_shared>>
        tpu.enqueue_dma source(%dma_start3A_247 : memref<624x64xf32, #tpu.memory_space<vmem_shared>>) target(%dma_start3A_245 : memref<624x64xf32, #tpu.memory_space<hbm>>) target_semaphore(%run_scoped3A : memref<!tpu.dma_semaphore, #tpu.memory_space<semaphore_mem>>)
        %dma_wait3A_248 = arith.constant 0 : i32
        %dma_wait3A_249 = tpu.memref_slice %arg5[%mul3A_238, %dma_wait3A_248] : memref<10000x64xf32, #tpu.memory_space<hbm>> -> memref<624x64xf32, #tpu.memory_space<hbm>>
        %dma_wait3A_250 = arith.constant 0 : i32
        %dma_wait3A_251 = tpu.memref_slice %arg27[%mul3A_238, %dma_wait3A_250] : memref<10000x64xf32, #tpu.memory_space<vmem_shared>> -> memref<624x64xf32, #tpu.memory_space<vmem_shared>>
        tpu.wait_dma2 semaphore(%run_scoped3A : memref<!tpu.dma_semaphore, #tpu.memory_space<semaphore_mem>>) src(%dma_wait3A_251 : memref<624x64xf32, #tpu.memory_space<vmem_shared>>) dst(%dma_wait3A_249 : memref<624x64xf32, #tpu.memory_space<hbm>>)
        tpu.yield
      }) : () -> ()
      %eq3A_239 = arith.constant 0 : i32
      %eq3A_240 = arith.cmpi eq, %arg1, %eq3A_239 : i32
      %convert_element_type3A_241 = arith.extui %eq3A_240 : i1 to i32
      %cond3A_242 = arith.constant 0 : i32
      %cond3A_243 = arith.cmpi ne, %convert_element_type3A_241, %cond3A_242 : i32
      scf.if %cond3A_243 {
        "tpu.region"() ({
          %run_scoped3A = tpu.sem_alloc : memref<!tpu.dma_semaphore, #tpu.memory_space<semaphore_mem>>
          %dma_start3A_244 = arith.constant 9984 : i32
          %dma_start3A_245 = arith.constant 0 : i32
          %dma_start3A_246 = tpu.memref_slice %arg5[%dma_start3A_244, %dma_start3A_245] : memref<10000x64xf32, #tpu.memory_space<hbm>> -> memref<16x64xf32, #tpu.memory_space<hbm>>
          %dma_start3A_247 = arith.constant 9984 : i32
          %dma_start3A_248 = arith.constant 0 : i32
          %dma_start3A_249 = tpu.memref_slice %arg27[%dma_start3A_247, %dma_start3A_248] : memref<10000x64xf32, #tpu.memory_space<vmem_shared>> -> memref<16x64xf32, #tpu.memory_space<vmem_shared>>
          tpu.enqueue_dma source(%dma_start3A_249 : memref<16x64xf32, #tpu.memory_space<vmem_shared>>) target(%dma_start3A_246 : memref<16x64xf32, #tpu.memory_space<hbm>>) target_semaphore(%run_scoped3A : memref<!tpu.dma_semaphore, #tpu.memory_space<semaphore_mem>>)
          %dma_wait3A_250 = arith.constant 9984 : i32
          %dma_wait3A_251 = arith.constant 0 : i32
          %dma_wait3A_252 = tpu.memref_slice %arg5[%dma_wait3A_250, %dma_wait3A_251] : memref<10000x64xf32, #tpu.memory_space<hbm>> -> memref<16x64xf32, #tpu.memory_space<hbm>>
          %dma_wait3A_253 = arith.constant 9984 : i32
          %dma_wait3A_254 = arith.constant 0 : i32
          %dma_wait3A_255 = tpu.memref_slice %arg27[%dma_wait3A_253, %dma_wait3A_254] : memref<10000x64xf32, #tpu.memory_space<vmem_shared>> -> memref<16x64xf32, #tpu.memory_space<vmem_shared>>
          tpu.wait_dma2 semaphore(%run_scoped3A : memref<!tpu.dma_semaphore, #tpu.memory_space<semaphore_mem>>) src(%dma_wait3A_255 : memref<16x64xf32, #tpu.memory_space<vmem_shared>>) dst(%dma_wait3A_252 : memref<16x64xf32, #tpu.memory_space<hbm>>)
          tpu.yield
        }) : () -> ()
      } else {
      }
    } else {
    }
    %eq3A_232 = arith.constant 1 : i32
    %eq3A_233 = arith.cmpi eq, %arg0, %eq3A_232 : i32
    %convert_element_type3A_234 = arith.extui %eq3A_233 : i1 to i32
    %cond3A_235 = arith.constant 0 : i32
    %cond3A_236 = arith.cmpi ne, %convert_element_type3A_234, %cond3A_235 : i32
    scf.if %cond3A_236 {
      %mul3A_237 = arith.constant 624 : i32
      %mul3A_238 = arith.muli %arg1, %mul3A_237 : i32
      "tpu.region"() ({
        %run_scoped3A = tpu.sem_alloc : memref<!tpu.dma_semaphore, #tpu.memory_space<semaphore_mem>>
        %dma_start3A_244 = arith.constant 0 : i32
        %dma_start3A_245 = tpu.memref_slice %arg6[%mul3A_238, %dma_start3A_244] : memref<10000x64xf32, #tpu.memory_space<hbm>> -> memref<624x64xf32, #tpu.memory_space<hbm>>
        %dma_start3A_246 = arith.constant 0 : i32
        %dma_start3A_247 = tpu.memref_slice %arg27[%mul3A_238, %dma_start3A_246] : memref<10000x64xf32, #tpu.memory_space<vmem_shared>> -> memref<624x64xf32, #tpu.memory_space<vmem_shared>>
        tpu.enqueue_dma source(%dma_start3A_247 : memref<624x64xf32, #tpu.memory_space<vmem_shared>>) target(%dma_start3A_245 : memref<624x64xf32, #tpu.memory_space<hbm>>) target_semaphore(%run_scoped3A : memref<!tpu.dma_semaphore, #tpu.memory_space<semaphore_mem>>)
        %dma_wait3A_248 = arith.constant 0 : i32
        %dma_wait3A_249 = tpu.memref_slice %arg6[%mul3A_238, %dma_wait3A_248] : memref<10000x64xf32, #tpu.memory_space<hbm>> -> memref<624x64xf32, #tpu.memory_space<hbm>>
        %dma_wait3A_250 = arith.constant 0 : i32
        %dma_wait3A_251 = tpu.memref_slice %arg27[%mul3A_238, %dma_wait3A_250] : memref<10000x64xf32, #tpu.memory_space<vmem_shared>> -> memref<624x64xf32, #tpu.memory_space<vmem_shared>>
        tpu.wait_dma2 semaphore(%run_scoped3A : memref<!tpu.dma_semaphore, #tpu.memory_space<semaphore_mem>>) src(%dma_wait3A_251 : memref<624x64xf32, #tpu.memory_space<vmem_shared>>) dst(%dma_wait3A_249 : memref<624x64xf32, #tpu.memory_space<hbm>>)
        tpu.yield
      }) : () -> ()
      %eq3A_239 = arith.constant 0 : i32
      %eq3A_240 = arith.cmpi eq, %arg1, %eq3A_239 : i32
      %convert_element_type3A_241 = arith.extui %eq3A_240 : i1 to i32
      %cond3A_242 = arith.constant 0 : i32
      %cond3A_243 = arith.cmpi ne, %convert_element_type3A_241, %cond3A_242 : i32
      scf.if %cond3A_243 {
        "tpu.region"() ({
          %run_scoped3A = tpu.sem_alloc : memref<!tpu.dma_semaphore, #tpu.memory_space<semaphore_mem>>
          %dma_start3A_244 = arith.constant 9984 : i32
          %dma_start3A_245 = arith.constant 0 : i32
          %dma_start3A_246 = tpu.memref_slice %arg6[%dma_start3A_244, %dma_start3A_245] : memref<10000x64xf32, #tpu.memory_space<hbm>> -> memref<16x64xf32, #tpu.memory_space<hbm>>
          %dma_start3A_247 = arith.constant 9984 : i32
          %dma_start3A_248 = arith.constant 0 : i32
          %dma_start3A_249 = tpu.memref_slice %arg27[%dma_start3A_247, %dma_start3A_248] : memref<10000x64xf32, #tpu.memory_space<vmem_shared>> -> memref<16x64xf32, #tpu.memory_space<vmem_shared>>
          tpu.enqueue_dma source(%dma_start3A_249 : memref<16x64xf32, #tpu.memory_space<vmem_shared>>) target(%dma_start3A_246 : memref<16x64xf32, #tpu.memory_space<hbm>>) target_semaphore(%run_scoped3A : memref<!tpu.dma_semaphore, #tpu.memory_space<semaphore_mem>>)
          %dma_wait3A_250 = arith.constant 9984 : i32
          %dma_wait3A_251 = arith.constant 0 : i32
          %dma_wait3A_252 = tpu.memref_slice %arg6[%dma_wait3A_250, %dma_wait3A_251] : memref<10000x64xf32, #tpu.memory_space<hbm>> -> memref<16x64xf32, #tpu.memory_space<hbm>>
          %dma_wait3A_253 = arith.constant 9984 : i32
          %dma_wait3A_254 = arith.constant 0 : i32
          %dma_wait3A_255 = tpu.memref_slice %arg27[%dma_wait3A_253, %dma_wait3A_254] : memref<10000x64xf32, #tpu.memory_space<vmem_shared>> -> memref<16x64xf32, #tpu.memory_space<vmem_shared>>
          tpu.wait_dma2 semaphore(%run_scoped3A : memref<!tpu.dma_semaphore, #tpu.memory_space<semaphore_mem>>) src(%dma_wait3A_255 : memref<16x64xf32, #tpu.memory_space<vmem_shared>>) dst(%dma_wait3A_252 : memref<16x64xf32, #tpu.memory_space<hbm>>)
          tpu.yield
        }) : () -> ()
      } else {
      }
    } else {
    }
    return
  }
}

module attributes {stable_mosaic.version = 14 : i64} {
  func.func @_tcA1_body(%arg0: i32, %arg1: memref<1000x256xf32, #tpu.memory_space<vmem>>, %arg2: memref<256x128xf32, #tpu.memory_space<vmem>>, %arg3: memref<1000x128xf32, #tpu.memory_space<vmem>>) attributes {dimension_semantics = [#tpu.dimension_semantics<arbitrary>], iteration_bounds = array<i64: 5>, scalar_prefetch = 0 : i64, scratch_operands = 0 : i64, tpu.core_type = #tpu.core_type<tc>, window_params = [{transform_indices = @transform_0, window_bounds = array<i64: 1000, 256>}, {pipeline_mode = #tpu.pipeline_mode<synchronous>, transform_indices = @transform_1, window_bounds = array<i64: 256, 128>}, {transform_indices = @transform_2, window_bounds = array<i64: 1000, 128>}]} {
    %get3A = arith.constant 0 : index
    %get3A_0 = arith.constant 0 : index
    %get3A_1 = vector.load %arg1[%get3A, %get3A_0] : memref<1000x256xf32, #tpu.memory_space<vmem>>, vector<1000x256xf32>
    %get3A_2 = arith.constant 0 : index
    %get3A_3 = arith.constant 0 : index
    %get3A_4 = vector.load %arg2[%get3A_2, %get3A_3] : memref<256x128xf32, #tpu.memory_space<vmem>>, vector<256x128xf32>
    %dot_general3A = arith.constant dense<0.000000e+00> : vector<1000x128xf32>
    %dot_general3A_5 = tpu.matmul %get3A_1, %get3A_4, %dot_general3A {dimension_numbers = #tpu.dot_dimension_numbers<[1], [0], [0], [1], [0, 0, 1, 1], [], []>, transpose_lhs_hint = false} : vector<1000x256xf32>, vector<256x128xf32>, vector<1000x128xf32> -> vector<1000x128xf32>
    %swap3A = arith.constant 0 : index
    %swap3A_6 = arith.constant 0 : index
    %swap3A_7 = vector.load %arg3[%swap3A, %swap3A_6] : memref<1000x128xf32, #tpu.memory_space<vmem>>, vector<1000x128xf32>
    tpu.vector_store %arg3[%swap3A, %swap3A_6], %dot_general3A_5 {strides = array<i32>} : memref<1000x128xf32, #tpu.memory_space<vmem>>, vector<1000x128xf32>,
    return
  }
  func.func @transform_0(%arg0: i32) -> (i32, i32) {
    %c0_i32 = arith.constant 0 : i32
    %c0_i32_0 = arith.constant 0 : i32
    return %arg0, %c0_i32 : i32, i32
  }
  func.func @transform_1(%arg0: i32) -> (i32, i32) {
    %c0_i32 = arith.constant 0 : i32
    %c0_i32_0 = arith.constant 0 : i32
    %c0_i32_1 = arith.constant 0 : i32
    return %c0_i32, %c0_i32_0 : i32, i32
  }
  func.func @transform_2(%arg0: i32) -> (i32, i32) {
    %c0_i32 = arith.constant 0 : i32
    %c0_i32_0 = arith.constant 0 : i32
    return %arg0, %c0_i32 : i32, i32
  }
}

module attributes {stable_mosaic.version = 14 : i64} {
  func.func @_tcD_body(%arg0: i32, %arg1: memref<625x128xf32, #tpu.memory_space<vmem>>, %arg2: memref<625x128xf32, #tpu.memory_space<vmem>>, %arg3: memref<128x1024xf32, #tpu.memory_space<vmem>>, %arg4: memref<625x8x128xf32, #tpu.memory_space<vmem>>) attributes {dimension_semantics = [#tpu.dimension_semantics<arbitrary>], iteration_bounds = array<i64: 1>, scalar_prefetch = 0 : i64, scratch_operands = 0 : i64, tpu.core_type = #tpu.core_type<tc>, window_params = [{pipeline_mode = #tpu.pipeline_mode<synchronous>, transform_indices = @transform_0, window_bounds = array<i64: 625, 128>}, {pipeline_mode = #tpu.pipeline_mode<synchronous>, transform_indices = @transform_1, window_bounds = array<i64: 625, 128>}, {pipeline_mode = #tpu.pipeline_mode<synchronous>, transform_indices = @transform_2, window_bounds = array<i64: 128, 1024>}, {pipeline_mode = #tpu.pipeline_mode<synchronous>, transform_indices = @transform_3, window_bounds = array<i64: 625, 8, 128>}]} {
    %get3A = arith.constant 0 : index
    %get3A_0 = arith.constant 0 : index
    %get3A_1 = vector.load %arg1[%get3A, %get3A_0] : memref<625x128xf32, #tpu.memory_space<vmem>>, vector<625x128xf32>
    %add3A = arith.constant 1.000000e+00 : f32
    %add3A_2 = vector.broadcast %add3A : f32 to vector<625x128xf32>
    %add3A_3 = arith.addf %add3A_2, %get3A_1 : vector<625x128xf32>
    %get3A_4 = arith.constant 0 : index
    %get3A_5 = arith.constant 0 : index
    %get3A_6 = vector.load %arg2[%get3A_4, %get3A_5] : memref<625x128xf32, #tpu.memory_space<vmem>>, vector<625x128xf32>
    %add3A_7 = arith.addf %add3A_3, %get3A_6 : vector<625x128xf32>
    %rsqrt3A = math.rsqrt %add3A_7 : vector<625x128xf32>
    %get3A_8 = arith.constant 0 : index
    %get3A_9 = arith.constant 0 : index
    %get3A_10 = vector.load %arg3[%get3A_8, %get3A_9] : memref<128x1024xf32, #tpu.memory_space<vmem>>, vector<128x128xf32>
    %dot_general3A = arith.constant dense<0.000000e+00> : vector<625x128xf32>
    %dot_general3A_11 = tpu.matmul %rsqrt3A, %get3A_10, %dot_general3A {dimension_numbers = #tpu.dot_dimension_numbers<[1], [0], [0], [1], [0, 0, 1, 1], [], []>, precision = #tpu.contract_precision<fp32>, transpose_lhs_hint = false} : vector<625x128xf32>, vector<128x128xf32>, vector<625x128xf32> -> vector<625x128xf32>
    %swap3A = arith.constant 0 : index
    %swap3A_12 = arith.constant 0 : index
    %swap3A_13 = arith.constant 0 : index
    %swap3A_14 = vector.load %arg4[%swap3A, %swap3A_12, %swap3A_13] : memref<625x8x128xf32, #tpu.memory_space<vmem>>, vector<625x1x128xf32>
    %swap3A_15 = vector.shape_cast %swap3A_14 : vector<625x1x128xf32> to vector<625x128xf32>
    %swap3A_16 = vector.shape_cast %dot_general3A_11 : vector<625x128xf32> to vector<625x1x128xf32>
    tpu.vector_store %arg4[%swap3A, %swap3A_12, %swap3A_13], %swap3A_16 {strides = array<i32>} : memref<625x8x128xf32, #tpu.memory_space<vmem>>, vector<625x1x128xf32>,
    %get3A_17 = arith.constant 0 : index
    %get3A_18 = arith.constant 128 : index
    %get3A_19 = vector.load %arg3[%get3A_17, %get3A_18] : memref<128x1024xf32, #tpu.memory_space<vmem>>, vector<128x128xf32>
    %dot_general3A_20 = arith.constant dense<0.000000e+00> : vector<625x128xf32>
    %dot_general3A_21 = tpu.matmul %rsqrt3A, %get3A_19, %dot_general3A_20 {dimension_numbers = #tpu.dot_dimension_numbers<[1], [0], [0], [1], [0, 0, 1, 1], [], []>, precision = #tpu.contract_precision<fp32>, transpose_lhs_hint = false} : vector<625x128xf32>, vector<128x128xf32>, vector<625x128xf32> -> vector<625x128xf32>
    %swap3A_22 = arith.constant 0 : index
    %swap3A_23 = arith.constant 1 : index
    %swap3A_24 = arith.constant 0 : index
    %swap3A_25 = vector.load %arg4[%swap3A_22, %swap3A_23, %swap3A_24] : memref<625x8x128xf32, #tpu.memory_space<vmem>>, vector<625x1x128xf32>
    %swap3A_26 = vector.shape_cast %swap3A_25 : vector<625x1x128xf32> to vector<625x128xf32>
    %swap3A_27 = vector.shape_cast %dot_general3A_21 : vector<625x128xf32> to vector<625x1x128xf32>
    tpu.vector_store %arg4[%swap3A_22, %swap3A_23, %swap3A_24], %swap3A_27 {strides = array<i32>} : memref<625x8x128xf32, #tpu.memory_space<vmem>>, vector<625x1x128xf32>,
    %get3A_28 = arith.constant 0 : index
    %get3A_29 = arith.constant 256 : index
    %get3A_30 = vector.load %arg3[%get3A_28, %get3A_29] : memref<128x1024xf32, #tpu.memory_space<vmem>>, vector<128x128xf32>
    %dot_general3A_31 = arith.constant dense<0.000000e+00> : vector<625x128xf32>
    %dot_general3A_32 = tpu.matmul %rsqrt3A, %get3A_30, %dot_general3A_31 {dimension_numbers = #tpu.dot_dimension_numbers<[1], [0], [0], [1], [0, 0, 1, 1], [], []>, precision = #tpu.contract_precision<fp32>, transpose_lhs_hint = false} : vector<625x128xf32>, vector<128x128xf32>, vector<625x128xf32> -> vector<625x128xf32>
    %swap3A_33 = arith.constant 0 : index
    %swap3A_34 = arith.constant 2 : index
    %swap3A_35 = arith.constant 0 : index
    %swap3A_36 = vector.load %arg4[%swap3A_33, %swap3A_34, %swap3A_35] : memref<625x8x128xf32, #tpu.memory_space<vmem>>, vector<625x1x128xf32>
    %swap3A_37 = vector.shape_cast %swap3A_36 : vector<625x1x128xf32> to vector<625x128xf32>
    %swap3A_38 = vector.shape_cast %dot_general3A_32 : vector<625x128xf32> to vector<625x1x128xf32>
    tpu.vector_store %arg4[%swap3A_33, %swap3A_34, %swap3A_35], %swap3A_38 {strides = array<i32>} : memref<625x8x128xf32, #tpu.memory_space<vmem>>, vector<625x1x128xf32>,
    %get3A_39 = arith.constant 0 : index
    %get3A_40 = arith.constant 384 : index
    %get3A_41 = vector.load %arg3[%get3A_39, %get3A_40] : memref<128x1024xf32, #tpu.memory_space<vmem>>, vector<128x128xf32>
    %dot_general3A_42 = arith.constant dense<0.000000e+00> : vector<625x128xf32>
    %dot_general3A_43 = tpu.matmul %rsqrt3A, %get3A_41, %dot_general3A_42 {dimension_numbers = #tpu.dot_dimension_numbers<[1], [0], [0], [1], [0, 0, 1, 1], [], []>, precision = #tpu.contract_precision<fp32>, transpose_lhs_hint = false} : vector<625x128xf32>, vector<128x128xf32>, vector<625x128xf32> -> vector<625x128xf32>
    %swap3A_44 = arith.constant 0 : index
    %swap3A_45 = arith.constant 3 : index
    %swap3A_46 = arith.constant 0 : index
    %swap3A_47 = vector.load %arg4[%swap3A_44, %swap3A_45, %swap3A_46] : memref<625x8x128xf32, #tpu.memory_space<vmem>>, vector<625x1x128xf32>
    %swap3A_48 = vector.shape_cast %swap3A_47 : vector<625x1x128xf32> to vector<625x128xf32>
    %swap3A_49 = vector.shape_cast %dot_general3A_43 : vector<625x128xf32> to vector<625x1x128xf32>
    tpu.vector_store %arg4[%swap3A_44, %swap3A_45, %swap3A_46], %swap3A_49 {strides = array<i32>} : memref<625x8x128xf32, #tpu.memory_space<vmem>>, vector<625x1x128xf32>,
    %get3A_50 = arith.constant 0 : index
    %get3A_51 = arith.constant 512 : index
    %get3A_52 = vector.load %arg3[%get3A_50, %get3A_51] : memref<128x1024xf32, #tpu.memory_space<vmem>>, vector<128x128xf32>
    %dot_general3A_53 = arith.constant dense<0.000000e+00> : vector<625x128xf32>
    %dot_general3A_54 = tpu.matmul %rsqrt3A, %get3A_52, %dot_general3A_53 {dimension_numbers = #tpu.dot_dimension_numbers<[1], [0], [0], [1], [0, 0, 1, 1], [], []>, precision = #tpu.contract_precision<fp32>, transpose_lhs_hint = false} : vector<625x128xf32>, vector<128x128xf32>, vector<625x128xf32> -> vector<625x128xf32>
    %swap3A_55 = arith.constant 0 : index
    %swap3A_56 = arith.constant 4 : index
    %swap3A_57 = arith.constant 0 : index
    %swap3A_58 = vector.load %arg4[%swap3A_55, %swap3A_56, %swap3A_57] : memref<625x8x128xf32, #tpu.memory_space<vmem>>, vector<625x1x128xf32>
    %swap3A_59 = vector.shape_cast %swap3A_58 : vector<625x1x128xf32> to vector<625x128xf32>
    %swap3A_60 = vector.shape_cast %dot_general3A_54 : vector<625x128xf32> to vector<625x1x128xf32>
    tpu.vector_store %arg4[%swap3A_55, %swap3A_56, %swap3A_57], %swap3A_60 {strides = array<i32>} : memref<625x8x128xf32, #tpu.memory_space<vmem>>, vector<625x1x128xf32>,
    %get3A_61 = arith.constant 0 : index
    %get3A_62 = arith.constant 640 : index
    %get3A_63 = vector.load %arg3[%get3A_61, %get3A_62] : memref<128x1024xf32, #tpu.memory_space<vmem>>, vector<128x128xf32>
    %dot_general3A_64 = arith.constant dense<0.000000e+00> : vector<625x128xf32>
    %dot_general3A_65 = tpu.matmul %rsqrt3A, %get3A_63, %dot_general3A_64 {dimension_numbers = #tpu.dot_dimension_numbers<[1], [0], [0], [1], [0, 0, 1, 1], [], []>, precision = #tpu.contract_precision<fp32>, transpose_lhs_hint = false} : vector<625x128xf32>, vector<128x128xf32>, vector<625x128xf32> -> vector<625x128xf32>
    %swap3A_66 = arith.constant 0 : index
    %swap3A_67 = arith.constant 5 : index
    %swap3A_68 = arith.constant 0 : index
    %swap3A_69 = vector.load %arg4[%swap3A_66, %swap3A_67, %swap3A_68] : memref<625x8x128xf32, #tpu.memory_space<vmem>>, vector<625x1x128xf32>
    %swap3A_70 = vector.shape_cast %swap3A_69 : vector<625x1x128xf32> to vector<625x128xf32>
    %swap3A_71 = vector.shape_cast %dot_general3A_65 : vector<625x128xf32> to vector<625x1x128xf32>
    tpu.vector_store %arg4[%swap3A_66, %swap3A_67, %swap3A_68], %swap3A_71 {strides = array<i32>} : memref<625x8x128xf32, #tpu.memory_space<vmem>>, vector<625x1x128xf32>,
    %get3A_72 = arith.constant 0 : index
    %get3A_73 = arith.constant 768 : index
    %get3A_74 = vector.load %arg3[%get3A_72, %get3A_73] : memref<128x1024xf32, #tpu.memory_space<vmem>>, vector<128x128xf32>
    %dot_general3A_75 = arith.constant dense<0.000000e+00> : vector<625x128xf32>
    %dot_general3A_76 = tpu.matmul %rsqrt3A, %get3A_74, %dot_general3A_75 {dimension_numbers = #tpu.dot_dimension_numbers<[1], [0], [0], [1], [0, 0, 1, 1], [], []>, precision = #tpu.contract_precision<fp32>, transpose_lhs_hint = false} : vector<625x128xf32>, vector<128x128xf32>, vector<625x128xf32> -> vector<625x128xf32>
    %swap3A_77 = arith.constant 0 : index
    %swap3A_78 = arith.constant 6 : index
    %swap3A_79 = arith.constant 0 : index
    %swap3A_80 = vector.load %arg4[%swap3A_77, %swap3A_78, %swap3A_79] : memref<625x8x128xf32, #tpu.memory_space<vmem>>, vector<625x1x128xf32>
    %swap3A_81 = vector.shape_cast %swap3A_80 : vector<625x1x128xf32> to vector<625x128xf32>
    %swap3A_82 = vector.shape_cast %dot_general3A_76 : vector<625x128xf32> to vector<625x1x128xf32>
    tpu.vector_store %arg4[%swap3A_77, %swap3A_78, %swap3A_79], %swap3A_82 {strides = array<i32>} : memref<625x8x128xf32, #tpu.memory_space<vmem>>, vector<625x1x128xf32>,
    %get3A_83 = arith.constant 0 : index
    %get3A_84 = arith.constant 896 : index
    %get3A_85 = vector.load %arg3[%get3A_83, %get3A_84] : memref<128x1024xf32, #tpu.memory_space<vmem>>, vector<128x128xf32>
    %dot_general3A_86 = arith.constant dense<0.000000e+00> : vector<625x128xf32>
    %dot_general3A_87 = tpu.matmul %rsqrt3A, %get3A_85, %dot_general3A_86 {dimension_numbers = #tpu.dot_dimension_numbers<[1], [0], [0], [1], [0, 0, 1, 1], [], []>, precision = #tpu.contract_precision<fp32>, transpose_lhs_hint = false} : vector<625x128xf32>, vector<128x128xf32>, vector<625x128xf32> -> vector<625x128xf32>
    %swap3A_88 = arith.constant 0 : index
    %swap3A_89 = arith.constant 7 : index
    %swap3A_90 = arith.constant 0 : index
    %swap3A_91 = vector.load %arg4[%swap3A_88, %swap3A_89, %swap3A_90] : memref<625x8x128xf32, #tpu.memory_space<vmem>>, vector<625x1x128xf32>
    %swap3A_92 = vector.shape_cast %swap3A_91 : vector<625x1x128xf32> to vector<625x128xf32>
    %swap3A_93 = vector.shape_cast %dot_general3A_87 : vector<625x128xf32> to vector<625x1x128xf32>
    tpu.vector_store %arg4[%swap3A_88, %swap3A_89, %swap3A_90], %swap3A_93 {strides = array<i32>} : memref<625x8x128xf32, #tpu.memory_space<vmem>>, vector<625x1x128xf32>,
    return
  }
  func.func @transform_0(%arg0: i32) -> (i32, i32) {
    %c0_i32 = arith.constant 0 : i32
    %c0_i32_0 = arith.constant 0 : i32
    %c0_i32_1 = arith.constant 0 : i32
    return %c0_i32, %c0_i32_0 : i32, i32
  }
  func.func @transform_1(%arg0: i32) -> (i32, i32) {
    %c0_i32 = arith.constant 0 : i32
    %c0_i32_0 = arith.constant 0 : i32
    %c0_i32_1 = arith.constant 0 : i32
    return %c0_i32, %c0_i32_0 : i32, i32
  }
  func.func @transform_2(%arg0: i32) -> (i32, i32) {
    %c0_i32 = arith.constant 0 : i32
    %c0_i32_0 = arith.constant 0 : i32
    %c0_i32_1 = arith.constant 0 : i32
    return %c0_i32, %c0_i32_0 : i32, i32
  }
  func.func @transform_3(%arg0: i32) -> (i32, i32, i32) {
    %c0_i32 = arith.constant 0 : i32
    %c0_i32_0 = arith.constant 0 : i32
    %c0_i32_1 = arith.constant 0 : i32
    %c0_i32_2 = arith.constant 0 : i32
    return %c0_i32, %c0_i32_0, %c0_i32_1 : i32, i32, i32
  }
}

module attributes {stable_mosaic.version = 14 : i64} {
  func.func @_tcA2_body(%arg0: i32, %arg1: memref<1000x128xf32, #tpu.memory_space<vmem>>, %arg2: memref<1000x128xf32, #tpu.memory_space<vmem>>, %arg3: memref<1000x128xf32, #tpu.memory_space<vmem>>) attributes {dimension_semantics = [#tpu.dimension_semantics<arbitrary>], iteration_bounds = array<i64: 5>, scalar_prefetch = 0 : i64, scratch_operands = 0 : i64, tpu.core_type = #tpu.core_type<tc>, window_params = [{transform_indices = @transform_0, window_bounds = array<i64: 1000, 128>}, {transform_indices = @transform_1, window_bounds = array<i64: 1000, 128>}, {transform_indices = @transform_2, window_bounds = array<i64: 1000, 128>}]} {
    %get3A = arith.constant 0 : index
    %get3A_0 = arith.constant 0 : index
    %get3A_1 = vector.load %arg1[%get3A, %get3A_0] : memref<1000x128xf32, #tpu.memory_space<vmem>>, vector<1000x128xf32>
    %get3A_2 = arith.constant 0 : index
    %get3A_3 = arith.constant 0 : index
    %get3A_4 = vector.load %arg2[%get3A_2, %get3A_3] : memref<1000x128xf32, #tpu.memory_space<vmem>>, vector<1000x128xf32>
    %mul3A = arith.mulf %get3A_1, %get3A_4 : vector<1000x128xf32>
    %swap3A = arith.constant 0 : index
    %swap3A_5 = arith.constant 0 : index
    %swap3A_6 = vector.load %arg3[%swap3A, %swap3A_5] : memref<1000x128xf32, #tpu.memory_space<vmem>>, vector<1000x128xf32>
    tpu.vector_store %arg3[%swap3A, %swap3A_5], %mul3A {strides = array<i32>} : memref<1000x128xf32, #tpu.memory_space<vmem>>, vector<1000x128xf32>,
    return
  }
  func.func @transform_0(%arg0: i32) -> (i32, i32) {
    %c0_i32 = arith.constant 0 : i32
    %c0_i32_0 = arith.constant 0 : i32
    return %arg0, %c0_i32 : i32, i32
  }
  func.func @transform_1(%arg0: i32) -> (i32, i32) {
    %c0_i32 = arith.constant 0 : i32
    %c0_i32_0 = arith.constant 0 : i32
    return %arg0, %c0_i32 : i32, i32
  }
  func.func @transform_2(%arg0: i32) -> (i32, i32) {
    %c0_i32 = arith.constant 0 : i32
    %c0_i32_0 = arith.constant 0 : i32
    return %arg0, %c0_i32 : i32, i32
  }
}

module attributes {stable_mosaic.version = 14 : i64} {
  func.func @_tcB_body(%arg0: i32, %arg1: memref<1000x128xf32, #tpu.memory_space<vmem>>, %arg2: memref<1000x128xf32, #tpu.memory_space<vmem>>, %arg3: memref<1000x128xf32, #tpu.memory_space<vmem>>, %arg4: memref<1000x128xf32, #tpu.memory_space<vmem>>, %arg5: memref<128x128xf32, #tpu.memory_space<vmem>>, %arg6: memref<1x128xf32, #tpu.memory_space<vmem>>, %arg7: memref<1000x128xf32, #tpu.memory_space<vmem>>) attributes {dimension_semantics = [#tpu.dimension_semantics<arbitrary>], iteration_bounds = array<i64: 5>, scalar_prefetch = 0 : i64, scratch_operands = 0 : i64, tpu.core_type = #tpu.core_type<tc>, window_params = [{transform_indices = @transform_0, window_bounds = array<i64: 1000, 128>}, {transform_indices = @transform_1, window_bounds = array<i64: 1000, 128>}, {transform_indices = @transform_2, window_bounds = array<i64: 1000, 128>}, {transform_indices = @transform_3, window_bounds = array<i64: 1000, 128>}, {pipeline_mode = #tpu.pipeline_mode<synchronous>, transform_indices = @transform_4, window_bounds = array<i64: 128, 128>}, {pipeline_mode = #tpu.pipeline_mode<synchronous>, transform_indices = @transform_5, window_bounds = array<i64: 1, 128>}, {transform_indices = @transform_6, window_bounds = array<i64: 1000, 128>}]} {
    %get3A = arith.constant 0 : index
    %get3A_0 = arith.constant 0 : index
    %get3A_1 = vector.load %arg4[%get3A, %get3A_0] : memref<1000x128xf32, #tpu.memory_space<vmem>>, vector<1000x128xf32>
    %get3A_2 = arith.constant 0 : index
    %get3A_3 = arith.constant 0 : index
    %get3A_4 = vector.load %arg2[%get3A_2, %get3A_3] : memref<1000x128xf32, #tpu.memory_space<vmem>>, vector<1000x128xf32>
    %get3A_5 = arith.constant 0 : index
    %get3A_6 = arith.constant 0 : index
    %get3A_7 = vector.load %arg3[%get3A_5, %get3A_6] : memref<1000x128xf32, #tpu.memory_space<vmem>>, vector<1000x128xf32>
    %add3A = arith.addf %get3A_4, %get3A_7 : vector<1000x128xf32>
    %get3A_8 = arith.constant 0 : index
    %get3A_9 = arith.constant 0 : index
    %get3A_10 = vector.load %arg1[%get3A_8, %get3A_9] : memref<1000x128xf32, #tpu.memory_space<vmem>>, vector<1000x128xf32>
    %add3A_11 = arith.addf %add3A, %get3A_10 : vector<1000x128xf32>
    %mul3A = arith.mulf %add3A_11, %get3A_1 : vector<1000x128xf32>
    %get3A_12 = arith.constant 0 : index
    %get3A_13 = arith.constant 0 : index
    %get3A_14 = vector.load %arg6[%get3A_12, %get3A_13] : memref<1x128xf32, #tpu.memory_space<vmem>>, vector<1x128xf32>
    %add3A_15 = vector.broadcast %get3A_14 : vector<1x128xf32> to vector<1000x128xf32>
    %add3A_16 = arith.addf %mul3A, %add3A_15 : vector<1000x128xf32>
    %max3A = arith.constant 0.000000e+00 : f32
    %max3A_17 = vector.broadcast %max3A : f32 to vector<1000x128xf32>
    %max3A_18 = arith.maximumf %add3A_16, %max3A_17 : vector<1000x128xf32>
    %get3A_19 = arith.constant 0 : index
    %get3A_20 = arith.constant 0 : index
    %get3A_21 = vector.load %arg5[%get3A_19, %get3A_20] : memref<128x128xf32, #tpu.memory_space<vmem>>, vector<128x128xf32>
    %dot_general3A = arith.constant dense<0.000000e+00> : vector<1000x128xf32>
    %dot_general3A_22 = tpu.matmul %max3A_18, %get3A_21, %dot_general3A {dimension_numbers = #tpu.dot_dimension_numbers<[1], [0], [0], [1], [0, 0, 1, 1], [], []>, transpose_lhs_hint = false} : vector<1000x128xf32>, vector<128x128xf32>, vector<1000x128xf32> -> vector<1000x128xf32>
    %mul3A_23 = arith.mulf %dot_general3A_22, %get3A_1 : vector<1000x128xf32>
    %swap3A = arith.constant 0 : index
    %swap3A_24 = arith.constant 0 : index
    %swap3A_25 = vector.load %arg7[%swap3A, %swap3A_24] : memref<1000x128xf32, #tpu.memory_space<vmem>>, vector<1000x128xf32>
    tpu.vector_store %arg7[%swap3A, %swap3A_24], %mul3A_23 {strides = array<i32>} : memref<1000x128xf32, #tpu.memory_space<vmem>>, vector<1000x128xf32>,
    return
  }
  func.func @transform_0(%arg0: i32) -> (i32, i32) {
    %c0_i32 = arith.constant 0 : i32
    %c0_i32_0 = arith.constant 0 : i32
    return %arg0, %c0_i32 : i32, i32
  }
  func.func @transform_1(%arg0: i32) -> (i32, i32) {
    %c0_i32 = arith.constant 0 : i32
    %c0_i32_0 = arith.constant 0 : i32
    return %arg0, %c0_i32 : i32, i32
  }
  func.func @transform_2(%arg0: i32) -> (i32, i32) {
    %c0_i32 = arith.constant 0 : i32
    %c0_i32_0 = arith.constant 0 : i32
    return %arg0, %c0_i32 : i32, i32
  }
  func.func @transform_3(%arg0: i32) -> (i32, i32) {
    %c0_i32 = arith.constant 0 : i32
    %c0_i32_0 = arith.constant 0 : i32
    return %arg0, %c0_i32 : i32, i32
  }
  func.func @transform_4(%arg0: i32) -> (i32, i32) {
    %c0_i32 = arith.constant 0 : i32
    %c0_i32_0 = arith.constant 0 : i32
    %c0_i32_1 = arith.constant 0 : i32
    return %c0_i32, %c0_i32_0 : i32, i32
  }
  func.func @transform_5(%arg0: i32) -> (i32, i32) {
    %c0_i32 = arith.constant 0 : i32
    %c0_i32_0 = arith.constant 0 : i32
    %c0_i32_1 = arith.constant 0 : i32
    return %c0_i32, %c0_i32_0 : i32, i32
  }
  func.func @transform_6(%arg0: i32) -> (i32, i32) {
    %c0_i32 = arith.constant 0 : i32
    %c0_i32_0 = arith.constant 0 : i32
    return %arg0, %c0_i32 : i32, i32
  }
}

module attributes {stable_mosaic.version = 14 : i64} {
  func.func @_tcC_body(%arg0: i32, %arg1: memref<1000x128xf32, #tpu.memory_space<vmem>>, %arg2: memref<1000x128xf32, #tpu.memory_space<vmem>>, %arg3: memref<1000x128xf32, #tpu.memory_space<vmem>>, %arg4: memref<1000x128xf32, #tpu.memory_space<vmem>>, %arg5: memref<1x128xf32, #tpu.memory_space<vmem>>, %arg6: memref<128x4xf32, #tpu.memory_space<vmem>>, %arg7: memref<1x4xf32, #tpu.memory_space<vmem>>, %arg8: memref<1000x4xf32, #tpu.memory_space<vmem>>) attributes {dimension_semantics = [#tpu.dimension_semantics<arbitrary>], iteration_bounds = array<i64: 5>, scalar_prefetch = 0 : i64, scratch_operands = 0 : i64, tpu.core_type = #tpu.core_type<tc>, window_params = [{transform_indices = @transform_0, window_bounds = array<i64: 1000, 128>}, {transform_indices = @transform_1, window_bounds = array<i64: 1000, 128>}, {transform_indices = @transform_2, window_bounds = array<i64: 1000, 128>}, {transform_indices = @transform_3, window_bounds = array<i64: 1000, 128>}, {pipeline_mode = #tpu.pipeline_mode<synchronous>, transform_indices = @transform_4, window_bounds = array<i64: 1, 128>}, {pipeline_mode = #tpu.pipeline_mode<synchronous>, transform_indices = @transform_5, window_bounds = array<i64: 128, 4>}, {pipeline_mode = #tpu.pipeline_mode<synchronous>, transform_indices = @transform_6, window_bounds = array<i64: 1, 4>}, {transform_indices = @transform_7, window_bounds = array<i64: 1000, 4>}]} {
    %get3A = arith.constant 0 : index
    %get3A_0 = arith.constant 0 : index
    %get3A_1 = vector.load %arg2[%get3A, %get3A_0] : memref<1000x128xf32, #tpu.memory_space<vmem>>, vector<1000x128xf32>
    %get3A_2 = arith.constant 0 : index
    %get3A_3 = arith.constant 0 : index
    %get3A_4 = vector.load %arg3[%get3A_2, %get3A_3] : memref<1000x128xf32, #tpu.memory_space<vmem>>, vector<1000x128xf32>
    %add3A = arith.addf %get3A_1, %get3A_4 : vector<1000x128xf32>
    %get3A_5 = arith.constant 0 : index
    %get3A_6 = arith.constant 0 : index
    %get3A_7 = vector.load %arg1[%get3A_5, %get3A_6] : memref<1000x128xf32, #tpu.memory_space<vmem>>, vector<1000x128xf32>
    %add3A_8 = arith.addf %add3A, %get3A_7 : vector<1000x128xf32>
    %get3A_9 = arith.constant 0 : index
    %get3A_10 = arith.constant 0 : index
    %get3A_11 = vector.load %arg4[%get3A_9, %get3A_10] : memref<1000x128xf32, #tpu.memory_space<vmem>>, vector<1000x128xf32>
    %mul3A = arith.mulf %add3A_8, %get3A_11 : vector<1000x128xf32>
    %get3A_12 = arith.constant 0 : index
    %get3A_13 = arith.constant 0 : index
    %get3A_14 = vector.load %arg5[%get3A_12, %get3A_13] : memref<1x128xf32, #tpu.memory_space<vmem>>, vector<1x128xf32>
    %add3A_15 = vector.broadcast %get3A_14 : vector<1x128xf32> to vector<1000x128xf32>
    %add3A_16 = arith.addf %mul3A, %add3A_15 : vector<1000x128xf32>
    %max3A = arith.constant 0.000000e+00 : f32
    %max3A_17 = vector.broadcast %max3A : f32 to vector<1000x128xf32>
    %max3A_18 = arith.maximumf %add3A_16, %max3A_17 : vector<1000x128xf32>
    %get3A_19 = arith.constant 0 : index
    %get3A_20 = arith.constant 0 : index
    %get3A_21 = vector.load %arg6[%get3A_19, %get3A_20] : memref<128x4xf32, #tpu.memory_space<vmem>>, vector<128x4xf32>
    %dot_general3A = arith.constant dense<0.000000e+00> : vector<1000x4xf32>
    %dot_general3A_22 = tpu.matmul %max3A_18, %get3A_21, %dot_general3A {dimension_numbers = #tpu.dot_dimension_numbers<[1], [0], [0], [1], [0, 0, 1, 1], [], []>, transpose_lhs_hint = false} : vector<1000x128xf32>, vector<128x4xf32>, vector<1000x4xf32> -> vector<1000x4xf32>
    %get3A_23 = arith.constant 0 : index
    %get3A_24 = arith.constant 0 : index
    %get3A_25 = vector.load %arg7[%get3A_23, %get3A_24] : memref<1x4xf32, #tpu.memory_space<vmem>>, vector<1x4xf32>
    %add3A_26 = vector.broadcast %get3A_25 : vector<1x4xf32> to vector<1000x4xf32>
    %add3A_27 = arith.addf %dot_general3A_22, %add3A_26 : vector<1000x4xf32>
    %swap3A = arith.constant 0 : index
    %swap3A_28 = arith.constant 0 : index
    %swap3A_29 = vector.load %arg8[%swap3A, %swap3A_28] : memref<1000x4xf32, #tpu.memory_space<vmem>>, vector<1000x4xf32>
    tpu.vector_store %arg8[%swap3A, %swap3A_28], %add3A_27 {strides = array<i32>} : memref<1000x4xf32, #tpu.memory_space<vmem>>, vector<1000x4xf32>,
    return
  }
  func.func @transform_0(%arg0: i32) -> (i32, i32) {
    %c0_i32 = arith.constant 0 : i32
    %c0_i32_0 = arith.constant 0 : i32
    return %arg0, %c0_i32 : i32, i32
  }
  func.func @transform_1(%arg0: i32) -> (i32, i32) {
    %c0_i32 = arith.constant 0 : i32
    %c0_i32_0 = arith.constant 0 : i32
    return %arg0, %c0_i32 : i32, i32
  }
  func.func @transform_2(%arg0: i32) -> (i32, i32) {
    %c0_i32 = arith.constant 0 : i32
    %c0_i32_0 = arith.constant 0 : i32
    return %arg0, %c0_i32 : i32, i32
  }
  func.func @transform_3(%arg0: i32) -> (i32, i32) {
    %c0_i32 = arith.constant 0 : i32
    %c0_i32_0 = arith.constant 0 : i32
    return %arg0, %c0_i32 : i32, i32
  }
  func.func @transform_4(%arg0: i32) -> (i32, i32) {
    %c0_i32 = arith.constant 0 : i32
    %c0_i32_0 = arith.constant 0 : i32
    %c0_i32_1 = arith.constant 0 : i32
    return %c0_i32, %c0_i32_0 : i32, i32
  }
  func.func @transform_5(%arg0: i32) -> (i32, i32) {
    %c0_i32 = arith.constant 0 : i32
    %c0_i32_0 = arith.constant 0 : i32
    %c0_i32_1 = arith.constant 0 : i32
    return %c0_i32, %c0_i32_0 : i32, i32
  }
  func.func @transform_6(%arg0: i32) -> (i32, i32) {
    %c0_i32 = arith.constant 0 : i32
    %c0_i32_0 = arith.constant 0 : i32
    %c0_i32_1 = arith.constant 0 : i32
    return %c0_i32, %c0_i32_0 : i32, i32
  }
  func.func @transform_7(%arg0: i32) -> (i32, i32) {
    %c0_i32 = arith.constant 0 : i32
    %c0_i32_0 = arith.constant 0 : i32
    return %arg0, %c0_i32 : i32, i32
  }
}

</mosaic_0001>

<sc_bundles>
// kernel: kernel.10.cloned.1.call-start
scs
__scs_entry_jumppad:
0x0: {  	(pc) =	sbr.rel $0x88, $3  }
0x1: {  	(tag) =	ssettag $0x0;
	lr =	simm.s32 $0x1  }
0x2: {  	[smem:$0x3F99] =	sst lr;
	_ =	strace $0xD0000000  }
0x3: {  	_ = 	snop  }
0x4: {  	_ = 	snop  }
0x5: {  	_ = 	snop  }
0x6: {  	_ = 	snop  }
0x7: {  	_ = 	snop  }
__scs_overlays_trampoline_lowered:
0x8: {  	[smem:$0x3FA8] =	sst s0  }
0x9: {  	[smem:$0x3FA9] =	sst s1  }
0xa: {  	[smem:$0x3FAA] =	sst s2  }
0xb: {  	[smem:$0x3FAB] =	sst s3  }
0xc: {  	[smem:$0x3FAC] =	sst s4  }
0xd: {  	[smem:$0x3FAD] =	sst s5  }
0xe: {  	[smem:$0x3FAE] =	sst s6  }
0xf: {  	[smem:$0x3FAF] =	sst s7  }
0x10: {  	[smem:$0x3FB0] =	sst s8  }
0x11: {  	[smem:$0x3FB1] =	sst s9;
	s0 =	simm.s32 @!p0 $0x0  }
0x12: {  	s1 =	sld [smem:$0x3F97];
	s0 =	simm.s32 @p0 $0x1  }
0x13: {  	[smem:$0x3FB2] =	sst s0;
	s0 =	simm.s32 @!p1 $0x0  }
0x14: {  	s2 =	sld [smem:$0x3F96];
	s0 =	simm.s32 @p1 $0x1  }
0x15: {  	[smem:$0x3FB3] =	sst s0;
	s0 =	simm.s32 @!p2 $0x0  }
0x16: {  	s3 =	sld [smem:$0x3FDB];
	s0 =	simm.s32 @p2 $0x1  }
0x17: {  	s4 =	simm.s32 $0x1BF5;
	[smem:$0x3FB5] =	sst s0  }
0x18: {  	s0 =	sld [smem:$0x3F98];
	_ =	swait.ge [sflag:s4], $0x0  }
0x19: {  	s7 =	sld [smem:$0x3F99]  }
0x1a: {  	s8 =	sadd.s32 $0xFFFFE003, lr  }
0x1b: {  	s9 =	sadd.s32 $0xFFFFFEF7, lr;
	s5 =	simm.s32 $0xFFFFFFFF;
	p2 =	slt.u32 s8, $0xFFFFF086  }
0x1c: {  	p1 =	slt.u32 s9, $0xF7A;
	s5 =	simm.s32 @!p2 $0x0  }
0x1d: {  	s5 =	simm.s32 @p1 $0x1;
	p0 =	seq.s32 s7, s2  }
0x1e: {  	s7 =	smul.u32 @!p0 $0xF7A, s2;
	p2 =	seq.s32 @!p0 s5, $0x0  }
0x1f: {  	s9 =	smul.u32 $0xF7A, s1;
	s8 =	simm.s32 @!p0 $0x1BF5;
	p2 =	por !p2, p0  }
0x20: {  	[sflag:s8] =	ssyncset.s32 @!p0 $0xFFFFF086;
	s6 =	sadd.s32 @!p0 s3, s7;
	s7 =	simm.s32 @!p0 $0x108  }
0x21: {  	s3 =	sadd.s32 s3, s9;
	s6 =	sadd.s32 @!p0 $0x88, s6;
	s7 =	simm.s32 @p2 $0x1082  }
0x22: {  	[simem:s7], [sflag:s8] =	dma.local @!p0 [hbm:s6], $0xF7A  }
0x23: {  	s9 =	sor.u32 $0xD0000000, s2;
	s6 =	simm.s32 $0x108;
	_ =	swait.ge @!p0 [sflag:s8], $0x0  }
0x24: {  	s3 =	sadd.s32 $0x88, s3;
	s6 =	simm.s32 @!p1 $0x1082;
	[sflag:s4] =	ssyncset.s32 $0xFFFFF086  }
0x25: {  	[simem:s6], [sflag:s4] =	dma.local [hbm:s3], $0xF7A  }
0x26: {  	[smem:$0x3F99] =	sst s1;
	(tag) =	ssettag s2;
	_ =	strace s9  }
0x27: {  	s1 =	sld [smem:$0x3FA9]  }
0x28: {  	s2 =	sld [smem:$0x3FAA]  }
0x29: {  	s4 =	sld [smem:$0x3FAC]  }
0x2a: {  	p0 =	seq.s32 s5, $0x0;
	s5 =	sld [smem:$0x3FAD]  }
0x2b: {  	s6 =	sld [smem:$0x3FAE]  }
0x2c: {  	s7 =	sld [smem:$0x3FAF]  }
0x2d: {  	s3 =	simm.s32 $0x108;
	s8 =	sld [smem:$0x3FB0]  }
0x2e: {  	s3 =	simm.s32 @!p0 $0x1082;
	s9 =	sld [smem:$0x3FB1]  }
0x2f: {  	lr =	sadd.s32 s0, s3;
	s0 =	sld [smem:$0x3FA8]  }
0x30: {  	s3 =	sld [smem:$0x3FAB]  }
0x31: {  	[smem:$0x3FB4] =	sst s10  }
0x32: {  	s10 =	sld [smem:$0x3FB2];
	_ =	sdelay $0x3  }
0x33: {  	p0 =	seq.s32 s10, $0x1;
	s10 =	sld [smem:$0x3FB4];
	_ =	sdelay $0x3  }
0x34: {  	[smem:$0x3FB4] =	sst s10  }
0x35: {  	s10 =	sld [smem:$0x3FB3];
	_ =	sdelay $0x3  }
0x36: {  	p1 =	seq.s32 s10, $0x1;
	s10 =	sld [smem:$0x3FB4];
	_ =	sdelay $0x3  }
0x37: {  	[smem:$0x3FB4] =	sst s10  }
0x38: {  	s10 =	sld [smem:$0x3FB5]  }
0x39: {  	_ = 	snop;
	(pc) =	sbr.ind lr, $3  }
0x3a: {  	_ = 	snop  }
0x3b: {  	_ = 	snop  }
0x3c: {  	p2 =	seq.s32 s10, $0x1;
	s10 =	sld [smem:$0x3FB4]  }
0x3d: {  	_ =	shalt  }
0x3e: {  	_ =	shalt  }
0x3f: {  	_ =	shalt  }
0x40: {  	_ =	shalt  }
0x41: {  	_ =	shalt  }
0x42: {  	_ =	shalt  }
0x43: {  	_ =	shalt  }
0x44: {  	_ =	shalt  }
0x45: {  	_ =	shalt  }
0x46: {  	_ =	shalt  }
0x47: {  	_ =	shalt  }
0x48: {  	_ =	shalt  }
0x49: {  	_ =	shalt  }
0x4a: {  	_ =	shalt  }
0x4b: {  	_ =	shalt  }
0x4c: {  	_ =	shalt  }
0x4d: {  	_ =	shalt  }
0x4e: {  	_ =	shalt  }
0x4f: {  	_ =	shalt  }
0x50: {  	_ =	shalt  }
0x51: {  	_ =	shalt  }
0x52: {  	_ =	shalt  }
0x53: {  	_ =	shalt  }
0x54: {  	_ =	shalt  }
0x55: {  	_ =	shalt  }
0x56: {  	_ =	shalt  }
0x57: {  	_ =	shalt  }
0x58: {  	_ =	shalt  }
0x59: {  	_ =	shalt  }
0x5a: {  	_ =	shalt  }
0x5b: {  	_ =	shalt  }
0x5c: {  	_ =	shalt  }
0x5d: {  	_ =	shalt  }
0x5e: {  	_ =	shalt  }
0x5f: {  	_ =	shalt  }
0x60: {  	_ =	shalt  }
0x61: {  	_ =	shalt  }
0x62: {  	_ =	shalt  }
0x63: {  	_ =	shalt  }
0x64: {  	_ =	shalt  }
0x65: {  	_ =	shalt  }
0x66: {  	_ =	shalt  }
0x67: {  	_ =	shalt  }
0x68: {  	_ =	shalt  }
0x69: {  	_ =	shalt  }
0x6a: {  	_ =	shalt  }
0x6b: {  	_ =	shalt  }
0x6c: {  	_ =	shalt  }
0x6d: {  	_ =	shalt  }
0x6e: {  	_ =	shalt  }
0x6f: {  	_ =	shalt  }
0x70: {  	_ =	shalt  }
0x71: {  	_ =	shalt  }
0x72: {  	_ =	shalt  }
0x73: {  	_ =	shalt  }
0x74: {  	_ =	shalt  }
0x75: {  	_ =	shalt  }
0x76: {  	_ =	shalt  }
0x77: {  	_ =	shalt  }
0x78: {  	_ =	shalt  }
0x79: {  	_ =	shalt  }
0x7a: {  	_ =	shalt  }
0x7b: {  	_ =	shalt  }
0x7c: {  	_ =	shalt  }
0x7d: {  	_ =	shalt  }
0x7e: {  	_ =	shalt  }
0x7f: {  	_ =	shalt  }
0x80: {  	_ =	shalt  }
0x81: {  	_ =	shalt  }
0x82: {  	_ =	shalt  }
0x83: {  	_ =	shalt  }
0x84: {  	_ =	shalt  }
0x85: {  	_ =	shalt  }
0x86: {  	_ =	shalt  }
0x87: {  	_ =	shalt  }
.Lfunc_end0:
.L_simem_size_0:
called_computation_lowered:
.L_overlay_start_0:
0x88: {  	s2 =	sld [smem:$0x3FD9]  }
0x89: {  	s3 =	sld [smem:$0x3FFE];
	_ =	sdelay $0x1  }
0x8a: {  	s1 =	srdreg.scid  }
0x8b: {  	s0 =	sand.u32 $0x1, s1  }
0x8c: {  	s17 =	sshll.u32 s0, $0xA;
	s2 =	sadd.s32 s3, s2  }
0x8d: {  	s2 =	sadd.s32 s2, s17  }
0x8e: {  	[smem:$0x3FC0] =	sst s2  }
0x8f: {  	_ = 	snop  }
0x90: {  	s2 =	sld [smem:$0x3FD0];
	(tm) =	ssettm $0x1  }
0x91: {  	s18 =	sld [smem:$0x3FFB];
	_ =	sdelay $0x3  }
0x92: {  	_ =	strace s18  }
0x93: {  	s3 =	sld [smem:$0x3FFC];
	_ =	sdelay $0x3  }
0x94: {  	_ =	strace s3  }
0x95: {  	s3 =	sld [smem:$0x3FFD];
	_ =	sdelay $0x3  }
0x96: {  	_ =	strace s3  }
0x97: {  	_ =	strace $0x8FFFFFFF  }
0x98: {  	s19 =	sld [smem:$0x3FDB];
	_ =	sdelay $0x1  }
0x99: {  	s4 =	simm.s32 $_scs_section_size  }
0x9a: {  	s5 =	simm.s32 $_size__tile_overlayer_lowered;
	s6 =	simm.s32 $_tile_overlayer_lowered  }
0x9b: {  	s22 =	simm.s32 $0x1BFF;
	s21 =	sshll.u32 s6, $0x1;
	s3 =	sadd.s32 s4, s19  }
0x9c: {  	s7 =	simm.s32 $0x0;
	s20 =	sshll.u32 s5, $0x1;
	s5 =	sadd.s32 s21, s3  }
0x9d: {  	[timem:s7], [sflag:s22] =	dma.local [hbm:s5], s20  }
0x9e: {  	_ =	swait.ge [sflag:s22], s20  }
0x9f: {  	s4 =	ssub.s32 $0x0, s20;
	[sflag:s22] =	ssyncset.done $0x0  }
0xa0: {  	[sflag:s22] =	ssyncadd.s32 s4;
	_ =	sdelay $0x1  }
0xa1: {  	s23 =	simm.s32 $0x1B8B  }
0xa2: {  	_ =	swait.ge [sflag:s23], $0x1  }
0xa3: {  	[sflag:s23] =	ssyncset.done $0x0  }
0xa4: {  	s25 =	simm.s32 $0x1B8E;
	s24 =	sld [smem:$0x3FFE];
	[sflag:s23] =	ssyncadd.s32 $0xFFFFFFFF  }
0xa5: {  	s26 =	simm.s32 $execute0_lowered;
	[smem:$0x3FD2] =	sst s25  }
0xa6: {  	s5 =	sshll.u32 s26, $0x1;
	_ =	strace $0x80000046;
	[dreg:$0x1] =	wrdreg $0xFFFFFFFF  }
0xa7: {  	s28 =	simm.s32 $_size_execute0_lowered;
	s3 =	sadd.s32 s3, s5;
	[dreg:$0x0] =	wrdreg $0x0  }
0xa8: {  	s5 =	sshll.u32 s28, $0x1;
	[dreg:$0x2] =	wrdreg s3  }
0xa9: {  	[dreg:$0x3] =	wrdreg s5  }
0xaa: {  	[dreg:$0x4] =	wrdreg $0xC0  }
0xab: {  	_ =	task [dreg:s7], $0x5FFFF  }
0xac: {  	[dreg:$0x1] =	wrdreg $0xFFFFFFFF  }
0xad: {  	[dreg:$0x0] =	wrdreg $0x60  }
0xae: {  	[dreg:$0x2] =	wrdreg s24  }
0xaf: {  	[dreg:$0x3] =	wrdreg s2  }
0xb0: {  	[dreg:$0x4] =	wrdreg $0x53000  }
0xb1: {  	[dreg:$0x5] =	wrdreg $0x9  }
0xb2: {  	_ =	task.clear_ibuf [dreg:s7], $0x6FFFF;
	_ =	strace $0x90000046  }
0xb3: {  	s29 =	simm.s32 $0x9;
	_ =	strace $0x80000048  }
0xb4: {  	_ =	swait.ge [sflag:s29], $0x1  }
0xb5: {  	[sflag:s29] =	ssyncadd.s32 $0xFFFFFFFF  }
0xb6: {  	_ =	strace $0x90000048  }
0xb7: {  	_ =	sfence  }
0xb8: {  	s30 =	sld [smem:$0x0];
	_ =	sdelay $0x2  }
0xb9: {  	s31 =	sshll.u32 s1, $0xD;
	s1 =	sshrl.u32 s1, $0x2  }
0xba: {  	s3 =	sand.u32 $0x4000, s31;
	s1 =	sadd.s32 s1, s30  }
0xbb: {  	s0 =	sor.u32 s3, s0;
	s1 =	sshll.u32 s1, $0x11  }
0xbc: {  	s0 =	sor.u32 s1, s0  }
0xbd: {  	s0 =	sadd.s32 $0x8F2B, s0  }
0xbe: {  	[sflag:s0] =	ssyncadd.remote.s32 $0x1  }
0xbf: {  	_ =	sfence.sel $0xFFFF  }
0xc0: {  	[dreg:$0x0] =	wrdreg $0xFFFFFFFF;
	(pc) =	sbr.abs _section_cstart, $3  }
0xc1: {  	[dreg:$0x1] =	wrdreg $0xFFFFFFFF  }
0xc2: {  	_ =	task.clear_ibuf [dreg:s7], $0x2FFFF;
	_ =	strace $0x9FFFFFFF  }
0xc3: {  	(tm) =	ssettm $0x7FFFFFFF  }
tec
execute0_lowered:
.L_overlay_start_1:
0x0: {  	(tag) =	ssettag $0x1  }
0x1: {  	s0 =	rddreg [dreg:$0x0]  }
0x2: {  	s2 =	rddreg [dreg:$0x2];
	s3 =	simm.s32 $0x0;
	s1 =	stileid.u32  }
0x3: {  	s4 =	srdreg.scid;
	s15 =	simm.s32 $0x4F00;
	s19 =	simm.s32 $0x80  }
0x4: {  	s20 =	simm.s32 $0x180;
	s28 =	simm.s32 $0x3;
	s29 =	simm.s32 $0x4  }
0x5: {  	s30 =	simm.s32 $0x5;
	s31 =	simm.s32 $0x6;
	[smem:$0x7FF] =	sst s3  }
0x6: {  	s7 =	smul.u32 $0x1380, s1;
	s8 =	sand.u32 $0x1, s4;
	s21 =	sshll.u32 s1, $0x1  }
0x7: {  	s10 =	sadd.s32 $0x4200, s0;
	s4 =	sadd.s32 $0x1A400, s0;
	s5 =	sadd.s32 $0x1CC00, s0  }
0x8: {  	s18 =	sadd.s32 $0x13800, s2;
	p0 =	sne.s32 s1, $0x0;
	s26 =	sshll.u32 s1, $0x6  }
0x9: {  	p2 =	sgt.u32 s1, $0x1;
	p3 =	seq.s32 s1, $0x0;
	_ =	strace $0x80000047  }
0xa: {  	s9 =	sor.u32 s8, s21;
	s6 =	ssub.s32 $0x2, s8;
	p1 =	seq.s32 s8, $0x1  }
0xb: {  	s16 =	sor.u32 $0x1C07, s26;
	[dreg:$0x4] =	wrdreg s18;
	s18 =	sshrl.u32 @!p0 s18, $0x3  }
0xc: {  	s21 =	simm.s32 $0x280;
	s26 =	simm.s32 $0x2;
	s12 =	sshrl.u32 s7, $0x3  }
0xd: {  	s11 =	smul.u32 $0x9C0, s9;
	s14 =	sshrl.u32 s6, $0x1;
	s17 =	sadd.s32 s7, s2  }
0xe: {  	s22 =	sshll.u32 s9, $0x5;
	s9 =	sadd.s32 $0x1A300, s0;
	s13 =	sadd.s32 s12, s0  }
0xf: {  	s14 =	ssub.s32 s6, s14;
	s23 =	sadd.s32 s22, s10;
	s24 =	sadd.s32 s4, s12  }
.Ltmp0:
0x10: {  	s25 =	sadd.s32 s5, s12;
	s17 =	sshrl.u32 s17, $0x3;
	(pc) =	sbr.rel .LBB2_1-.Ltmp0, $4  }
0x11: {  	s22 =	simm.s32 $0x380;
	s0 =	simm.s32 $0x0;
	s6 =	sadd.s32 s10, s11  }
0x12: {  	s7 =	sadd.s32 $0x17C00, s13;
	s10 =	sadd.s32 $0x13800, s23;
	[dreg:$0x5] =	wrdreg s24  }
0x13: {  	[dreg:$0x6] =	wrdreg s25;
	s13 =	smax.u32 s14, $0x1;
	s14 =	simm.s32 $0x7  }
0x14: {  	s23 =	simm.s32 $0x480;
	s24 =	simm.s32 $0x580;
	s25 =	simm.s32 $0x1  }
.LBB2_6:
0x15: {  	s8 =	rddreg [dreg:$0x4]  }
0x16: {  	s1 =	sadd.s32 $0x2700, s1;
	s8 =	sshrl.u32 s8, $0x3  }
0x17: {  	[hbm:s1], [sflag:s16] =	dma.local [spmem:s8], $0x10  }
0x18: {  	_ =	swait.ge [sflag:s14], $0x10  }
0x19: {  	[sflag:s14] =	ssyncset.done $0x0  }
0x1a: {  	[sflag:s14] =	ssyncadd.s32 $0xFFFFFFF0  }
.LBB2_7:
0x1b: {  	s0 =	sadd.s32 $0x1, s0  }
0x1c: {  	p4 =	sne.s32 s0, s13  }
.Ltmp1:
0x1d: {  	_ = 	snop;
	(pc) =	sbr.rel @!p4 .LBB2_8-.Ltmp1, $1  }
0x1e: {  	_ =	sdelay $0x3  }
.LBB2_1:
0x1f: {  	[tilespmem:s3], [sflag:$0x7] =	stream.linear.gather [hbm4b:s6+s3], $0x4E00, $0x38;
	[tilespmem:$0x6688] =	vst v63  }
0x20: {  	_ =	swait.ge [sflag:s14], $0x4E00  }
0x21: {  	[sflag:s14] =	ssyncset.done $0x0  }
0x22: {  	[sflag:s14] =	ssyncadd.s32 $0xFFFFB200  }
0x23: {  	s1 =	rddreg [dreg:$0x1]  }
0x24: {  	[tilespmem:s15], [sflag:$0x7] =	stream.linear.gather [hbm4b:s1+s3], $0x400, $0x38;
	[tilespmem:$0x6688] =	vst v63  }
0x25: {  	_ =	swait.ge [sflag:s14], $0x400  }
0x26: {  	[sflag:s14] =	ssyncset.done $0x0  }
0x27: {  	[sflag:s14] =	ssyncadd.s32 $0xFFFFFC00  }
0x28: {  	[spmem:s17], [sflag:s16] =	dma.local [hbm:s7], $0x270  }
0x29: {  	_ =	swait.ge [sflag:s14], $0x270  }
0x2a: {  	[sflag:s14] =	ssyncset.done $0x0  }
0x2b: {  	s1 =	simm.s32 @!p0 $0x7;
	[sflag:s14] =	ssyncadd.s32 $0xFFFFFD90  }
0x2c: {  	[spmem:s18], [sflag:s16] =	dma.local @!p0 [hbm:s9], $0x10  }
0x2d: {  	_ =	swait.ge @!p0 [sflag:s1], $0x10  }
0x2e: {  	[sflag:s1] =	ssyncset.done @!p0 $0x0  }
0x2f: {  	[sflag:s1] =	ssyncadd.s32 @!p0 $0xFFFFFFF0  }
0x30: {  	[bflag:$0x0] =	sbarrier.arrive $0xFFFF  }
0x31: {  	[spmem:s2] =	stream.indirect.scatter.add.f32 [tilespmem:s15], [sflag:$0x1], $0x8, s19, s19, $0xb8;
	[tilespmem:$0x6688] =	vst v63  }
0x32: {  	_ = 	snop  }
0x33: {  	[spmem:s2] =	stream.indirect.scatter.add.f32 [tilespmem:s15], [sflag:$0x2], $0x8, s20, s19, $0xb8;
	[tilespmem:$0x6688] =	vst v63  }
0x34: {  	_ = 	snop  }
0x35: {  	[spmem:s2] =	stream.indirect.scatter.add.f32 [tilespmem:s15], [sflag:$0x3], $0x8, s21, s19, $0xb8;
	[tilespmem:$0x6688] =	vst v63  }
0x36: {  	_ = 	snop  }
0x37: {  	[spmem:s2] =	stream.indirect.scatter.add.f32 [tilespmem:s15], [sflag:$0x4], $0x8, s22, s19, $0xb8;
	[tilespmem:$0x6688] =	vst v63  }
0x38: {  	_ = 	snop  }
0x39: {  	[spmem:s2] =	stream.indirect.scatter.add.f32 [tilespmem:s15], [sflag:$0x5], $0x8, s23, s19, $0xb8;
	[tilespmem:$0x6688] =	vst v63  }
0x3a: {  	_ = 	snop  }
0x3b: {  	[spmem:s2] =	stream.indirect.scatter.add.f32 [tilespmem:s15], [sflag:$0x6], $0x8, s24, s19, $0xb8;
	[tilespmem:$0x6688] =	vst v63  }
0x3c: {  	_ =	swait.ge [sflag:s25], $0x400  }
0x3d: {  	[sflag:s25] =	ssyncset.done $0x0  }
0x3e: {  	s11 =	simm.s32 $0x680;
	[sflag:s25] =	ssyncadd.s32 $0xFFFFFC00  }
0x3f: {  	[spmem:s2] =	stream.indirect.scatter.add.f32 [tilespmem:s15], [sflag:$0x1], $0x8, s11, s19, $0xb8;
	[tilespmem:$0x6688] =	vst v63  }
0x40: {  	_ =	swait.ge [sflag:s26], $0x400  }
0x41: {  	[sflag:s26] =	ssyncset.done $0x0  }
0x42: {  	s12 =	simm.s32 $0x780;
	[sflag:s26] =	ssyncadd.s32 $0xFFFFFC00  }
0x43: {  	[spmem:s2] =	stream.indirect.scatter.add.f32 [tilespmem:s15], [sflag:$0x2], $0x8, s12, s19, $0xb8;
	[tilespmem:$0x6688] =	vst v63  }
0x44: {  	_ =	swait.ge [sflag:s28], $0x400  }
0x45: {  	[sflag:s28] =	ssyncset.done $0x0  }
0x46: {  	s8 =	simm.s32 $0x880;
	[sflag:s28] =	ssyncadd.s32 $0xFFFFFC00  }
0x47: {  	[spmem:s2] =	stream.indirect.scatter.add.f32 [tilespmem:s15], [sflag:$0x3], $0x8, s8, s19, $0xb8;
	[tilespmem:$0x6688] =	vst v63  }
0x48: {  	_ =	swait.ge [sflag:s29], $0x400  }
0x49: {  	[sflag:s29] =	ssyncset.done $0x0  }
0x4a: {  	s11 =	simm.s32 $0x980;
	[sflag:s29] =	ssyncadd.s32 $0xFFFFFC00  }
0x4b: {  	[spmem:s2] =	stream.indirect.scatter.add.f32 [tilespmem:s15], [sflag:$0x4], $0x8, s11, s19, $0xb8;
	[tilespmem:$0x6688] =	vst v63  }
0x4c: {  	_ =	swait.ge [sflag:s30], $0x400  }
0x4d: {  	[sflag:s30] =	ssyncset.done $0x0  }
0x4e: {  	s12 =	simm.s32 $0xA80;
	[sflag:s30] =	ssyncadd.s32 $0xFFFFFC00  }
0x4f: {  	[spmem:s2] =	stream.indirect.scatter.add.f32 [tilespmem:s15], [sflag:$0x5], $0x8, s12, s19, $0xb8;
	[tilespmem:$0x6688] =	vst v63  }
0x50: {  	_ =	swait.ge [sflag:s31], $0x400  }
0x51: {  	[sflag:s31] =	ssyncset.done $0x0  }
0x52: {  	s1 =	simm.s32 $0xB80;
	s8 =	simm.s32 $0x1800;
	[sflag:s31] =	ssyncadd.s32 $0xFFFFFC00  }
.LBB2_2:
0x53: {  	[spmem:s2] =	stream.indirect.scatter.add.f32 [tilespmem:s15], [sflag:$0x6], $0x8, s1, s19, $0xb8;
	[tilespmem:$0x6688] =	vst v63  }
0x54: {  	s1 =	smov.u32 s8  }
0x55: {  	p4 =	sne.s32 s8, $0x10800;
	s8 =	sadd.s32 $0x1800, s8;
	_ =	swait.ge [sflag:s25], $0x400  }
0x56: {  	s1 =	sshra.s32 s1, $0x2;
	[sflag:s25] =	ssyncset.done $0x0  }
0x57: {  	s11 =	sadd.s32 $0x680, s1;
	[sflag:s25] =	ssyncadd.s32 $0xFFFFFC00  }
0x58: {  	[spmem:s2] =	stream.indirect.scatter.add.f32 [tilespmem:s15], [sflag:$0x1], $0x8, s11, s19, $0xb8;
	[tilespmem:$0x6688] =	vst v63  }
0x59: {  	_ =	swait.ge [sflag:s26], $0x400  }
0x5a: {  	[sflag:s26] =	ssyncset.done $0x0  }
0x5b: {  	s11 =	sadd.s32 $0x780, s1;
	[sflag:s26] =	ssyncadd.s32 $0xFFFFFC00  }
0x5c: {  	[spmem:s2] =	stream.indirect.scatter.add.f32 [tilespmem:s15], [sflag:$0x2], $0x8, s11, s19, $0xb8;
	[tilespmem:$0x6688] =	vst v63  }
0x5d: {  	_ =	swait.ge [sflag:s28], $0x400  }
0x5e: {  	[sflag:s28] =	ssyncset.done $0x0  }
0x5f: {  	s11 =	sadd.s32 $0x880, s1;
	[sflag:s28] =	ssyncadd.s32 $0xFFFFFC00  }
0x60: {  	[spmem:s2] =	stream.indirect.scatter.add.f32 [tilespmem:s15], [sflag:$0x3], $0x8, s11, s19, $0xb8;
	[tilespmem:$0x6688] =	vst v63  }
0x61: {  	_ =	swait.ge [sflag:s29], $0x400  }
0x62: {  	[sflag:s29] =	ssyncset.done $0x0  }
0x63: {  	s11 =	sadd.s32 $0x980, s1;
	[sflag:s29] =	ssyncadd.s32 $0xFFFFFC00  }
0x64: {  	[spmem:s2] =	stream.indirect.scatter.add.f32 [tilespmem:s15], [sflag:$0x4], $0x8, s11, s19, $0xb8;
	[tilespmem:$0x6688] =	vst v63  }
0x65: {  	_ =	swait.ge [sflag:s30], $0x400  }
0x66: {  	[sflag:s30] =	ssyncset.done $0x0  }
.Ltmp2:
0x67: {  	s11 =	sadd.s32 $0xA80, s1;
	[sflag:s30] =	ssyncadd.s32 $0xFFFFFC00;
	(pc) =	sbr.rel @p4 .LBB2_2-.Ltmp2, $4  }
0x68: {  	[spmem:s2] =	stream.indirect.scatter.add.f32 [tilespmem:s15], [sflag:$0x5], $0x8, s11, s19, $0xb8;
	[tilespmem:$0x6688] =	vst v63  }
0x69: {  	_ =	swait.ge [sflag:s31], $0x400  }
0x6a: {  	[sflag:s31] =	ssyncset.done $0x0  }
0x6b: {  	s1 =	sadd.s32 $0xB80, s1;
	[sflag:s31] =	ssyncadd.s32 $0xFFFFFC00  }
0x6c: {  	[spmem:s2] =	stream.indirect.scatter.add.f32 [tilespmem:s15], [sflag:$0x6], $0x8, s1, s19, $0xb8;
	[tilespmem:$0x6688] =	vst v63  }
0x6d: {  	_ =	swait.ge [sflag:s25], $0x400  }
0x6e: {  	[sflag:s25] =	ssyncset.done $0x0  }
0x6f: {  	[sflag:s25] =	ssyncadd.s32 $0xFFFFFC00  }
0x70: {  	_ =	swait.ge [sflag:s26], $0x400  }
0x71: {  	[sflag:s26] =	ssyncset.done $0x0  }
0x72: {  	[sflag:s26] =	ssyncadd.s32 $0xFFFFFC00  }
0x73: {  	_ =	swait.ge [sflag:s28], $0x400  }
0x74: {  	[sflag:s28] =	ssyncset.done $0x0  }
0x75: {  	[sflag:s28] =	ssyncadd.s32 $0xFFFFFC00  }
0x76: {  	_ =	swait.ge [sflag:s29], $0x400  }
0x77: {  	[sflag:s29] =	ssyncset.done $0x0  }
0x78: {  	[sflag:s29] =	ssyncadd.s32 $0xFFFFFC00  }
0x79: {  	_ =	swait.ge [sflag:s30], $0x400  }
0x7a: {  	[sflag:s30] =	ssyncset.done $0x0  }
0x7b: {  	[sflag:s30] =	ssyncadd.s32 $0xFFFFFC00  }
0x7c: {  	_ =	swait.ge [sflag:s31], $0x400  }
0x7d: {  	[sflag:s31] =	ssyncset.done $0x0  }
0x7e: {  	s1 =	simm.s32 @!p2 $0x0;
	s8 =	simm.s32 @!p2 $0x4E00;
	[sflag:s31] =	ssyncadd.s32 $0xFFFFFC00  }
0x7f: {  	[tilespmem:s8], [sflag:$0x7] =	stream.linear.gather @!p2 [hbm4b:s10+s1], $0x100, $0x38;
	[tilespmem:$0x6688] =	vst v63  }
0x80: {  	s1 =	simm.s32 @!p2 $0x7  }
0x81: {  	_ =	swait.ge @!p2 [sflag:s1], $0x100  }
0x82: {  	s11 =	simm.s32 @!p2 $0x4E80;
	[sflag:s1] =	ssyncset.done @!p2 $0x0  }
0x83: {  	s12 =	simm.s32 @!p2 $0x4F00;
	s8 =	simm.s32 @!p2 $0x80;
	[sflag:s1] =	ssyncadd.s32 @!p2 $0xFFFFFF00  }
0x84: {  	[spmem:s2] =	stream.indirect.scatter.add.f32 @!p2 [tilespmem:s12], [sflag:$0x7], $0x8, s11, s8, $0xb8;
	[tilespmem:$0x6688] =	vst v63  }
.Ltmp3:
0x85: {  	_ =	swait.ge @!p2 [sflag:s1], $0x400;
	(pc) =	sbr.rel @!p1 .LBB2_4-.Ltmp3, $3  }
0x86: {  	[sflag:s1] =	ssyncset.done @!p2 $0x0  }
0x87: {  	[sflag:s1] =	ssyncadd.s32 @!p2 $0xFFFFFC00  }
0x88: {  	[bflag:$0x0] =	sbarrier.arrive $0xFFFF;
	_ =	sdelay $0x1  }
0x89: {  	s1 =	rddreg [dreg:$0x6]  }
0x8a: {  	[hbm:s1], [sflag:s16] =	dma.local [spmem:s17], $0x270  }
.Ltmp4:
0x8b: {  	_ = 	snop;
	(pc) =	sbr.rel @p0 .LBB2_7-.Ltmp4, $4  }
.Ltmp5:
0x8c: {  	_ = 	snop;
	(pc) =	sbr.rel @!p0 .LBB2_6-.Ltmp5, $4  }
0x8d: {  	_ =	swait.ge [sflag:s14], $0x270  }
0x8e: {  	[sflag:s14] =	ssyncset.done $0x0  }
0x8f: {  	s1 =	smov.u32 s5;
	[sflag:s14] =	ssyncadd.s32 $0xFFFFFD90  }
0x90: {  	_ = 	snop  }
.LBB2_4:
0x91: {  	s1 =	rddreg [dreg:$0x5]  }
0x92: {  	[hbm:s1], [sflag:s16] =	dma.local [spmem:s17], $0x270  }
.Ltmp6:
0x93: {  	_ = 	snop;
	(pc) =	sbr.rel @!p3 .LBB2_7-.Ltmp6, $4  }
.Ltmp7:
0x94: {  	_ = 	snop;
	(pc) =	sbr.rel @p3 .LBB2_6-.Ltmp7, $4  }
0x95: {  	_ =	swait.ge [sflag:s14], $0x270  }
0x96: {  	[sflag:s14] =	ssyncset.done $0x0  }
0x97: {  	s1 =	smov.u32 s4;
	[sflag:s14] =	ssyncadd.s32 $0xFFFFFD90  }
0x98: {  	_ = 	snop  }
.LBB2_8:
0x99: {  	_ =	sfence.sel $0x180000  }
0x9a: {  	[bflag:$0x0] =	sbarrier.arrive $0xFFFF  }
0x9b: {  	_ =	strace $0x90000047  }
0x9c: {  	[bflag:$0x2] =	sbarrier.arrive $0xFFFF  }
0x9d: {  	s0 =	rddreg [dreg:$0x3]  }
0x9e: {  	s0 =	sadd.s32 @!p0 $0x100000, s0  }
0x9f: {  	[sflag:s0] =	ssyncadd.tile.s32 @!p0 $0x1;
	_ =	shalt  }
.Lfunc_end2:
_tile_overlayer_lowered:
.L_overlay_start_2:
0xa0: {  	(tag) =	ssettag $0x2  }
0xa1: {  	s0 =	rddreg [dreg:$0x0];
	s2 =	stileid.u32  }
0xa2: {  	s1 =	rddreg [dreg:$0x1];
	p0 =	sne.s32 s2, $0x0  }
0xa3: {  	s3 =	rddreg [dreg:$0x2];
	[bflag:$0x3] =	sbarrier.arrive $0xFFFF;
	s2 =	simm.s32 @!p0 $0x1C07  }
0xa4: {  	[timem:s3], [sflag:s2] =	dma.local @!p0 [hbm:s0], s1  }
0xa5: {  	s0 =	simm.s32 @!p0 $0x7  }
0xa6: {  	_ =	swait.ge @!p0 [sflag:s0], s1  }
0xa7: {  	s1 =	ssub.s32 @!p0 $0x0, s1;
	[sflag:s0] =	ssyncset.done @!p0 $0x0  }
0xa8: {  	[sflag:s0] =	ssyncadd.s32 @!p0 s1  }
0xa9: {  	[bflag:$0x3] =	sbarrier.arrive $0xFFFF  }
0xaa: {  	_ =	shalt  }

// kernel: kernel.13.cloned.1.call-start
scs
__scs_entry_jumppad:
0x0: {  	(pc) =	sbr.rel $0x88, $3  }
0x1: {  	(tag) =	ssettag $0x0;
	lr =	simm.s32 $0x1  }
0x2: {  	[smem:$0x3F99] =	sst lr;
	_ =	strace $0xD0000000  }
0x3: {  	_ = 	snop  }
0x4: {  	_ = 	snop  }
0x5: {  	_ = 	snop  }
0x6: {  	_ = 	snop  }
0x7: {  	_ = 	snop  }
__scs_overlays_trampoline_lowered:
0x8: {  	[smem:$0x3FA8] =	sst s0  }
0x9: {  	[smem:$0x3FA9] =	sst s1  }
0xa: {  	[smem:$0x3FAA] =	sst s2  }
0xb: {  	[smem:$0x3FAB] =	sst s3  }
0xc: {  	[smem:$0x3FAC] =	sst s4  }
0xd: {  	[smem:$0x3FAD] =	sst s5  }
0xe: {  	[smem:$0x3FAE] =	sst s6  }
0xf: {  	[smem:$0x3FAF] =	sst s7  }
0x10: {  	[smem:$0x3FB0] =	sst s8  }
0x11: {  	[smem:$0x3FB1] =	sst s9;
	s0 =	simm.s32 @!p0 $0x0  }
0x12: {  	s1 =	sld [smem:$0x3F97];
	s0 =	simm.s32 @p0 $0x1  }
0x13: {  	[smem:$0x3FB2] =	sst s0;
	s0 =	simm.s32 @!p1 $0x0  }
0x14: {  	s2 =	sld [smem:$0x3F96];
	s0 =	simm.s32 @p1 $0x1  }
0x15: {  	[smem:$0x3FB3] =	sst s0;
	s0 =	simm.s32 @!p2 $0x0  }
0x16: {  	s3 =	sld [smem:$0x3FDB];
	s0 =	simm.s32 @p2 $0x1  }
0x17: {  	s4 =	simm.s32 $0x1BF5;
	[smem:$0x3FB5] =	sst s0  }
0x18: {  	s0 =	sld [smem:$0x3F98];
	_ =	swait.ge [sflag:s4], $0x0  }
0x19: {  	s7 =	sld [smem:$0x3F99]  }
0x1a: {  	s8 =	sadd.s32 $0xFFFFE003, lr  }
0x1b: {  	s9 =	sadd.s32 $0xFFFFFEF7, lr;
	s5 =	simm.s32 $0xFFFFFFFF;
	p2 =	slt.u32 s8, $0xFFFFF086  }
0x1c: {  	p1 =	slt.u32 s9, $0xF7A;
	s5 =	simm.s32 @!p2 $0x0  }
0x1d: {  	s5 =	simm.s32 @p1 $0x1;
	p0 =	seq.s32 s7, s2  }
0x1e: {  	s7 =	smul.u32 @!p0 $0xF7A, s2;
	p2 =	seq.s32 @!p0 s5, $0x0  }
0x1f: {  	s9 =	smul.u32 $0xF7A, s1;
	s8 =	simm.s32 @!p0 $0x1BF5;
	p2 =	por !p2, p0  }
0x20: {  	[sflag:s8] =	ssyncset.s32 @!p0 $0xFFFFF086;
	s6 =	sadd.s32 @!p0 s3, s7;
	s7 =	simm.s32 @!p0 $0x108  }
0x21: {  	s3 =	sadd.s32 s3, s9;
	s6 =	sadd.s32 @!p0 $0x88, s6;
	s7 =	simm.s32 @p2 $0x1082  }
0x22: {  	[simem:s7], [sflag:s8] =	dma.local @!p0 [hbm:s6], $0xF7A  }
0x23: {  	s9 =	sor.u32 $0xD0000000, s2;
	s6 =	simm.s32 $0x108;
	_ =	swait.ge @!p0 [sflag:s8], $0x0  }
0x24: {  	s3 =	sadd.s32 $0x88, s3;
	s6 =	simm.s32 @!p1 $0x1082;
	[sflag:s4] =	ssyncset.s32 $0xFFFFF086  }
0x25: {  	[simem:s6], [sflag:s4] =	dma.local [hbm:s3], $0xF7A  }
0x26: {  	[smem:$0x3F99] =	sst s1;
	(tag) =	ssettag s2;
	_ =	strace s9  }
0x27: {  	s1 =	sld [smem:$0x3FA9]  }
0x28: {  	s2 =	sld [smem:$0x3FAA]  }
0x29: {  	s4 =	sld [smem:$0x3FAC]  }
0x2a: {  	p0 =	seq.s32 s5, $0x0;
	s5 =	sld [smem:$0x3FAD]  }
0x2b: {  	s6 =	sld [smem:$0x3FAE]  }
0x2c: {  	s7 =	sld [smem:$0x3FAF]  }
0x2d: {  	s3 =	simm.s32 $0x108;
	s8 =	sld [smem:$0x3FB0]  }
0x2e: {  	s3 =	simm.s32 @!p0 $0x1082;
	s9 =	sld [smem:$0x3FB1]  }
0x2f: {  	lr =	sadd.s32 s0, s3;
	s0 =	sld [smem:$0x3FA8]  }
0x30: {  	s3 =	sld [smem:$0x3FAB]  }
0x31: {  	[smem:$0x3FB4] =	sst s10  }
0x32: {  	s10 =	sld [smem:$0x3FB2];
	_ =	sdelay $0x3  }
0x33: {  	p0 =	seq.s32 s10, $0x1;
	s10 =	sld [smem:$0x3FB4];
	_ =	sdelay $0x3  }
0x34: {  	[smem:$0x3FB4] =	sst s10  }
0x35: {  	s10 =	sld [smem:$0x3FB3];
	_ =	sdelay $0x3  }
0x36: {  	p1 =	seq.s32 s10, $0x1;
	s10 =	sld [smem:$0x3FB4];
	_ =	sdelay $0x3  }
0x37: {  	[smem:$0x3FB4] =	sst s10  }
0x38: {  	s10 =	sld [smem:$0x3FB5]  }
0x39: {  	_ = 	snop;
	(pc) =	sbr.ind lr, $3  }
0x3a: {  	_ = 	snop  }
0x3b: {  	_ = 	snop  }
0x3c: {  	p2 =	seq.s32 s10, $0x1;
	s10 =	sld [smem:$0x3FB4]  }
0x3d: {  	_ =	shalt  }
0x3e: {  	_ =	shalt  }
0x3f: {  	_ =	shalt  }
0x40: {  	_ =	shalt  }
0x41: {  	_ =	shalt  }
0x42: {  	_ =	shalt  }
0x43: {  	_ =	shalt  }
0x44: {  	_ =	shalt  }
0x45: {  	_ =	shalt  }
0x46: {  	_ =	shalt  }
0x47: {  	_ =	shalt  }
0x48: {  	_ =	shalt  }
0x49: {  	_ =	shalt  }
0x4a: {  	_ =	shalt  }
0x4b: {  	_ =	shalt  }
0x4c: {  	_ =	shalt  }
0x4d: {  	_ =	shalt  }
0x4e: {  	_ =	shalt  }
0x4f: {  	_ =	shalt  }
0x50: {  	_ =	shalt  }
0x51: {  	_ =	shalt  }
0x52: {  	_ =	shalt  }
0x53: {  	_ =	shalt  }
0x54: {  	_ =	shalt  }
0x55: {  	_ =	shalt  }
0x56: {  	_ =	shalt  }
0x57: {  	_ =	shalt  }
0x58: {  	_ =	shalt  }
0x59: {  	_ =	shalt  }
0x5a: {  	_ =	shalt  }
0x5b: {  	_ =	shalt  }
0x5c: {  	_ =	shalt  }
0x5d: {  	_ =	shalt  }
0x5e: {  	_ =	shalt  }
0x5f: {  	_ =	shalt  }
0x60: {  	_ =	shalt  }
0x61: {  	_ =	shalt  }
0x62: {  	_ =	shalt  }
0x63: {  	_ =	shalt  }
0x64: {  	_ =	shalt  }
0x65: {  	_ =	shalt  }
0x66: {  	_ =	shalt  }
0x67: {  	_ =	shalt  }
0x68: {  	_ =	shalt  }
0x69: {  	_ =	shalt  }
0x6a: {  	_ =	shalt  }
0x6b: {  	_ =	shalt  }
0x6c: {  	_ =	shalt  }
0x6d: {  	_ =	shalt  }
0x6e: {  	_ =	shalt  }
0x6f: {  	_ =	shalt  }
0x70: {  	_ =	shalt  }
0x71: {  	_ =	shalt  }
0x72: {  	_ =	shalt  }
0x73: {  	_ =	shalt  }
0x74: {  	_ =	shalt  }
0x75: {  	_ =	shalt  }
0x76: {  	_ =	shalt  }
0x77: {  	_ =	shalt  }
0x78: {  	_ =	shalt  }
0x79: {  	_ =	shalt  }
0x7a: {  	_ =	shalt  }
0x7b: {  	_ =	shalt  }
0x7c: {  	_ =	shalt  }
0x7d: {  	_ =	shalt  }
0x7e: {  	_ =	shalt  }
0x7f: {  	_ =	shalt  }
0x80: {  	_ =	shalt  }
0x81: {  	_ =	shalt  }
0x82: {  	_ =	shalt  }
0x83: {  	_ =	shalt  }
0x84: {  	_ =	shalt  }
0x85: {  	_ =	shalt  }
0x86: {  	_ =	shalt  }
0x87: {  	_ =	shalt  }
.Lfunc_end0:
.L_simem_size_0:
called_computation.1_lowered:
.L_overlay_start_0:
0x88: {  	s2 =	sld [smem:$0x3FD9]  }
0x89: {  	s3 =	sld [smem:$0x3FFE];
	_ =	sdelay $0x1  }
0x8a: {  	s1 =	srdreg.scid  }
0x8b: {  	s0 =	sand.u32 $0x1, s1  }
0x8c: {  	s16 =	sshll.u32 s0, $0xA;
	s2 =	sadd.s32 s3, s2  }
0x8d: {  	s2 =	sadd.s32 s2, s16  }
0x8e: {  	[smem:$0x3FC0] =	sst s2  }
0x8f: {  	_ = 	snop  }
0x90: {  	(tm) =	ssettm $0x1  }
0x91: {  	s17 =	sld [smem:$0x3FFB];
	_ =	sdelay $0x3  }
0x92: {  	_ =	strace s17  }
0x93: {  	s2 =	sld [smem:$0x3FFC];
	_ =	sdelay $0x3  }
0x94: {  	_ =	strace s2  }
0x95: {  	s2 =	sld [smem:$0x3FFD];
	_ =	sdelay $0x3  }
0x96: {  	_ =	strace s2  }
0x97: {  	_ =	strace $0x8FFFFFFF  }
0x98: {  	s18 =	sld [smem:$0x3FDB];
	_ =	sdelay $0x1  }
0x99: {  	s19 =	simm.s32 $_scs_section_size  }
0x9a: {  	s4 =	simm.s32 $_size__tile_overlayer_lowered;
	s5 =	simm.s32 $_tile_overlayer_lowered  }
0x9b: {  	s22 =	simm.s32 $0x1BFF;
	s21 =	sshll.u32 s5, $0x1;
	s2 =	sadd.s32 s19, s18  }
0x9c: {  	s6 =	simm.s32 $0x0;
	s20 =	sshll.u32 s4, $0x1;
	s4 =	sadd.s32 s21, s2  }
0x9d: {  	[timem:s6], [sflag:s22] =	dma.local [hbm:s4], s20  }
0x9e: {  	_ =	swait.ge [sflag:s22], s20  }
0x9f: {  	s3 =	ssub.s32 $0x0, s20;
	[sflag:s22] =	ssyncset.done $0x0  }
0xa0: {  	[sflag:s22] =	ssyncadd.s32 s3;
	_ =	sdelay $0x1  }
0xa1: {  	s23 =	simm.s32 $0x1B8B  }
0xa2: {  	_ =	swait.ge [sflag:s23], $0x1  }
0xa3: {  	[sflag:s23] =	ssyncset.done $0x0  }
0xa4: {  	s25 =	simm.s32 $0x1B8E;
	s24 =	sld [smem:$0x3FFE];
	[sflag:s23] =	ssyncadd.s32 $0xFFFFFFFF  }
0xa5: {  	s26 =	simm.s32 $execute0_lowered;
	[smem:$0x3FD2] =	sst s25  }
0xa6: {  	s4 =	sshll.u32 s26, $0x1;
	_ =	strace $0x80000049;
	[dreg:$0x1] =	wrdreg $0xFFFFFFFF  }
0xa7: {  	s28 =	simm.s32 $_size_execute0_lowered;
	s2 =	sadd.s32 s2, s4;
	[dreg:$0x0] =	wrdreg $0x0  }
0xa8: {  	s4 =	sshll.u32 s28, $0x1;
	[dreg:$0x2] =	wrdreg s2  }
0xa9: {  	[dreg:$0x3] =	wrdreg s4  }
0xaa: {  	[dreg:$0x4] =	wrdreg $0xC0  }
0xab: {  	_ =	task [dreg:s6], $0x5FFFF  }
0xac: {  	[dreg:$0x1] =	wrdreg $0xFFFFFFFF  }
0xad: {  	[dreg:$0x0] =	wrdreg $0x60  }
0xae: {  	[dreg:$0x2] =	wrdreg s24  }
0xaf: {  	[dreg:$0x3] =	wrdreg $0x10F000  }
0xb0: {  	[dreg:$0x4] =	wrdreg $0x9  }
0xb1: {  	_ =	task.clear_ibuf [dreg:s6], $0x5FFFF;
	_ =	strace $0x90000049  }
0xb2: {  	s29 =	simm.s32 $0x9;
	_ =	strace $0x8000004B  }
0xb3: {  	_ =	swait.ge [sflag:s29], $0x1  }
0xb4: {  	[sflag:s29] =	ssyncadd.s32 $0xFFFFFFFF  }
0xb5: {  	_ =	strace $0x9000004B  }
0xb6: {  	_ =	sfence  }
0xb7: {  	s30 =	sld [smem:$0x0];
	_ =	sdelay $0x2  }
0xb8: {  	s31 =	sshll.u32 s1, $0xD;
	s1 =	sshrl.u32 s1, $0x2  }
0xb9: {  	s3 =	sand.u32 $0x4000, s31;
	s1 =	sadd.s32 s1, s30  }
0xba: {  	s0 =	sor.u32 s3, s0;
	s1 =	sshll.u32 s1, $0x11  }
0xbb: {  	s0 =	sor.u32 s1, s0  }
0xbc: {  	s0 =	sadd.s32 $0x8F2B, s0  }
0xbd: {  	[sflag:s0] =	ssyncadd.remote.s32 $0x1  }
0xbe: {  	_ =	sfence.sel $0xFFFF  }
0xbf: {  	[dreg:$0x0] =	wrdreg $0xFFFFFFFF;
	(pc) =	sbr.abs _section_cstart, $3  }
0xc0: {  	[dreg:$0x1] =	wrdreg $0xFFFFFFFF  }
0xc1: {  	_ =	task.clear_ibuf [dreg:s6], $0x2FFFF;
	_ =	strace $0x9FFFFFFF  }
0xc2: {  	(tm) =	ssettm $0x7FFFFFFF  }
0xc3: {  	_ =	shalt  }
tec
execute0_lowered:
.L_overlay_start_1:
0x0: {  	(tag) =	ssettag $0x1  }
0x1: {  	s0 =	rddreg [dreg:$0x0]  }
0x2: {  	s1 =	rddreg [dreg:$0x1]  }
0x3: {  	s2 =	simm.s32 $0x0;
	s20 =	stileid.u32;
	s3 =	srdreg.scid  }
0x4: {  	s18 =	simm.s32 $0x80;
	s19 =	simm.s32 $0x4F00;
	s21 =	simm.s32 $0x6F00  }
0x5: {  	s28 =	simm.s32 $0x2;
	s31 =	simm.s32 $0xCF00;
	s30 =	simm.s32 $0x5  }
0x6: {  	s29 =	simm.s32 $0x9;
	[smem:$0x7FF] =	sst s2;
	s4 =	smul.u32 $0x9C00, s20  }
0x7: {  	s5 =	sadd.s32 $0x4200, s0;
	s6 =	sand.u32 $0x1, s3;
	s7 =	sshll.u32 s20, $0x1  }
0x8: {  	s3 =	sadd.s32 $0x17C00, s0;
	s13 =	sadd.s32 $0x3F000, s0;
	s14 =	sadd.s32 $0x52A00, s0  }
0x9: {  	p0 =	sne.s32 s20, $0x0;
	s26 =	sshll.u32 s20, $0x6;
	p2 =	sgt.u32 s20, $0x1  }
0xa: {  	p3 =	seq.s32 s20, $0x0;
	s20 =	simm.s32 $0x8;
	s2 =	simm.s32 $0x0  }
0xb: {  	_ =	strace $0x8000004A;
	s7 =	sor.u32 s6, s7;
	[dreg:$0x3] =	wrdreg s13  }
0xc: {  	s10 =	ssub.s32 $0x2, s6;
	p1 =	seq.s32 s6, $0x1;
	[dreg:$0x4] =	wrdreg s14  }
0xd: {  	s15 =	sor.u32 $0x1C0D, s26;
	s26 =	simm.s32 $0xAF00;
	s8 =	sshrl.u32 s4, $0x3  }
0xe: {  	s11 =	smul.u32 $0x9C0, s7;
	s12 =	sshrl.u32 s10, $0x1;
	s7 =	sshll.u32 s7, $0x5  }
0xf: {  	s4 =	sadd.s32 s4, s1;
	s9 =	sadd.s32 s8, s0;
	s12 =	ssub.s32 s10, s12  }
0x10: {  	s0 =	sadd.s32 $0x3EE00, s0;
	s24 =	sadd.s32 s13, s8;
	s25 =	sadd.s32 s14, s8  }
0x11: {  	s14 =	simm.s32 $0xD;
	s16 =	sshrl.u32 s4, $0x3;
	s4 =	simm.s32 $0xA  }
0x12: {  	s8 =	simm.s32 $0xC;
	s22 =	sadd.s32 s5, s11;
	[dreg:$0x8] =	wrdreg s0  }
0x13: {  	s9 =	sadd.s32 $0x2B600, s9;
	s5 =	sadd.s32 s7, s5;
	[dreg:$0xa] =	wrdreg s24  }
0x14: {  	s7 =	sadd.s32 $0x9C000, s1;
	[dreg:$0xb] =	wrdreg s25;
	s13 =	smax.u32 s12, $0x1  }
.Ltmp0:
0x15: {  	s24 =	simm.s32 $0x1;
	s0 =	simm.s32 $0x3;
	(pc) =	sbr.rel .LBB2_1-.Ltmp0, $4  }
0x16: {  	s11 =	simm.s32 $0xEF00;
	s25 =	simm.s32 $0x7;
	[dreg:$0x5] =	wrdreg s22  }
0x17: {  	s12 =	simm.s32 $0xB;
	[dreg:$0x6] =	wrdreg s9;
	s23 =	sadd.s32 $0x13800, s5  }
0x18: {  	[dreg:$0x7] =	wrdreg s7;
	s17 =	sshrl.u32 @!p0 s7, $0x3;
	s22 =	simm.s32 $0x4  }
0x19: {  	s5 =	simm.s32 $0x6;
	[dreg:$0x9] =	wrdreg s23;
	s23 =	simm.s32 $0x8F00  }
.LBB2_6:
0x1a: {  	s7 =	rddreg [dreg:$0x7]  }
0x1b: {  	s6 =	sadd.s32 $0x13800, s6;
	s7 =	sshrl.u32 s7, $0x3  }
0x1c: {  	[hbm:s6], [sflag:s15] =	dma.local [spmem:s7], $0x80  }
0x1d: {  	_ =	swait.ge [sflag:s14], $0x80  }
0x1e: {  	[sflag:s14] =	ssyncset.done $0x0  }
0x1f: {  	[sflag:s14] =	ssyncadd.s32 $0xFFFFFF80  }
.LBB2_7:
0x20: {  	s2 =	sadd.s32 $0x1, s2  }
0x21: {  	p4 =	sne.s32 s2, s13  }
.Ltmp1:
0x22: {  	_ = 	snop;
	(pc) =	sbr.rel @!p4 .LBB2_8-.Ltmp1, $1  }
0x23: {  	_ =	sdelay $0x3  }
.LBB2_1:
0x24: {  	s7 =	simm.s32 $0x0;
	s6 =	rddreg [dreg:$0x5]  }
0x25: {  	[tilespmem:s7], [sflag:$0xD] =	stream.linear.gather [hbm4b:s6+s7], $0x4E00, $0x38;
	[tilespmem:$0x1AB40] =	vst v63  }
0x26: {  	_ =	swait.ge [sflag:s14], $0x4E00  }
0x27: {  	[sflag:s14] =	ssyncset.done $0x0  }
0x28: {  	s10 =	rddreg [dreg:$0x6];
	[sflag:s14] =	ssyncadd.s32 $0xFFFFB200  }
0x29: {  	[spmem:s16], [sflag:s15] =	dma.local [hbm:s10], $0x1380  }
0x2a: {  	_ =	swait.ge [sflag:s14], $0x1380  }
0x2b: {  	[sflag:s14] =	ssyncset.done $0x0  }
0x2c: {  	s6 =	rddreg [dreg:$0x8];
	[sflag:s14] =	ssyncadd.s32 $0xFFFFEC80  }
0x2d: {  	[spmem:s17], [sflag:s15] =	dma.local @!p0 [hbm:s6], $0x80  }
0x2e: {  	s6 =	simm.s32 @!p0 $0xD  }
0x2f: {  	_ =	swait.ge @!p0 [sflag:s6], $0x80  }
0x30: {  	[sflag:s6] =	ssyncset.done @!p0 $0x0  }
0x31: {  	[sflag:s6] =	ssyncadd.s32 @!p0 $0xFFFFFF80  }
0x32: {  	[bflag:$0x0] =	sbarrier.arrive $0xFFFF  }
0x33: {  	[tilespmem:s19], [sflag:$0x1] =	stream.indirect.gather [hbm4b:s3+s18], $0x40, s7, s18, $0xb8;
	[tilespmem:$0x1AB40] =	vst v63  }
0x34: {  	s7 =	simm.s32 $0x100  }
0x35: {  	[tilespmem:s21], [sflag:$0x2] =	stream.indirect.gather [hbm4b:s3+s18], $0x40, s7, s18, $0xb8;
	[tilespmem:$0x1AB40] =	vst v63  }
0x36: {  	s9 =	simm.s32 $0x200  }
0x37: {  	[tilespmem:s23], [sflag:$0x3] =	stream.indirect.gather [hbm4b:s3+s18], $0x40, s9, s18, $0xb8;
	[tilespmem:$0x1AB40] =	vst v63  }
0x38: {  	_ =	swait.ge [sflag:s24], $0x2000  }
0x39: {  	[sflag:s24] =	ssyncset.done $0x0  }
0x3a: {  	[sflag:s24] =	ssyncadd.s32 $0xFFFFE000  }
0x3b: {  	[spmem:s1] =	stream.indirect.scatter.add.f32 [tilespmem:s19], [sflag:$0x7], $0x40, s18, s18, $0xb8;
	[tilespmem:$0x1AB40] =	vst v63  }
0x3c: {  	s10 =	simm.s32 $0x300  }
0x3d: {  	[tilespmem:s26], [sflag:$0x4] =	stream.indirect.gather [hbm4b:s3+s18], $0x40, s10, s18, $0xb8;
	[tilespmem:$0x1AB40] =	vst v63  }
0x3e: {  	_ =	swait.ge [sflag:s28], $0x2000  }
0x3f: {  	[sflag:s28] =	ssyncset.done $0x0  }
0x40: {  	s7 =	simm.s32 $0x180;
	[sflag:s28] =	ssyncadd.s32 $0xFFFFE000  }
0x41: {  	[spmem:s1] =	stream.indirect.scatter.add.f32 [tilespmem:s21], [sflag:$0x8], $0x40, s7, s18, $0xb8;
	[tilespmem:$0x1AB40] =	vst v63  }
0x42: {  	s9 =	simm.s32 $0x400  }
0x43: {  	[tilespmem:s31], [sflag:$0x5] =	stream.indirect.gather [hbm4b:s3+s18], $0x40, s9, s18, $0xb8;
	[tilespmem:$0x1AB40] =	vst v63  }
0x44: {  	_ =	swait.ge [sflag:s0], $0x2000  }
0x45: {  	[sflag:s0] =	ssyncset.done $0x0  }
0x46: {  	s10 =	simm.s32 $0x280;
	[sflag:s0] =	ssyncadd.s32 $0xFFFFE000  }
0x47: {  	[spmem:s1] =	stream.indirect.scatter.add.f32 [tilespmem:s23], [sflag:$0x9], $0x40, s10, s18, $0xb8;
	[tilespmem:$0x1AB40] =	vst v63  }
0x48: {  	s7 =	simm.s32 $0x500  }
0x49: {  	[tilespmem:s11], [sflag:$0x6] =	stream.indirect.gather [hbm4b:s3+s18], $0x40, s7, s18, $0xb8;
	[tilespmem:$0x1AB40] =	vst v63  }
0x4a: {  	_ =	swait.ge [sflag:s22], $0x2000  }
0x4b: {  	[sflag:s22] =	ssyncset.done $0x0  }
0x4c: {  	s9 =	simm.s32 $0x380;
	[sflag:s22] =	ssyncadd.s32 $0xFFFFE000  }
0x4d: {  	[spmem:s1] =	stream.indirect.scatter.add.f32 [tilespmem:s26], [sflag:$0xA], $0x40, s9, s18, $0xb8;
	[tilespmem:$0x1AB40] =	vst v63  }
0x4e: {  	_ =	swait.ge [sflag:s25], $0x2000  }
0x4f: {  	[sflag:s25] =	ssyncset.done $0x0  }
0x50: {  	s10 =	simm.s32 $0x600;
	[sflag:s25] =	ssyncadd.s32 $0xFFFFE000  }
0x51: {  	[tilespmem:s19], [sflag:$0x1] =	stream.indirect.gather [hbm4b:s3+s18], $0x40, s10, s18, $0xb8;
	[tilespmem:$0x1AB40] =	vst v63  }
0x52: {  	_ =	swait.ge [sflag:s30], $0x2000  }
0x53: {  	[sflag:s30] =	ssyncset.done $0x0  }
0x54: {  	s7 =	simm.s32 $0x480;
	[sflag:s30] =	ssyncadd.s32 $0xFFFFE000  }
0x55: {  	[spmem:s1] =	stream.indirect.scatter.add.f32 [tilespmem:s31], [sflag:$0xB], $0x40, s7, s18, $0xb8;
	[tilespmem:$0x1AB40] =	vst v63  }
0x56: {  	_ =	swait.ge [sflag:s20], $0x2000  }
0x57: {  	[sflag:s20] =	ssyncset.done $0x0  }
0x58: {  	s9 =	simm.s32 $0x700;
	[sflag:s20] =	ssyncadd.s32 $0xFFFFE000  }
0x59: {  	[tilespmem:s21], [sflag:$0x2] =	stream.indirect.gather [hbm4b:s3+s18], $0x40, s9, s18, $0xb8;
	[tilespmem:$0x1AB40] =	vst v63  }
0x5a: {  	_ =	swait.ge [sflag:s5], $0x2000  }
0x5b: {  	[sflag:s5] =	ssyncset.done $0x0  }
0x5c: {  	s10 =	simm.s32 $0x580;
	[sflag:s5] =	ssyncadd.s32 $0xFFFFE000  }
0x5d: {  	[spmem:s1] =	stream.indirect.scatter.add.f32 [tilespmem:s11], [sflag:$0xC], $0x40, s10, s18, $0xb8;
	[tilespmem:$0x1AB40] =	vst v63  }
0x5e: {  	_ =	swait.ge [sflag:s29], $0x2000  }
0x5f: {  	[sflag:s29] =	ssyncset.done $0x0  }
0x60: {  	s7 =	simm.s32 $0x800;
	[sflag:s29] =	ssyncadd.s32 $0xFFFFE000  }
0x61: {  	[tilespmem:s23], [sflag:$0x3] =	stream.indirect.gather [hbm4b:s3+s18], $0x40, s7, s18, $0xb8;
	[tilespmem:$0x1AB40] =	vst v63  }
0x62: {  	_ =	swait.ge [sflag:s24], $0x2000  }
0x63: {  	[sflag:s24] =	ssyncset.done $0x0  }
0x64: {  	s9 =	simm.s32 $0x680;
	[sflag:s24] =	ssyncadd.s32 $0xFFFFE000  }
0x65: {  	[spmem:s1] =	stream.indirect.scatter.add.f32 [tilespmem:s19], [sflag:$0x7], $0x40, s9, s18, $0xb8;
	[tilespmem:$0x1AB40] =	vst v63  }
0x66: {  	_ =	swait.ge [sflag:s4], $0x2000  }
0x67: {  	[sflag:s4] =	ssyncset.done $0x0  }
0x68: {  	s10 =	simm.s32 $0x900;
	[sflag:s4] =	ssyncadd.s32 $0xFFFFE000  }
0x69: {  	[tilespmem:s26], [sflag:$0x4] =	stream.indirect.gather [hbm4b:s3+s18], $0x40, s10, s18, $0xb8;
	[tilespmem:$0x1AB40] =	vst v63  }
0x6a: {  	_ =	swait.ge [sflag:s28], $0x2000  }
0x6b: {  	[sflag:s28] =	ssyncset.done $0x0  }
0x6c: {  	s7 =	simm.s32 $0x780;
	[sflag:s28] =	ssyncadd.s32 $0xFFFFE000  }
0x6d: {  	[spmem:s1] =	stream.indirect.scatter.add.f32 [tilespmem:s21], [sflag:$0x8], $0x40, s7, s18, $0xb8;
	[tilespmem:$0x1AB40] =	vst v63  }
0x6e: {  	_ =	swait.ge [sflag:s12], $0x2000  }
0x6f: {  	[sflag:s12] =	ssyncset.done $0x0  }
0x70: {  	s9 =	simm.s32 $0xA00;
	[sflag:s12] =	ssyncadd.s32 $0xFFFFE000  }
0x71: {  	[tilespmem:s31], [sflag:$0x5] =	stream.indirect.gather [hbm4b:s3+s18], $0x40, s9, s18, $0xb8;
	[tilespmem:$0x1AB40] =	vst v63  }
0x72: {  	_ =	swait.ge [sflag:s0], $0x2000  }
0x73: {  	[sflag:s0] =	ssyncset.done $0x0  }
0x74: {  	s10 =	simm.s32 $0x880;
	[sflag:s0] =	ssyncadd.s32 $0xFFFFE000  }
0x75: {  	[spmem:s1] =	stream.indirect.scatter.add.f32 [tilespmem:s23], [sflag:$0x9], $0x40, s10, s18, $0xb8;
	[tilespmem:$0x1AB40] =	vst v63  }
0x76: {  	_ =	swait.ge [sflag:s8], $0x2000  }
0x77: {  	[sflag:s8] =	ssyncset.done $0x0  }
0x78: {  	s7 =	simm.s32 $0xB00;
	[sflag:s8] =	ssyncadd.s32 $0xFFFFE000  }
0x79: {  	[tilespmem:s11], [sflag:$0x6] =	stream.indirect.gather [hbm4b:s3+s18], $0x40, s7, s18, $0xb8;
	[tilespmem:$0x1AB40] =	vst v63  }
0x7a: {  	_ =	swait.ge [sflag:s22], $0x2000  }
0x7b: {  	[sflag:s22] =	ssyncset.done $0x0  }
0x7c: {  	s9 =	simm.s32 $0x980;
	[sflag:s22] =	ssyncadd.s32 $0xFFFFE000  }
0x7d: {  	[spmem:s1] =	stream.indirect.scatter.add.f32 [tilespmem:s26], [sflag:$0xA], $0x40, s9, s18, $0xb8;
	[tilespmem:$0x1AB40] =	vst v63  }
0x7e: {  	_ =	swait.ge [sflag:s25], $0x2000  }
0x7f: {  	[sflag:s25] =	ssyncset.done $0x0  }
0x80: {  	s10 =	simm.s32 $0xC00;
	[sflag:s25] =	ssyncadd.s32 $0xFFFFE000  }
0x81: {  	[tilespmem:s19], [sflag:$0x1] =	stream.indirect.gather [hbm4b:s3+s18], $0x40, s10, s18, $0xb8;
	[tilespmem:$0x1AB40] =	vst v63  }
0x82: {  	_ =	swait.ge [sflag:s30], $0x2000  }
0x83: {  	[sflag:s30] =	ssyncset.done $0x0  }
0x84: {  	s7 =	simm.s32 $0xA80;
	[sflag:s30] =	ssyncadd.s32 $0xFFFFE000  }
0x85: {  	[spmem:s1] =	stream.indirect.scatter.add.f32 [tilespmem:s31], [sflag:$0xB], $0x40, s7, s18, $0xb8;
	[tilespmem:$0x1AB40] =	vst v63  }
0x86: {  	_ =	swait.ge [sflag:s20], $0x2000  }
0x87: {  	[sflag:s20] =	ssyncset.done $0x0  }
0x88: {  	s9 =	simm.s32 $0xD00;
	[sflag:s20] =	ssyncadd.s32 $0xFFFFE000  }
0x89: {  	[tilespmem:s21], [sflag:$0x2] =	stream.indirect.gather [hbm4b:s3+s18], $0x40, s9, s18, $0xb8;
	[tilespmem:$0x1AB40] =	vst v63  }
0x8a: {  	_ =	swait.ge [sflag:s5], $0x2000  }
0x8b: {  	[sflag:s5] =	ssyncset.done $0x0  }
0x8c: {  	s10 =	simm.s32 $0xB80;
	[sflag:s5] =	ssyncadd.s32 $0xFFFFE000  }
0x8d: {  	[spmem:s1] =	stream.indirect.scatter.add.f32 [tilespmem:s11], [sflag:$0xC], $0x40, s10, s18, $0xb8;
	[tilespmem:$0x1AB40] =	vst v63  }
0x8e: {  	_ =	swait.ge [sflag:s29], $0x2000  }
0x8f: {  	[sflag:s29] =	ssyncset.done $0x0  }
0x90: {  	s6 =	simm.s32 $0x1800;
	s7 =	simm.s32 $0xE00;
	[sflag:s29] =	ssyncadd.s32 $0xFFFFE000  }
.LBB2_2:
0x91: {  	[tilespmem:s23], [sflag:$0x3] =	stream.indirect.gather [hbm4b:s3+s18], $0x40, s7, s18, $0xb8;
	[tilespmem:$0x1AB40] =	vst v63  }
0x92: {  	s7 =	smov.u32 s6  }
0x93: {  	p4 =	sne.s32 s6, $0xF000;
	s6 =	sadd.s32 $0x1800, s6;
	_ =	swait.ge [sflag:s24], $0x2000  }
0x94: {  	s7 =	sshra.s32 s7, $0x2;
	[sflag:s24] =	ssyncset.done $0x0  }
0x95: {  	s9 =	sadd.s32 $0x680, s7;
	[sflag:s24] =	ssyncadd.s32 $0xFFFFE000  }
0x96: {  	[spmem:s1] =	stream.indirect.scatter.add.f32 [tilespmem:s19], [sflag:$0x7], $0x40, s9, s18, $0xb8;
	[tilespmem:$0x1AB40] =	vst v63  }
0x97: {  	_ =	swait.ge [sflag:s4], $0x2000  }
0x98: {  	[sflag:s4] =	ssyncset.done $0x0  }
0x99: {  	s9 =	sadd.s32 $0x900, s7;
	[sflag:s4] =	ssyncadd.s32 $0xFFFFE000  }
0x9a: {  	[tilespmem:s26], [sflag:$0x4] =	stream.indirect.gather [hbm4b:s3+s18], $0x40, s9, s18, $0xb8;
	[tilespmem:$0x1AB40] =	vst v63  }
0x9b: {  	_ =	swait.ge [sflag:s28], $0x2000  }
0x9c: {  	[sflag:s28] =	ssyncset.done $0x0  }
0x9d: {  	s9 =	sadd.s32 $0x780, s7;
	[sflag:s28] =	ssyncadd.s32 $0xFFFFE000  }
0x9e: {  	[spmem:s1] =	stream.indirect.scatter.add.f32 [tilespmem:s21], [sflag:$0x8], $0x40, s9, s18, $0xb8;
	[tilespmem:$0x1AB40] =	vst v63  }
0x9f: {  	_ =	swait.ge [sflag:s12], $0x2000  }
0xa0: {  	[sflag:s12] =	ssyncset.done $0x0  }
0xa1: {  	s9 =	sadd.s32 $0xA00, s7;
	[sflag:s12] =	ssyncadd.s32 $0xFFFFE000  }
0xa2: {  	[tilespmem:s31], [sflag:$0x5] =	stream.indirect.gather [hbm4b:s3+s18], $0x40, s9, s18, $0xb8;
	[tilespmem:$0x1AB40] =	vst v63  }
0xa3: {  	_ =	swait.ge [sflag:s0], $0x2000  }
0xa4: {  	[sflag:s0] =	ssyncset.done $0x0  }
0xa5: {  	s9 =	sadd.s32 $0x880, s7;
	[sflag:s0] =	ssyncadd.s32 $0xFFFFE000  }
0xa6: {  	[spmem:s1] =	stream.indirect.scatter.add.f32 [tilespmem:s23], [sflag:$0x9], $0x40, s9, s18, $0xb8;
	[tilespmem:$0x1AB40] =	vst v63  }
0xa7: {  	_ =	swait.ge [sflag:s8], $0x2000  }
0xa8: {  	[sflag:s8] =	ssyncset.done $0x0  }
0xa9: {  	s9 =	sadd.s32 $0xB00, s7;
	[sflag:s8] =	ssyncadd.s32 $0xFFFFE000  }
0xaa: {  	[tilespmem:s11], [sflag:$0x6] =	stream.indirect.gather [hbm4b:s3+s18], $0x40, s9, s18, $0xb8;
	[tilespmem:$0x1AB40] =	vst v63  }
0xab: {  	_ =	swait.ge [sflag:s22], $0x2000  }
0xac: {  	[sflag:s22] =	ssyncset.done $0x0  }
0xad: {  	s9 =	sadd.s32 $0x980, s7;
	[sflag:s22] =	ssyncadd.s32 $0xFFFFE000  }
0xae: {  	[spmem:s1] =	stream.indirect.scatter.add.f32 [tilespmem:s26], [sflag:$0xA], $0x40, s9, s18, $0xb8;
	[tilespmem:$0x1AB40] =	vst v63  }
0xaf: {  	_ =	swait.ge [sflag:s25], $0x2000  }
0xb0: {  	[sflag:s25] =	ssyncset.done $0x0  }
0xb1: {  	s9 =	sadd.s32 $0xC00, s7;
	[sflag:s25] =	ssyncadd.s32 $0xFFFFE000  }
0xb2: {  	[tilespmem:s19], [sflag:$0x1] =	stream.indirect.gather [hbm4b:s3+s18], $0x40, s9, s18, $0xb8;
	[tilespmem:$0x1AB40] =	vst v63  }
0xb3: {  	_ =	swait.ge [sflag:s30], $0x2000  }
0xb4: {  	[sflag:s30] =	ssyncset.done $0x0  }
0xb5: {  	s9 =	sadd.s32 $0xA80, s7;
	[sflag:s30] =	ssyncadd.s32 $0xFFFFE000  }
0xb6: {  	[spmem:s1] =	stream.indirect.scatter.add.f32 [tilespmem:s31], [sflag:$0xB], $0x40, s9, s18, $0xb8;
	[tilespmem:$0x1AB40] =	vst v63  }
0xb7: {  	_ =	swait.ge [sflag:s20], $0x2000  }
0xb8: {  	[sflag:s20] =	ssyncset.done $0x0  }
0xb9: {  	s9 =	sadd.s32 $0xD00, s7;
	[sflag:s20] =	ssyncadd.s32 $0xFFFFE000  }
0xba: {  	[tilespmem:s21], [sflag:$0x2] =	stream.indirect.gather [hbm4b:s3+s18], $0x40, s9, s18, $0xb8;
	[tilespmem:$0x1AB40] =	vst v63  }
0xbb: {  	_ =	swait.ge [sflag:s5], $0x2000  }
0xbc: {  	[sflag:s5] =	ssyncset.done $0x0  }
.Ltmp2:
0xbd: {  	s9 =	sadd.s32 $0xB80, s7;
	[sflag:s5] =	ssyncadd.s32 $0xFFFFE000;
	(pc) =	sbr.rel @p4 .LBB2_2-.Ltmp2, $4  }
0xbe: {  	[spmem:s1] =	stream.indirect.scatter.add.f32 [tilespmem:s11], [sflag:$0xC], $0x40, s9, s18, $0xb8;
	[tilespmem:$0x1AB40] =	vst v63  }
0xbf: {  	_ =	swait.ge [sflag:s29], $0x2000  }
0xc0: {  	[sflag:s29] =	ssyncset.done $0x0  }
0xc1: {  	s7 =	sadd.s32 $0xE00, s7;
	[sflag:s29] =	ssyncadd.s32 $0xFFFFE000  }
0xc2: {  	[tilespmem:s23], [sflag:$0x3] =	stream.indirect.gather [hbm4b:s3+s18], $0x40, s7, s18, $0xb8;
	[tilespmem:$0x1AB40] =	vst v63  }
0xc3: {  	_ =	swait.ge [sflag:s24], $0x2000  }
0xc4: {  	[sflag:s24] =	ssyncset.done $0x0  }
0xc5: {  	s6 =	simm.s32 $0x4880;
	[sflag:s24] =	ssyncadd.s32 $0xFFFFE000  }
0xc6: {  	[spmem:s1] =	stream.indirect.scatter.add.f32 [tilespmem:s19], [sflag:$0x7], $0x40, s6, s18, $0xb8;
	[tilespmem:$0x1AB40] =	vst v63  }
0xc7: {  	_ =	swait.ge [sflag:s4], $0x2000  }
0xc8: {  	[sflag:s4] =	ssyncset.done $0x0  }
0xc9: {  	s9 =	simm.s32 $0x4B00;
	[sflag:s4] =	ssyncadd.s32 $0xFFFFE000  }
0xca: {  	[tilespmem:s26], [sflag:$0x4] =	stream.indirect.gather [hbm4b:s3+s18], $0x40, s9, s18, $0xb8;
	[tilespmem:$0x1AB40] =	vst v63  }
0xcb: {  	_ =	swait.ge [sflag:s28], $0x2000  }
0xcc: {  	[sflag:s28] =	ssyncset.done $0x0  }
0xcd: {  	s10 =	simm.s32 $0x4980;
	[sflag:s28] =	ssyncadd.s32 $0xFFFFE000  }
0xce: {  	[spmem:s1] =	stream.indirect.scatter.add.f32 [tilespmem:s21], [sflag:$0x8], $0x40, s10, s18, $0xb8;
	[tilespmem:$0x1AB40] =	vst v63  }
0xcf: {  	_ =	swait.ge [sflag:s12], $0x2000  }
0xd0: {  	[sflag:s12] =	ssyncset.done $0x0  }
0xd1: {  	s7 =	simm.s32 $0x4C00;
	[sflag:s12] =	ssyncadd.s32 $0xFFFFE000  }
0xd2: {  	[tilespmem:s31], [sflag:$0x5] =	stream.indirect.gather [hbm4b:s3+s18], $0x40, s7, s18, $0xb8;
	[tilespmem:$0x1AB40] =	vst v63  }
0xd3: {  	_ =	swait.ge [sflag:s0], $0x2000  }
0xd4: {  	[sflag:s0] =	ssyncset.done $0x0  }
0xd5: {  	s9 =	simm.s32 $0x4A80;
	[sflag:s0] =	ssyncadd.s32 $0xFFFFE000  }
0xd6: {  	[spmem:s1] =	stream.indirect.scatter.add.f32 [tilespmem:s23], [sflag:$0x9], $0x40, s9, s18, $0xb8;
	[tilespmem:$0x1AB40] =	vst v63  }
0xd7: {  	_ =	swait.ge [sflag:s8], $0x2000  }
0xd8: {  	[sflag:s8] =	ssyncset.done $0x0  }
0xd9: {  	s10 =	simm.s32 $0x4D00;
	[sflag:s8] =	ssyncadd.s32 $0xFFFFE000  }
0xda: {  	[tilespmem:s11], [sflag:$0x6] =	stream.indirect.gather [hbm4b:s3+s18], $0x40, s10, s18, $0xb8;
	[tilespmem:$0x1AB40] =	vst v63  }
0xdb: {  	_ =	swait.ge [sflag:s22], $0x2000  }
0xdc: {  	[sflag:s22] =	ssyncset.done $0x0  }
0xdd: {  	s7 =	simm.s32 $0x4B80;
	[sflag:s22] =	ssyncadd.s32 $0xFFFFE000  }
0xde: {  	[spmem:s1] =	stream.indirect.scatter.add.f32 [tilespmem:s26], [sflag:$0xA], $0x40, s7, s18, $0xb8;
	[tilespmem:$0x1AB40] =	vst v63  }
0xdf: {  	_ =	swait.ge [sflag:s30], $0x2000  }
0xe0: {  	[sflag:s30] =	ssyncset.done $0x0  }
0xe1: {  	s9 =	simm.s32 $0x4C80;
	[sflag:s30] =	ssyncadd.s32 $0xFFFFE000  }
0xe2: {  	[spmem:s1] =	stream.indirect.scatter.add.f32 [tilespmem:s31], [sflag:$0xB], $0x40, s9, s18, $0xb8;
	[tilespmem:$0x1AB40] =	vst v63  }
0xe3: {  	_ =	swait.ge [sflag:s5], $0x2000  }
0xe4: {  	[sflag:s5] =	ssyncset.done $0x0  }
0xe5: {  	s10 =	simm.s32 $0x4D80;
	[sflag:s5] =	ssyncadd.s32 $0xFFFFE000  }
0xe6: {  	[spmem:s1] =	stream.indirect.scatter.add.f32 [tilespmem:s11], [sflag:$0xC], $0x40, s10, s18, $0xb8;
	[tilespmem:$0x1AB40] =	vst v63  }
0xe7: {  	_ =	swait.ge [sflag:s25], $0x2000  }
0xe8: {  	[sflag:s25] =	ssyncset.done $0x0  }
0xe9: {  	[sflag:s25] =	ssyncadd.s32 $0xFFFFE000  }
0xea: {  	_ =	swait.ge [sflag:s20], $0x2000  }
0xeb: {  	[sflag:s20] =	ssyncset.done $0x0  }
0xec: {  	[sflag:s20] =	ssyncadd.s32 $0xFFFFE000  }
0xed: {  	_ =	swait.ge [sflag:s29], $0x2000  }
0xee: {  	[sflag:s29] =	ssyncset.done $0x0  }
0xef: {  	[sflag:s29] =	ssyncadd.s32 $0xFFFFE000  }
0xf0: {  	_ =	swait.ge [sflag:s4], $0x2000  }
0xf1: {  	[sflag:s4] =	ssyncset.done $0x0  }
0xf2: {  	[sflag:s4] =	ssyncadd.s32 $0xFFFFE000  }
0xf3: {  	_ =	swait.ge [sflag:s12], $0x2000  }
0xf4: {  	[sflag:s12] =	ssyncset.done $0x0  }
0xf5: {  	[sflag:s12] =	ssyncadd.s32 $0xFFFFE000  }
0xf6: {  	_ =	swait.ge [sflag:s8], $0x2000  }
0xf7: {  	s6 =	simm.s32 @!p2 $0x0;
	[sflag:s8] =	ssyncset.done $0x0  }
0xf8: {  	s7 =	simm.s32 @!p2 $0x4E00;
	s9 =	rddreg [dreg:$0x9];
	[sflag:s8] =	ssyncadd.s32 $0xFFFFE000  }
0xf9: {  	[tilespmem:s7], [sflag:$0xD] =	stream.linear.gather @!p2 [hbm4b:s9+s6], $0x100, $0x38;
	[tilespmem:$0x1AB40] =	vst v63  }
0xfa: {  	s6 =	simm.s32 @!p2 $0xD  }
0xfb: {  	_ =	swait.ge @!p2 [sflag:s6], $0x100  }
0xfc: {  	[sflag:s6] =	ssyncset.done @!p2 $0x0  }
0xfd: {  	s10 =	simm.s32 @!p2 $0x4F00;
	s9 =	simm.s32 @!p2 $0x80;
	[sflag:s6] =	ssyncadd.s32 @!p2 $0xFFFFFF00  }
0xfe: {  	[tilespmem:s10], [sflag:$0x1] =	stream.indirect.gather @!p2 [hbm4b:s3+s9], $0x40, s7, s9, $0xb8;
	[tilespmem:$0x1AB40] =	vst v63  }
0xff: {  	s7 =	simm.s32 @!p2 $0x1  }
0x100: {  	_ =	swait.ge @!p2 [sflag:s7], $0x2000  }
0x101: {  	[sflag:s7] =	ssyncset.done @!p2 $0x0  }
0x102: {  	[sflag:s7] =	ssyncadd.s32 @!p2 $0xFFFFE000;
	s7 =	simm.s32 @!p2 $0x4E80  }
0x103: {  	[spmem:s1] =	stream.indirect.scatter.add.f32 @!p2 [tilespmem:s10], [sflag:$0xD], $0x40, s7, s9, $0xb8;
	[tilespmem:$0x1AB40] =	vst v63  }
.Ltmp3:
0x104: {  	_ =	swait.ge @!p2 [sflag:s6], $0x2000;
	(pc) =	sbr.rel @!p1 .LBB2_4-.Ltmp3, $3  }
0x105: {  	[sflag:s6] =	ssyncset.done @!p2 $0x0  }
0x106: {  	[sflag:s6] =	ssyncadd.s32 @!p2 $0xFFFFE000  }
0x107: {  	[bflag:$0x0] =	sbarrier.arrive $0xFFFF;
	_ =	sdelay $0x1  }
0x108: {  	s6 =	rddreg [dreg:$0xb]  }
0x109: {  	[hbm:s6], [sflag:s15] =	dma.local [spmem:s16], $0x1380  }
.Ltmp4:
0x10a: {  	_ = 	snop;
	(pc) =	sbr.rel @p0 .LBB2_7-.Ltmp4, $4  }
.Ltmp5:
0x10b: {  	_ = 	snop;
	(pc) =	sbr.rel @!p0 .LBB2_6-.Ltmp5, $4  }
0x10c: {  	_ =	swait.ge [sflag:s14], $0x1380  }
0x10d: {  	[sflag:s14] =	ssyncset.done $0x0  }
0x10e: {  	s6 =	rddreg [dreg:$0x4];
	[sflag:s14] =	ssyncadd.s32 $0xFFFFEC80  }
0x10f: {  	_ = 	snop  }
.LBB2_4:
0x110: {  	s6 =	rddreg [dreg:$0xa]  }
0x111: {  	[hbm:s6], [sflag:s15] =	dma.local [spmem:s16], $0x1380  }
.Ltmp6:
0x112: {  	_ = 	snop;
	(pc) =	sbr.rel @!p3 .LBB2_7-.Ltmp6, $4  }
.Ltmp7:
0x113: {  	_ = 	snop;
	(pc) =	sbr.rel @p3 .LBB2_6-.Ltmp7, $4  }
0x114: {  	_ =	swait.ge [sflag:s14], $0x1380  }
0x115: {  	[sflag:s14] =	ssyncset.done $0x0  }
0x116: {  	s6 =	rddreg [dreg:$0x3];
	[sflag:s14] =	ssyncadd.s32 $0xFFFFEC80  }
0x117: {  	_ = 	snop  }
.LBB2_8:
0x118: {  	_ =	sfence.sel $0x180000  }
0x119: {  	[bflag:$0x0] =	sbarrier.arrive $0xFFFF  }
0x11a: {  	_ =	strace $0x9000004A  }
0x11b: {  	[bflag:$0x2] =	sbarrier.arrive $0xFFFF  }
0x11c: {  	s0 =	rddreg [dreg:$0x2]  }
0x11d: {  	s0 =	sadd.s32 @!p0 $0x100000, s0  }
0x11e: {  	[sflag:s0] =	ssyncadd.tile.s32 @!p0 $0x1;
	_ =	shalt  }
.Lfunc_end2:
_tile_overlayer_lowered:
.L_overlay_start_2:
0x11f: {  	(tag) =	ssettag $0x2  }
0x120: {  	s0 =	rddreg [dreg:$0x0];
	s2 =	stileid.u32  }
0x121: {  	s1 =	rddreg [dreg:$0x1];
	p0 =	sne.s32 s2, $0x0  }
0x122: {  	s3 =	rddreg [dreg:$0x2];
	[bflag:$0x3] =	sbarrier.arrive $0xFFFF;
	s2 =	simm.s32 @!p0 $0x1C0D  }
0x123: {  	[timem:s3], [sflag:s2] =	dma.local @!p0 [hbm:s0], s1  }
0x124: {  	s0 =	simm.s32 @!p0 $0xD  }
0x125: {  	_ =	swait.ge @!p0 [sflag:s0], s1  }
0x126: {  	s1 =	ssub.s32 @!p0 $0x0, s1;
	[sflag:s0] =	ssyncset.done @!p0 $0x0  }
0x127: {  	[sflag:s0] =	ssyncadd.s32 @!p0 s1  }
0x128: {  	[bflag:$0x3] =	sbarrier.arrive $0xFFFF  }
0x129: {  	_ =	shalt  }

// kernel: kernel.16.cloned.1.call-start
scs
__scs_entry_jumppad:
0x0: {  	(pc) =	sbr.rel $0x88, $3  }
0x1: {  	(tag) =	ssettag $0x0;
	lr =	simm.s32 $0x1  }
0x2: {  	[smem:$0x3F99] =	sst lr;
	_ =	strace $0xD0000000  }
0x3: {  	_ = 	snop  }
0x4: {  	_ = 	snop  }
0x5: {  	_ = 	snop  }
0x6: {  	_ = 	snop  }
0x7: {  	_ = 	snop  }
__scs_overlays_trampoline_lowered:
0x8: {  	[smem:$0x3FA8] =	sst s0  }
0x9: {  	[smem:$0x3FA9] =	sst s1  }
0xa: {  	[smem:$0x3FAA] =	sst s2  }
0xb: {  	[smem:$0x3FAB] =	sst s3  }
0xc: {  	[smem:$0x3FAC] =	sst s4  }
0xd: {  	[smem:$0x3FAD] =	sst s5  }
0xe: {  	[smem:$0x3FAE] =	sst s6  }
0xf: {  	[smem:$0x3FAF] =	sst s7  }
0x10: {  	[smem:$0x3FB0] =	sst s8  }
0x11: {  	[smem:$0x3FB1] =	sst s9;
	s0 =	simm.s32 @!p0 $0x0  }
0x12: {  	s1 =	sld [smem:$0x3F97];
	s0 =	simm.s32 @p0 $0x1  }
0x13: {  	[smem:$0x3FB2] =	sst s0;
	s0 =	simm.s32 @!p1 $0x0  }
0x14: {  	s2 =	sld [smem:$0x3F96];
	s0 =	simm.s32 @p1 $0x1  }
0x15: {  	[smem:$0x3FB3] =	sst s0;
	s0 =	simm.s32 @!p2 $0x0  }
0x16: {  	s3 =	sld [smem:$0x3FDB];
	s0 =	simm.s32 @p2 $0x1  }
0x17: {  	s4 =	simm.s32 $0x1BF5;
	[smem:$0x3FB5] =	sst s0  }
0x18: {  	s0 =	sld [smem:$0x3F98];
	_ =	swait.ge [sflag:s4], $0x0  }
0x19: {  	s7 =	sld [smem:$0x3F99]  }
0x1a: {  	s8 =	sadd.s32 $0xFFFFE003, lr  }
0x1b: {  	s9 =	sadd.s32 $0xFFFFFEF7, lr;
	s5 =	simm.s32 $0xFFFFFFFF;
	p2 =	slt.u32 s8, $0xFFFFF086  }
0x1c: {  	p1 =	slt.u32 s9, $0xF7A;
	s5 =	simm.s32 @!p2 $0x0  }
0x1d: {  	s5 =	simm.s32 @p1 $0x1;
	p0 =	seq.s32 s7, s2  }
0x1e: {  	s7 =	smul.u32 @!p0 $0xF7A, s2;
	p2 =	seq.s32 @!p0 s5, $0x0  }
0x1f: {  	s9 =	smul.u32 $0xF7A, s1;
	s8 =	simm.s32 @!p0 $0x1BF5;
	p2 =	por !p2, p0  }
0x20: {  	[sflag:s8] =	ssyncset.s32 @!p0 $0xFFFFF086;
	s6 =	sadd.s32 @!p0 s3, s7;
	s7 =	simm.s32 @!p0 $0x108  }
0x21: {  	s3 =	sadd.s32 s3, s9;
	s6 =	sadd.s32 @!p0 $0x88, s6;
	s7 =	simm.s32 @p2 $0x1082  }
0x22: {  	[simem:s7], [sflag:s8] =	dma.local @!p0 [hbm:s6], $0xF7A  }
0x23: {  	s9 =	sor.u32 $0xD0000000, s2;
	s6 =	simm.s32 $0x108;
	_ =	swait.ge @!p0 [sflag:s8], $0x0  }
0x24: {  	s3 =	sadd.s32 $0x88, s3;
	s6 =	simm.s32 @!p1 $0x1082;
	[sflag:s4] =	ssyncset.s32 $0xFFFFF086  }
0x25: {  	[simem:s6], [sflag:s4] =	dma.local [hbm:s3], $0xF7A  }
0x26: {  	[smem:$0x3F99] =	sst s1;
	(tag) =	ssettag s2;
	_ =	strace s9  }
0x27: {  	s1 =	sld [smem:$0x3FA9]  }
0x28: {  	s2 =	sld [smem:$0x3FAA]  }
0x29: {  	s4 =	sld [smem:$0x3FAC]  }
0x2a: {  	p0 =	seq.s32 s5, $0x0;
	s5 =	sld [smem:$0x3FAD]  }
0x2b: {  	s6 =	sld [smem:$0x3FAE]  }
0x2c: {  	s7 =	sld [smem:$0x3FAF]  }
0x2d: {  	s3 =	simm.s32 $0x108;
	s8 =	sld [smem:$0x3FB0]  }
0x2e: {  	s3 =	simm.s32 @!p0 $0x1082;
	s9 =	sld [smem:$0x3FB1]  }
0x2f: {  	lr =	sadd.s32 s0, s3;
	s0 =	sld [smem:$0x3FA8]  }
0x30: {  	s3 =	sld [smem:$0x3FAB]  }
0x31: {  	[smem:$0x3FB4] =	sst s10  }
0x32: {  	s10 =	sld [smem:$0x3FB2];
	_ =	sdelay $0x3  }
0x33: {  	p0 =	seq.s32 s10, $0x1;
	s10 =	sld [smem:$0x3FB4];
	_ =	sdelay $0x3  }
0x34: {  	[smem:$0x3FB4] =	sst s10  }
0x35: {  	s10 =	sld [smem:$0x3FB3];
	_ =	sdelay $0x3  }
0x36: {  	p1 =	seq.s32 s10, $0x1;
	s10 =	sld [smem:$0x3FB4];
	_ =	sdelay $0x3  }
0x37: {  	[smem:$0x3FB4] =	sst s10  }
0x38: {  	s10 =	sld [smem:$0x3FB5]  }
0x39: {  	_ = 	snop;
	(pc) =	sbr.ind lr, $3  }
0x3a: {  	_ = 	snop  }
0x3b: {  	_ = 	snop  }
0x3c: {  	p2 =	seq.s32 s10, $0x1;
	s10 =	sld [smem:$0x3FB4]  }
0x3d: {  	_ =	shalt  }
0x3e: {  	_ =	shalt  }
0x3f: {  	_ =	shalt  }
0x40: {  	_ =	shalt  }
0x41: {  	_ =	shalt  }
0x42: {  	_ =	shalt  }
0x43: {  	_ =	shalt  }
0x44: {  	_ =	shalt  }
0x45: {  	_ =	shalt  }
0x46: {  	_ =	shalt  }
0x47: {  	_ =	shalt  }
0x48: {  	_ =	shalt  }
0x49: {  	_ =	shalt  }
0x4a: {  	_ =	shalt  }
0x4b: {  	_ =	shalt  }
0x4c: {  	_ =	shalt  }
0x4d: {  	_ =	shalt  }
0x4e: {  	_ =	shalt  }
0x4f: {  	_ =	shalt  }
0x50: {  	_ =	shalt  }
0x51: {  	_ =	shalt  }
0x52: {  	_ =	shalt  }
0x53: {  	_ =	shalt  }
0x54: {  	_ =	shalt  }
0x55: {  	_ =	shalt  }
0x56: {  	_ =	shalt  }
0x57: {  	_ =	shalt  }
0x58: {  	_ =	shalt  }
0x59: {  	_ =	shalt  }
0x5a: {  	_ =	shalt  }
0x5b: {  	_ =	shalt  }
0x5c: {  	_ =	shalt  }
0x5d: {  	_ =	shalt  }
0x5e: {  	_ =	shalt  }
0x5f: {  	_ =	shalt  }
0x60: {  	_ =	shalt  }
0x61: {  	_ =	shalt  }
0x62: {  	_ =	shalt  }
0x63: {  	_ =	shalt  }
0x64: {  	_ =	shalt  }
0x65: {  	_ =	shalt  }
0x66: {  	_ =	shalt  }
0x67: {  	_ =	shalt  }
0x68: {  	_ =	shalt  }
0x69: {  	_ =	shalt  }
0x6a: {  	_ =	shalt  }
0x6b: {  	_ =	shalt  }
0x6c: {  	_ =	shalt  }
0x6d: {  	_ =	shalt  }
0x6e: {  	_ =	shalt  }
0x6f: {  	_ =	shalt  }
0x70: {  	_ =	shalt  }
0x71: {  	_ =	shalt  }
0x72: {  	_ =	shalt  }
0x73: {  	_ =	shalt  }
0x74: {  	_ =	shalt  }
0x75: {  	_ =	shalt  }
0x76: {  	_ =	shalt  }
0x77: {  	_ =	shalt  }
0x78: {  	_ =	shalt  }
0x79: {  	_ =	shalt  }
0x7a: {  	_ =	shalt  }
0x7b: {  	_ =	shalt  }
0x7c: {  	_ =	shalt  }
0x7d: {  	_ =	shalt  }
0x7e: {  	_ =	shalt  }
0x7f: {  	_ =	shalt  }
0x80: {  	_ =	shalt  }
0x81: {  	_ =	shalt  }
0x82: {  	_ =	shalt  }
0x83: {  	_ =	shalt  }
0x84: {  	_ =	shalt  }
0x85: {  	_ =	shalt  }
0x86: {  	_ =	shalt  }
0x87: {  	_ =	shalt  }
.Lfunc_end0:
.L_simem_size_0:
called_computation.2_lowered:
.L_overlay_start_0:
0x88: {  	s2 =	sld [smem:$0x3FD9]  }
0x89: {  	s3 =	sld [smem:$0x3FFE];
	_ =	sdelay $0x1  }
0x8a: {  	s1 =	srdreg.scid  }
0x8b: {  	s0 =	sand.u32 $0x1, s1  }
0x8c: {  	s16 =	sshll.u32 s0, $0xA;
	s2 =	sadd.s32 s3, s2  }
0x8d: {  	s2 =	sadd.s32 s2, s16  }
0x8e: {  	[smem:$0x3FC0] =	sst s2  }
0x8f: {  	_ = 	snop  }
0x90: {  	(tm) =	ssettm $0x1  }
0x91: {  	s17 =	sld [smem:$0x3FFB];
	_ =	sdelay $0x3  }
0x92: {  	_ =	strace s17  }
0x93: {  	s2 =	sld [smem:$0x3FFC];
	_ =	sdelay $0x3  }
0x94: {  	_ =	strace s2  }
0x95: {  	s2 =	sld [smem:$0x3FFD];
	_ =	sdelay $0x3  }
0x96: {  	_ =	strace s2  }
0x97: {  	_ =	strace $0x8FFFFFFF  }
0x98: {  	s18 =	sld [smem:$0x3FDB];
	_ =	sdelay $0x1  }
0x99: {  	s19 =	simm.s32 $_scs_section_size  }
0x9a: {  	s4 =	simm.s32 $_size__tile_overlayer_lowered;
	s5 =	simm.s32 $_tile_overlayer_lowered  }
0x9b: {  	s22 =	simm.s32 $0x1BFF;
	s21 =	sshll.u32 s5, $0x1;
	s2 =	sadd.s32 s19, s18  }
0x9c: {  	s6 =	simm.s32 $0x0;
	s20 =	sshll.u32 s4, $0x1;
	s4 =	sadd.s32 s21, s2  }
0x9d: {  	[timem:s6], [sflag:s22] =	dma.local [hbm:s4], s20  }
0x9e: {  	_ =	swait.ge [sflag:s22], s20  }
0x9f: {  	s3 =	ssub.s32 $0x0, s20;
	[sflag:s22] =	ssyncset.done $0x0  }
0xa0: {  	[sflag:s22] =	ssyncadd.s32 s3;
	_ =	sdelay $0x1  }
0xa1: {  	s23 =	simm.s32 $0x1B8B  }
0xa2: {  	_ =	swait.ge [sflag:s23], $0x1  }
0xa3: {  	[sflag:s23] =	ssyncset.done $0x0  }
0xa4: {  	s25 =	simm.s32 $0x1B8E;
	s24 =	sld [smem:$0x3FFE];
	[sflag:s23] =	ssyncadd.s32 $0xFFFFFFFF  }
0xa5: {  	s26 =	simm.s32 $execute0_lowered;
	[smem:$0x3FD2] =	sst s25  }
0xa6: {  	s4 =	sshll.u32 s26, $0x1;
	_ =	strace $0x8000004C;
	[dreg:$0x1] =	wrdreg $0xFFFFFFFF  }
0xa7: {  	s28 =	simm.s32 $_size_execute0_lowered;
	s2 =	sadd.s32 s2, s4;
	[dreg:$0x0] =	wrdreg $0x0  }
0xa8: {  	s4 =	sshll.u32 s28, $0x1;
	[dreg:$0x2] =	wrdreg s2  }
0xa9: {  	[dreg:$0x3] =	wrdreg s4  }
0xaa: {  	[dreg:$0x4] =	wrdreg $0xC0  }
0xab: {  	_ =	task [dreg:s6], $0x5FFFF  }
0xac: {  	[dreg:$0x1] =	wrdreg $0xFFFFFFFF  }
0xad: {  	[dreg:$0x0] =	wrdreg $0x60  }
0xae: {  	[dreg:$0x2] =	wrdreg s24  }
0xaf: {  	[dreg:$0x3] =	wrdreg $0x10F000  }
0xb0: {  	[dreg:$0x4] =	wrdreg $0x9  }
0xb1: {  	_ =	task.clear_ibuf [dreg:s6], $0x5FFFF;
	_ =	strace $0x9000004C  }
0xb2: {  	s29 =	simm.s32 $0x9;
	_ =	strace $0x8000004E  }
0xb3: {  	_ =	swait.ge [sflag:s29], $0x1  }
0xb4: {  	[sflag:s29] =	ssyncadd.s32 $0xFFFFFFFF  }
0xb5: {  	_ =	strace $0x9000004E  }
0xb6: {  	_ =	sfence  }
0xb7: {  	s30 =	sld [smem:$0x0];
	_ =	sdelay $0x2  }
0xb8: {  	s31 =	sshll.u32 s1, $0xD;
	s1 =	sshrl.u32 s1, $0x2  }
0xb9: {  	s3 =	sand.u32 $0x4000, s31;
	s1 =	sadd.s32 s1, s30  }
0xba: {  	s0 =	sor.u32 s3, s0;
	s1 =	sshll.u32 s1, $0x11  }
0xbb: {  	s0 =	sor.u32 s1, s0  }
0xbc: {  	s0 =	sadd.s32 $0x8F2B, s0  }
0xbd: {  	[sflag:s0] =	ssyncadd.remote.s32 $0x1  }
0xbe: {  	_ =	sfence.sel $0xFFFF  }
0xbf: {  	[dreg:$0x0] =	wrdreg $0xFFFFFFFF;
	(pc) =	sbr.abs _section_cstart, $3  }
0xc0: {  	[dreg:$0x1] =	wrdreg $0xFFFFFFFF  }
0xc1: {  	_ =	task.clear_ibuf [dreg:s6], $0x2FFFF;
	_ =	strace $0x9FFFFFFF  }
0xc2: {  	(tm) =	ssettm $0x7FFFFFFF  }
0xc3: {  	_ =	shalt  }
tec
execute0_lowered:
.L_overlay_start_1:
0x0: {  	(tag) =	ssettag $0x1  }
0x1: {  	s0 =	rddreg [dreg:$0x0]  }
0x2: {  	s1 =	rddreg [dreg:$0x1]  }
0x3: {  	s2 =	simm.s32 $0x0;
	s20 =	stileid.u32;
	s3 =	srdreg.scid  }
0x4: {  	s18 =	simm.s32 $0x80;
	s19 =	simm.s32 $0x4F00;
	s21 =	simm.s32 $0x6F00  }
0x5: {  	s28 =	simm.s32 $0x2;
	s31 =	simm.s32 $0xCF00;
	s30 =	simm.s32 $0x5  }
0x6: {  	s29 =	simm.s32 $0x9;
	[smem:$0x7FF] =	sst s2;
	s4 =	smul.u32 $0x9C00, s20  }
0x7: {  	s5 =	sadd.s32 $0x4200, s0;
	s6 =	sand.u32 $0x1, s3;
	s7 =	sshll.u32 s20, $0x1  }
0x8: {  	s3 =	sadd.s32 $0x17C00, s0;
	s13 =	sadd.s32 $0x3F000, s0;
	s14 =	sadd.s32 $0x52A00, s0  }
0x9: {  	p0 =	sne.s32 s20, $0x0;
	s26 =	sshll.u32 s20, $0x6;
	p2 =	sgt.u32 s20, $0x1  }
0xa: {  	p3 =	seq.s32 s20, $0x0;
	s20 =	simm.s32 $0x8;
	s2 =	simm.s32 $0x0  }
0xb: {  	_ =	strace $0x8000004D;
	s7 =	sor.u32 s6, s7;
	[dreg:$0x3] =	wrdreg s13  }
0xc: {  	s10 =	ssub.s32 $0x2, s6;
	p1 =	seq.s32 s6, $0x1;
	[dreg:$0x4] =	wrdreg s14  }
0xd: {  	s15 =	sor.u32 $0x1C0D, s26;
	s26 =	simm.s32 $0xAF00;
	s8 =	sshrl.u32 s4, $0x3  }
0xe: {  	s11 =	smul.u32 $0x9C0, s7;
	s12 =	sshrl.u32 s10, $0x1;
	s7 =	sshll.u32 s7, $0x5  }
0xf: {  	s4 =	sadd.s32 s4, s1;
	s9 =	sadd.s32 s8, s0;
	s12 =	ssub.s32 s10, s12  }
0x10: {  	s0 =	sadd.s32 $0x3EE00, s0;
	s24 =	sadd.s32 s13, s8;
	s25 =	sadd.s32 s14, s8  }
0x11: {  	s14 =	simm.s32 $0xD;
	s16 =	sshrl.u32 s4, $0x3;
	s4 =	simm.s32 $0xA  }
0x12: {  	s8 =	simm.s32 $0xC;
	s22 =	sadd.s32 s5, s11;
	[dreg:$0x8] =	wrdreg s0  }
0x13: {  	s9 =	sadd.s32 $0x2B600, s9;
	s5 =	sadd.s32 s7, s5;
	[dreg:$0xa] =	wrdreg s24  }
0x14: {  	s7 =	sadd.s32 $0x9C000, s1;
	[dreg:$0xb] =	wrdreg s25;
	s13 =	smax.u32 s12, $0x1  }
.Ltmp0:
0x15: {  	s24 =	simm.s32 $0x1;
	s0 =	simm.s32 $0x3;
	(pc) =	sbr.rel .LBB2_1-.Ltmp0, $4  }
0x16: {  	s11 =	simm.s32 $0xEF00;
	s25 =	simm.s32 $0x7;
	[dreg:$0x5] =	wrdreg s22  }
0x17: {  	s12 =	simm.s32 $0xB;
	[dreg:$0x6] =	wrdreg s9;
	s23 =	sadd.s32 $0x13800, s5  }
0x18: {  	[dreg:$0x7] =	wrdreg s7;
	s17 =	sshrl.u32 @!p0 s7, $0x3;
	s22 =	simm.s32 $0x4  }
0x19: {  	s5 =	simm.s32 $0x6;
	[dreg:$0x9] =	wrdreg s23;
	s23 =	simm.s32 $0x8F00  }
.LBB2_6:
0x1a: {  	s7 =	rddreg [dreg:$0x7]  }
0x1b: {  	s6 =	sadd.s32 $0x13800, s6;
	s7 =	sshrl.u32 s7, $0x3  }
0x1c: {  	[hbm:s6], [sflag:s15] =	dma.local [spmem:s7], $0x80  }
0x1d: {  	_ =	swait.ge [sflag:s14], $0x80  }
0x1e: {  	[sflag:s14] =	ssyncset.done $0x0  }
0x1f: {  	[sflag:s14] =	ssyncadd.s32 $0xFFFFFF80  }
.LBB2_7:
0x20: {  	s2 =	sadd.s32 $0x1, s2  }
0x21: {  	p4 =	sne.s32 s2, s13  }
.Ltmp1:
0x22: {  	_ = 	snop;
	(pc) =	sbr.rel @!p4 .LBB2_8-.Ltmp1, $1  }
0x23: {  	_ =	sdelay $0x3  }
.LBB2_1:
0x24: {  	s7 =	simm.s32 $0x0;
	s6 =	rddreg [dreg:$0x5]  }
0x25: {  	[tilespmem:s7], [sflag:$0xD] =	stream.linear.gather [hbm4b:s6+s7], $0x4E00, $0x38;
	[tilespmem:$0x1AB40] =	vst v63  }
0x26: {  	_ =	swait.ge [sflag:s14], $0x4E00  }
0x27: {  	[sflag:s14] =	ssyncset.done $0x0  }
0x28: {  	s10 =	rddreg [dreg:$0x6];
	[sflag:s14] =	ssyncadd.s32 $0xFFFFB200  }
0x29: {  	[spmem:s16], [sflag:s15] =	dma.local [hbm:s10], $0x1380  }
0x2a: {  	_ =	swait.ge [sflag:s14], $0x1380  }
0x2b: {  	[sflag:s14] =	ssyncset.done $0x0  }
0x2c: {  	s6 =	rddreg [dreg:$0x8];
	[sflag:s14] =	ssyncadd.s32 $0xFFFFEC80  }
0x2d: {  	[spmem:s17], [sflag:s15] =	dma.local @!p0 [hbm:s6], $0x80  }
0x2e: {  	s6 =	simm.s32 @!p0 $0xD  }
0x2f: {  	_ =	swait.ge @!p0 [sflag:s6], $0x80  }
0x30: {  	[sflag:s6] =	ssyncset.done @!p0 $0x0  }
0x31: {  	[sflag:s6] =	ssyncadd.s32 @!p0 $0xFFFFFF80  }
0x32: {  	[bflag:$0x0] =	sbarrier.arrive $0xFFFF  }
0x33: {  	[tilespmem:s19], [sflag:$0x1] =	stream.indirect.gather [hbm4b:s3+s18], $0x40, s7, s18, $0xb8;
	[tilespmem:$0x1AB40] =	vst v63  }
0x34: {  	s7 =	simm.s32 $0x100  }
0x35: {  	[tilespmem:s21], [sflag:$0x2] =	stream.indirect.gather [hbm4b:s3+s18], $0x40, s7, s18, $0xb8;
	[tilespmem:$0x1AB40] =	vst v63  }
0x36: {  	s9 =	simm.s32 $0x200  }
0x37: {  	[tilespmem:s23], [sflag:$0x3] =	stream.indirect.gather [hbm4b:s3+s18], $0x40, s9, s18, $0xb8;
	[tilespmem:$0x1AB40] =	vst v63  }
0x38: {  	_ =	swait.ge [sflag:s24], $0x2000  }
0x39: {  	[sflag:s24] =	ssyncset.done $0x0  }
0x3a: {  	[sflag:s24] =	ssyncadd.s32 $0xFFFFE000  }
0x3b: {  	[spmem:s1] =	stream.indirect.scatter.add.f32 [tilespmem:s19], [sflag:$0x7], $0x40, s18, s18, $0xb8;
	[tilespmem:$0x1AB40] =	vst v63  }
0x3c: {  	s10 =	simm.s32 $0x300  }
0x3d: {  	[tilespmem:s26], [sflag:$0x4] =	stream.indirect.gather [hbm4b:s3+s18], $0x40, s10, s18, $0xb8;
	[tilespmem:$0x1AB40] =	vst v63  }
0x3e: {  	_ =	swait.ge [sflag:s28], $0x2000  }
0x3f: {  	[sflag:s28] =	ssyncset.done $0x0  }
0x40: {  	s7 =	simm.s32 $0x180;
	[sflag:s28] =	ssyncadd.s32 $0xFFFFE000  }
0x41: {  	[spmem:s1] =	stream.indirect.scatter.add.f32 [tilespmem:s21], [sflag:$0x8], $0x40, s7, s18, $0xb8;
	[tilespmem:$0x1AB40] =	vst v63  }
0x42: {  	s9 =	simm.s32 $0x400  }
0x43: {  	[tilespmem:s31], [sflag:$0x5] =	stream.indirect.gather [hbm4b:s3+s18], $0x40, s9, s18, $0xb8;
	[tilespmem:$0x1AB40] =	vst v63  }
0x44: {  	_ =	swait.ge [sflag:s0], $0x2000  }
0x45: {  	[sflag:s0] =	ssyncset.done $0x0  }
0x46: {  	s10 =	simm.s32 $0x280;
	[sflag:s0] =	ssyncadd.s32 $0xFFFFE000  }
0x47: {  	[spmem:s1] =	stream.indirect.scatter.add.f32 [tilespmem:s23], [sflag:$0x9], $0x40, s10, s18, $0xb8;
	[tilespmem:$0x1AB40] =	vst v63  }
0x48: {  	s7 =	simm.s32 $0x500  }
0x49: {  	[tilespmem:s11], [sflag:$0x6] =	stream.indirect.gather [hbm4b:s3+s18], $0x40, s7, s18, $0xb8;
	[tilespmem:$0x1AB40] =	vst v63  }
0x4a: {  	_ =	swait.ge [sflag:s22], $0x2000  }
0x4b: {  	[sflag:s22] =	ssyncset.done $0x0  }
0x4c: {  	s9 =	simm.s32 $0x380;
	[sflag:s22] =	ssyncadd.s32 $0xFFFFE000  }
0x4d: {  	[spmem:s1] =	stream.indirect.scatter.add.f32 [tilespmem:s26], [sflag:$0xA], $0x40, s9, s18, $0xb8;
	[tilespmem:$0x1AB40] =	vst v63  }
0x4e: {  	_ =	swait.ge [sflag:s25], $0x2000  }
0x4f: {  	[sflag:s25] =	ssyncset.done $0x0  }
0x50: {  	s10 =	simm.s32 $0x600;
	[sflag:s25] =	ssyncadd.s32 $0xFFFFE000  }
0x51: {  	[tilespmem:s19], [sflag:$0x1] =	stream.indirect.gather [hbm4b:s3+s18], $0x40, s10, s18, $0xb8;
	[tilespmem:$0x1AB40] =	vst v63  }
0x52: {  	_ =	swait.ge [sflag:s30], $0x2000  }
0x53: {  	[sflag:s30] =	ssyncset.done $0x0  }
0x54: {  	s7 =	simm.s32 $0x480;
	[sflag:s30] =	ssyncadd.s32 $0xFFFFE000  }
0x55: {  	[spmem:s1] =	stream.indirect.scatter.add.f32 [tilespmem:s31], [sflag:$0xB], $0x40, s7, s18, $0xb8;
	[tilespmem:$0x1AB40] =	vst v63  }
0x56: {  	_ =	swait.ge [sflag:s20], $0x2000  }
0x57: {  	[sflag:s20] =	ssyncset.done $0x0  }
0x58: {  	s9 =	simm.s32 $0x700;
	[sflag:s20] =	ssyncadd.s32 $0xFFFFE000  }
0x59: {  	[tilespmem:s21], [sflag:$0x2] =	stream.indirect.gather [hbm4b:s3+s18], $0x40, s9, s18, $0xb8;
	[tilespmem:$0x1AB40] =	vst v63  }
0x5a: {  	_ =	swait.ge [sflag:s5], $0x2000  }
0x5b: {  	[sflag:s5] =	ssyncset.done $0x0  }
0x5c: {  	s10 =	simm.s32 $0x580;
	[sflag:s5] =	ssyncadd.s32 $0xFFFFE000  }
0x5d: {  	[spmem:s1] =	stream.indirect.scatter.add.f32 [tilespmem:s11], [sflag:$0xC], $0x40, s10, s18, $0xb8;
	[tilespmem:$0x1AB40] =	vst v63  }
0x5e: {  	_ =	swait.ge [sflag:s29], $0x2000  }
0x5f: {  	[sflag:s29] =	ssyncset.done $0x0  }
0x60: {  	s7 =	simm.s32 $0x800;
	[sflag:s29] =	ssyncadd.s32 $0xFFFFE000  }
0x61: {  	[tilespmem:s23], [sflag:$0x3] =	stream.indirect.gather [hbm4b:s3+s18], $0x40, s7, s18, $0xb8;
	[tilespmem:$0x1AB40] =	vst v63  }
0x62: {  	_ =	swait.ge [sflag:s24], $0x2000  }
0x63: {  	[sflag:s24] =	ssyncset.done $0x0  }
0x64: {  	s9 =	simm.s32 $0x680;
	[sflag:s24] =	ssyncadd.s32 $0xFFFFE000  }
0x65: {  	[spmem:s1] =	stream.indirect.scatter.add.f32 [tilespmem:s19], [sflag:$0x7], $0x40, s9, s18, $0xb8;
	[tilespmem:$0x1AB40] =	vst v63  }
0x66: {  	_ =	swait.ge [sflag:s4], $0x2000  }
0x67: {  	[sflag:s4] =	ssyncset.done $0x0  }
0x68: {  	s10 =	simm.s32 $0x900;
	[sflag:s4] =	ssyncadd.s32 $0xFFFFE000  }
0x69: {  	[tilespmem:s26], [sflag:$0x4] =	stream.indirect.gather [hbm4b:s3+s18], $0x40, s10, s18, $0xb8;
	[tilespmem:$0x1AB40] =	vst v63  }
0x6a: {  	_ =	swait.ge [sflag:s28], $0x2000  }
0x6b: {  	[sflag:s28] =	ssyncset.done $0x0  }
0x6c: {  	s7 =	simm.s32 $0x780;
	[sflag:s28] =	ssyncadd.s32 $0xFFFFE000  }
0x6d: {  	[spmem:s1] =	stream.indirect.scatter.add.f32 [tilespmem:s21], [sflag:$0x8], $0x40, s7, s18, $0xb8;
	[tilespmem:$0x1AB40] =	vst v63  }
0x6e: {  	_ =	swait.ge [sflag:s12], $0x2000  }
0x6f: {  	[sflag:s12] =	ssyncset.done $0x0  }
0x70: {  	s9 =	simm.s32 $0xA00;
	[sflag:s12] =	ssyncadd.s32 $0xFFFFE000  }
0x71: {  	[tilespmem:s31], [sflag:$0x5] =	stream.indirect.gather [hbm4b:s3+s18], $0x40, s9, s18, $0xb8;
	[tilespmem:$0x1AB40] =	vst v63  }
0x72: {  	_ =	swait.ge [sflag:s0], $0x2000  }
0x73: {  	[sflag:s0] =	ssyncset.done $0x0  }
0x74: {  	s10 =	simm.s32 $0x880;
	[sflag:s0] =	ssyncadd.s32 $0xFFFFE000  }
0x75: {  	[spmem:s1] =	stream.indirect.scatter.add.f32 [tilespmem:s23], [sflag:$0x9], $0x40, s10, s18, $0xb8;
	[tilespmem:$0x1AB40] =	vst v63  }
0x76: {  	_ =	swait.ge [sflag:s8], $0x2000  }
0x77: {  	[sflag:s8] =	ssyncset.done $0x0  }
0x78: {  	s7 =	simm.s32 $0xB00;
	[sflag:s8] =	ssyncadd.s32 $0xFFFFE000  }
0x79: {  	[tilespmem:s11], [sflag:$0x6] =	stream.indirect.gather [hbm4b:s3+s18], $0x40, s7, s18, $0xb8;
	[tilespmem:$0x1AB40] =	vst v63  }
0x7a: {  	_ =	swait.ge [sflag:s22], $0x2000  }
0x7b: {  	[sflag:s22] =	ssyncset.done $0x0  }
0x7c: {  	s9 =	simm.s32 $0x980;
	[sflag:s22] =	ssyncadd.s32 $0xFFFFE000  }
0x7d: {  	[spmem:s1] =	stream.indirect.scatter.add.f32 [tilespmem:s26], [sflag:$0xA], $0x40, s9, s18, $0xb8;
	[tilespmem:$0x1AB40] =	vst v63  }
0x7e: {  	_ =	swait.ge [sflag:s25], $0x2000  }
0x7f: {  	[sflag:s25] =	ssyncset.done $0x0  }
0x80: {  	s10 =	simm.s32 $0xC00;
	[sflag:s25] =	ssyncadd.s32 $0xFFFFE000  }
0x81: {  	[tilespmem:s19], [sflag:$0x1] =	stream.indirect.gather [hbm4b:s3+s18], $0x40, s10, s18, $0xb8;
	[tilespmem:$0x1AB40] =	vst v63  }
0x82: {  	_ =	swait.ge [sflag:s30], $0x2000  }
0x83: {  	[sflag:s30] =	ssyncset.done $0x0  }
0x84: {  	s7 =	simm.s32 $0xA80;
	[sflag:s30] =	ssyncadd.s32 $0xFFFFE000  }
0x85: {  	[spmem:s1] =	stream.indirect.scatter.add.f32 [tilespmem:s31], [sflag:$0xB], $0x40, s7, s18, $0xb8;
	[tilespmem:$0x1AB40] =	vst v63  }
0x86: {  	_ =	swait.ge [sflag:s20], $0x2000  }
0x87: {  	[sflag:s20] =	ssyncset.done $0x0  }
0x88: {  	s9 =	simm.s32 $0xD00;
	[sflag:s20] =	ssyncadd.s32 $0xFFFFE000  }
0x89: {  	[tilespmem:s21], [sflag:$0x2] =	stream.indirect.gather [hbm4b:s3+s18], $0x40, s9, s18, $0xb8;
	[tilespmem:$0x1AB40] =	vst v63  }
0x8a: {  	_ =	swait.ge [sflag:s5], $0x2000  }
0x8b: {  	[sflag:s5] =	ssyncset.done $0x0  }
0x8c: {  	s10 =	simm.s32 $0xB80;
	[sflag:s5] =	ssyncadd.s32 $0xFFFFE000  }
0x8d: {  	[spmem:s1] =	stream.indirect.scatter.add.f32 [tilespmem:s11], [sflag:$0xC], $0x40, s10, s18, $0xb8;
	[tilespmem:$0x1AB40] =	vst v63  }
0x8e: {  	_ =	swait.ge [sflag:s29], $0x2000  }
0x8f: {  	[sflag:s29] =	ssyncset.done $0x0  }
0x90: {  	s6 =	simm.s32 $0x1800;
	s7 =	simm.s32 $0xE00;
	[sflag:s29] =	ssyncadd.s32 $0xFFFFE000  }
.LBB2_2:
0x91: {  	[tilespmem:s23], [sflag:$0x3] =	stream.indirect.gather [hbm4b:s3+s18], $0x40, s7, s18, $0xb8;
	[tilespmem:$0x1AB40] =	vst v63  }
0x92: {  	s7 =	smov.u32 s6  }
0x93: {  	p4 =	sne.s32 s6, $0xF000;
	s6 =	sadd.s32 $0x1800, s6;
	_ =	swait.ge [sflag:s24], $0x2000  }
0x94: {  	s7 =	sshra.s32 s7, $0x2;
	[sflag:s24] =	ssyncset.done $0x0  }
0x95: {  	s9 =	sadd.s32 $0x680, s7;
	[sflag:s24] =	ssyncadd.s32 $0xFFFFE000  }
0x96: {  	[spmem:s1] =	stream.indirect.scatter.add.f32 [tilespmem:s19], [sflag:$0x7], $0x40, s9, s18, $0xb8;
	[tilespmem:$0x1AB40] =	vst v63  }
0x97: {  	_ =	swait.ge [sflag:s4], $0x2000  }
0x98: {  	[sflag:s4] =	ssyncset.done $0x0  }
0x99: {  	s9 =	sadd.s32 $0x900, s7;
	[sflag:s4] =	ssyncadd.s32 $0xFFFFE000  }
0x9a: {  	[tilespmem:s26], [sflag:$0x4] =	stream.indirect.gather [hbm4b:s3+s18], $0x40, s9, s18, $0xb8;
	[tilespmem:$0x1AB40] =	vst v63  }
0x9b: {  	_ =	swait.ge [sflag:s28], $0x2000  }
0x9c: {  	[sflag:s28] =	ssyncset.done $0x0  }
0x9d: {  	s9 =	sadd.s32 $0x780, s7;
	[sflag:s28] =	ssyncadd.s32 $0xFFFFE000  }
0x9e: {  	[spmem:s1] =	stream.indirect.scatter.add.f32 [tilespmem:s21], [sflag:$0x8], $0x40, s9, s18, $0xb8;
	[tilespmem:$0x1AB40] =	vst v63  }
0x9f: {  	_ =	swait.ge [sflag:s12], $0x2000  }
0xa0: {  	[sflag:s12] =	ssyncset.done $0x0  }
0xa1: {  	s9 =	sadd.s32 $0xA00, s7;
	[sflag:s12] =	ssyncadd.s32 $0xFFFFE000  }
0xa2: {  	[tilespmem:s31], [sflag:$0x5] =	stream.indirect.gather [hbm4b:s3+s18], $0x40, s9, s18, $0xb8;
	[tilespmem:$0x1AB40] =	vst v63  }
0xa3: {  	_ =	swait.ge [sflag:s0], $0x2000  }
0xa4: {  	[sflag:s0] =	ssyncset.done $0x0  }
0xa5: {  	s9 =	sadd.s32 $0x880, s7;
	[sflag:s0] =	ssyncadd.s32 $0xFFFFE000  }
0xa6: {  	[spmem:s1] =	stream.indirect.scatter.add.f32 [tilespmem:s23], [sflag:$0x9], $0x40, s9, s18, $0xb8;
	[tilespmem:$0x1AB40] =	vst v63  }
0xa7: {  	_ =	swait.ge [sflag:s8], $0x2000  }
0xa8: {  	[sflag:s8] =	ssyncset.done $0x0  }
0xa9: {  	s9 =	sadd.s32 $0xB00, s7;
	[sflag:s8] =	ssyncadd.s32 $0xFFFFE000  }
0xaa: {  	[tilespmem:s11], [sflag:$0x6] =	stream.indirect.gather [hbm4b:s3+s18], $0x40, s9, s18, $0xb8;
	[tilespmem:$0x1AB40] =	vst v63  }
0xab: {  	_ =	swait.ge [sflag:s22], $0x2000  }
0xac: {  	[sflag:s22] =	ssyncset.done $0x0  }
0xad: {  	s9 =	sadd.s32 $0x980, s7;
	[sflag:s22] =	ssyncadd.s32 $0xFFFFE000  }
0xae: {  	[spmem:s1] =	stream.indirect.scatter.add.f32 [tilespmem:s26], [sflag:$0xA], $0x40, s9, s18, $0xb8;
	[tilespmem:$0x1AB40] =	vst v63  }
0xaf: {  	_ =	swait.ge [sflag:s25], $0x2000  }
0xb0: {  	[sflag:s25] =	ssyncset.done $0x0  }
0xb1: {  	s9 =	sadd.s32 $0xC00, s7;
	[sflag:s25] =	ssyncadd.s32 $0xFFFFE000  }
0xb2: {  	[tilespmem:s19], [sflag:$0x1] =	stream.indirect.gather [hbm4b:s3+s18], $0x40, s9, s18, $0xb8;
	[tilespmem:$0x1AB40] =	vst v63  }
0xb3: {  	_ =	swait.ge [sflag:s30], $0x2000  }
0xb4: {  	[sflag:s30] =	ssyncset.done $0x0  }
0xb5: {  	s9 =	sadd.s32 $0xA80, s7;
	[sflag:s30] =	ssyncadd.s32 $0xFFFFE000  }
0xb6: {  	[spmem:s1] =	stream.indirect.scatter.add.f32 [tilespmem:s31], [sflag:$0xB], $0x40, s9, s18, $0xb8;
	[tilespmem:$0x1AB40] =	vst v63  }
0xb7: {  	_ =	swait.ge [sflag:s20], $0x2000  }
0xb8: {  	[sflag:s20] =	ssyncset.done $0x0  }
0xb9: {  	s9 =	sadd.s32 $0xD00, s7;
	[sflag:s20] =	ssyncadd.s32 $0xFFFFE000  }
0xba: {  	[tilespmem:s21], [sflag:$0x2] =	stream.indirect.gather [hbm4b:s3+s18], $0x40, s9, s18, $0xb8;
	[tilespmem:$0x1AB40] =	vst v63  }
0xbb: {  	_ =	swait.ge [sflag:s5], $0x2000  }
0xbc: {  	[sflag:s5] =	ssyncset.done $0x0  }
.Ltmp2:
0xbd: {  	s9 =	sadd.s32 $0xB80, s7;
	[sflag:s5] =	ssyncadd.s32 $0xFFFFE000;
	(pc) =	sbr.rel @p4 .LBB2_2-.Ltmp2, $4  }
0xbe: {  	[spmem:s1] =	stream.indirect.scatter.add.f32 [tilespmem:s11], [sflag:$0xC], $0x40, s9, s18, $0xb8;
	[tilespmem:$0x1AB40] =	vst v63  }
0xbf: {  	_ =	swait.ge [sflag:s29], $0x2000  }
0xc0: {  	[sflag:s29] =	ssyncset.done $0x0  }
0xc1: {  	s7 =	sadd.s32 $0xE00, s7;
	[sflag:s29] =	ssyncadd.s32 $0xFFFFE000  }
0xc2: {  	[tilespmem:s23], [sflag:$0x3] =	stream.indirect.gather [hbm4b:s3+s18], $0x40, s7, s18, $0xb8;
	[tilespmem:$0x1AB40] =	vst v63  }
0xc3: {  	_ =	swait.ge [sflag:s24], $0x2000  }
0xc4: {  	[sflag:s24] =	ssyncset.done $0x0  }
0xc5: {  	s6 =	simm.s32 $0x4880;
	[sflag:s24] =	ssyncadd.s32 $0xFFFFE000  }
0xc6: {  	[spmem:s1] =	stream.indirect.scatter.add.f32 [tilespmem:s19], [sflag:$0x7], $0x40, s6, s18, $0xb8;
	[tilespmem:$0x1AB40] =	vst v63  }
0xc7: {  	_ =	swait.ge [sflag:s4], $0x2000  }
0xc8: {  	[sflag:s4] =	ssyncset.done $0x0  }
0xc9: {  	s9 =	simm.s32 $0x4B00;
	[sflag:s4] =	ssyncadd.s32 $0xFFFFE000  }
0xca: {  	[tilespmem:s26], [sflag:$0x4] =	stream.indirect.gather [hbm4b:s3+s18], $0x40, s9, s18, $0xb8;
	[tilespmem:$0x1AB40] =	vst v63  }
0xcb: {  	_ =	swait.ge [sflag:s28], $0x2000  }
0xcc: {  	[sflag:s28] =	ssyncset.done $0x0  }
0xcd: {  	s10 =	simm.s32 $0x4980;
	[sflag:s28] =	ssyncadd.s32 $0xFFFFE000  }
0xce: {  	[spmem:s1] =	stream.indirect.scatter.add.f32 [tilespmem:s21], [sflag:$0x8], $0x40, s10, s18, $0xb8;
	[tilespmem:$0x1AB40] =	vst v63  }
0xcf: {  	_ =	swait.ge [sflag:s12], $0x2000  }
0xd0: {  	[sflag:s12] =	ssyncset.done $0x0  }
0xd1: {  	s7 =	simm.s32 $0x4C00;
	[sflag:s12] =	ssyncadd.s32 $0xFFFFE000  }
0xd2: {  	[tilespmem:s31], [sflag:$0x5] =	stream.indirect.gather [hbm4b:s3+s18], $0x40, s7, s18, $0xb8;
	[tilespmem:$0x1AB40] =	vst v63  }
0xd3: {  	_ =	swait.ge [sflag:s0], $0x2000  }
0xd4: {  	[sflag:s0] =	ssyncset.done $0x0  }
0xd5: {  	s9 =	simm.s32 $0x4A80;
	[sflag:s0] =	ssyncadd.s32 $0xFFFFE000  }
0xd6: {  	[spmem:s1] =	stream.indirect.scatter.add.f32 [tilespmem:s23], [sflag:$0x9], $0x40, s9, s18, $0xb8;
	[tilespmem:$0x1AB40] =	vst v63  }
0xd7: {  	_ =	swait.ge [sflag:s8], $0x2000  }
0xd8: {  	[sflag:s8] =	ssyncset.done $0x0  }
0xd9: {  	s10 =	simm.s32 $0x4D00;
	[sflag:s8] =	ssyncadd.s32 $0xFFFFE000  }
0xda: {  	[tilespmem:s11], [sflag:$0x6] =	stream.indirect.gather [hbm4b:s3+s18], $0x40, s10, s18, $0xb8;
	[tilespmem:$0x1AB40] =	vst v63  }
0xdb: {  	_ =	swait.ge [sflag:s22], $0x2000  }
0xdc: {  	[sflag:s22] =	ssyncset.done $0x0  }
0xdd: {  	s7 =	simm.s32 $0x4B80;
	[sflag:s22] =	ssyncadd.s32 $0xFFFFE000  }
0xde: {  	[spmem:s1] =	stream.indirect.scatter.add.f32 [tilespmem:s26], [sflag:$0xA], $0x40, s7, s18, $0xb8;
	[tilespmem:$0x1AB40] =	vst v63  }
0xdf: {  	_ =	swait.ge [sflag:s30], $0x2000  }
0xe0: {  	[sflag:s30] =	ssyncset.done $0x0  }
0xe1: {  	s9 =	simm.s32 $0x4C80;
	[sflag:s30] =	ssyncadd.s32 $0xFFFFE000  }
0xe2: {  	[spmem:s1] =	stream.indirect.scatter.add.f32 [tilespmem:s31], [sflag:$0xB], $0x40, s9, s18, $0xb8;
	[tilespmem:$0x1AB40] =	vst v63  }
0xe3: {  	_ =	swait.ge [sflag:s5], $0x2000  }
0xe4: {  	[sflag:s5] =	ssyncset.done $0x0  }
0xe5: {  	s10 =	simm.s32 $0x4D80;
	[sflag:s5] =	ssyncadd.s32 $0xFFFFE000  }
0xe6: {  	[spmem:s1] =	stream.indirect.scatter.add.f32 [tilespmem:s11], [sflag:$0xC], $0x40, s10, s18, $0xb8;
	[tilespmem:$0x1AB40] =	vst v63  }
0xe7: {  	_ =	swait.ge [sflag:s25], $0x2000  }
0xe8: {  	[sflag:s25] =	ssyncset.done $0x0  }
0xe9: {  	[sflag:s25] =	ssyncadd.s32 $0xFFFFE000  }
0xea: {  	_ =	swait.ge [sflag:s20], $0x2000  }
0xeb: {  	[sflag:s20] =	ssyncset.done $0x0  }
0xec: {  	[sflag:s20] =	ssyncadd.s32 $0xFFFFE000  }
0xed: {  	_ =	swait.ge [sflag:s29], $0x2000  }
0xee: {  	[sflag:s29] =	ssyncset.done $0x0  }
0xef: {  	[sflag:s29] =	ssyncadd.s32 $0xFFFFE000  }
0xf0: {  	_ =	swait.ge [sflag:s4], $0x2000  }
0xf1: {  	[sflag:s4] =	ssyncset.done $0x0  }
0xf2: {  	[sflag:s4] =	ssyncadd.s32 $0xFFFFE000  }
0xf3: {  	_ =	swait.ge [sflag:s12], $0x2000  }
0xf4: {  	[sflag:s12] =	ssyncset.done $0x0  }
0xf5: {  	[sflag:s12] =	ssyncadd.s32 $0xFFFFE000  }
0xf6: {  	_ =	swait.ge [sflag:s8], $0x2000  }
0xf7: {  	s6 =	simm.s32 @!p2 $0x0;
	[sflag:s8] =	ssyncset.done $0x0  }
0xf8: {  	s7 =	simm.s32 @!p2 $0x4E00;
	s9 =	rddreg [dreg:$0x9];
	[sflag:s8] =	ssyncadd.s32 $0xFFFFE000  }
0xf9: {  	[tilespmem:s7], [sflag:$0xD] =	stream.linear.gather @!p2 [hbm4b:s9+s6], $0x100, $0x38;
	[tilespmem:$0x1AB40] =	vst v63  }
0xfa: {  	s6 =	simm.s32 @!p2 $0xD  }
0xfb: {  	_ =	swait.ge @!p2 [sflag:s6], $0x100  }
0xfc: {  	[sflag:s6] =	ssyncset.done @!p2 $0x0  }
0xfd: {  	s10 =	simm.s32 @!p2 $0x4F00;
	s9 =	simm.s32 @!p2 $0x80;
	[sflag:s6] =	ssyncadd.s32 @!p2 $0xFFFFFF00  }
0xfe: {  	[tilespmem:s10], [sflag:$0x1] =	stream.indirect.gather @!p2 [hbm4b:s3+s9], $0x40, s7, s9, $0xb8;
	[tilespmem:$0x1AB40] =	vst v63  }
0xff: {  	s7 =	simm.s32 @!p2 $0x1  }
0x100: {  	_ =	swait.ge @!p2 [sflag:s7], $0x2000  }
0x101: {  	[sflag:s7] =	ssyncset.done @!p2 $0x0  }
0x102: {  	[sflag:s7] =	ssyncadd.s32 @!p2 $0xFFFFE000;
	s7 =	simm.s32 @!p2 $0x4E80  }
0x103: {  	[spmem:s1] =	stream.indirect.scatter.add.f32 @!p2 [tilespmem:s10], [sflag:$0xD], $0x40, s7, s9, $0xb8;
	[tilespmem:$0x1AB40] =	vst v63  }
.Ltmp3:
0x104: {  	_ =	swait.ge @!p2 [sflag:s6], $0x2000;
	(pc) =	sbr.rel @!p1 .LBB2_4-.Ltmp3, $3  }
0x105: {  	[sflag:s6] =	ssyncset.done @!p2 $0x0  }
0x106: {  	[sflag:s6] =	ssyncadd.s32 @!p2 $0xFFFFE000  }
0x107: {  	[bflag:$0x0] =	sbarrier.arrive $0xFFFF;
	_ =	sdelay $0x1  }
0x108: {  	s6 =	rddreg [dreg:$0xb]  }
0x109: {  	[hbm:s6], [sflag:s15] =	dma.local [spmem:s16], $0x1380  }
.Ltmp4:
0x10a: {  	_ = 	snop;
	(pc) =	sbr.rel @p0 .LBB2_7-.Ltmp4, $4  }
.Ltmp5:
0x10b: {  	_ = 	snop;
	(pc) =	sbr.rel @!p0 .LBB2_6-.Ltmp5, $4  }
0x10c: {  	_ =	swait.ge [sflag:s14], $0x1380  }
0x10d: {  	[sflag:s14] =	ssyncset.done $0x0  }
0x10e: {  	s6 =	rddreg [dreg:$0x4];
	[sflag:s14] =	ssyncadd.s32 $0xFFFFEC80  }
0x10f: {  	_ = 	snop  }
.LBB2_4:
0x110: {  	s6 =	rddreg [dreg:$0xa]  }
0x111: {  	[hbm:s6], [sflag:s15] =	dma.local [spmem:s16], $0x1380  }
.Ltmp6:
0x112: {  	_ = 	snop;
	(pc) =	sbr.rel @!p3 .LBB2_7-.Ltmp6, $4  }
.Ltmp7:
0x113: {  	_ = 	snop;
	(pc) =	sbr.rel @p3 .LBB2_6-.Ltmp7, $4  }
0x114: {  	_ =	swait.ge [sflag:s14], $0x1380  }
0x115: {  	[sflag:s14] =	ssyncset.done $0x0  }
0x116: {  	s6 =	rddreg [dreg:$0x3];
	[sflag:s14] =	ssyncadd.s32 $0xFFFFEC80  }
0x117: {  	_ = 	snop  }
.LBB2_8:
0x118: {  	_ =	sfence.sel $0x180000  }
0x119: {  	[bflag:$0x0] =	sbarrier.arrive $0xFFFF  }
0x11a: {  	_ =	strace $0x9000004D  }
0x11b: {  	[bflag:$0x2] =	sbarrier.arrive $0xFFFF  }
0x11c: {  	s0 =	rddreg [dreg:$0x2]  }
0x11d: {  	s0 =	sadd.s32 @!p0 $0x100000, s0  }
0x11e: {  	[sflag:s0] =	ssyncadd.tile.s32 @!p0 $0x1;
	_ =	shalt  }
.Lfunc_end2:
_tile_overlayer_lowered:
.L_overlay_start_2:
0x11f: {  	(tag) =	ssettag $0x2  }
0x120: {  	s0 =	rddreg [dreg:$0x0];
	s2 =	stileid.u32  }
0x121: {  	s1 =	rddreg [dreg:$0x1];
	p0 =	sne.s32 s2, $0x0  }
0x122: {  	s3 =	rddreg [dreg:$0x2];
	[bflag:$0x3] =	sbarrier.arrive $0xFFFF;
	s2 =	simm.s32 @!p0 $0x1C0D  }
0x123: {  	[timem:s3], [sflag:s2] =	dma.local @!p0 [hbm:s0], s1  }
0x124: {  	s0 =	simm.s32 @!p0 $0xD  }
0x125: {  	_ =	swait.ge @!p0 [sflag:s0], s1  }
0x126: {  	s1 =	ssub.s32 @!p0 $0x0, s1;
	[sflag:s0] =	ssyncset.done @!p0 $0x0  }
0x127: {  	[sflag:s0] =	ssyncadd.s32 @!p0 s1  }
0x128: {  	[bflag:$0x3] =	sbarrier.arrive $0xFFFF  }
0x129: {  	_ =	shalt  }

</sc_bundles>
